<compile_context>
chip_gen: v7x
topology: tpu7x:2x2x1
jax: 0.10.2.dev20260603
libtpu: 0.0.44.dev20260713+nightly
codegen_flags: <defaults>
</compile_context>

<pallas_src>
import functools

import jax
import jax.numpy as jnp
from jax import lax
from jax.experimental import pallas as pl
from jax.experimental.pallas import tpu as pltpu
from jax.experimental.pallas import tpu_sc as plsc

_SPACING = 2
_NUM_WORKERS = 32
_ROWS_PER_CHUNK = 48


@functools.partial(jax.jit, static_argnums=(2, 3))
def _unpool_sc(pooled2d, winner2d, n_rows, pw):
    rows_per_worker = n_rows // _NUM_WORKERS
    n_chunks = rows_per_worker // _ROWS_PER_CHUNK
    R = _ROWS_PER_CHUNK
    W = _SPACING * pw

    mesh = plsc.VectorSubcoreMesh(core_axis_name="c", subcore_axis_name="s")

    @functools.partial(
        pl.kernel,
        mesh=mesh,
        out_type=jax.ShapeDtypeStruct((_SPACING * n_rows, W), jnp.float32),
        compiler_params=pltpu.CompilerParams(
            use_tc_tiling_on_sc=True, needs_layout_passes=False
        ),
        scratch_types=[
            pltpu.VMEM((R, 128), jnp.float32),
            pltpu.VMEM((R, pw - 128), jnp.float32),
            pltpu.VMEM((R, 128), jnp.float32),
            pltpu.VMEM((R, pw - 128), jnp.float32),
            pltpu.VMEM((R, 128), jnp.int32),
            pltpu.VMEM((R, pw - 128), jnp.int32),
            pltpu.VMEM((R, 128), jnp.int32),
            pltpu.VMEM((R, pw - 128), jnp.int32),
            pltpu.VMEM((_SPACING * R, W), jnp.float32),
            pltpu.VMEM((_SPACING * R, W), jnp.float32),
            pltpu.SemaphoreType.DMA,
            pltpu.SemaphoreType.DMA,
            pltpu.SemaphoreType.DMA,
            pltpu.SemaphoreType.DMA,
            pltpu.SemaphoreType.DMA,
            pltpu.SemaphoreType.DMA,
        ],
    )
    def k(pooled_hbm, winner_hbm, out_hbm,
          p0a, p0b, p1a, p1b, w0a, w0b, w1a, w1b, o0, o1,
          sp0, sp1, sw0, sw1, so0, so1):
        cid = lax.axis_index("c")
        sid = lax.axis_index("s")
        wid = sid * 2 + cid
        base = wid * rows_per_worker
        two_iota = lax.iota(jnp.int32, 16) * 2
        pbufs, wbufs = ((p0a, p0b), (p1a, p1b)), ((w0a, w0b), (w1a, w1b))
        obufs = (o0, o1)
        sps, sws, sos = (sp0, sp1), (sw0, sw1), (so0, so1)

        def in_copies(c, b):
            row = base + c * R
            return (
                pltpu.make_async_copy(
                    pooled_hbm.at[pl.ds(row, R), pl.ds(0, 128)],
                    pbufs[b][0], sps[b]),
                pltpu.make_async_copy(
                    pooled_hbm.at[pl.ds(row, R), pl.ds(128, pw - 128)],
                    pbufs[b][1], sps[b]),
                pltpu.make_async_copy(
                    winner_hbm.at[pl.ds(row, R), pl.ds(0, 128)],
                    wbufs[b][0], sws[b]),
                pltpu.make_async_copy(
                    winner_hbm.at[pl.ds(row, R), pl.ds(128, pw - 128)],
                    wbufs[b][1], sws[b]),
            )

        def out_copy(c, b):
            row = _SPACING * (base + c * R)
            return pltpu.make_async_copy(
                obufs[b], out_hbm.at[pl.ds(row, _SPACING * R)], sos[b])

        for cp in in_copies(0, 0):
            cp.start()

        col_e_k = [two_iota + (32 * k) for k in range(pw // 16)]
        col_o_k = [c + 1 for c in col_e_k]
        zero = jnp.zeros((16,), jnp.float32)

        def compute_chunk(b):
            (p_a, p_b), (w_a, w_b), o_buf = pbufs[b], wbufs[b], obufs[b]

            @plsc.parallel_loop(0, R, unroll=3)
            def row_body(r):
                row0 = jnp.full((16,), 2 * r, dtype=jnp.int32)
                row1 = row0 + 1
                for k16 in range(pw // 16):
                    if k16 < 8:
                        p = p_a[r, pl.ds(16 * k16, 16)]
                        w = w_a[r, pl.ds(16 * k16, 16)]
                    else:
                        p = p_b[r, pl.ds(16 * (k16 - 8), 16)]
                        w = w_b[r, pl.ds(16 * (k16 - 8), 16)]
                    v0 = jnp.where(w == 0, p, zero)
                    v1 = jnp.where(w == 1, p, zero)
                    v2 = jnp.where(w == 2, p, zero)
                    v3 = jnp.where(w == 3, p, zero)
                    plsc.store_scatter(o_buf, [row0, col_e_k[k16]], v0)
                    plsc.store_scatter(o_buf, [row0, col_o_k[k16]], v1)
                    plsc.store_scatter(o_buf, [row1, col_e_k[k16]], v2)
                    plsc.store_scatter(o_buf, [row1, col_o_k[k16]], v3)

        def outer(g, carry):
            for b in range(2):
                c = 2 * g + b
                nb = 1 - b

                @pl.when(c + 1 < n_chunks)
                def _():
                    for cp in in_copies(c + 1, nb):
                        cp.start()

                for cp in in_copies(c, b):
                    cp.wait()

                @pl.when(c >= 2)
                def _():
                    out_copy(c - 2, b).wait()

                compute_chunk(b)
                out_copy(c, b).start()
            return carry

        lax.fori_loop(0, n_chunks // 2, outer, 0)
        for b in range(2):
            out_copy(n_chunks - 2 + b, b).wait()

    return k(pooled2d, winner2d)


def kernel(pooled_map, winner_indices, height, width):
    B, C, PH, PW = pooled_map.shape
    n_rows = B * C * PH
    p2 = pooled_map.reshape(n_rows, PW)
    w2 = winner_indices.reshape(n_rows, PW)
    out = _unpool_sc(p2, w2, n_rows, PW)
    return out.reshape(B, C, PH * _SPACING, PW * _SPACING)

# --- scband reference (transcript-rebuilt; emitter-appended) ---
"""Pipeline reference for scband-sparse-unpool2d-87608742904342 (READ-ONLY COPY).

The authoritative reference and input builder live on the scoring server;
editing this copy changes nothing except your own understanding.
"""

import jax, jax.numpy as jnp
import numpy as np

SPACING = 2

def setup_inputs(seed: int = 0) -> dict:
    key = jax.random.key(seed)
    k1, k2 = jax.random.split(key)
    B, C, PH, PW = 4, 96, 192, 192
    pooled_map = jax.random.normal(k1, (B, C, PH, PW), dtype=jnp.float32)
    # winner index within the spacing*spacing block; values == spacing*spacing (4) mark 'no winner'
    winner_indices = jax.random.randint(k2, (B, C, PH, PW), 0, 5, dtype=jnp.int32)
    return {"pooled_map": pooled_map, "winner_indices": winner_indices, "height": 384, "width": 384}

def reference(pooled_map, winner_indices, height, width):
    spacing = SPACING
    B, C, PH, PW = pooled_map.shape
    H = PH * spacing
    W = PW * spacing
    valid = winner_indices < spacing * spacing
    local = jnp.where(valid, winner_indices, 0)
    lh = local // spacing
    lw = local % spacing
    ph_idx = jnp.arange(PH).reshape(1, 1, PH, 1)
    pw_idx = jnp.arange(PW).reshape(1, 1, 1, PW)
    gh = ph_idx * spacing + lh
    gw = pw_idx * spacing + lw
    b_idx = jnp.arange(B).reshape(B, 1, 1, 1)
    c_idx = jnp.arange(C).reshape(1, C, 1, 1)
    flat_idx = ((b_idx * C + c_idx) * height + gh) * width + gw
    flat_idx = jnp.broadcast_to(flat_idx, (B, C, PH, PW)).ravel()
    vals = jnp.where(valid, pooled_map, jnp.zeros_like(pooled_map)).ravel()
    # each pooled cell writes to a disjoint spacing x spacing block, so scatter-set has no collisions;
    # invalid cells write 0 at block-local (0,0), which matches the zero-initialized torch output.
    sparse = jnp.zeros((B * C * H * W,), dtype=pooled_map.dtype).at[flat_idx].set(vals)
    return sparse.reshape(B, C, H, W)

if __name__ == "__main__":
    import jax
    _d = setup_inputs()
    print(jax.jit(kernel)(*tuple(_d.values())))

</pallas_src>

<mosaic_0001>
#map = affine_map<(d0, d1) -> (0, 0)>
module attributes {stable_mosaic.version = 14 : i64} {
  func.func @k(%arg0: i32, %arg1: i32, %arg2: memref<73728x192xf32, #tpu.memory_space<hbm>>, %arg3: memref<73728x192xi32, #tpu.memory_space<hbm>>, %arg4: memref<147456x384xf32, #tpu.memory_space<hbm>>, %arg5: memref<48x128xf32, #tpu.memory_space<vmem>>, %arg6: memref<48x64xf32, #tpu.memory_space<vmem>>, %arg7: memref<48x128xf32, #tpu.memory_space<vmem>>, %arg8: memref<48x64xf32, #tpu.memory_space<vmem>>, %arg9: memref<48x128xi32, #tpu.memory_space<vmem>>, %arg10: memref<48x64xi32, #tpu.memory_space<vmem>>, %arg11: memref<48x128xi32, #tpu.memory_space<vmem>>, %arg12: memref<48x64xi32, #tpu.memory_space<vmem>>, %arg13: memref<96x384xf32, #tpu.memory_space<vmem>>, %arg14: memref<96x384xf32, #tpu.memory_space<vmem>>, %arg15: memref<!tpu.dma_semaphore, #tpu.memory_space<semaphore_mem>>, %arg16: memref<!tpu.dma_semaphore, #tpu.memory_space<semaphore_mem>>, %arg17: memref<!tpu.dma_semaphore, #tpu.memory_space<semaphore_mem>>, %arg18: memref<!tpu.dma_semaphore, #tpu.memory_space<semaphore_mem>>, %arg19: memref<!tpu.dma_semaphore, #tpu.memory_space<semaphore_mem>>, %arg20: memref<!tpu.dma_semaphore, #tpu.memory_space<semaphore_mem>>) attributes {dimension_semantics = [#tpu.dimension_semantics<core_parallel>, #tpu.dimension_semantics<subcore_parallel>], iteration_bounds = array<i64: 2, 16>, scalar_prefetch = 0 : i64, scratch_operands = 16 : i64, tpu.core_type = #tpu.core_type<sc_vector_subcore>, window_params = [{transform_indices = #map}, {transform_indices = #map}, {transform_indices = #map}]} {
    %mul3A = arith.constant 2 : i32
    %mul3A_0 = arith.muli %arg1, %mul3A : i32
    %add3A = arith.addi %mul3A_0, %arg0 : i32
    %mul3A_1 = arith.constant 2304 : i32
    %mul3A_2 = arith.muli %add3A, %mul3A_1 : i32
    %iota3A = tpu.iota {dimensions = array<i32: 0>} : vector<16xi32>
    %mul3A_3 = arith.constant 2 : i32
    %mul3A_4 = vector.broadcast %mul3A_3 : i32 to vector<16xi32>
    %mul3A_5 = arith.muli %iota3A, %mul3A_4 : vector<16xi32>
    %add3A_6 = arith.constant 0 : i32
    %add3A_7 = arith.addi %mul3A_2, %add3A_6 : i32
    %dma_start3A = arith.constant 0 : i32
    %dma_start3A_8 = tpu.memref_slice %arg2[%add3A_7, %dma_start3A] : memref<73728x192xf32, #tpu.memory_space<hbm>> -> memref<48x128xf32, #tpu.memory_space<hbm>>
    %dma_start3A_9 = arith.constant 0 : i32
    %dma_start3A_10 = tpu.memref_slice %arg2[%add3A_7, %dma_start3A_9] : memref<73728x192xf32, #tpu.memory_space<hbm>> -> memref<48x128xf32, #tpu.memory_space<hbm>>
    tpu.enqueue_dma source(%dma_start3A_10 : memref<48x128xf32, #tpu.memory_space<hbm>>) target(%arg5 : memref<48x128xf32, #tpu.memory_space<vmem>>) target_semaphore(%arg15 : memref<!tpu.dma_semaphore, #tpu.memory_space<semaphore_mem>>)
    %dma_start3A_11 = arith.constant 128 : i32
    %dma_start3A_12 = tpu.memref_slice %arg2[%add3A_7, %dma_start3A_11] : memref<73728x192xf32, #tpu.memory_space<hbm>> -> memref<48x64xf32, #tpu.memory_space<hbm>>
    %dma_start3A_13 = arith.constant 128 : i32
    %dma_start3A_14 = tpu.memref_slice %arg2[%add3A_7, %dma_start3A_13] : memref<73728x192xf32, #tpu.memory_space<hbm>> -> memref<48x64xf32, #tpu.memory_space<hbm>>
    tpu.enqueue_dma source(%dma_start3A_14 : memref<48x64xf32, #tpu.memory_space<hbm>>) target(%arg6 : memref<48x64xf32, #tpu.memory_space<vmem>>) target_semaphore(%arg15 : memref<!tpu.dma_semaphore, #tpu.memory_space<semaphore_mem>>)
    %dma_start3A_15 = arith.constant 0 : i32
    %dma_start3A_16 = tpu.memref_slice %arg3[%add3A_7, %dma_start3A_15] : memref<73728x192xi32, #tpu.memory_space<hbm>> -> memref<48x128xi32, #tpu.memory_space<hbm>>
    %dma_start3A_17 = arith.constant 0 : i32
    %dma_start3A_18 = tpu.memref_slice %arg3[%add3A_7, %dma_start3A_17] : memref<73728x192xi32, #tpu.memory_space<hbm>> -> memref<48x128xi32, #tpu.memory_space<hbm>>
    tpu.enqueue_dma source(%dma_start3A_18 : memref<48x128xi32, #tpu.memory_space<hbm>>) target(%arg9 : memref<48x128xi32, #tpu.memory_space<vmem>>) target_semaphore(%arg17 : memref<!tpu.dma_semaphore, #tpu.memory_space<semaphore_mem>>)
    %dma_start3A_19 = arith.constant 128 : i32
    %dma_start3A_20 = tpu.memref_slice %arg3[%add3A_7, %dma_start3A_19] : memref<73728x192xi32, #tpu.memory_space<hbm>> -> memref<48x64xi32, #tpu.memory_space<hbm>>
    %dma_start3A_21 = arith.constant 128 : i32
    %dma_start3A_22 = tpu.memref_slice %arg3[%add3A_7, %dma_start3A_21] : memref<73728x192xi32, #tpu.memory_space<hbm>> -> memref<48x64xi32, #tpu.memory_space<hbm>>
    tpu.enqueue_dma source(%dma_start3A_22 : memref<48x64xi32, #tpu.memory_space<hbm>>) target(%arg10 : memref<48x64xi32, #tpu.memory_space<vmem>>) target_semaphore(%arg17 : memref<!tpu.dma_semaphore, #tpu.memory_space<semaphore_mem>>)
    %add3A_23 = arith.constant 0 : i32
    %add3A_24 = vector.broadcast %add3A_23 : i32 to vector<16xi32>
    %add3A_25 = arith.addi %mul3A_5, %add3A_24 : vector<16xi32>
    %add3A_26 = arith.constant 32 : i32
    %add3A_27 = vector.broadcast %add3A_26 : i32 to vector<16xi32>
    %add3A_28 = arith.addi %mul3A_5, %add3A_27 : vector<16xi32>
    %add3A_29 = arith.constant 64 : i32
    %add3A_30 = vector.broadcast %add3A_29 : i32 to vector<16xi32>
    %add3A_31 = arith.addi %mul3A_5, %add3A_30 : vector<16xi32>
    %add3A_32 = arith.constant 96 : i32
    %add3A_33 = vector.broadcast %add3A_32 : i32 to vector<16xi32>
    %add3A_34 = arith.addi %mul3A_5, %add3A_33 : vector<16xi32>
    %add3A_35 = arith.constant 128 : i32
    %add3A_36 = vector.broadcast %add3A_35 : i32 to vector<16xi32>
    %add3A_37 = arith.addi %mul3A_5, %add3A_36 : vector<16xi32>
    %add3A_38 = arith.constant 160 : i32
    %add3A_39 = vector.broadcast %add3A_38 : i32 to vector<16xi32>
    %add3A_40 = arith.addi %mul3A_5, %add3A_39 : vector<16xi32>
    %add3A_41 = arith.constant 192 : i32
    %add3A_42 = vector.broadcast %add3A_41 : i32 to vector<16xi32>
    %add3A_43 = arith.addi %mul3A_5, %add3A_42 : vector<16xi32>
    %add3A_44 = arith.constant 224 : i32
    %add3A_45 = vector.broadcast %add3A_44 : i32 to vector<16xi32>
    %add3A_46 = arith.addi %mul3A_5, %add3A_45 : vector<16xi32>
    %add3A_47 = arith.constant 256 : i32
    %add3A_48 = vector.broadcast %add3A_47 : i32 to vector<16xi32>
    %add3A_49 = arith.addi %mul3A_5, %add3A_48 : vector<16xi32>
    %add3A_50 = arith.constant 288 : i32
    %add3A_51 = vector.broadcast %add3A_50 : i32 to vector<16xi32>
    %add3A_52 = arith.addi %mul3A_5, %add3A_51 : vector<16xi32>
    %add3A_53 = arith.constant 320 : i32
    %add3A_54 = vector.broadcast %add3A_53 : i32 to vector<16xi32>
    %add3A_55 = arith.addi %mul3A_5, %add3A_54 : vector<16xi32>
    %add3A_56 = arith.constant 352 : i32
    %add3A_57 = vector.broadcast %add3A_56 : i32 to vector<16xi32>
    %add3A_58 = arith.addi %mul3A_5, %add3A_57 : vector<16xi32>
    %add3A_59 = arith.constant 1 : i32
    %add3A_60 = vector.broadcast %add3A_59 : i32 to vector<16xi32>
    %add3A_61 = arith.addi %add3A_25, %add3A_60 : vector<16xi32>
    %add3A_62 = arith.constant 1 : i32
    %add3A_63 = vector.broadcast %add3A_62 : i32 to vector<16xi32>
    %add3A_64 = arith.addi %add3A_28, %add3A_63 : vector<16xi32>
    %add3A_65 = arith.constant 1 : i32
    %add3A_66 = vector.broadcast %add3A_65 : i32 to vector<16xi32>
    %add3A_67 = arith.addi %add3A_31, %add3A_66 : vector<16xi32>
    %add3A_68 = arith.constant 1 : i32
    %add3A_69 = vector.broadcast %add3A_68 : i32 to vector<16xi32>
    %add3A_70 = arith.addi %add3A_34, %add3A_69 : vector<16xi32>
    %add3A_71 = arith.constant 1 : i32
    %add3A_72 = vector.broadcast %add3A_71 : i32 to vector<16xi32>
    %add3A_73 = arith.addi %add3A_37, %add3A_72 : vector<16xi32>
    %add3A_74 = arith.constant 1 : i32
    %add3A_75 = vector.broadcast %add3A_74 : i32 to vector<16xi32>
    %add3A_76 = arith.addi %add3A_40, %add3A_75 : vector<16xi32>
    %add3A_77 = arith.constant 1 : i32
    %add3A_78 = vector.broadcast %add3A_77 : i32 to vector<16xi32>
    %add3A_79 = arith.addi %add3A_43, %add3A_78 : vector<16xi32>
    %add3A_80 = arith.constant 1 : i32
    %add3A_81 = vector.broadcast %add3A_80 : i32 to vector<16xi32>
    %add3A_82 = arith.addi %add3A_46, %add3A_81 : vector<16xi32>
    %add3A_83 = arith.constant 1 : i32
    %add3A_84 = vector.broadcast %add3A_83 : i32 to vector<16xi32>
    %add3A_85 = arith.addi %add3A_49, %add3A_84 : vector<16xi32>
    %add3A_86 = arith.constant 1 : i32
    %add3A_87 = vector.broadcast %add3A_86 : i32 to vector<16xi32>
    %add3A_88 = arith.addi %add3A_52, %add3A_87 : vector<16xi32>
    %add3A_89 = arith.constant 1 : i32
    %add3A_90 = vector.broadcast %add3A_89 : i32 to vector<16xi32>
    %add3A_91 = arith.addi %add3A_55, %add3A_90 : vector<16xi32>
    %add3A_92 = arith.constant 1 : i32
    %add3A_93 = vector.broadcast %add3A_92 : i32 to vector<16xi32>
    %add3A_94 = arith.addi %add3A_58, %add3A_93 : vector<16xi32>
    %broadcast_in_dim3A = arith.constant 0.000000e+00 : f32
    %broadcast_in_dim3A_95 = vector.broadcast %broadcast_in_dim3A : f32 to vector<16xf32>
    %scan3A = arith.constant 0 : i32
    %scan3A_96 = arith.constant 0 : i32
    %scan3A_97 = arith.constant 24 : i32
    %scan3A_98 = arith.addi %scan3A_96, %scan3A_97 : i32
    %scan3A_99 = arith.constant 1 : i32
    scf.for %scan3A_116 = %scan3A_96 to %scan3A_98 step %scan3A_99  : i32 {
      %mul3A_117 = arith.constant 2 : i32
      %mul3A_118 = arith.muli %mul3A_117, %scan3A_116 : i32
      %add3A_119 = arith.constant 0 : i32
      %add3A_120 = arith.addi %mul3A_118, %add3A_119 : i32
      %add3A_121 = arith.constant 1 : i32
      %add3A_122 = arith.addi %add3A_120, %add3A_121 : i32
      %lt3A = arith.constant 48 : i32
      %lt3A_123 = arith.cmpi slt, %add3A_122, %lt3A : i32
      %convert_element_type3A = arith.extui %lt3A_123 : i1 to i32
      %cond3A = arith.constant 0 : i32
      %cond3A_124 = arith.cmpi ne, %convert_element_type3A, %cond3A : i32
      scf.if %cond3A_124 {
        %add3A_206 = arith.constant 1 : i32
        %add3A_207 = arith.addi %add3A_120, %add3A_206 : i32
        %mul3A_208 = arith.constant 48 : i32
        %mul3A_209 = arith.muli %add3A_207, %mul3A_208 : i32
        %add3A_210 = arith.addi %mul3A_2, %mul3A_209 : i32
        %dma_start3A_211 = arith.constant 0 : i32
        %dma_start3A_212 = tpu.memref_slice %arg2[%add3A_210, %dma_start3A_211] : memref<73728x192xf32, #tpu.memory_space<hbm>> -> memref<48x128xf32, #tpu.memory_space<hbm>>
        %dma_start3A_213 = arith.constant 0 : i32
        %dma_start3A_214 = tpu.memref_slice %arg2[%add3A_210, %dma_start3A_213] : memref<73728x192xf32, #tpu.memory_space<hbm>> -> memref<48x128xf32, #tpu.memory_space<hbm>>
        tpu.enqueue_dma source(%dma_start3A_214 : memref<48x128xf32, #tpu.memory_space<hbm>>) target(%arg7 : memref<48x128xf32, #tpu.memory_space<vmem>>) target_semaphore(%arg16 : memref<!tpu.dma_semaphore, #tpu.memory_space<semaphore_mem>>)
        %dma_start3A_215 = arith.constant 128 : i32
        %dma_start3A_216 = tpu.memref_slice %arg2[%add3A_210, %dma_start3A_215] : memref<73728x192xf32, #tpu.memory_space<hbm>> -> memref<48x64xf32, #tpu.memory_space<hbm>>
        %dma_start3A_217 = arith.constant 128 : i32
        %dma_start3A_218 = tpu.memref_slice %arg2[%add3A_210, %dma_start3A_217] : memref<73728x192xf32, #tpu.memory_space<hbm>> -> memref<48x64xf32, #tpu.memory_space<hbm>>
        tpu.enqueue_dma source(%dma_start3A_218 : memref<48x64xf32, #tpu.memory_space<hbm>>) target(%arg8 : memref<48x64xf32, #tpu.memory_space<vmem>>) target_semaphore(%arg16 : memref<!tpu.dma_semaphore, #tpu.memory_space<semaphore_mem>>)
        %dma_start3A_219 = arith.constant 0 : i32
        %dma_start3A_220 = tpu.memref_slice %arg3[%add3A_210, %dma_start3A_219] : memref<73728x192xi32, #tpu.memory_space<hbm>> -> memref<48x128xi32, #tpu.memory_space<hbm>>
        %dma_start3A_221 = arith.constant 0 : i32
        %dma_start3A_222 = tpu.memref_slice %arg3[%add3A_210, %dma_start3A_221] : memref<73728x192xi32, #tpu.memory_space<hbm>> -> memref<48x128xi32, #tpu.memory_space<hbm>>
        tpu.enqueue_dma source(%dma_start3A_222 : memref<48x128xi32, #tpu.memory_space<hbm>>) target(%arg11 : memref<48x128xi32, #tpu.memory_space<vmem>>) target_semaphore(%arg18 : memref<!tpu.dma_semaphore, #tpu.memory_space<semaphore_mem>>)
        %dma_start3A_223 = arith.constant 128 : i32
        %dma_start3A_224 = tpu.memref_slice %arg3[%add3A_210, %dma_start3A_223] : memref<73728x192xi32, #tpu.memory_space<hbm>> -> memref<48x64xi32, #tpu.memory_space<hbm>>
        %dma_start3A_225 = arith.constant 128 : i32
        %dma_start3A_226 = tpu.memref_slice %arg3[%add3A_210, %dma_start3A_225] : memref<73728x192xi32, #tpu.memory_space<hbm>> -> memref<48x64xi32, #tpu.memory_space<hbm>>
        tpu.enqueue_dma source(%dma_start3A_226 : memref<48x64xi32, #tpu.memory_space<hbm>>) target(%arg12 : memref<48x64xi32, #tpu.memory_space<vmem>>) target_semaphore(%arg18 : memref<!tpu.dma_semaphore, #tpu.memory_space<semaphore_mem>>)
      } else {
      }
      %mul3A_125 = arith.constant 48 : i32
      %mul3A_126 = arith.muli %add3A_120, %mul3A_125 : i32
      %add3A_127 = arith.addi %mul3A_2, %mul3A_126 : i32
      %dma_wait3A_128 = arith.constant 0 : i32
      %dma_wait3A_129 = tpu.memref_slice %arg2[%add3A_127, %dma_wait3A_128] : memref<73728x192xf32, #tpu.memory_space<hbm>> -> memref<48x128xf32, #tpu.memory_space<hbm>>
      %dma_wait3A_130 = arith.constant 0 : i32
      %dma_wait3A_131 = tpu.memref_slice %arg2[%add3A_127, %dma_wait3A_130] : memref<73728x192xf32, #tpu.memory_space<hbm>> -> memref<48x128xf32, #tpu.memory_space<hbm>>
      tpu.wait_dma2 semaphore(%arg15 : memref<!tpu.dma_semaphore, #tpu.memory_space<semaphore_mem>>) src(%dma_wait3A_131 : memref<48x128xf32, #tpu.memory_space<hbm>>) dst(%arg5 : memref<48x128xf32, #tpu.memory_space<vmem>>)
      %dma_wait3A_132 = arith.constant 128 : i32
      %dma_wait3A_133 = tpu.memref_slice %arg2[%add3A_127, %dma_wait3A_132] : memref<73728x192xf32, #tpu.memory_space<hbm>> -> memref<48x64xf32, #tpu.memory_space<hbm>>
      %dma_wait3A_134 = arith.constant 128 : i32
      %dma_wait3A_135 = tpu.memref_slice %arg2[%add3A_127, %dma_wait3A_134] : memref<73728x192xf32, #tpu.memory_space<hbm>> -> memref<48x64xf32, #tpu.memory_space<hbm>>
      tpu.wait_dma2 semaphore(%arg15 : memref<!tpu.dma_semaphore, #tpu.memory_space<semaphore_mem>>) src(%dma_wait3A_135 : memref<48x64xf32, #tpu.memory_space<hbm>>) dst(%arg6 : memref<48x64xf32, #tpu.memory_space<vmem>>)
      %dma_wait3A_136 = arith.constant 0 : i32
      %dma_wait3A_137 = tpu.memref_slice %arg3[%add3A_127, %dma_wait3A_136] : memref<73728x192xi32, #tpu.memory_space<hbm>> -> memref<48x128xi32, #tpu.memory_space<hbm>>
      %dma_wait3A_138 = arith.constant 0 : i32
      %dma_wait3A_139 = tpu.memref_slice %arg3[%add3A_127, %dma_wait3A_138] : memref<73728x192xi32, #tpu.memory_space<hbm>> -> memref<48x128xi32, #tpu.memory_space<hbm>>
      tpu.wait_dma2 semaphore(%arg17 : memref<!tpu.dma_semaphore, #tpu.memory_space<semaphore_mem>>) src(%dma_wait3A_139 : memref<48x128xi32, #tpu.memory_space<hbm>>) dst(%arg9 : memref<48x128xi32, #tpu.memory_space<vmem>>)
      %dma_wait3A_140 = arith.constant 128 : i32
      %dma_wait3A_141 = tpu.memref_slice %arg3[%add3A_127, %dma_wait3A_140] : memref<73728x192xi32, #tpu.memory_space<hbm>> -> memref<48x64xi32, #tpu.memory_space<hbm>>
      %dma_wait3A_142 = arith.constant 128 : i32
      %dma_wait3A_143 = tpu.memref_slice %arg3[%add3A_127, %dma_wait3A_142] : memref<73728x192xi32, #tpu.memory_space<hbm>> -> memref<48x64xi32, #tpu.memory_space<hbm>>
      tpu.wait_dma2 semaphore(%arg17 : memref<!tpu.dma_semaphore, #tpu.memory_space<semaphore_mem>>) src(%dma_wait3A_143 : memref<48x64xi32, #tpu.memory_space<hbm>>) dst(%arg10 : memref<48x64xi32, #tpu.memory_space<vmem>>)
      %ge3A = arith.constant 2 : i32
      %ge3A_144 = arith.cmpi sge, %add3A_120, %ge3A : i32
      %convert_element_type3A_145 = arith.extui %ge3A_144 : i1 to i32
      %cond3A_146 = arith.constant 0 : i32
      %cond3A_147 = arith.cmpi ne, %convert_element_type3A_145, %cond3A_146 : i32
      scf.if %cond3A_147 {
        %sub3A = arith.constant 2 : i32
        %sub3A_206 = arith.subi %add3A_120, %sub3A : i32
        %mul3A_207 = arith.constant 48 : i32
        %mul3A_208 = arith.muli %sub3A_206, %mul3A_207 : i32
        %add3A_209 = arith.addi %mul3A_2, %mul3A_208 : i32
        %mul3A_210 = arith.constant 2 : i32
        %mul3A_211 = arith.muli %mul3A_210, %add3A_209 : i32
        %dma_wait3A_212 = arith.constant 0 : i32
        %dma_wait3A_213 = tpu.memref_slice %arg4[%mul3A_211, %dma_wait3A_212] : memref<147456x384xf32, #tpu.memory_space<hbm>> -> memref<96x384xf32, #tpu.memory_space<hbm>>
        %dma_wait3A_214 = arith.constant 0 : i32
        %dma_wait3A_215 = tpu.memref_slice %arg4[%mul3A_211, %dma_wait3A_214] : memref<147456x384xf32, #tpu.memory_space<hbm>> -> memref<96x384xf32, #tpu.memory_space<hbm>>
        tpu.wait_dma2 semaphore(%arg19 : memref<!tpu.dma_semaphore, #tpu.memory_space<semaphore_mem>>) src(%arg13 : memref<96x384xf32, #tpu.memory_space<vmem>>) dst(%dma_wait3A_215 : memref<96x384xf32, #tpu.memory_space<hbm>>)
      } else {
      }
      %parallel_loop3A = arith.constant 0 : i32
      %parallel_loop3A_148 = arith.constant 48 : i32
      %parallel_loop3A_149 = arith.constant 1 : i32
      scf.for %parallel_loop3A_206 = %parallel_loop3A to %parallel_loop3A_148 step %parallel_loop3A_149  : i32 {
        %parallel_loop3A_207 = arith.constant 2 : i32
        %parallel_loop3A_208 = arith.muli %parallel_loop3A_207, %parallel_loop3A_206 : i32
        %parallel_loop3A_209 = vector.broadcast %parallel_loop3A_208 : i32 to vector<16xi32>
        %parallel_loop3A_210 = arith.constant 1 : i32
        %parallel_loop3A_211 = vector.broadcast %parallel_loop3A_210 : i32 to vector<16xi32>
        %parallel_loop3A_212 = arith.addi %parallel_loop3A_209, %parallel_loop3A_211 : vector<16xi32>
        %parallel_loop3A_213 = arith.index_cast %parallel_loop3A_206 : i32 to index
        %parallel_loop3A_214 = arith.constant 0 : index
        %parallel_loop3A_215 = tpu.vector_load %arg5[%parallel_loop3A_213, %parallel_loop3A_214] {strides = array<i32>} : memref<48x128xf32, #tpu.memory_space<vmem>>, vector<16xf32>,
        %parallel_loop3A_216 = arith.index_cast %parallel_loop3A_206 : i32 to index
        %parallel_loop3A_217 = arith.constant 0 : index
        %parallel_loop3A_218 = tpu.vector_load %arg9[%parallel_loop3A_216, %parallel_loop3A_217] {strides = array<i32>} : memref<48x128xi32, #tpu.memory_space<vmem>>, vector<16xi32>,
        %parallel_loop3A_219 = arith.constant 0 : i32
        %parallel_loop3A_220 = vector.broadcast %parallel_loop3A_219 : i32 to vector<16xi32>
        %parallel_loop3A_221 = arith.cmpi eq, %parallel_loop3A_218, %parallel_loop3A_220 : vector<16xi32>
        %parallel_loop3A_222 = arith.select %parallel_loop3A_221, %parallel_loop3A_215, %broadcast_in_dim3A_95 : vector<16xi1>, vector<16xf32>
        %parallel_loop3A_223 = arith.constant 1 : i32
        %parallel_loop3A_224 = vector.broadcast %parallel_loop3A_223 : i32 to vector<16xi32>
        %parallel_loop3A_225 = arith.cmpi eq, %parallel_loop3A_218, %parallel_loop3A_224 : vector<16xi32>
        %parallel_loop3A_226 = arith.select %parallel_loop3A_225, %parallel_loop3A_215, %broadcast_in_dim3A_95 : vector<16xi1>, vector<16xf32>
        %parallel_loop3A_227 = arith.constant 2 : i32
        %parallel_loop3A_228 = vector.broadcast %parallel_loop3A_227 : i32 to vector<16xi32>
        %parallel_loop3A_229 = arith.cmpi eq, %parallel_loop3A_218, %parallel_loop3A_228 : vector<16xi32>
        %parallel_loop3A_230 = arith.select %parallel_loop3A_229, %parallel_loop3A_215, %broadcast_in_dim3A_95 : vector<16xi1>, vector<16xf32>
        %parallel_loop3A_231 = arith.constant 3 : i32
        %parallel_loop3A_232 = vector.broadcast %parallel_loop3A_231 : i32 to vector<16xi32>
        %parallel_loop3A_233 = arith.cmpi eq, %parallel_loop3A_218, %parallel_loop3A_232 : vector<16xi32>
        %parallel_loop3A_234 = arith.select %parallel_loop3A_233, %parallel_loop3A_215, %broadcast_in_dim3A_95 : vector<16xi1>, vector<16xf32>
        tpu.vector_store_idx %arg13[%parallel_loop3A_209, %add3A_25], %parallel_loop3A_222 : memref<96x384xf32, #tpu.memory_space<vmem>>[vector<16xi32>, vector<16xi32>], vector<16xf32>,
        tpu.vector_store_idx %arg13[%parallel_loop3A_209, %add3A_61], %parallel_loop3A_226 : memref<96x384xf32, #tpu.memory_space<vmem>>[vector<16xi32>, vector<16xi32>], vector<16xf32>,
        tpu.vector_store_idx %arg13[%parallel_loop3A_212, %add3A_25], %parallel_loop3A_230 : memref<96x384xf32, #tpu.memory_space<vmem>>[vector<16xi32>, vector<16xi32>], vector<16xf32>,
        tpu.vector_store_idx %arg13[%parallel_loop3A_212, %add3A_61], %parallel_loop3A_234 : memref<96x384xf32, #tpu.memory_space<vmem>>[vector<16xi32>, vector<16xi32>], vector<16xf32>,
        %parallel_loop3A_235 = arith.index_cast %parallel_loop3A_206 : i32 to index
        %parallel_loop3A_236 = arith.constant 16 : index
        %parallel_loop3A_237 = tpu.vector_load %arg5[%parallel_loop3A_235, %parallel_loop3A_236] {strides = array<i32>} : memref<48x128xf32, #tpu.memory_space<vmem>>, vector<16xf32>,
        %parallel_loop3A_238 = arith.index_cast %parallel_loop3A_206 : i32 to index
        %parallel_loop3A_239 = arith.constant 16 : index
        %parallel_loop3A_240 = tpu.vector_load %arg9[%parallel_loop3A_238, %parallel_loop3A_239] {strides = array<i32>} : memref<48x128xi32, #tpu.memory_space<vmem>>, vector<16xi32>,
        %parallel_loop3A_241 = arith.constant 0 : i32
        %parallel_loop3A_242 = vector.broadcast %parallel_loop3A_241 : i32 to vector<16xi32>
        %parallel_loop3A_243 = arith.cmpi eq, %parallel_loop3A_240, %parallel_loop3A_242 : vector<16xi32>
        %parallel_loop3A_244 = arith.select %parallel_loop3A_243, %parallel_loop3A_237, %broadcast_in_dim3A_95 : vector<16xi1>, vector<16xf32>
        %parallel_loop3A_245 = arith.constant 1 : i32
        %parallel_loop3A_246 = vector.broadcast %parallel_loop3A_245 : i32 to vector<16xi32>
        %parallel_loop3A_247 = arith.cmpi eq, %parallel_loop3A_240, %parallel_loop3A_246 : vector<16xi32>
        %parallel_loop3A_248 = arith.select %parallel_loop3A_247, %parallel_loop3A_237, %broadcast_in_dim3A_95 : vector<16xi1>, vector<16xf32>
        %parallel_loop3A_249 = arith.constant 2 : i32
        %parallel_loop3A_250 = vector.broadcast %parallel_loop3A_249 : i32 to vector<16xi32>
        %parallel_loop3A_251 = arith.cmpi eq, %parallel_loop3A_240, %parallel_loop3A_250 : vector<16xi32>
        %parallel_loop3A_252 = arith.select %parallel_loop3A_251, %parallel_loop3A_237, %broadcast_in_dim3A_95 : vector<16xi1>, vector<16xf32>
        %parallel_loop3A_253 = arith.constant 3 : i32
        %parallel_loop3A_254 = vector.broadcast %parallel_loop3A_253 : i32 to vector<16xi32>
        %parallel_loop3A_255 = arith.cmpi eq, %parallel_loop3A_240, %parallel_loop3A_254 : vector<16xi32>
        %parallel_loop3A_256 = arith.select %parallel_loop3A_255, %parallel_loop3A_237, %broadcast_in_dim3A_95 : vector<16xi1>, vector<16xf32>
        tpu.vector_store_idx %arg13[%parallel_loop3A_209, %add3A_28], %parallel_loop3A_244 : memref<96x384xf32, #tpu.memory_space<vmem>>[vector<16xi32>, vector<16xi32>], vector<16xf32>,
        tpu.vector_store_idx %arg13[%parallel_loop3A_209, %add3A_64], %parallel_loop3A_248 : memref<96x384xf32, #tpu.memory_space<vmem>>[vector<16xi32>, vector<16xi32>], vector<16xf32>,
        tpu.vector_store_idx %arg13[%parallel_loop3A_212, %add3A_28], %parallel_loop3A_252 : memref<96x384xf32, #tpu.memory_space<vmem>>[vector<16xi32>, vector<16xi32>], vector<16xf32>,
        tpu.vector_store_idx %arg13[%parallel_loop3A_212, %add3A_64], %parallel_loop3A_256 : memref<96x384xf32, #tpu.memory_space<vmem>>[vector<16xi32>, vector<16xi32>], vector<16xf32>,
        %parallel_loop3A_257 = arith.index_cast %parallel_loop3A_206 : i32 to index
        %parallel_loop3A_258 = arith.constant 32 : index
        %parallel_loop3A_259 = tpu.vector_load %arg5[%parallel_loop3A_257, %parallel_loop3A_258] {strides = array<i32>} : memref<48x128xf32, #tpu.memory_space<vmem>>, vector<16xf32>,
        %parallel_loop3A_260 = arith.index_cast %parallel_loop3A_206 : i32 to index
        %parallel_loop3A_261 = arith.constant 32 : index
        %parallel_loop3A_262 = tpu.vector_load %arg9[%parallel_loop3A_260, %parallel_loop3A_261] {strides = array<i32>} : memref<48x128xi32, #tpu.memory_space<vmem>>, vector<16xi32>,
        %parallel_loop3A_263 = arith.constant 0 : i32
        %parallel_loop3A_264 = vector.broadcast %parallel_loop3A_263 : i32 to vector<16xi32>
        %parallel_loop3A_265 = arith.cmpi eq, %parallel_loop3A_262, %parallel_loop3A_264 : vector<16xi32>
        %parallel_loop3A_266 = arith.select %parallel_loop3A_265, %parallel_loop3A_259, %broadcast_in_dim3A_95 : vector<16xi1>, vector<16xf32>
        %parallel_loop3A_267 = arith.constant 1 : i32
        %parallel_loop3A_268 = vector.broadcast %parallel_loop3A_267 : i32 to vector<16xi32>
        %parallel_loop3A_269 = arith.cmpi eq, %parallel_loop3A_262, %parallel_loop3A_268 : vector<16xi32>
        %parallel_loop3A_270 = arith.select %parallel_loop3A_269, %parallel_loop3A_259, %broadcast_in_dim3A_95 : vector<16xi1>, vector<16xf32>
        %parallel_loop3A_271 = arith.constant 2 : i32
        %parallel_loop3A_272 = vector.broadcast %parallel_loop3A_271 : i32 to vector<16xi32>
        %parallel_loop3A_273 = arith.cmpi eq, %parallel_loop3A_262, %parallel_loop3A_272 : vector<16xi32>
        %parallel_loop3A_274 = arith.select %parallel_loop3A_273, %parallel_loop3A_259, %broadcast_in_dim3A_95 : vector<16xi1>, vector<16xf32>
        %parallel_loop3A_275 = arith.constant 3 : i32
        %parallel_loop3A_276 = vector.broadcast %parallel_loop3A_275 : i32 to vector<16xi32>
        %parallel_loop3A_277 = arith.cmpi eq, %parallel_loop3A_262, %parallel_loop3A_276 : vector<16xi32>
        %parallel_loop3A_278 = arith.select %parallel_loop3A_277, %parallel_loop3A_259, %broadcast_in_dim3A_95 : vector<16xi1>, vector<16xf32>
        tpu.vector_store_idx %arg13[%parallel_loop3A_209, %add3A_31], %parallel_loop3A_266 : memref<96x384xf32, #tpu.memory_space<vmem>>[vector<16xi32>, vector<16xi32>], vector<16xf32>,
        tpu.vector_store_idx %arg13[%parallel_loop3A_209, %add3A_67], %parallel_loop3A_270 : memref<96x384xf32, #tpu.memory_space<vmem>>[vector<16xi32>, vector<16xi32>], vector<16xf32>,
        tpu.vector_store_idx %arg13[%parallel_loop3A_212, %add3A_31], %parallel_loop3A_274 : memref<96x384xf32, #tpu.memory_space<vmem>>[vector<16xi32>, vector<16xi32>], vector<16xf32>,
        tpu.vector_store_idx %arg13[%parallel_loop3A_212, %add3A_67], %parallel_loop3A_278 : memref<96x384xf32, #tpu.memory_space<vmem>>[vector<16xi32>, vector<16xi32>], vector<16xf32>,
        %parallel_loop3A_279 = arith.index_cast %parallel_loop3A_206 : i32 to index
        %parallel_loop3A_280 = arith.constant 48 : index
        %parallel_loop3A_281 = tpu.vector_load %arg5[%parallel_loop3A_279, %parallel_loop3A_280] {strides = array<i32>} : memref<48x128xf32, #tpu.memory_space<vmem>>, vector<16xf32>,
        %parallel_loop3A_282 = arith.index_cast %parallel_loop3A_206 : i32 to index
        %parallel_loop3A_283 = arith.constant 48 : index
        %parallel_loop3A_284 = tpu.vector_load %arg9[%parallel_loop3A_282, %parallel_loop3A_283] {strides = array<i32>} : memref<48x128xi32, #tpu.memory_space<vmem>>, vector<16xi32>,
        %parallel_loop3A_285 = arith.constant 0 : i32
        %parallel_loop3A_286 = vector.broadcast %parallel_loop3A_285 : i32 to vector<16xi32>
        %parallel_loop3A_287 = arith.cmpi eq, %parallel_loop3A_284, %parallel_loop3A_286 : vector<16xi32>
        %parallel_loop3A_288 = arith.select %parallel_loop3A_287, %parallel_loop3A_281, %broadcast_in_dim3A_95 : vector<16xi1>, vector<16xf32>
        %parallel_loop3A_289 = arith.constant 1 : i32
        %parallel_loop3A_290 = vector.broadcast %parallel_loop3A_289 : i32 to vector<16xi32>
        %parallel_loop3A_291 = arith.cmpi eq, %parallel_loop3A_284, %parallel_loop3A_290 : vector<16xi32>
        %parallel_loop3A_292 = arith.select %parallel_loop3A_291, %parallel_loop3A_281, %broadcast_in_dim3A_95 : vector<16xi1>, vector<16xf32>
        %parallel_loop3A_293 = arith.constant 2 : i32
        %parallel_loop3A_294 = vector.broadcast %parallel_loop3A_293 : i32 to vector<16xi32>
        %parallel_loop3A_295 = arith.cmpi eq, %parallel_loop3A_284, %parallel_loop3A_294 : vector<16xi32>
        %parallel_loop3A_296 = arith.select %parallel_loop3A_295, %parallel_loop3A_281, %broadcast_in_dim3A_95 : vector<16xi1>, vector<16xf32>
        %parallel_loop3A_297 = arith.constant 3 : i32
        %parallel_loop3A_298 = vector.broadcast %parallel_loop3A_297 : i32 to vector<16xi32>
        %parallel_loop3A_299 = arith.cmpi eq, %parallel_loop3A_284, %parallel_loop3A_298 : vector<16xi32>
        %parallel_loop3A_300 = arith.select %parallel_loop3A_299, %parallel_loop3A_281, %broadcast_in_dim3A_95 : vector<16xi1>, vector<16xf32>
        tpu.vector_store_idx %arg13[%parallel_loop3A_209, %add3A_34], %parallel_loop3A_288 : memref<96x384xf32, #tpu.memory_space<vmem>>[vector<16xi32>, vector<16xi32>], vector<16xf32>,
        tpu.vector_store_idx %arg13[%parallel_loop3A_209, %add3A_70], %parallel_loop3A_292 : memref<96x384xf32, #tpu.memory_space<vmem>>[vector<16xi32>, vector<16xi32>], vector<16xf32>,
        tpu.vector_store_idx %arg13[%parallel_loop3A_212, %add3A_34], %parallel_loop3A_296 : memref<96x384xf32, #tpu.memory_space<vmem>>[vector<16xi32>, vector<16xi32>], vector<16xf32>,
        tpu.vector_store_idx %arg13[%parallel_loop3A_212, %add3A_70], %parallel_loop3A_300 : memref<96x384xf32, #tpu.memory_space<vmem>>[vector<16xi32>, vector<16xi32>], vector<16xf32>,
        %parallel_loop3A_301 = arith.index_cast %parallel_loop3A_206 : i32 to index
        %parallel_loop3A_302 = arith.constant 64 : index
        %parallel_loop3A_303 = tpu.vector_load %arg5[%parallel_loop3A_301, %parallel_loop3A_302] {strides = array<i32>} : memref<48x128xf32, #tpu.memory_space<vmem>>, vector<16xf32>,
        %parallel_loop3A_304 = arith.index_cast %parallel_loop3A_206 : i32 to index
        %parallel_loop3A_305 = arith.constant 64 : index
        %parallel_loop3A_306 = tpu.vector_load %arg9[%parallel_loop3A_304, %parallel_loop3A_305] {strides = array<i32>} : memref<48x128xi32, #tpu.memory_space<vmem>>, vector<16xi32>,
        %parallel_loop3A_307 = arith.constant 0 : i32
        %parallel_loop3A_308 = vector.broadcast %parallel_loop3A_307 : i32 to vector<16xi32>
        %parallel_loop3A_309 = arith.cmpi eq, %parallel_loop3A_306, %parallel_loop3A_308 : vector<16xi32>
        %parallel_loop3A_310 = arith.select %parallel_loop3A_309, %parallel_loop3A_303, %broadcast_in_dim3A_95 : vector<16xi1>, vector<16xf32>
        %parallel_loop3A_311 = arith.constant 1 : i32
        %parallel_loop3A_312 = vector.broadcast %parallel_loop3A_311 : i32 to vector<16xi32>
        %parallel_loop3A_313 = arith.cmpi eq, %parallel_loop3A_306, %parallel_loop3A_312 : vector<16xi32>
        %parallel_loop3A_314 = arith.select %parallel_loop3A_313, %parallel_loop3A_303, %broadcast_in_dim3A_95 : vector<16xi1>, vector<16xf32>
        %parallel_loop3A_315 = arith.constant 2 : i32
        %parallel_loop3A_316 = vector.broadcast %parallel_loop3A_315 : i32 to vector<16xi32>
        %parallel_loop3A_317 = arith.cmpi eq, %parallel_loop3A_306, %parallel_loop3A_316 : vector<16xi32>
        %parallel_loop3A_318 = arith.select %parallel_loop3A_317, %parallel_loop3A_303, %broadcast_in_dim3A_95 : vector<16xi1>, vector<16xf32>
        %parallel_loop3A_319 = arith.constant 3 : i32
        %parallel_loop3A_320 = vector.broadcast %parallel_loop3A_319 : i32 to vector<16xi32>
        %parallel_loop3A_321 = arith.cmpi eq, %parallel_loop3A_306, %parallel_loop3A_320 : vector<16xi32>
        %parallel_loop3A_322 = arith.select %parallel_loop3A_321, %parallel_loop3A_303, %broadcast_in_dim3A_95 : vector<16xi1>, vector<16xf32>
        tpu.vector_store_idx %arg13[%parallel_loop3A_209, %add3A_37], %parallel_loop3A_310 : memref<96x384xf32, #tpu.memory_space<vmem>>[vector<16xi32>, vector<16xi32>], vector<16xf32>,
        tpu.vector_store_idx %arg13[%parallel_loop3A_209, %add3A_73], %parallel_loop3A_314 : memref<96x384xf32, #tpu.memory_space<vmem>>[vector<16xi32>, vector<16xi32>], vector<16xf32>,
        tpu.vector_store_idx %arg13[%parallel_loop3A_212, %add3A_37], %parallel_loop3A_318 : memref<96x384xf32, #tpu.memory_space<vmem>>[vector<16xi32>, vector<16xi32>], vector<16xf32>,
        tpu.vector_store_idx %arg13[%parallel_loop3A_212, %add3A_73], %parallel_loop3A_322 : memref<96x384xf32, #tpu.memory_space<vmem>>[vector<16xi32>, vector<16xi32>], vector<16xf32>,
        %parallel_loop3A_323 = arith.index_cast %parallel_loop3A_206 : i32 to index
        %parallel_loop3A_324 = arith.constant 80 : index
        %parallel_loop3A_325 = tpu.vector_load %arg5[%parallel_loop3A_323, %parallel_loop3A_324] {strides = array<i32>} : memref<48x128xf32, #tpu.memory_space<vmem>>, vector<16xf32>,
        %parallel_loop3A_326 = arith.index_cast %parallel_loop3A_206 : i32 to index
        %parallel_loop3A_327 = arith.constant 80 : index
        %parallel_loop3A_328 = tpu.vector_load %arg9[%parallel_loop3A_326, %parallel_loop3A_327] {strides = array<i32>} : memref<48x128xi32, #tpu.memory_space<vmem>>, vector<16xi32>,
        %parallel_loop3A_329 = arith.constant 0 : i32
        %parallel_loop3A_330 = vector.broadcast %parallel_loop3A_329 : i32 to vector<16xi32>
        %parallel_loop3A_331 = arith.cmpi eq, %parallel_loop3A_328, %parallel_loop3A_330 : vector<16xi32>
        %parallel_loop3A_332 = arith.select %parallel_loop3A_331, %parallel_loop3A_325, %broadcast_in_dim3A_95 : vector<16xi1>, vector<16xf32>
        %parallel_loop3A_333 = arith.constant 1 : i32
        %parallel_loop3A_334 = vector.broadcast %parallel_loop3A_333 : i32 to vector<16xi32>
        %parallel_loop3A_335 = arith.cmpi eq, %parallel_loop3A_328, %parallel_loop3A_334 : vector<16xi32>
        %parallel_loop3A_336 = arith.select %parallel_loop3A_335, %parallel_loop3A_325, %broadcast_in_dim3A_95 : vector<16xi1>, vector<16xf32>
        %parallel_loop3A_337 = arith.constant 2 : i32
        %parallel_loop3A_338 = vector.broadcast %parallel_loop3A_337 : i32 to vector<16xi32>
        %parallel_loop3A_339 = arith.cmpi eq, %parallel_loop3A_328, %parallel_loop3A_338 : vector<16xi32>
        %parallel_loop3A_340 = arith.select %parallel_loop3A_339, %parallel_loop3A_325, %broadcast_in_dim3A_95 : vector<16xi1>, vector<16xf32>
        %parallel_loop3A_341 = arith.constant 3 : i32
        %parallel_loop3A_342 = vector.broadcast %parallel_loop3A_341 : i32 to vector<16xi32>
        %parallel_loop3A_343 = arith.cmpi eq, %parallel_loop3A_328, %parallel_loop3A_342 : vector<16xi32>
        %parallel_loop3A_344 = arith.select %parallel_loop3A_343, %parallel_loop3A_325, %broadcast_in_dim3A_95 : vector<16xi1>, vector<16xf32>
        tpu.vector_store_idx %arg13[%parallel_loop3A_209, %add3A_40], %parallel_loop3A_332 : memref<96x384xf32, #tpu.memory_space<vmem>>[vector<16xi32>, vector<16xi32>], vector<16xf32>,
        tpu.vector_store_idx %arg13[%parallel_loop3A_209, %add3A_76], %parallel_loop3A_336 : memref<96x384xf32, #tpu.memory_space<vmem>>[vector<16xi32>, vector<16xi32>], vector<16xf32>,
        tpu.vector_store_idx %arg13[%parallel_loop3A_212, %add3A_40], %parallel_loop3A_340 : memref<96x384xf32, #tpu.memory_space<vmem>>[vector<16xi32>, vector<16xi32>], vector<16xf32>,
        tpu.vector_store_idx %arg13[%parallel_loop3A_212, %add3A_76], %parallel_loop3A_344 : memref<96x384xf32, #tpu.memory_space<vmem>>[vector<16xi32>, vector<16xi32>], vector<16xf32>,
        %parallel_loop3A_345 = arith.index_cast %parallel_loop3A_206 : i32 to index
        %parallel_loop3A_346 = arith.constant 96 : index
        %parallel_loop3A_347 = tpu.vector_load %arg5[%parallel_loop3A_345, %parallel_loop3A_346] {strides = array<i32>} : memref<48x128xf32, #tpu.memory_space<vmem>>, vector<16xf32>,
        %parallel_loop3A_348 = arith.index_cast %parallel_loop3A_206 : i32 to index
        %parallel_loop3A_349 = arith.constant 96 : index
        %parallel_loop3A_350 = tpu.vector_load %arg9[%parallel_loop3A_348, %parallel_loop3A_349] {strides = array<i32>} : memref<48x128xi32, #tpu.memory_space<vmem>>, vector<16xi32>,
        %parallel_loop3A_351 = arith.constant 0 : i32
        %parallel_loop3A_352 = vector.broadcast %parallel_loop3A_351 : i32 to vector<16xi32>
        %parallel_loop3A_353 = arith.cmpi eq, %parallel_loop3A_350, %parallel_loop3A_352 : vector<16xi32>
        %parallel_loop3A_354 = arith.select %parallel_loop3A_353, %parallel_loop3A_347, %broadcast_in_dim3A_95 : vector<16xi1>, vector<16xf32>
        %parallel_loop3A_355 = arith.constant 1 : i32
        %parallel_loop3A_356 = vector.broadcast %parallel_loop3A_355 : i32 to vector<16xi32>
        %parallel_loop3A_357 = arith.cmpi eq, %parallel_loop3A_350, %parallel_loop3A_356 : vector<16xi32>
        %parallel_loop3A_358 = arith.select %parallel_loop3A_357, %parallel_loop3A_347, %broadcast_in_dim3A_95 : vector<16xi1>, vector<16xf32>
        %parallel_loop3A_359 = arith.constant 2 : i32
        %parallel_loop3A_360 = vector.broadcast %parallel_loop3A_359 : i32 to vector<16xi32>
        %parallel_loop3A_361 = arith.cmpi eq, %parallel_loop3A_350, %parallel_loop3A_360 : vector<16xi32>
        %parallel_loop3A_362 = arith.select %parallel_loop3A_361, %parallel_loop3A_347, %broadcast_in_dim3A_95 : vector<16xi1>, vector<16xf32>
        %parallel_loop3A_363 = arith.constant 3 : i32
        %parallel_loop3A_364 = vector.broadcast %parallel_loop3A_363 : i32 to vector<16xi32>
        %parallel_loop3A_365 = arith.cmpi eq, %parallel_loop3A_350, %parallel_loop3A_364 : vector<16xi32>
        %parallel_loop3A_366 = arith.select %parallel_loop3A_365, %parallel_loop3A_347, %broadcast_in_dim3A_95 : vector<16xi1>, vector<16xf32>
        tpu.vector_store_idx %arg13[%parallel_loop3A_209, %add3A_43], %parallel_loop3A_354 : memref<96x384xf32, #tpu.memory_space<vmem>>[vector<16xi32>, vector<16xi32>], vector<16xf32>,
        tpu.vector_store_idx %arg13[%parallel_loop3A_209, %add3A_79], %parallel_loop3A_358 : memref<96x384xf32, #tpu.memory_space<vmem>>[vector<16xi32>, vector<16xi32>], vector<16xf32>,
        tpu.vector_store_idx %arg13[%parallel_loop3A_212, %add3A_43], %parallel_loop3A_362 : memref<96x384xf32, #tpu.memory_space<vmem>>[vector<16xi32>, vector<16xi32>], vector<16xf32>,
        tpu.vector_store_idx %arg13[%parallel_loop3A_212, %add3A_79], %parallel_loop3A_366 : memref<96x384xf32, #tpu.memory_space<vmem>>[vector<16xi32>, vector<16xi32>], vector<16xf32>,
        %parallel_loop3A_367 = arith.index_cast %parallel_loop3A_206 : i32 to index
        %parallel_loop3A_368 = arith.constant 112 : index
        %parallel_loop3A_369 = tpu.vector_load %arg5[%parallel_loop3A_367, %parallel_loop3A_368] {strides = array<i32>} : memref<48x128xf32, #tpu.memory_space<vmem>>, vector<16xf32>,
        %parallel_loop3A_370 = arith.index_cast %parallel_loop3A_206 : i32 to index
        %parallel_loop3A_371 = arith.constant 112 : index
        %parallel_loop3A_372 = tpu.vector_load %arg9[%parallel_loop3A_370, %parallel_loop3A_371] {strides = array<i32>} : memref<48x128xi32, #tpu.memory_space<vmem>>, vector<16xi32>,
        %parallel_loop3A_373 = arith.constant 0 : i32
        %parallel_loop3A_374 = vector.broadcast %parallel_loop3A_373 : i32 to vector<16xi32>
        %parallel_loop3A_375 = arith.cmpi eq, %parallel_loop3A_372, %parallel_loop3A_374 : vector<16xi32>
        %parallel_loop3A_376 = arith.select %parallel_loop3A_375, %parallel_loop3A_369, %broadcast_in_dim3A_95 : vector<16xi1>, vector<16xf32>
        %parallel_loop3A_377 = arith.constant 1 : i32
        %parallel_loop3A_378 = vector.broadcast %parallel_loop3A_377 : i32 to vector<16xi32>
        %parallel_loop3A_379 = arith.cmpi eq, %parallel_loop3A_372, %parallel_loop3A_378 : vector<16xi32>
        %parallel_loop3A_380 = arith.select %parallel_loop3A_379, %parallel_loop3A_369, %broadcast_in_dim3A_95 : vector<16xi1>, vector<16xf32>
        %parallel_loop3A_381 = arith.constant 2 : i32
        %parallel_loop3A_382 = vector.broadcast %parallel_loop3A_381 : i32 to vector<16xi32>
        %parallel_loop3A_383 = arith.cmpi eq, %parallel_loop3A_372, %parallel_loop3A_382 : vector<16xi32>
        %parallel_loop3A_384 = arith.select %parallel_loop3A_383, %parallel_loop3A_369, %broadcast_in_dim3A_95 : vector<16xi1>, vector<16xf32>
        %parallel_loop3A_385 = arith.constant 3 : i32
        %parallel_loop3A_386 = vector.broadcast %parallel_loop3A_385 : i32 to vector<16xi32>
        %parallel_loop3A_387 = arith.cmpi eq, %parallel_loop3A_372, %parallel_loop3A_386 : vector<16xi32>
        %parallel_loop3A_388 = arith.select %parallel_loop3A_387, %parallel_loop3A_369, %broadcast_in_dim3A_95 : vector<16xi1>, vector<16xf32>
        tpu.vector_store_idx %arg13[%parallel_loop3A_209, %add3A_46], %parallel_loop3A_376 : memref<96x384xf32, #tpu.memory_space<vmem>>[vector<16xi32>, vector<16xi32>], vector<16xf32>,
        tpu.vector_store_idx %arg13[%parallel_loop3A_209, %add3A_82], %parallel_loop3A_380 : memref<96x384xf32, #tpu.memory_space<vmem>>[vector<16xi32>, vector<16xi32>], vector<16xf32>,
        tpu.vector_store_idx %arg13[%parallel_loop3A_212, %add3A_46], %parallel_loop3A_384 : memref<96x384xf32, #tpu.memory_space<vmem>>[vector<16xi32>, vector<16xi32>], vector<16xf32>,
        tpu.vector_store_idx %arg13[%parallel_loop3A_212, %add3A_82], %parallel_loop3A_388 : memref<96x384xf32, #tpu.memory_space<vmem>>[vector<16xi32>, vector<16xi32>], vector<16xf32>,
        %parallel_loop3A_389 = arith.index_cast %parallel_loop3A_206 : i32 to index
        %parallel_loop3A_390 = arith.constant 0 : index
        %parallel_loop3A_391 = tpu.vector_load %arg6[%parallel_loop3A_389, %parallel_loop3A_390] {strides = array<i32>} : memref<48x64xf32, #tpu.memory_space<vmem>>, vector<16xf32>,
        %parallel_loop3A_392 = arith.index_cast %parallel_loop3A_206 : i32 to index
        %parallel_loop3A_393 = arith.constant 0 : index
        %parallel_loop3A_394 = tpu.vector_load %arg10[%parallel_loop3A_392, %parallel_loop3A_393] {strides = array<i32>} : memref<48x64xi32, #tpu.memory_space<vmem>>, vector<16xi32>,
        %parallel_loop3A_395 = arith.constant 0 : i32
        %parallel_loop3A_396 = vector.broadcast %parallel_loop3A_395 : i32 to vector<16xi32>
        %parallel_loop3A_397 = arith.cmpi eq, %parallel_loop3A_394, %parallel_loop3A_396 : vector<16xi32>
        %parallel_loop3A_398 = arith.select %parallel_loop3A_397, %parallel_loop3A_391, %broadcast_in_dim3A_95 : vector<16xi1>, vector<16xf32>
        %parallel_loop3A_399 = arith.constant 1 : i32
        %parallel_loop3A_400 = vector.broadcast %parallel_loop3A_399 : i32 to vector<16xi32>
        %parallel_loop3A_401 = arith.cmpi eq, %parallel_loop3A_394, %parallel_loop3A_400 : vector<16xi32>
        %parallel_loop3A_402 = arith.select %parallel_loop3A_401, %parallel_loop3A_391, %broadcast_in_dim3A_95 : vector<16xi1>, vector<16xf32>
        %parallel_loop3A_403 = arith.constant 2 : i32
        %parallel_loop3A_404 = vector.broadcast %parallel_loop3A_403 : i32 to vector<16xi32>
        %parallel_loop3A_405 = arith.cmpi eq, %parallel_loop3A_394, %parallel_loop3A_404 : vector<16xi32>
        %parallel_loop3A_406 = arith.select %parallel_loop3A_405, %parallel_loop3A_391, %broadcast_in_dim3A_95 : vector<16xi1>, vector<16xf32>
        %parallel_loop3A_407 = arith.constant 3 : i32
        %parallel_loop3A_408 = vector.broadcast %parallel_loop3A_407 : i32 to vector<16xi32>
        %parallel_loop3A_409 = arith.cmpi eq, %parallel_loop3A_394, %parallel_loop3A_408 : vector<16xi32>
        %parallel_loop3A_410 = arith.select %parallel_loop3A_409, %parallel_loop3A_391, %broadcast_in_dim3A_95 : vector<16xi1>, vector<16xf32>
        tpu.vector_store_idx %arg13[%parallel_loop3A_209, %add3A_49], %parallel_loop3A_398 : memref<96x384xf32, #tpu.memory_space<vmem>>[vector<16xi32>, vector<16xi32>], vector<16xf32>,
        tpu.vector_store_idx %arg13[%parallel_loop3A_209, %add3A_85], %parallel_loop3A_402 : memref<96x384xf32, #tpu.memory_space<vmem>>[vector<16xi32>, vector<16xi32>], vector<16xf32>,
        tpu.vector_store_idx %arg13[%parallel_loop3A_212, %add3A_49], %parallel_loop3A_406 : memref<96x384xf32, #tpu.memory_space<vmem>>[vector<16xi32>, vector<16xi32>], vector<16xf32>,
        tpu.vector_store_idx %arg13[%parallel_loop3A_212, %add3A_85], %parallel_loop3A_410 : memref<96x384xf32, #tpu.memory_space<vmem>>[vector<16xi32>, vector<16xi32>], vector<16xf32>,
        %parallel_loop3A_411 = arith.index_cast %parallel_loop3A_206 : i32 to index
        %parallel_loop3A_412 = arith.constant 16 : index
        %parallel_loop3A_413 = tpu.vector_load %arg6[%parallel_loop3A_411, %parallel_loop3A_412] {strides = array<i32>} : memref<48x64xf32, #tpu.memory_space<vmem>>, vector<16xf32>,
        %parallel_loop3A_414 = arith.index_cast %parallel_loop3A_206 : i32 to index
        %parallel_loop3A_415 = arith.constant 16 : index
        %parallel_loop3A_416 = tpu.vector_load %arg10[%parallel_loop3A_414, %parallel_loop3A_415] {strides = array<i32>} : memref<48x64xi32, #tpu.memory_space<vmem>>, vector<16xi32>,
        %parallel_loop3A_417 = arith.constant 0 : i32
        %parallel_loop3A_418 = vector.broadcast %parallel_loop3A_417 : i32 to vector<16xi32>
        %parallel_loop3A_419 = arith.cmpi eq, %parallel_loop3A_416, %parallel_loop3A_418 : vector<16xi32>
        %parallel_loop3A_420 = arith.select %parallel_loop3A_419, %parallel_loop3A_413, %broadcast_in_dim3A_95 : vector<16xi1>, vector<16xf32>
        %parallel_loop3A_421 = arith.constant 1 : i32
        %parallel_loop3A_422 = vector.broadcast %parallel_loop3A_421 : i32 to vector<16xi32>
        %parallel_loop3A_423 = arith.cmpi eq, %parallel_loop3A_416, %parallel_loop3A_422 : vector<16xi32>
        %parallel_loop3A_424 = arith.select %parallel_loop3A_423, %parallel_loop3A_413, %broadcast_in_dim3A_95 : vector<16xi1>, vector<16xf32>
        %parallel_loop3A_425 = arith.constant 2 : i32
        %parallel_loop3A_426 = vector.broadcast %parallel_loop3A_425 : i32 to vector<16xi32>
        %parallel_loop3A_427 = arith.cmpi eq, %parallel_loop3A_416, %parallel_loop3A_426 : vector<16xi32>
        %parallel_loop3A_428 = arith.select %parallel_loop3A_427, %parallel_loop3A_413, %broadcast_in_dim3A_95 : vector<16xi1>, vector<16xf32>
        %parallel_loop3A_429 = arith.constant 3 : i32
        %parallel_loop3A_430 = vector.broadcast %parallel_loop3A_429 : i32 to vector<16xi32>
        %parallel_loop3A_431 = arith.cmpi eq, %parallel_loop3A_416, %parallel_loop3A_430 : vector<16xi32>
        %parallel_loop3A_432 = arith.select %parallel_loop3A_431, %parallel_loop3A_413, %broadcast_in_dim3A_95 : vector<16xi1>, vector<16xf32>
        tpu.vector_store_idx %arg13[%parallel_loop3A_209, %add3A_52], %parallel_loop3A_420 : memref<96x384xf32, #tpu.memory_space<vmem>>[vector<16xi32>, vector<16xi32>], vector<16xf32>,
        tpu.vector_store_idx %arg13[%parallel_loop3A_209, %add3A_88], %parallel_loop3A_424 : memref<96x384xf32, #tpu.memory_space<vmem>>[vector<16xi32>, vector<16xi32>], vector<16xf32>,
        tpu.vector_store_idx %arg13[%parallel_loop3A_212, %add3A_52], %parallel_loop3A_428 : memref<96x384xf32, #tpu.memory_space<vmem>>[vector<16xi32>, vector<16xi32>], vector<16xf32>,
        tpu.vector_store_idx %arg13[%parallel_loop3A_212, %add3A_88], %parallel_loop3A_432 : memref<96x384xf32, #tpu.memory_space<vmem>>[vector<16xi32>, vector<16xi32>], vector<16xf32>,
        %parallel_loop3A_433 = arith.index_cast %parallel_loop3A_206 : i32 to index
        %parallel_loop3A_434 = arith.constant 32 : index
        %parallel_loop3A_435 = tpu.vector_load %arg6[%parallel_loop3A_433, %parallel_loop3A_434] {strides = array<i32>} : memref<48x64xf32, #tpu.memory_space<vmem>>, vector<16xf32>,
        %parallel_loop3A_436 = arith.index_cast %parallel_loop3A_206 : i32 to index
        %parallel_loop3A_437 = arith.constant 32 : index
        %parallel_loop3A_438 = tpu.vector_load %arg10[%parallel_loop3A_436, %parallel_loop3A_437] {strides = array<i32>} : memref<48x64xi32, #tpu.memory_space<vmem>>, vector<16xi32>,
        %parallel_loop3A_439 = arith.constant 0 : i32
        %parallel_loop3A_440 = vector.broadcast %parallel_loop3A_439 : i32 to vector<16xi32>
        %parallel_loop3A_441 = arith.cmpi eq, %parallel_loop3A_438, %parallel_loop3A_440 : vector<16xi32>
        %parallel_loop3A_442 = arith.select %parallel_loop3A_441, %parallel_loop3A_435, %broadcast_in_dim3A_95 : vector<16xi1>, vector<16xf32>
        %parallel_loop3A_443 = arith.constant 1 : i32
        %parallel_loop3A_444 = vector.broadcast %parallel_loop3A_443 : i32 to vector<16xi32>
        %parallel_loop3A_445 = arith.cmpi eq, %parallel_loop3A_438, %parallel_loop3A_444 : vector<16xi32>
        %parallel_loop3A_446 = arith.select %parallel_loop3A_445, %parallel_loop3A_435, %broadcast_in_dim3A_95 : vector<16xi1>, vector<16xf32>
        %parallel_loop3A_447 = arith.constant 2 : i32
        %parallel_loop3A_448 = vector.broadcast %parallel_loop3A_447 : i32 to vector<16xi32>
        %parallel_loop3A_449 = arith.cmpi eq, %parallel_loop3A_438, %parallel_loop3A_448 : vector<16xi32>
        %parallel_loop3A_450 = arith.select %parallel_loop3A_449, %parallel_loop3A_435, %broadcast_in_dim3A_95 : vector<16xi1>, vector<16xf32>
        %parallel_loop3A_451 = arith.constant 3 : i32
        %parallel_loop3A_452 = vector.broadcast %parallel_loop3A_451 : i32 to vector<16xi32>
        %parallel_loop3A_453 = arith.cmpi eq, %parallel_loop3A_438, %parallel_loop3A_452 : vector<16xi32>
        %parallel_loop3A_454 = arith.select %parallel_loop3A_453, %parallel_loop3A_435, %broadcast_in_dim3A_95 : vector<16xi1>, vector<16xf32>
        tpu.vector_store_idx %arg13[%parallel_loop3A_209, %add3A_55], %parallel_loop3A_442 : memref<96x384xf32, #tpu.memory_space<vmem>>[vector<16xi32>, vector<16xi32>], vector<16xf32>,
        tpu.vector_store_idx %arg13[%parallel_loop3A_209, %add3A_91], %parallel_loop3A_446 : memref<96x384xf32, #tpu.memory_space<vmem>>[vector<16xi32>, vector<16xi32>], vector<16xf32>,
        tpu.vector_store_idx %arg13[%parallel_loop3A_212, %add3A_55], %parallel_loop3A_450 : memref<96x384xf32, #tpu.memory_space<vmem>>[vector<16xi32>, vector<16xi32>], vector<16xf32>,
        tpu.vector_store_idx %arg13[%parallel_loop3A_212, %add3A_91], %parallel_loop3A_454 : memref<96x384xf32, #tpu.memory_space<vmem>>[vector<16xi32>, vector<16xi32>], vector<16xf32>,
        %parallel_loop3A_455 = arith.index_cast %parallel_loop3A_206 : i32 to index
        %parallel_loop3A_456 = arith.constant 48 : index
        %parallel_loop3A_457 = tpu.vector_load %arg6[%parallel_loop3A_455, %parallel_loop3A_456] {strides = array<i32>} : memref<48x64xf32, #tpu.memory_space<vmem>>, vector<16xf32>,
        %parallel_loop3A_458 = arith.index_cast %parallel_loop3A_206 : i32 to index
        %parallel_loop3A_459 = arith.constant 48 : index
        %parallel_loop3A_460 = tpu.vector_load %arg10[%parallel_loop3A_458, %parallel_loop3A_459] {strides = array<i32>} : memref<48x64xi32, #tpu.memory_space<vmem>>, vector<16xi32>,
        %parallel_loop3A_461 = arith.constant 0 : i32
        %parallel_loop3A_462 = vector.broadcast %parallel_loop3A_461 : i32 to vector<16xi32>
        %parallel_loop3A_463 = arith.cmpi eq, %parallel_loop3A_460, %parallel_loop3A_462 : vector<16xi32>
        %parallel_loop3A_464 = arith.select %parallel_loop3A_463, %parallel_loop3A_457, %broadcast_in_dim3A_95 : vector<16xi1>, vector<16xf32>
        %parallel_loop3A_465 = arith.constant 1 : i32
        %parallel_loop3A_466 = vector.broadcast %parallel_loop3A_465 : i32 to vector<16xi32>
        %parallel_loop3A_467 = arith.cmpi eq, %parallel_loop3A_460, %parallel_loop3A_466 : vector<16xi32>
        %parallel_loop3A_468 = arith.select %parallel_loop3A_467, %parallel_loop3A_457, %broadcast_in_dim3A_95 : vector<16xi1>, vector<16xf32>
        %parallel_loop3A_469 = arith.constant 2 : i32
        %parallel_loop3A_470 = vector.broadcast %parallel_loop3A_469 : i32 to vector<16xi32>
        %parallel_loop3A_471 = arith.cmpi eq, %parallel_loop3A_460, %parallel_loop3A_470 : vector<16xi32>
        %parallel_loop3A_472 = arith.select %parallel_loop3A_471, %parallel_loop3A_457, %broadcast_in_dim3A_95 : vector<16xi1>, vector<16xf32>
        %parallel_loop3A_473 = arith.constant 3 : i32
        %parallel_loop3A_474 = vector.broadcast %parallel_loop3A_473 : i32 to vector<16xi32>
        %parallel_loop3A_475 = arith.cmpi eq, %parallel_loop3A_460, %parallel_loop3A_474 : vector<16xi32>
        %parallel_loop3A_476 = arith.select %parallel_loop3A_475, %parallel_loop3A_457, %broadcast_in_dim3A_95 : vector<16xi1>, vector<16xf32>
        tpu.vector_store_idx %arg13[%parallel_loop3A_209, %add3A_58], %parallel_loop3A_464 : memref<96x384xf32, #tpu.memory_space<vmem>>[vector<16xi32>, vector<16xi32>], vector<16xf32>,
        tpu.vector_store_idx %arg13[%parallel_loop3A_209, %add3A_94], %parallel_loop3A_468 : memref<96x384xf32, #tpu.memory_space<vmem>>[vector<16xi32>, vector<16xi32>], vector<16xf32>,
        tpu.vector_store_idx %arg13[%parallel_loop3A_212, %add3A_58], %parallel_loop3A_472 : memref<96x384xf32, #tpu.memory_space<vmem>>[vector<16xi32>, vector<16xi32>], vector<16xf32>,
        tpu.vector_store_idx %arg13[%parallel_loop3A_212, %add3A_94], %parallel_loop3A_476 : memref<96x384xf32, #tpu.memory_space<vmem>>[vector<16xi32>, vector<16xi32>], vector<16xf32>,
      } {sc.loop_unroll_factor = 3 : i64, sc.parallel_access}
      %mul3A_150 = arith.constant 48 : i32
      %mul3A_151 = arith.muli %add3A_120, %mul3A_150 : i32
      %add3A_152 = arith.addi %mul3A_2, %mul3A_151 : i32
      %mul3A_153 = arith.constant 2 : i32
      %mul3A_154 = arith.muli %mul3A_153, %add3A_152 : i32
      %dma_start3A_155 = arith.constant 0 : i32
      %dma_start3A_156 = tpu.memref_slice %arg4[%mul3A_154, %dma_start3A_155] : memref<147456x384xf32, #tpu.memory_space<hbm>> -> memref<96x384xf32, #tpu.memory_space<hbm>>
      %dma_start3A_157 = arith.constant 0 : i32
      %dma_start3A_158 = tpu.memref_slice %arg4[%mul3A_154, %dma_start3A_157] : memref<147456x384xf32, #tpu.memory_space<hbm>> -> memref<96x384xf32, #tpu.memory_space<hbm>>
      tpu.enqueue_dma source(%arg13 : memref<96x384xf32, #tpu.memory_space<vmem>>) target(%dma_start3A_158 : memref<96x384xf32, #tpu.memory_space<hbm>>) target_semaphore(%arg19 : memref<!tpu.dma_semaphore, #tpu.memory_space<semaphore_mem>>)
      %mul3A_159 = arith.constant 2 : i32
      %mul3A_160 = arith.muli %mul3A_159, %scan3A_116 : i32
      %add3A_161 = arith.constant 1 : i32
      %add3A_162 = arith.addi %mul3A_160, %add3A_161 : i32
      %add3A_163 = arith.constant 1 : i32
      %add3A_164 = arith.addi %add3A_162, %add3A_163 : i32
      %lt3A_165 = arith.constant 48 : i32
      %lt3A_166 = arith.cmpi slt, %add3A_164, %lt3A_165 : i32
      %convert_element_type3A_167 = arith.extui %lt3A_166 : i1 to i32
      %cond3A_168 = arith.constant 0 : i32
      %cond3A_169 = arith.cmpi ne, %convert_element_type3A_167, %cond3A_168 : i32
      scf.if %cond3A_169 {
        %add3A_206 = arith.constant 1 : i32
        %add3A_207 = arith.addi %add3A_162, %add3A_206 : i32
        %mul3A_208 = arith.constant 48 : i32
        %mul3A_209 = arith.muli %add3A_207, %mul3A_208 : i32
        %add3A_210 = arith.addi %mul3A_2, %mul3A_209 : i32
        %dma_start3A_211 = arith.constant 0 : i32
        %dma_start3A_212 = tpu.memref_slice %arg2[%add3A_210, %dma_start3A_211] : memref<73728x192xf32, #tpu.memory_space<hbm>> -> memref<48x128xf32, #tpu.memory_space<hbm>>
        %dma_start3A_213 = arith.constant 0 : i32
        %dma_start3A_214 = tpu.memref_slice %arg2[%add3A_210, %dma_start3A_213] : memref<73728x192xf32, #tpu.memory_space<hbm>> -> memref<48x128xf32, #tpu.memory_space<hbm>>
        tpu.enqueue_dma source(%dma_start3A_214 : memref<48x128xf32, #tpu.memory_space<hbm>>) target(%arg5 : memref<48x128xf32, #tpu.memory_space<vmem>>) target_semaphore(%arg15 : memref<!tpu.dma_semaphore, #tpu.memory_space<semaphore_mem>>)
        %dma_start3A_215 = arith.constant 128 : i32
        %dma_start3A_216 = tpu.memref_slice %arg2[%add3A_210, %dma_start3A_215] : memref<73728x192xf32, #tpu.memory_space<hbm>> -> memref<48x64xf32, #tpu.memory_space<hbm>>
        %dma_start3A_217 = arith.constant 128 : i32
        %dma_start3A_218 = tpu.memref_slice %arg2[%add3A_210, %dma_start3A_217] : memref<73728x192xf32, #tpu.memory_space<hbm>> -> memref<48x64xf32, #tpu.memory_space<hbm>>
        tpu.enqueue_dma source(%dma_start3A_218 : memref<48x64xf32, #tpu.memory_space<hbm>>) target(%arg6 : memref<48x64xf32, #tpu.memory_space<vmem>>) target_semaphore(%arg15 : memref<!tpu.dma_semaphore, #tpu.memory_space<semaphore_mem>>)
        %dma_start3A_219 = arith.constant 0 : i32
        %dma_start3A_220 = tpu.memref_slice %arg3[%add3A_210, %dma_start3A_219] : memref<73728x192xi32, #tpu.memory_space<hbm>> -> memref<48x128xi32, #tpu.memory_space<hbm>>
        %dma_start3A_221 = arith.constant 0 : i32
        %dma_start3A_222 = tpu.memref_slice %arg3[%add3A_210, %dma_start3A_221] : memref<73728x192xi32, #tpu.memory_space<hbm>> -> memref<48x128xi32, #tpu.memory_space<hbm>>
        tpu.enqueue_dma source(%dma_start3A_222 : memref<48x128xi32, #tpu.memory_space<hbm>>) target(%arg9 : memref<48x128xi32, #tpu.memory_space<vmem>>) target_semaphore(%arg17 : memref<!tpu.dma_semaphore, #tpu.memory_space<semaphore_mem>>)
        %dma_start3A_223 = arith.constant 128 : i32
        %dma_start3A_224 = tpu.memref_slice %arg3[%add3A_210, %dma_start3A_223] : memref<73728x192xi32, #tpu.memory_space<hbm>> -> memref<48x64xi32, #tpu.memory_space<hbm>>
        %dma_start3A_225 = arith.constant 128 : i32
        %dma_start3A_226 = tpu.memref_slice %arg3[%add3A_210, %dma_start3A_225] : memref<73728x192xi32, #tpu.memory_space<hbm>> -> memref<48x64xi32, #tpu.memory_space<hbm>>
        tpu.enqueue_dma source(%dma_start3A_226 : memref<48x64xi32, #tpu.memory_space<hbm>>) target(%arg10 : memref<48x64xi32, #tpu.memory_space<vmem>>) target_semaphore(%arg17 : memref<!tpu.dma_semaphore, #tpu.memory_space<semaphore_mem>>)
      } else {
      }
      %mul3A_170 = arith.constant 48 : i32
      %mul3A_171 = arith.muli %add3A_162, %mul3A_170 : i32
      %add3A_172 = arith.addi %mul3A_2, %mul3A_171 : i32
      %dma_wait3A_173 = arith.constant 0 : i32
      %dma_wait3A_174 = tpu.memref_slice %arg2[%add3A_172, %dma_wait3A_173] : memref<73728x192xf32, #tpu.memory_space<hbm>> -> memref<48x128xf32, #tpu.memory_space<hbm>>
      %dma_wait3A_175 = arith.constant 0 : i32
      %dma_wait3A_176 = tpu.memref_slice %arg2[%add3A_172, %dma_wait3A_175] : memref<73728x192xf32, #tpu.memory_space<hbm>> -> memref<48x128xf32, #tpu.memory_space<hbm>>
      tpu.wait_dma2 semaphore(%arg16 : memref<!tpu.dma_semaphore, #tpu.memory_space<semaphore_mem>>) src(%dma_wait3A_176 : memref<48x128xf32, #tpu.memory_space<hbm>>) dst(%arg7 : memref<48x128xf32, #tpu.memory_space<vmem>>)
      %dma_wait3A_177 = arith.constant 128 : i32
      %dma_wait3A_178 = tpu.memref_slice %arg2[%add3A_172, %dma_wait3A_177] : memref<73728x192xf32, #tpu.memory_space<hbm>> -> memref<48x64xf32, #tpu.memory_space<hbm>>
      %dma_wait3A_179 = arith.constant 128 : i32
      %dma_wait3A_180 = tpu.memref_slice %arg2[%add3A_172, %dma_wait3A_179] : memref<73728x192xf32, #tpu.memory_space<hbm>> -> memref<48x64xf32, #tpu.memory_space<hbm>>
      tpu.wait_dma2 semaphore(%arg16 : memref<!tpu.dma_semaphore, #tpu.memory_space<semaphore_mem>>) src(%dma_wait3A_180 : memref<48x64xf32, #tpu.memory_space<hbm>>) dst(%arg8 : memref<48x64xf32, #tpu.memory_space<vmem>>)
      %dma_wait3A_181 = arith.constant 0 : i32
      %dma_wait3A_182 = tpu.memref_slice %arg3[%add3A_172, %dma_wait3A_181] : memref<73728x192xi32, #tpu.memory_space<hbm>> -> memref<48x128xi32, #tpu.memory_space<hbm>>
      %dma_wait3A_183 = arith.constant 0 : i32
      %dma_wait3A_184 = tpu.memref_slice %arg3[%add3A_172, %dma_wait3A_183] : memref<73728x192xi32, #tpu.memory_space<hbm>> -> memref<48x128xi32, #tpu.memory_space<hbm>>
      tpu.wait_dma2 semaphore(%arg18 : memref<!tpu.dma_semaphore, #tpu.memory_space<semaphore_mem>>) src(%dma_wait3A_184 : memref<48x128xi32, #tpu.memory_space<hbm>>) dst(%arg11 : memref<48x128xi32, #tpu.memory_space<vmem>>)
      %dma_wait3A_185 = arith.constant 128 : i32
      %dma_wait3A_186 = tpu.memref_slice %arg3[%add3A_172, %dma_wait3A_185] : memref<73728x192xi32, #tpu.memory_space<hbm>> -> memref<48x64xi32, #tpu.memory_space<hbm>>
      %dma_wait3A_187 = arith.constant 128 : i32
      %dma_wait3A_188 = tpu.memref_slice %arg3[%add3A_172, %dma_wait3A_187] : memref<73728x192xi32, #tpu.memory_space<hbm>> -> memref<48x64xi32, #tpu.memory_space<hbm>>
      tpu.wait_dma2 semaphore(%arg18 : memref<!tpu.dma_semaphore, #tpu.memory_space<semaphore_mem>>) src(%dma_wait3A_188 : memref<48x64xi32, #tpu.memory_space<hbm>>) dst(%arg12 : memref<48x64xi32, #tpu.memory_space<vmem>>)
      %ge3A_189 = arith.constant 2 : i32
      %ge3A_190 = arith.cmpi sge, %add3A_162, %ge3A_189 : i32
      %convert_element_type3A_191 = arith.extui %ge3A_190 : i1 to i32
      %cond3A_192 = arith.constant 0 : i32
      %cond3A_193 = arith.cmpi ne, %convert_element_type3A_191, %cond3A_192 : i32
      scf.if %cond3A_193 {
        %sub3A = arith.constant 2 : i32
        %sub3A_206 = arith.subi %add3A_162, %sub3A : i32
        %mul3A_207 = arith.constant 48 : i32
        %mul3A_208 = arith.muli %sub3A_206, %mul3A_207 : i32
        %add3A_209 = arith.addi %mul3A_2, %mul3A_208 : i32
        %mul3A_210 = arith.constant 2 : i32
        %mul3A_211 = arith.muli %mul3A_210, %add3A_209 : i32
        %dma_wait3A_212 = arith.constant 0 : i32
        %dma_wait3A_213 = tpu.memref_slice %arg4[%mul3A_211, %dma_wait3A_212] : memref<147456x384xf32, #tpu.memory_space<hbm>> -> memref<96x384xf32, #tpu.memory_space<hbm>>
        %dma_wait3A_214 = arith.constant 0 : i32
        %dma_wait3A_215 = tpu.memref_slice %arg4[%mul3A_211, %dma_wait3A_214] : memref<147456x384xf32, #tpu.memory_space<hbm>> -> memref<96x384xf32, #tpu.memory_space<hbm>>
        tpu.wait_dma2 semaphore(%arg20 : memref<!tpu.dma_semaphore, #tpu.memory_space<semaphore_mem>>) src(%arg14 : memref<96x384xf32, #tpu.memory_space<vmem>>) dst(%dma_wait3A_215 : memref<96x384xf32, #tpu.memory_space<hbm>>)
      } else {
      }
      %parallel_loop3A_194 = arith.constant 0 : i32
      %parallel_loop3A_195 = arith.constant 48 : i32
      %parallel_loop3A_196 = arith.constant 1 : i32
      scf.for %parallel_loop3A_206 = %parallel_loop3A_194 to %parallel_loop3A_195 step %parallel_loop3A_196  : i32 {
        %parallel_loop3A_207 = arith.constant 2 : i32
        %parallel_loop3A_208 = arith.muli %parallel_loop3A_207, %parallel_loop3A_206 : i32
        %parallel_loop3A_209 = vector.broadcast %parallel_loop3A_208 : i32 to vector<16xi32>
        %parallel_loop3A_210 = arith.constant 1 : i32
        %parallel_loop3A_211 = vector.broadcast %parallel_loop3A_210 : i32 to vector<16xi32>
        %parallel_loop3A_212 = arith.addi %parallel_loop3A_209, %parallel_loop3A_211 : vector<16xi32>
        %parallel_loop3A_213 = arith.index_cast %parallel_loop3A_206 : i32 to index
        %parallel_loop3A_214 = arith.constant 0 : index
        %parallel_loop3A_215 = tpu.vector_load %arg7[%parallel_loop3A_213, %parallel_loop3A_214] {strides = array<i32>} : memref<48x128xf32, #tpu.memory_space<vmem>>, vector<16xf32>,
        %parallel_loop3A_216 = arith.index_cast %parallel_loop3A_206 : i32 to index
        %parallel_loop3A_217 = arith.constant 0 : index
        %parallel_loop3A_218 = tpu.vector_load %arg11[%parallel_loop3A_216, %parallel_loop3A_217] {strides = array<i32>} : memref<48x128xi32, #tpu.memory_space<vmem>>, vector<16xi32>,
        %parallel_loop3A_219 = arith.constant 0 : i32
        %parallel_loop3A_220 = vector.broadcast %parallel_loop3A_219 : i32 to vector<16xi32>
        %parallel_loop3A_221 = arith.cmpi eq, %parallel_loop3A_218, %parallel_loop3A_220 : vector<16xi32>
        %parallel_loop3A_222 = arith.select %parallel_loop3A_221, %parallel_loop3A_215, %broadcast_in_dim3A_95 : vector<16xi1>, vector<16xf32>
        %parallel_loop3A_223 = arith.constant 1 : i32
        %parallel_loop3A_224 = vector.broadcast %parallel_loop3A_223 : i32 to vector<16xi32>
        %parallel_loop3A_225 = arith.cmpi eq, %parallel_loop3A_218, %parallel_loop3A_224 : vector<16xi32>
        %parallel_loop3A_226 = arith.select %parallel_loop3A_225, %parallel_loop3A_215, %broadcast_in_dim3A_95 : vector<16xi1>, vector<16xf32>
        %parallel_loop3A_227 = arith.constant 2 : i32
        %parallel_loop3A_228 = vector.broadcast %parallel_loop3A_227 : i32 to vector<16xi32>
        %parallel_loop3A_229 = arith.cmpi eq, %parallel_loop3A_218, %parallel_loop3A_228 : vector<16xi32>
        %parallel_loop3A_230 = arith.select %parallel_loop3A_229, %parallel_loop3A_215, %broadcast_in_dim3A_95 : vector<16xi1>, vector<16xf32>
        %parallel_loop3A_231 = arith.constant 3 : i32
        %parallel_loop3A_232 = vector.broadcast %parallel_loop3A_231 : i32 to vector<16xi32>
        %parallel_loop3A_233 = arith.cmpi eq, %parallel_loop3A_218, %parallel_loop3A_232 : vector<16xi32>
        %parallel_loop3A_234 = arith.select %parallel_loop3A_233, %parallel_loop3A_215, %broadcast_in_dim3A_95 : vector<16xi1>, vector<16xf32>
        tpu.vector_store_idx %arg14[%parallel_loop3A_209, %add3A_25], %parallel_loop3A_222 : memref<96x384xf32, #tpu.memory_space<vmem>>[vector<16xi32>, vector<16xi32>], vector<16xf32>,
        tpu.vector_store_idx %arg14[%parallel_loop3A_209, %add3A_61], %parallel_loop3A_226 : memref<96x384xf32, #tpu.memory_space<vmem>>[vector<16xi32>, vector<16xi32>], vector<16xf32>,
        tpu.vector_store_idx %arg14[%parallel_loop3A_212, %add3A_25], %parallel_loop3A_230 : memref<96x384xf32, #tpu.memory_space<vmem>>[vector<16xi32>, vector<16xi32>], vector<16xf32>,
        tpu.vector_store_idx %arg14[%parallel_loop3A_212, %add3A_61], %parallel_loop3A_234 : memref<96x384xf32, #tpu.memory_space<vmem>>[vector<16xi32>, vector<16xi32>], vector<16xf32>,
        %parallel_loop3A_235 = arith.index_cast %parallel_loop3A_206 : i32 to index
        %parallel_loop3A_236 = arith.constant 16 : index
        %parallel_loop3A_237 = tpu.vector_load %arg7[%parallel_loop3A_235, %parallel_loop3A_236] {strides = array<i32>} : memref<48x128xf32, #tpu.memory_space<vmem>>, vector<16xf32>,
        %parallel_loop3A_238 = arith.index_cast %parallel_loop3A_206 : i32 to index
        %parallel_loop3A_239 = arith.constant 16 : index
        %parallel_loop3A_240 = tpu.vector_load %arg11[%parallel_loop3A_238, %parallel_loop3A_239] {strides = array<i32>} : memref<48x128xi32, #tpu.memory_space<vmem>>, vector<16xi32>,
        %parallel_loop3A_241 = arith.constant 0 : i32
        %parallel_loop3A_242 = vector.broadcast %parallel_loop3A_241 : i32 to vector<16xi32>
        %parallel_loop3A_243 = arith.cmpi eq, %parallel_loop3A_240, %parallel_loop3A_242 : vector<16xi32>
        %parallel_loop3A_244 = arith.select %parallel_loop3A_243, %parallel_loop3A_237, %broadcast_in_dim3A_95 : vector<16xi1>, vector<16xf32>
        %parallel_loop3A_245 = arith.constant 1 : i32
        %parallel_loop3A_246 = vector.broadcast %parallel_loop3A_245 : i32 to vector<16xi32>
        %parallel_loop3A_247 = arith.cmpi eq, %parallel_loop3A_240, %parallel_loop3A_246 : vector<16xi32>
        %parallel_loop3A_248 = arith.select %parallel_loop3A_247, %parallel_loop3A_237, %broadcast_in_dim3A_95 : vector<16xi1>, vector<16xf32>
        %parallel_loop3A_249 = arith.constant 2 : i32
        %parallel_loop3A_250 = vector.broadcast %parallel_loop3A_249 : i32 to vector<16xi32>
        %parallel_loop3A_251 = arith.cmpi eq, %parallel_loop3A_240, %parallel_loop3A_250 : vector<16xi32>
        %parallel_loop3A_252 = arith.select %parallel_loop3A_251, %parallel_loop3A_237, %broadcast_in_dim3A_95 : vector<16xi1>, vector<16xf32>
        %parallel_loop3A_253 = arith.constant 3 : i32
        %parallel_loop3A_254 = vector.broadcast %parallel_loop3A_253 : i32 to vector<16xi32>
        %parallel_loop3A_255 = arith.cmpi eq, %parallel_loop3A_240, %parallel_loop3A_254 : vector<16xi32>
        %parallel_loop3A_256 = arith.select %parallel_loop3A_255, %parallel_loop3A_237, %broadcast_in_dim3A_95 : vector<16xi1>, vector<16xf32>
        tpu.vector_store_idx %arg14[%parallel_loop3A_209, %add3A_28], %parallel_loop3A_244 : memref<96x384xf32, #tpu.memory_space<vmem>>[vector<16xi32>, vector<16xi32>], vector<16xf32>,
        tpu.vector_store_idx %arg14[%parallel_loop3A_209, %add3A_64], %parallel_loop3A_248 : memref<96x384xf32, #tpu.memory_space<vmem>>[vector<16xi32>, vector<16xi32>], vector<16xf32>,
        tpu.vector_store_idx %arg14[%parallel_loop3A_212, %add3A_28], %parallel_loop3A_252 : memref<96x384xf32, #tpu.memory_space<vmem>>[vector<16xi32>, vector<16xi32>], vector<16xf32>,
        tpu.vector_store_idx %arg14[%parallel_loop3A_212, %add3A_64], %parallel_loop3A_256 : memref<96x384xf32, #tpu.memory_space<vmem>>[vector<16xi32>, vector<16xi32>], vector<16xf32>,
        %parallel_loop3A_257 = arith.index_cast %parallel_loop3A_206 : i32 to index
        %parallel_loop3A_258 = arith.constant 32 : index
        %parallel_loop3A_259 = tpu.vector_load %arg7[%parallel_loop3A_257, %parallel_loop3A_258] {strides = array<i32>} : memref<48x128xf32, #tpu.memory_space<vmem>>, vector<16xf32>,
        %parallel_loop3A_260 = arith.index_cast %parallel_loop3A_206 : i32 to index
        %parallel_loop3A_261 = arith.constant 32 : index
        %parallel_loop3A_262 = tpu.vector_load %arg11[%parallel_loop3A_260, %parallel_loop3A_261] {strides = array<i32>} : memref<48x128xi32, #tpu.memory_space<vmem>>, vector<16xi32>,
        %parallel_loop3A_263 = arith.constant 0 : i32
        %parallel_loop3A_264 = vector.broadcast %parallel_loop3A_263 : i32 to vector<16xi32>
        %parallel_loop3A_265 = arith.cmpi eq, %parallel_loop3A_262, %parallel_loop3A_264 : vector<16xi32>
        %parallel_loop3A_266 = arith.select %parallel_loop3A_265, %parallel_loop3A_259, %broadcast_in_dim3A_95 : vector<16xi1>, vector<16xf32>
        %parallel_loop3A_267 = arith.constant 1 : i32
        %parallel_loop3A_268 = vector.broadcast %parallel_loop3A_267 : i32 to vector<16xi32>
        %parallel_loop3A_269 = arith.cmpi eq, %parallel_loop3A_262, %parallel_loop3A_268 : vector<16xi32>
        %parallel_loop3A_270 = arith.select %parallel_loop3A_269, %parallel_loop3A_259, %broadcast_in_dim3A_95 : vector<16xi1>, vector<16xf32>
        %parallel_loop3A_271 = arith.constant 2 : i32
        %parallel_loop3A_272 = vector.broadcast %parallel_loop3A_271 : i32 to vector<16xi32>
        %parallel_loop3A_273 = arith.cmpi eq, %parallel_loop3A_262, %parallel_loop3A_272 : vector<16xi32>
        %parallel_loop3A_274 = arith.select %parallel_loop3A_273, %parallel_loop3A_259, %broadcast_in_dim3A_95 : vector<16xi1>, vector<16xf32>
        %parallel_loop3A_275 = arith.constant 3 : i32
        %parallel_loop3A_276 = vector.broadcast %parallel_loop3A_275 : i32 to vector<16xi32>
        %parallel_loop3A_277 = arith.cmpi eq, %parallel_loop3A_262, %parallel_loop3A_276 : vector<16xi32>
        %parallel_loop3A_278 = arith.select %parallel_loop3A_277, %parallel_loop3A_259, %broadcast_in_dim3A_95 : vector<16xi1>, vector<16xf32>
        tpu.vector_store_idx %arg14[%parallel_loop3A_209, %add3A_31], %parallel_loop3A_266 : memref<96x384xf32, #tpu.memory_space<vmem>>[vector<16xi32>, vector<16xi32>], vector<16xf32>,
        tpu.vector_store_idx %arg14[%parallel_loop3A_209, %add3A_67], %parallel_loop3A_270 : memref<96x384xf32, #tpu.memory_space<vmem>>[vector<16xi32>, vector<16xi32>], vector<16xf32>,
        tpu.vector_store_idx %arg14[%parallel_loop3A_212, %add3A_31], %parallel_loop3A_274 : memref<96x384xf32, #tpu.memory_space<vmem>>[vector<16xi32>, vector<16xi32>], vector<16xf32>,
        tpu.vector_store_idx %arg14[%parallel_loop3A_212, %add3A_67], %parallel_loop3A_278 : memref<96x384xf32, #tpu.memory_space<vmem>>[vector<16xi32>, vector<16xi32>], vector<16xf32>,
        %parallel_loop3A_279 = arith.index_cast %parallel_loop3A_206 : i32 to index
        %parallel_loop3A_280 = arith.constant 48 : index
        %parallel_loop3A_281 = tpu.vector_load %arg7[%parallel_loop3A_279, %parallel_loop3A_280] {strides = array<i32>} : memref<48x128xf32, #tpu.memory_space<vmem>>, vector<16xf32>,
        %parallel_loop3A_282 = arith.index_cast %parallel_loop3A_206 : i32 to index
        %parallel_loop3A_283 = arith.constant 48 : index
        %parallel_loop3A_284 = tpu.vector_load %arg11[%parallel_loop3A_282, %parallel_loop3A_283] {strides = array<i32>} : memref<48x128xi32, #tpu.memory_space<vmem>>, vector<16xi32>,
        %parallel_loop3A_285 = arith.constant 0 : i32
        %parallel_loop3A_286 = vector.broadcast %parallel_loop3A_285 : i32 to vector<16xi32>
        %parallel_loop3A_287 = arith.cmpi eq, %parallel_loop3A_284, %parallel_loop3A_286 : vector<16xi32>
        %parallel_loop3A_288 = arith.select %parallel_loop3A_287, %parallel_loop3A_281, %broadcast_in_dim3A_95 : vector<16xi1>, vector<16xf32>
        %parallel_loop3A_289 = arith.constant 1 : i32
        %parallel_loop3A_290 = vector.broadcast %parallel_loop3A_289 : i32 to vector<16xi32>
        %parallel_loop3A_291 = arith.cmpi eq, %parallel_loop3A_284, %parallel_loop3A_290 : vector<16xi32>
        %parallel_loop3A_292 = arith.select %parallel_loop3A_291, %parallel_loop3A_281, %broadcast_in_dim3A_95 : vector<16xi1>, vector<16xf32>
        %parallel_loop3A_293 = arith.constant 2 : i32
        %parallel_loop3A_294 = vector.broadcast %parallel_loop3A_293 : i32 to vector<16xi32>
        %parallel_loop3A_295 = arith.cmpi eq, %parallel_loop3A_284, %parallel_loop3A_294 : vector<16xi32>
        %parallel_loop3A_296 = arith.select %parallel_loop3A_295, %parallel_loop3A_281, %broadcast_in_dim3A_95 : vector<16xi1>, vector<16xf32>
        %parallel_loop3A_297 = arith.constant 3 : i32
        %parallel_loop3A_298 = vector.broadcast %parallel_loop3A_297 : i32 to vector<16xi32>
        %parallel_loop3A_299 = arith.cmpi eq, %parallel_loop3A_284, %parallel_loop3A_298 : vector<16xi32>
        %parallel_loop3A_300 = arith.select %parallel_loop3A_299, %parallel_loop3A_281, %broadcast_in_dim3A_95 : vector<16xi1>, vector<16xf32>
        tpu.vector_store_idx %arg14[%parallel_loop3A_209, %add3A_34], %parallel_loop3A_288 : memref<96x384xf32, #tpu.memory_space<vmem>>[vector<16xi32>, vector<16xi32>], vector<16xf32>,
        tpu.vector_store_idx %arg14[%parallel_loop3A_209, %add3A_70], %parallel_loop3A_292 : memref<96x384xf32, #tpu.memory_space<vmem>>[vector<16xi32>, vector<16xi32>], vector<16xf32>,
        tpu.vector_store_idx %arg14[%parallel_loop3A_212, %add3A_34], %parallel_loop3A_296 : memref<96x384xf32, #tpu.memory_space<vmem>>[vector<16xi32>, vector<16xi32>], vector<16xf32>,
        tpu.vector_store_idx %arg14[%parallel_loop3A_212, %add3A_70], %parallel_loop3A_300 : memref<96x384xf32, #tpu.memory_space<vmem>>[vector<16xi32>, vector<16xi32>], vector<16xf32>,
        %parallel_loop3A_301 = arith.index_cast %parallel_loop3A_206 : i32 to index
        %parallel_loop3A_302 = arith.constant 64 : index
        %parallel_loop3A_303 = tpu.vector_load %arg7[%parallel_loop3A_301, %parallel_loop3A_302] {strides = array<i32>} : memref<48x128xf32, #tpu.memory_space<vmem>>, vector<16xf32>,
        %parallel_loop3A_304 = arith.index_cast %parallel_loop3A_206 : i32 to index
        %parallel_loop3A_305 = arith.constant 64 : index
        %parallel_loop3A_306 = tpu.vector_load %arg11[%parallel_loop3A_304, %parallel_loop3A_305] {strides = array<i32>} : memref<48x128xi32, #tpu.memory_space<vmem>>, vector<16xi32>,
        %parallel_loop3A_307 = arith.constant 0 : i32
        %parallel_loop3A_308 = vector.broadcast %parallel_loop3A_307 : i32 to vector<16xi32>
        %parallel_loop3A_309 = arith.cmpi eq, %parallel_loop3A_306, %parallel_loop3A_308 : vector<16xi32>
        %parallel_loop3A_310 = arith.select %parallel_loop3A_309, %parallel_loop3A_303, %broadcast_in_dim3A_95 : vector<16xi1>, vector<16xf32>
        %parallel_loop3A_311 = arith.constant 1 : i32
        %parallel_loop3A_312 = vector.broadcast %parallel_loop3A_311 : i32 to vector<16xi32>
        %parallel_loop3A_313 = arith.cmpi eq, %parallel_loop3A_306, %parallel_loop3A_312 : vector<16xi32>
        %parallel_loop3A_314 = arith.select %parallel_loop3A_313, %parallel_loop3A_303, %broadcast_in_dim3A_95 : vector<16xi1>, vector<16xf32>
        %parallel_loop3A_315 = arith.constant 2 : i32
        %parallel_loop3A_316 = vector.broadcast %parallel_loop3A_315 : i32 to vector<16xi32>
        %parallel_loop3A_317 = arith.cmpi eq, %parallel_loop3A_306, %parallel_loop3A_316 : vector<16xi32>
        %parallel_loop3A_318 = arith.select %parallel_loop3A_317, %parallel_loop3A_303, %broadcast_in_dim3A_95 : vector<16xi1>, vector<16xf32>
        %parallel_loop3A_319 = arith.constant 3 : i32
        %parallel_loop3A_320 = vector.broadcast %parallel_loop3A_319 : i32 to vector<16xi32>
        %parallel_loop3A_321 = arith.cmpi eq, %parallel_loop3A_306, %parallel_loop3A_320 : vector<16xi32>
        %parallel_loop3A_322 = arith.select %parallel_loop3A_321, %parallel_loop3A_303, %broadcast_in_dim3A_95 : vector<16xi1>, vector<16xf32>
        tpu.vector_store_idx %arg14[%parallel_loop3A_209, %add3A_37], %parallel_loop3A_310 : memref<96x384xf32, #tpu.memory_space<vmem>>[vector<16xi32>, vector<16xi32>], vector<16xf32>,
        tpu.vector_store_idx %arg14[%parallel_loop3A_209, %add3A_73], %parallel_loop3A_314 : memref<96x384xf32, #tpu.memory_space<vmem>>[vector<16xi32>, vector<16xi32>], vector<16xf32>,
        tpu.vector_store_idx %arg14[%parallel_loop3A_212, %add3A_37], %parallel_loop3A_318 : memref<96x384xf32, #tpu.memory_space<vmem>>[vector<16xi32>, vector<16xi32>], vector<16xf32>,
        tpu.vector_store_idx %arg14[%parallel_loop3A_212, %add3A_73], %parallel_loop3A_322 : memref<96x384xf32, #tpu.memory_space<vmem>>[vector<16xi32>, vector<16xi32>], vector<16xf32>,
        %parallel_loop3A_323 = arith.index_cast %parallel_loop3A_206 : i32 to index
        %parallel_loop3A_324 = arith.constant 80 : index
        %parallel_loop3A_325 = tpu.vector_load %arg7[%parallel_loop3A_323, %parallel_loop3A_324] {strides = array<i32>} : memref<48x128xf32, #tpu.memory_space<vmem>>, vector<16xf32>,
        %parallel_loop3A_326 = arith.index_cast %parallel_loop3A_206 : i32 to index
        %parallel_loop3A_327 = arith.constant 80 : index
        %parallel_loop3A_328 = tpu.vector_load %arg11[%parallel_loop3A_326, %parallel_loop3A_327] {strides = array<i32>} : memref<48x128xi32, #tpu.memory_space<vmem>>, vector<16xi32>,
        %parallel_loop3A_329 = arith.constant 0 : i32
        %parallel_loop3A_330 = vector.broadcast %parallel_loop3A_329 : i32 to vector<16xi32>
        %parallel_loop3A_331 = arith.cmpi eq, %parallel_loop3A_328, %parallel_loop3A_330 : vector<16xi32>
        %parallel_loop3A_332 = arith.select %parallel_loop3A_331, %parallel_loop3A_325, %broadcast_in_dim3A_95 : vector<16xi1>, vector<16xf32>
        %parallel_loop3A_333 = arith.constant 1 : i32
        %parallel_loop3A_334 = vector.broadcast %parallel_loop3A_333 : i32 to vector<16xi32>
        %parallel_loop3A_335 = arith.cmpi eq, %parallel_loop3A_328, %parallel_loop3A_334 : vector<16xi32>
        %parallel_loop3A_336 = arith.select %parallel_loop3A_335, %parallel_loop3A_325, %broadcast_in_dim3A_95 : vector<16xi1>, vector<16xf32>
        %parallel_loop3A_337 = arith.constant 2 : i32
        %parallel_loop3A_338 = vector.broadcast %parallel_loop3A_337 : i32 to vector<16xi32>
        %parallel_loop3A_339 = arith.cmpi eq, %parallel_loop3A_328, %parallel_loop3A_338 : vector<16xi32>
        %parallel_loop3A_340 = arith.select %parallel_loop3A_339, %parallel_loop3A_325, %broadcast_in_dim3A_95 : vector<16xi1>, vector<16xf32>
        %parallel_loop3A_341 = arith.constant 3 : i32
        %parallel_loop3A_342 = vector.broadcast %parallel_loop3A_341 : i32 to vector<16xi32>
        %parallel_loop3A_343 = arith.cmpi eq, %parallel_loop3A_328, %parallel_loop3A_342 : vector<16xi32>
        %parallel_loop3A_344 = arith.select %parallel_loop3A_343, %parallel_loop3A_325, %broadcast_in_dim3A_95 : vector<16xi1>, vector<16xf32>
        tpu.vector_store_idx %arg14[%parallel_loop3A_209, %add3A_40], %parallel_loop3A_332 : memref<96x384xf32, #tpu.memory_space<vmem>>[vector<16xi32>, vector<16xi32>], vector<16xf32>,
        tpu.vector_store_idx %arg14[%parallel_loop3A_209, %add3A_76], %parallel_loop3A_336 : memref<96x384xf32, #tpu.memory_space<vmem>>[vector<16xi32>, vector<16xi32>], vector<16xf32>,
        tpu.vector_store_idx %arg14[%parallel_loop3A_212, %add3A_40], %parallel_loop3A_340 : memref<96x384xf32, #tpu.memory_space<vmem>>[vector<16xi32>, vector<16xi32>], vector<16xf32>,
        tpu.vector_store_idx %arg14[%parallel_loop3A_212, %add3A_76], %parallel_loop3A_344 : memref<96x384xf32, #tpu.memory_space<vmem>>[vector<16xi32>, vector<16xi32>], vector<16xf32>,
        %parallel_loop3A_345 = arith.index_cast %parallel_loop3A_206 : i32 to index
        %parallel_loop3A_346 = arith.constant 96 : index
        %parallel_loop3A_347 = tpu.vector_load %arg7[%parallel_loop3A_345, %parallel_loop3A_346] {strides = array<i32>} : memref<48x128xf32, #tpu.memory_space<vmem>>, vector<16xf32>,
        %parallel_loop3A_348 = arith.index_cast %parallel_loop3A_206 : i32 to index
        %parallel_loop3A_349 = arith.constant 96 : index
        %parallel_loop3A_350 = tpu.vector_load %arg11[%parallel_loop3A_348, %parallel_loop3A_349] {strides = array<i32>} : memref<48x128xi32, #tpu.memory_space<vmem>>, vector<16xi32>,
        %parallel_loop3A_351 = arith.constant 0 : i32
        %parallel_loop3A_352 = vector.broadcast %parallel_loop3A_351 : i32 to vector<16xi32>
        %parallel_loop3A_353 = arith.cmpi eq, %parallel_loop3A_350, %parallel_loop3A_352 : vector<16xi32>
        %parallel_loop3A_354 = arith.select %parallel_loop3A_353, %parallel_loop3A_347, %broadcast_in_dim3A_95 : vector<16xi1>, vector<16xf32>
        %parallel_loop3A_355 = arith.constant 1 : i32
        %parallel_loop3A_356 = vector.broadcast %parallel_loop3A_355 : i32 to vector<16xi32>
        %parallel_loop3A_357 = arith.cmpi eq, %parallel_loop3A_350, %parallel_loop3A_356 : vector<16xi32>
        %parallel_loop3A_358 = arith.select %parallel_loop3A_357, %parallel_loop3A_347, %broadcast_in_dim3A_95 : vector<16xi1>, vector<16xf32>
        %parallel_loop3A_359 = arith.constant 2 : i32
        %parallel_loop3A_360 = vector.broadcast %parallel_loop3A_359 : i32 to vector<16xi32>
        %parallel_loop3A_361 = arith.cmpi eq, %parallel_loop3A_350, %parallel_loop3A_360 : vector<16xi32>
        %parallel_loop3A_362 = arith.select %parallel_loop3A_361, %parallel_loop3A_347, %broadcast_in_dim3A_95 : vector<16xi1>, vector<16xf32>
        %parallel_loop3A_363 = arith.constant 3 : i32
        %parallel_loop3A_364 = vector.broadcast %parallel_loop3A_363 : i32 to vector<16xi32>
        %parallel_loop3A_365 = arith.cmpi eq, %parallel_loop3A_350, %parallel_loop3A_364 : vector<16xi32>
        %parallel_loop3A_366 = arith.select %parallel_loop3A_365, %parallel_loop3A_347, %broadcast_in_dim3A_95 : vector<16xi1>, vector<16xf32>
        tpu.vector_store_idx %arg14[%parallel_loop3A_209, %add3A_43], %parallel_loop3A_354 : memref<96x384xf32, #tpu.memory_space<vmem>>[vector<16xi32>, vector<16xi32>], vector<16xf32>,
        tpu.vector_store_idx %arg14[%parallel_loop3A_209, %add3A_79], %parallel_loop3A_358 : memref<96x384xf32, #tpu.memory_space<vmem>>[vector<16xi32>, vector<16xi32>], vector<16xf32>,
        tpu.vector_store_idx %arg14[%parallel_loop3A_212, %add3A_43], %parallel_loop3A_362 : memref<96x384xf32, #tpu.memory_space<vmem>>[vector<16xi32>, vector<16xi32>], vector<16xf32>,
        tpu.vector_store_idx %arg14[%parallel_loop3A_212, %add3A_79], %parallel_loop3A_366 : memref<96x384xf32, #tpu.memory_space<vmem>>[vector<16xi32>, vector<16xi32>], vector<16xf32>,
        %parallel_loop3A_367 = arith.index_cast %parallel_loop3A_206 : i32 to index
        %parallel_loop3A_368 = arith.constant 112 : index
        %parallel_loop3A_369 = tpu.vector_load %arg7[%parallel_loop3A_367, %parallel_loop3A_368] {strides = array<i32>} : memref<48x128xf32, #tpu.memory_space<vmem>>, vector<16xf32>,
        %parallel_loop3A_370 = arith.index_cast %parallel_loop3A_206 : i32 to index
        %parallel_loop3A_371 = arith.constant 112 : index
        %parallel_loop3A_372 = tpu.vector_load %arg11[%parallel_loop3A_370, %parallel_loop3A_371] {strides = array<i32>} : memref<48x128xi32, #tpu.memory_space<vmem>>, vector<16xi32>,
        %parallel_loop3A_373 = arith.constant 0 : i32
        %parallel_loop3A_374 = vector.broadcast %parallel_loop3A_373 : i32 to vector<16xi32>
        %parallel_loop3A_375 = arith.cmpi eq, %parallel_loop3A_372, %parallel_loop3A_374 : vector<16xi32>
        %parallel_loop3A_376 = arith.select %parallel_loop3A_375, %parallel_loop3A_369, %broadcast_in_dim3A_95 : vector<16xi1>, vector<16xf32>
        %parallel_loop3A_377 = arith.constant 1 : i32
        %parallel_loop3A_378 = vector.broadcast %parallel_loop3A_377 : i32 to vector<16xi32>
        %parallel_loop3A_379 = arith.cmpi eq, %parallel_loop3A_372, %parallel_loop3A_378 : vector<16xi32>
        %parallel_loop3A_380 = arith.select %parallel_loop3A_379, %parallel_loop3A_369, %broadcast_in_dim3A_95 : vector<16xi1>, vector<16xf32>
        %parallel_loop3A_381 = arith.constant 2 : i32
        %parallel_loop3A_382 = vector.broadcast %parallel_loop3A_381 : i32 to vector<16xi32>
        %parallel_loop3A_383 = arith.cmpi eq, %parallel_loop3A_372, %parallel_loop3A_382 : vector<16xi32>
        %parallel_loop3A_384 = arith.select %parallel_loop3A_383, %parallel_loop3A_369, %broadcast_in_dim3A_95 : vector<16xi1>, vector<16xf32>
        %parallel_loop3A_385 = arith.constant 3 : i32
        %parallel_loop3A_386 = vector.broadcast %parallel_loop3A_385 : i32 to vector<16xi32>
        %parallel_loop3A_387 = arith.cmpi eq, %parallel_loop3A_372, %parallel_loop3A_386 : vector<16xi32>
        %parallel_loop3A_388 = arith.select %parallel_loop3A_387, %parallel_loop3A_369, %broadcast_in_dim3A_95 : vector<16xi1>, vector<16xf32>
        tpu.vector_store_idx %arg14[%parallel_loop3A_209, %add3A_46], %parallel_loop3A_376 : memref<96x384xf32, #tpu.memory_space<vmem>>[vector<16xi32>, vector<16xi32>], vector<16xf32>,
        tpu.vector_store_idx %arg14[%parallel_loop3A_209, %add3A_82], %parallel_loop3A_380 : memref<96x384xf32, #tpu.memory_space<vmem>>[vector<16xi32>, vector<16xi32>], vector<16xf32>,
        tpu.vector_store_idx %arg14[%parallel_loop3A_212, %add3A_46], %parallel_loop3A_384 : memref<96x384xf32, #tpu.memory_space<vmem>>[vector<16xi32>, vector<16xi32>], vector<16xf32>,
        tpu.vector_store_idx %arg14[%parallel_loop3A_212, %add3A_82], %parallel_loop3A_388 : memref<96x384xf32, #tpu.memory_space<vmem>>[vector<16xi32>, vector<16xi32>], vector<16xf32>,
        %parallel_loop3A_389 = arith.index_cast %parallel_loop3A_206 : i32 to index
        %parallel_loop3A_390 = arith.constant 0 : index
        %parallel_loop3A_391 = tpu.vector_load %arg8[%parallel_loop3A_389, %parallel_loop3A_390] {strides = array<i32>} : memref<48x64xf32, #tpu.memory_space<vmem>>, vector<16xf32>,
        %parallel_loop3A_392 = arith.index_cast %parallel_loop3A_206 : i32 to index
        %parallel_loop3A_393 = arith.constant 0 : index
        %parallel_loop3A_394 = tpu.vector_load %arg12[%parallel_loop3A_392, %parallel_loop3A_393] {strides = array<i32>} : memref<48x64xi32, #tpu.memory_space<vmem>>, vector<16xi32>,
        %parallel_loop3A_395 = arith.constant 0 : i32
        %parallel_loop3A_396 = vector.broadcast %parallel_loop3A_395 : i32 to vector<16xi32>
        %parallel_loop3A_397 = arith.cmpi eq, %parallel_loop3A_394, %parallel_loop3A_396 : vector<16xi32>
        %parallel_loop3A_398 = arith.select %parallel_loop3A_397, %parallel_loop3A_391, %broadcast_in_dim3A_95 : vector<16xi1>, vector<16xf32>
        %parallel_loop3A_399 = arith.constant 1 : i32
        %parallel_loop3A_400 = vector.broadcast %parallel_loop3A_399 : i32 to vector<16xi32>
        %parallel_loop3A_401 = arith.cmpi eq, %parallel_loop3A_394, %parallel_loop3A_400 : vector<16xi32>
        %parallel_loop3A_402 = arith.select %parallel_loop3A_401, %parallel_loop3A_391, %broadcast_in_dim3A_95 : vector<16xi1>, vector<16xf32>
        %parallel_loop3A_403 = arith.constant 2 : i32
        %parallel_loop3A_404 = vector.broadcast %parallel_loop3A_403 : i32 to vector<16xi32>
        %parallel_loop3A_405 = arith.cmpi eq, %parallel_loop3A_394, %parallel_loop3A_404 : vector<16xi32>
        %parallel_loop3A_406 = arith.select %parallel_loop3A_405, %parallel_loop3A_391, %broadcast_in_dim3A_95 : vector<16xi1>, vector<16xf32>
        %parallel_loop3A_407 = arith.constant 3 : i32
        %parallel_loop3A_408 = vector.broadcast %parallel_loop3A_407 : i32 to vector<16xi32>
        %parallel_loop3A_409 = arith.cmpi eq, %parallel_loop3A_394, %parallel_loop3A_408 : vector<16xi32>
        %parallel_loop3A_410 = arith.select %parallel_loop3A_409, %parallel_loop3A_391, %broadcast_in_dim3A_95 : vector<16xi1>, vector<16xf32>
        tpu.vector_store_idx %arg14[%parallel_loop3A_209, %add3A_49], %parallel_loop3A_398 : memref<96x384xf32, #tpu.memory_space<vmem>>[vector<16xi32>, vector<16xi32>], vector<16xf32>,
        tpu.vector_store_idx %arg14[%parallel_loop3A_209, %add3A_85], %parallel_loop3A_402 : memref<96x384xf32, #tpu.memory_space<vmem>>[vector<16xi32>, vector<16xi32>], vector<16xf32>,
        tpu.vector_store_idx %arg14[%parallel_loop3A_212, %add3A_49], %parallel_loop3A_406 : memref<96x384xf32, #tpu.memory_space<vmem>>[vector<16xi32>, vector<16xi32>], vector<16xf32>,
        tpu.vector_store_idx %arg14[%parallel_loop3A_212, %add3A_85], %parallel_loop3A_410 : memref<96x384xf32, #tpu.memory_space<vmem>>[vector<16xi32>, vector<16xi32>], vector<16xf32>,
        %parallel_loop3A_411 = arith.index_cast %parallel_loop3A_206 : i32 to index
        %parallel_loop3A_412 = arith.constant 16 : index
        %parallel_loop3A_413 = tpu.vector_load %arg8[%parallel_loop3A_411, %parallel_loop3A_412] {strides = array<i32>} : memref<48x64xf32, #tpu.memory_space<vmem>>, vector<16xf32>,
        %parallel_loop3A_414 = arith.index_cast %parallel_loop3A_206 : i32 to index
        %parallel_loop3A_415 = arith.constant 16 : index
        %parallel_loop3A_416 = tpu.vector_load %arg12[%parallel_loop3A_414, %parallel_loop3A_415] {strides = array<i32>} : memref<48x64xi32, #tpu.memory_space<vmem>>, vector<16xi32>,
        %parallel_loop3A_417 = arith.constant 0 : i32
        %parallel_loop3A_418 = vector.broadcast %parallel_loop3A_417 : i32 to vector<16xi32>
        %parallel_loop3A_419 = arith.cmpi eq, %parallel_loop3A_416, %parallel_loop3A_418 : vector<16xi32>
        %parallel_loop3A_420 = arith.select %parallel_loop3A_419, %parallel_loop3A_413, %broadcast_in_dim3A_95 : vector<16xi1>, vector<16xf32>
        %parallel_loop3A_421 = arith.constant 1 : i32
        %parallel_loop3A_422 = vector.broadcast %parallel_loop3A_421 : i32 to vector<16xi32>
        %parallel_loop3A_423 = arith.cmpi eq, %parallel_loop3A_416, %parallel_loop3A_422 : vector<16xi32>
        %parallel_loop3A_424 = arith.select %parallel_loop3A_423, %parallel_loop3A_413, %broadcast_in_dim3A_95 : vector<16xi1>, vector<16xf32>
        %parallel_loop3A_425 = arith.constant 2 : i32
        %parallel_loop3A_426 = vector.broadcast %parallel_loop3A_425 : i32 to vector<16xi32>
        %parallel_loop3A_427 = arith.cmpi eq, %parallel_loop3A_416, %parallel_loop3A_426 : vector<16xi32>
        %parallel_loop3A_428 = arith.select %parallel_loop3A_427, %parallel_loop3A_413, %broadcast_in_dim3A_95 : vector<16xi1>, vector<16xf32>
        %parallel_loop3A_429 = arith.constant 3 : i32
        %parallel_loop3A_430 = vector.broadcast %parallel_loop3A_429 : i32 to vector<16xi32>
        %parallel_loop3A_431 = arith.cmpi eq, %parallel_loop3A_416, %parallel_loop3A_430 : vector<16xi32>
        %parallel_loop3A_432 = arith.select %parallel_loop3A_431, %parallel_loop3A_413, %broadcast_in_dim3A_95 : vector<16xi1>, vector<16xf32>
        tpu.vector_store_idx %arg14[%parallel_loop3A_209, %add3A_52], %parallel_loop3A_420 : memref<96x384xf32, #tpu.memory_space<vmem>>[vector<16xi32>, vector<16xi32>], vector<16xf32>,
        tpu.vector_store_idx %arg14[%parallel_loop3A_209, %add3A_88], %parallel_loop3A_424 : memref<96x384xf32, #tpu.memory_space<vmem>>[vector<16xi32>, vector<16xi32>], vector<16xf32>,
        tpu.vector_store_idx %arg14[%parallel_loop3A_212, %add3A_52], %parallel_loop3A_428 : memref<96x384xf32, #tpu.memory_space<vmem>>[vector<16xi32>, vector<16xi32>], vector<16xf32>,
        tpu.vector_store_idx %arg14[%parallel_loop3A_212, %add3A_88], %parallel_loop3A_432 : memref<96x384xf32, #tpu.memory_space<vmem>>[vector<16xi32>, vector<16xi32>], vector<16xf32>,
        %parallel_loop3A_433 = arith.index_cast %parallel_loop3A_206 : i32 to index
        %parallel_loop3A_434 = arith.constant 32 : index
        %parallel_loop3A_435 = tpu.vector_load %arg8[%parallel_loop3A_433, %parallel_loop3A_434] {strides = array<i32>} : memref<48x64xf32, #tpu.memory_space<vmem>>, vector<16xf32>,
        %parallel_loop3A_436 = arith.index_cast %parallel_loop3A_206 : i32 to index
        %parallel_loop3A_437 = arith.constant 32 : index
        %parallel_loop3A_438 = tpu.vector_load %arg12[%parallel_loop3A_436, %parallel_loop3A_437] {strides = array<i32>} : memref<48x64xi32, #tpu.memory_space<vmem>>, vector<16xi32>,
        %parallel_loop3A_439 = arith.constant 0 : i32
        %parallel_loop3A_440 = vector.broadcast %parallel_loop3A_439 : i32 to vector<16xi32>
        %parallel_loop3A_441 = arith.cmpi eq, %parallel_loop3A_438, %parallel_loop3A_440 : vector<16xi32>
        %parallel_loop3A_442 = arith.select %parallel_loop3A_441, %parallel_loop3A_435, %broadcast_in_dim3A_95 : vector<16xi1>, vector<16xf32>
        %parallel_loop3A_443 = arith.constant 1 : i32
        %parallel_loop3A_444 = vector.broadcast %parallel_loop3A_443 : i32 to vector<16xi32>
        %parallel_loop3A_445 = arith.cmpi eq, %parallel_loop3A_438, %parallel_loop3A_444 : vector<16xi32>
        %parallel_loop3A_446 = arith.select %parallel_loop3A_445, %parallel_loop3A_435, %broadcast_in_dim3A_95 : vector<16xi1>, vector<16xf32>
        %parallel_loop3A_447 = arith.constant 2 : i32
        %parallel_loop3A_448 = vector.broadcast %parallel_loop3A_447 : i32 to vector<16xi32>
        %parallel_loop3A_449 = arith.cmpi eq, %parallel_loop3A_438, %parallel_loop3A_448 : vector<16xi32>
        %parallel_loop3A_450 = arith.select %parallel_loop3A_449, %parallel_loop3A_435, %broadcast_in_dim3A_95 : vector<16xi1>, vector<16xf32>
        %parallel_loop3A_451 = arith.constant 3 : i32
        %parallel_loop3A_452 = vector.broadcast %parallel_loop3A_451 : i32 to vector<16xi32>
        %parallel_loop3A_453 = arith.cmpi eq, %parallel_loop3A_438, %parallel_loop3A_452 : vector<16xi32>
        %parallel_loop3A_454 = arith.select %parallel_loop3A_453, %parallel_loop3A_435, %broadcast_in_dim3A_95 : vector<16xi1>, vector<16xf32>
        tpu.vector_store_idx %arg14[%parallel_loop3A_209, %add3A_55], %parallel_loop3A_442 : memref<96x384xf32, #tpu.memory_space<vmem>>[vector<16xi32>, vector<16xi32>], vector<16xf32>,
        tpu.vector_store_idx %arg14[%parallel_loop3A_209, %add3A_91], %parallel_loop3A_446 : memref<96x384xf32, #tpu.memory_space<vmem>>[vector<16xi32>, vector<16xi32>], vector<16xf32>,
        tpu.vector_store_idx %arg14[%parallel_loop3A_212, %add3A_55], %parallel_loop3A_450 : memref<96x384xf32, #tpu.memory_space<vmem>>[vector<16xi32>, vector<16xi32>], vector<16xf32>,
        tpu.vector_store_idx %arg14[%parallel_loop3A_212, %add3A_91], %parallel_loop3A_454 : memref<96x384xf32, #tpu.memory_space<vmem>>[vector<16xi32>, vector<16xi32>], vector<16xf32>,
        %parallel_loop3A_455 = arith.index_cast %parallel_loop3A_206 : i32 to index
        %parallel_loop3A_456 = arith.constant 48 : index
        %parallel_loop3A_457 = tpu.vector_load %arg8[%parallel_loop3A_455, %parallel_loop3A_456] {strides = array<i32>} : memref<48x64xf32, #tpu.memory_space<vmem>>, vector<16xf32>,
        %parallel_loop3A_458 = arith.index_cast %parallel_loop3A_206 : i32 to index
        %parallel_loop3A_459 = arith.constant 48 : index
        %parallel_loop3A_460 = tpu.vector_load %arg12[%parallel_loop3A_458, %parallel_loop3A_459] {strides = array<i32>} : memref<48x64xi32, #tpu.memory_space<vmem>>, vector<16xi32>,
        %parallel_loop3A_461 = arith.constant 0 : i32
        %parallel_loop3A_462 = vector.broadcast %parallel_loop3A_461 : i32 to vector<16xi32>
        %parallel_loop3A_463 = arith.cmpi eq, %parallel_loop3A_460, %parallel_loop3A_462 : vector<16xi32>
        %parallel_loop3A_464 = arith.select %parallel_loop3A_463, %parallel_loop3A_457, %broadcast_in_dim3A_95 : vector<16xi1>, vector<16xf32>
        %parallel_loop3A_465 = arith.constant 1 : i32
        %parallel_loop3A_466 = vector.broadcast %parallel_loop3A_465 : i32 to vector<16xi32>
        %parallel_loop3A_467 = arith.cmpi eq, %parallel_loop3A_460, %parallel_loop3A_466 : vector<16xi32>
        %parallel_loop3A_468 = arith.select %parallel_loop3A_467, %parallel_loop3A_457, %broadcast_in_dim3A_95 : vector<16xi1>, vector<16xf32>
        %parallel_loop3A_469 = arith.constant 2 : i32
        %parallel_loop3A_470 = vector.broadcast %parallel_loop3A_469 : i32 to vector<16xi32>
        %parallel_loop3A_471 = arith.cmpi eq, %parallel_loop3A_460, %parallel_loop3A_470 : vector<16xi32>
        %parallel_loop3A_472 = arith.select %parallel_loop3A_471, %parallel_loop3A_457, %broadcast_in_dim3A_95 : vector<16xi1>, vector<16xf32>
        %parallel_loop3A_473 = arith.constant 3 : i32
        %parallel_loop3A_474 = vector.broadcast %parallel_loop3A_473 : i32 to vector<16xi32>
        %parallel_loop3A_475 = arith.cmpi eq, %parallel_loop3A_460, %parallel_loop3A_474 : vector<16xi32>
        %parallel_loop3A_476 = arith.select %parallel_loop3A_475, %parallel_loop3A_457, %broadcast_in_dim3A_95 : vector<16xi1>, vector<16xf32>
        tpu.vector_store_idx %arg14[%parallel_loop3A_209, %add3A_58], %parallel_loop3A_464 : memref<96x384xf32, #tpu.memory_space<vmem>>[vector<16xi32>, vector<16xi32>], vector<16xf32>,
        tpu.vector_store_idx %arg14[%parallel_loop3A_209, %add3A_94], %parallel_loop3A_468 : memref<96x384xf32, #tpu.memory_space<vmem>>[vector<16xi32>, vector<16xi32>], vector<16xf32>,
        tpu.vector_store_idx %arg14[%parallel_loop3A_212, %add3A_58], %parallel_loop3A_472 : memref<96x384xf32, #tpu.memory_space<vmem>>[vector<16xi32>, vector<16xi32>], vector<16xf32>,
        tpu.vector_store_idx %arg14[%parallel_loop3A_212, %add3A_94], %parallel_loop3A_476 : memref<96x384xf32, #tpu.memory_space<vmem>>[vector<16xi32>, vector<16xi32>], vector<16xf32>,
      } {sc.loop_unroll_factor = 3 : i64, sc.parallel_access}
      %mul3A_197 = arith.constant 48 : i32
      %mul3A_198 = arith.muli %add3A_162, %mul3A_197 : i32
      %add3A_199 = arith.addi %mul3A_2, %mul3A_198 : i32
      %mul3A_200 = arith.constant 2 : i32
      %mul3A_201 = arith.muli %mul3A_200, %add3A_199 : i32
      %dma_start3A_202 = arith.constant 0 : i32
      %dma_start3A_203 = tpu.memref_slice %arg4[%mul3A_201, %dma_start3A_202] : memref<147456x384xf32, #tpu.memory_space<hbm>> -> memref<96x384xf32, #tpu.memory_space<hbm>>
      %dma_start3A_204 = arith.constant 0 : i32
      %dma_start3A_205 = tpu.memref_slice %arg4[%mul3A_201, %dma_start3A_204] : memref<147456x384xf32, #tpu.memory_space<hbm>> -> memref<96x384xf32, #tpu.memory_space<hbm>>
      tpu.enqueue_dma source(%arg14 : memref<96x384xf32, #tpu.memory_space<vmem>>) target(%dma_start3A_205 : memref<96x384xf32, #tpu.memory_space<hbm>>) target_semaphore(%arg20 : memref<!tpu.dma_semaphore, #tpu.memory_space<semaphore_mem>>)
    }
    %scan3A_100 = arith.constant 24 : i32
    %add3A_101 = arith.constant 2208 : i32
    %add3A_102 = arith.addi %mul3A_2, %add3A_101 : i32
    %mul3A_103 = arith.constant 2 : i32
    %mul3A_104 = arith.muli %mul3A_103, %add3A_102 : i32
    %dma_wait3A = arith.constant 0 : i32
    %dma_wait3A_105 = tpu.memref_slice %arg4[%mul3A_104, %dma_wait3A] : memref<147456x384xf32, #tpu.memory_space<hbm>> -> memref<96x384xf32, #tpu.memory_space<hbm>>
    %dma_wait3A_106 = arith.constant 0 : i32
    %dma_wait3A_107 = tpu.memref_slice %arg4[%mul3A_104, %dma_wait3A_106] : memref<147456x384xf32, #tpu.memory_space<hbm>> -> memref<96x384xf32, #tpu.memory_space<hbm>>
    tpu.wait_dma2 semaphore(%arg19 : memref<!tpu.dma_semaphore, #tpu.memory_space<semaphore_mem>>) src(%arg13 : memref<96x384xf32, #tpu.memory_space<vmem>>) dst(%dma_wait3A_107 : memref<96x384xf32, #tpu.memory_space<hbm>>)
    %add3A_108 = arith.constant 2256 : i32
    %add3A_109 = arith.addi %mul3A_2, %add3A_108 : i32
    %mul3A_110 = arith.constant 2 : i32
    %mul3A_111 = arith.muli %mul3A_110, %add3A_109 : i32
    %dma_wait3A_112 = arith.constant 0 : i32
    %dma_wait3A_113 = tpu.memref_slice %arg4[%mul3A_111, %dma_wait3A_112] : memref<147456x384xf32, #tpu.memory_space<hbm>> -> memref<96x384xf32, #tpu.memory_space<hbm>>
    %dma_wait3A_114 = arith.constant 0 : i32
    %dma_wait3A_115 = tpu.memref_slice %arg4[%mul3A_111, %dma_wait3A_114] : memref<147456x384xf32, #tpu.memory_space<hbm>> -> memref<96x384xf32, #tpu.memory_space<hbm>>
    tpu.wait_dma2 semaphore(%arg20 : memref<!tpu.dma_semaphore, #tpu.memory_space<semaphore_mem>>) src(%arg14 : memref<96x384xf32, #tpu.memory_space<vmem>>) dst(%dma_wait3A_115 : memref<96x384xf32, #tpu.memory_space<hbm>>)
    return
  }
}

</mosaic_0001>

<sc_bundles>
// kernel: _unpool_sc.3.cloned.1.call-start
scs
__scs_entry_jumppad:
0x0: {  	(pc) =	sbr.rel $0x88, $3  }
0x1: {  	(tag) =	ssettag $0x0;
	lr =	simm.s32 $0x1  }
0x2: {  	[smem:$0x3F9F] =	sst lr;
	_ =	strace $0xD0000000  }
0x3: {  	_ = 	snop  }
0x4: {  	_ = 	snop  }
0x5: {  	_ = 	snop  }
0x6: {  	_ = 	snop  }
0x7: {  	_ = 	snop  }
__scs_overlays_trampoline_lowered:
0x8: {  	[smem:$0x3FAE] =	sst s0  }
0x9: {  	[smem:$0x3FAF] =	sst s1  }
0xa: {  	[smem:$0x3FB0] =	sst s2  }
0xb: {  	[smem:$0x3FB1] =	sst s3  }
0xc: {  	[smem:$0x3FB2] =	sst s4  }
0xd: {  	[smem:$0x3FB3] =	sst s5  }
0xe: {  	[smem:$0x3FB4] =	sst s6  }
0xf: {  	[smem:$0x3FB5] =	sst s7  }
0x10: {  	[smem:$0x3FB6] =	sst s8  }
0x11: {  	[smem:$0x3FB7] =	sst s9;
	s0 =	simm.s32 @!p0 $0x0  }
0x12: {  	s1 =	sld [smem:$0x3F9D];
	s0 =	simm.s32 @p0 $0x1  }
0x13: {  	[smem:$0x3FB8] =	sst s0;
	s0 =	simm.s32 @!p1 $0x0  }
0x14: {  	s2 =	sld [smem:$0x3F9C];
	s0 =	simm.s32 @p1 $0x1  }
0x15: {  	[smem:$0x3FB9] =	sst s0;
	s0 =	simm.s32 @!p2 $0x0  }
0x16: {  	s3 =	sld [smem:$0x3FDB];
	s0 =	simm.s32 @p2 $0x1  }
0x17: {  	s4 =	simm.s32 $0x1BF5;
	[smem:$0x3FBB] =	sst s0  }
0x18: {  	s0 =	sld [smem:$0x3F9E];
	_ =	swait.ge [sflag:s4], $0x0  }
0x19: {  	s7 =	sld [smem:$0x3F9F]  }
0x1a: {  	s8 =	sadd.s32 $0xFFFFE003, lr  }
0x1b: {  	s9 =	sadd.s32 $0xFFFFFEF7, lr;
	s5 =	simm.s32 $0xFFFFFFFF;
	p2 =	slt.u32 s8, $0xFFFFF086  }
0x1c: {  	p1 =	slt.u32 s9, $0xF7A;
	s5 =	simm.s32 @!p2 $0x0  }
0x1d: {  	s5 =	simm.s32 @p1 $0x1;
	p0 =	seq.s32 s7, s2  }
0x1e: {  	s7 =	smul.u32 @!p0 $0xF7A, s2;
	p2 =	seq.s32 @!p0 s5, $0x0  }
0x1f: {  	s9 =	smul.u32 $0xF7A, s1;
	s8 =	simm.s32 @!p0 $0x1BF5;
	p2 =	por !p2, p0  }
0x20: {  	[sflag:s8] =	ssyncset.s32 @!p0 $0xFFFFF086;
	s6 =	sadd.s32 @!p0 s3, s7;
	s7 =	simm.s32 @!p0 $0x108  }
0x21: {  	s3 =	sadd.s32 s3, s9;
	s6 =	sadd.s32 @!p0 $0x88, s6;
	s7 =	simm.s32 @p2 $0x1082  }
0x22: {  	[simem:s7], [sflag:s8] =	dma.local @!p0 [hbm:s6], $0xF7A  }
0x23: {  	s9 =	sor.u32 $0xD0000000, s2;
	s6 =	simm.s32 $0x108;
	_ =	swait.ge @!p0 [sflag:s8], $0x0  }
0x24: {  	s3 =	sadd.s32 $0x88, s3;
	s6 =	simm.s32 @!p1 $0x1082;
	[sflag:s4] =	ssyncset.s32 $0xFFFFF086  }
0x25: {  	[simem:s6], [sflag:s4] =	dma.local [hbm:s3], $0xF7A  }
0x26: {  	[smem:$0x3F9F] =	sst s1;
	(tag) =	ssettag s2;
	_ =	strace s9  }
0x27: {  	s1 =	sld [smem:$0x3FAF]  }
0x28: {  	s2 =	sld [smem:$0x3FB0]  }
0x29: {  	s4 =	sld [smem:$0x3FB2]  }
0x2a: {  	p0 =	seq.s32 s5, $0x0;
	s5 =	sld [smem:$0x3FB3]  }
0x2b: {  	s6 =	sld [smem:$0x3FB4]  }
0x2c: {  	s7 =	sld [smem:$0x3FB5]  }
0x2d: {  	s3 =	simm.s32 $0x108;
	s8 =	sld [smem:$0x3FB6]  }
0x2e: {  	s3 =	simm.s32 @!p0 $0x1082;
	s9 =	sld [smem:$0x3FB7]  }
0x2f: {  	lr =	sadd.s32 s0, s3;
	s0 =	sld [smem:$0x3FAE]  }
0x30: {  	s3 =	sld [smem:$0x3FB1]  }
0x31: {  	[smem:$0x3FBA] =	sst s10  }
0x32: {  	s10 =	sld [smem:$0x3FB8];
	_ =	sdelay $0x3  }
0x33: {  	p0 =	seq.s32 s10, $0x1;
	s10 =	sld [smem:$0x3FBA];
	_ =	sdelay $0x3  }
0x34: {  	[smem:$0x3FBA] =	sst s10  }
0x35: {  	s10 =	sld [smem:$0x3FB9];
	_ =	sdelay $0x3  }
0x36: {  	p1 =	seq.s32 s10, $0x1;
	s10 =	sld [smem:$0x3FBA];
	_ =	sdelay $0x3  }
0x37: {  	[smem:$0x3FBA] =	sst s10  }
0x38: {  	s10 =	sld [smem:$0x3FBB]  }
0x39: {  	_ = 	snop;
	(pc) =	sbr.ind lr, $3  }
0x3a: {  	_ = 	snop  }
0x3b: {  	_ = 	snop  }
0x3c: {  	p2 =	seq.s32 s10, $0x1;
	s10 =	sld [smem:$0x3FBA]  }
0x3d: {  	_ =	shalt  }
0x3e: {  	_ =	shalt  }
0x3f: {  	_ =	shalt  }
0x40: {  	_ =	shalt  }
0x41: {  	_ =	shalt  }
0x42: {  	_ =	shalt  }
0x43: {  	_ =	shalt  }
0x44: {  	_ =	shalt  }
0x45: {  	_ =	shalt  }
0x46: {  	_ =	shalt  }
0x47: {  	_ =	shalt  }
0x48: {  	_ =	shalt  }
0x49: {  	_ =	shalt  }
0x4a: {  	_ =	shalt  }
0x4b: {  	_ =	shalt  }
0x4c: {  	_ =	shalt  }
0x4d: {  	_ =	shalt  }
0x4e: {  	_ =	shalt  }
0x4f: {  	_ =	shalt  }
0x50: {  	_ =	shalt  }
0x51: {  	_ =	shalt  }
0x52: {  	_ =	shalt  }
0x53: {  	_ =	shalt  }
0x54: {  	_ =	shalt  }
0x55: {  	_ =	shalt  }
0x56: {  	_ =	shalt  }
0x57: {  	_ =	shalt  }
0x58: {  	_ =	shalt  }
0x59: {  	_ =	shalt  }
0x5a: {  	_ =	shalt  }
0x5b: {  	_ =	shalt  }
0x5c: {  	_ =	shalt  }
0x5d: {  	_ =	shalt  }
0x5e: {  	_ =	shalt  }
0x5f: {  	_ =	shalt  }
0x60: {  	_ =	shalt  }
0x61: {  	_ =	shalt  }
0x62: {  	_ =	shalt  }
0x63: {  	_ =	shalt  }
0x64: {  	_ =	shalt  }
0x65: {  	_ =	shalt  }
0x66: {  	_ =	shalt  }
0x67: {  	_ =	shalt  }
0x68: {  	_ =	shalt  }
0x69: {  	_ =	shalt  }
0x6a: {  	_ =	shalt  }
0x6b: {  	_ =	shalt  }
0x6c: {  	_ =	shalt  }
0x6d: {  	_ =	shalt  }
0x6e: {  	_ =	shalt  }
0x6f: {  	_ =	shalt  }
0x70: {  	_ =	shalt  }
0x71: {  	_ =	shalt  }
0x72: {  	_ =	shalt  }
0x73: {  	_ =	shalt  }
0x74: {  	_ =	shalt  }
0x75: {  	_ =	shalt  }
0x76: {  	_ =	shalt  }
0x77: {  	_ =	shalt  }
0x78: {  	_ =	shalt  }
0x79: {  	_ =	shalt  }
0x7a: {  	_ =	shalt  }
0x7b: {  	_ =	shalt  }
0x7c: {  	_ =	shalt  }
0x7d: {  	_ =	shalt  }
0x7e: {  	_ =	shalt  }
0x7f: {  	_ =	shalt  }
0x80: {  	_ =	shalt  }
0x81: {  	_ =	shalt  }
0x82: {  	_ =	shalt  }
0x83: {  	_ =	shalt  }
0x84: {  	_ =	shalt  }
0x85: {  	_ =	shalt  }
0x86: {  	_ =	shalt  }
0x87: {  	_ =	shalt  }
.Lfunc_end0:
.L_simem_size_0:
called_computation_lowered:
.L_overlay_start_0:
0x88: {  	s2 =	sld [smem:$0x3FD9]  }
0x89: {  	s3 =	sld [smem:$0x3FFE];
	_ =	sdelay $0x1  }
0x8a: {  	s1 =	srdreg.scid  }
0x8b: {  	s0 =	sand.u32 $0x1, s1  }
0x8c: {  	s17 =	sshll.u32 s0, $0xA;
	s2 =	sadd.s32 s3, s2  }
0x8d: {  	s2 =	sadd.s32 s2, s17  }
0x8e: {  	[smem:$0x3FC6] =	sst s2  }
0x8f: {  	_ = 	snop  }
0x90: {  	s2 =	sld [smem:$0x3FD0];
	(tm) =	ssettm $0x1  }
0x91: {  	s18 =	sld [smem:$0x3FFB];
	_ =	sdelay $0x3  }
0x92: {  	_ =	strace s18  }
0x93: {  	s3 =	sld [smem:$0x3FFC];
	_ =	sdelay $0x3  }
0x94: {  	_ =	strace s3  }
0x95: {  	s3 =	sld [smem:$0x3FFD];
	_ =	sdelay $0x3  }
0x96: {  	_ =	strace s3  }
0x97: {  	_ =	strace $0x8FFFFFFF  }
0x98: {  	s19 =	sld [smem:$0x3FDB];
	_ =	sdelay $0x1  }
0x99: {  	s4 =	simm.s32 $_scs_section_size  }
0x9a: {  	s5 =	simm.s32 $_size__tile_overlayer_lowered;
	s6 =	simm.s32 $_tile_overlayer_lowered  }
0x9b: {  	s22 =	simm.s32 $0x1BFF;
	s21 =	sshll.u32 s6, $0x1;
	s3 =	sadd.s32 s4, s19  }
0x9c: {  	s7 =	simm.s32 $0x0;
	s20 =	sshll.u32 s5, $0x1;
	s5 =	sadd.s32 s21, s3  }
0x9d: {  	[timem:s7], [sflag:s22] =	dma.local [hbm:s5], s20  }
0x9e: {  	_ =	swait.ge [sflag:s22], s20  }
0x9f: {  	s4 =	ssub.s32 $0x0, s20;
	[sflag:s22] =	ssyncset.done $0x0  }
0xa0: {  	[sflag:s22] =	ssyncadd.s32 s4;
	_ =	sdelay $0x1  }
0xa1: {  	s23 =	simm.s32 $0x1B8B  }
0xa2: {  	_ =	swait.ge [sflag:s23], $0x1  }
0xa3: {  	[sflag:s23] =	ssyncset.done $0x0  }
0xa4: {  	s25 =	simm.s32 $0x1B8E;
	s24 =	sld [smem:$0x3FFE];
	[sflag:s23] =	ssyncadd.s32 $0xFFFFFFFF  }
0xa5: {  	s26 =	simm.s32 $execute0_lowered;
	[smem:$0x3FD2] =	sst s25  }
0xa6: {  	s5 =	sshll.u32 s26, $0x1;
	_ =	strace $0x80000046;
	[dreg:$0x1] =	wrdreg $0xFFFFFFFF  }
0xa7: {  	s28 =	simm.s32 $_size_execute0_lowered;
	s3 =	sadd.s32 s3, s5;
	[dreg:$0x0] =	wrdreg $0x0  }
0xa8: {  	s5 =	sshll.u32 s28, $0x1;
	[dreg:$0x2] =	wrdreg s3  }
0xa9: {  	[dreg:$0x3] =	wrdreg s5  }
0xaa: {  	[dreg:$0x4] =	wrdreg $0xC0  }
0xab: {  	_ =	task [dreg:s7], $0x5FFFF  }
0xac: {  	[dreg:$0x1] =	wrdreg $0xFFFFFFFF  }
0xad: {  	[dreg:$0x0] =	wrdreg $0x60  }
0xae: {  	[dreg:$0x2] =	wrdreg s24  }
0xaf: {  	[dreg:$0x3] =	wrdreg s2  }
0xb0: {  	[dreg:$0x4] =	wrdreg $0x9  }
0xb1: {  	_ =	task.clear_ibuf [dreg:s7], $0x5FFFF;
	_ =	strace $0x90000046  }
0xb2: {  	s29 =	simm.s32 $0x9;
	_ =	strace $0x80000048  }
0xb3: {  	_ =	swait.ge [sflag:s29], $0x1  }
0xb4: {  	[sflag:s29] =	ssyncadd.s32 $0xFFFFFFFF  }
0xb5: {  	_ =	strace $0x90000048  }
0xb6: {  	_ =	sfence  }
0xb7: {  	s30 =	sld [smem:$0x0];
	_ =	sdelay $0x2  }
0xb8: {  	s31 =	sshll.u32 s1, $0xD;
	s1 =	sshrl.u32 s1, $0x2  }
0xb9: {  	s3 =	sand.u32 $0x4000, s31;
	s1 =	sadd.s32 s1, s30  }
0xba: {  	s0 =	sor.u32 s3, s0;
	s1 =	sshll.u32 s1, $0x11  }
0xbb: {  	s0 =	sor.u32 s1, s0  }
0xbc: {  	s0 =	sadd.s32 $0x8F2B, s0  }
0xbd: {  	[sflag:s0] =	ssyncadd.remote.s32 $0x1  }
0xbe: {  	_ =	sfence.sel $0xFFFF  }
0xbf: {  	[dreg:$0x0] =	wrdreg $0xFFFFFFFF;
	(pc) =	sbr.abs _section_cstart, $3  }
0xc0: {  	[dreg:$0x1] =	wrdreg $0xFFFFFFFF  }
0xc1: {  	_ =	task.clear_ibuf [dreg:s7], $0x2FFFF;
	_ =	strace $0x9FFFFFFF  }
0xc2: {  	(tm) =	ssettm $0x7FFFFFFF  }
0xc3: {  	_ =	shalt  }
tec
execute0_lowered:
.L_overlay_start_1:
0x0: {  	(tag) =	ssettag $0x1  }
0x1: {  	s0 =	rddreg [dreg:$0x0]  }
0x2: {  	s2 =	rddreg [dreg:$0x1]  }
0x3: {  	s1 =	srdreg.scid;
	s4 =	stileid.u32  }
0x4: {  	s3 =	simm.s32 $0x0;
	s14 =	simm.s32 $0x400;
	s15 =	simm.s32 $0x800  }
0x5: {  	s19 =	simm.s32 $0x3000;
	s20 =	simm.s32 $0x4800;
	s21 =	simm.s32 $0x9000  }
0x6: {  	s22 =	simm.s32 $0xA800;
	s23 =	simm.s32 $0x1;
	s28 =	simm.s32 $0x4  }
0x7: {  	s29 =	simm.s32 $0x15000;
	s1 =	sand.u32 $0x1, s1;
	s4 =	sshll.u32 s4, $0x1  }
0x8: {  	[smem:$0x7FF] =	sst s3;
	s6 =	ssub.s32 $0x2, s1;
	s1 =	sor.u32 s1, s4  }
0x9: {  	s5 =	sadd.s32 $0x240400, s0;
	s7 =	sshrl.u32 s6, $0x1;
	s8 =	smul.u32 $0x12000, s1  }
0xa: {  	_ =	strace $0x80000047;
	s4 =	sadd.s32 $0x400, s0;
	s24 =	ssub.s32 s6, s7  }
0xb: {  	v0 =	vlaneseq.u32;
	s6 =	smul.u32 $0x900, s1;
	s7 =	simm.s32 $0x0;
	s25 =	sadd.s32 s4, s8  }
0xc: {  	v0 =	vmul.u32 $0x2, v0;
	s26 =	sor.u32 $0x80, s8;
	s31 =	sadd.s32 s5, s8;
	[dreg:$0x3] =	wrdreg s25  }
0xd: {  	s0 =	smax.u32 s24, $0x1;
	s24 =	simm.s32 $0x3;
	[dreg:$0x5] =	wrdreg s31  }
0xe: {  	v1 =	vor.u32 $0x1, v0;
	s30 =	sadd.s32 s4, s26;
	s1 =	sadd.s32 s5, s26;
	[dreg:$0x7] =	wrdreg s0  }
0xf: {  	v2 =	vor.u32 $0x20, v0;
	v3 =	vor.u32 $0x21, v0;
	v4 =	vor.u32 $0x40, v0;
	s11 =	sor.u32 $0x30, s6;
	s12 =	sor.u32 $0x60, s6;
	[dreg:$0x4] =	wrdreg s30  }
0x10: {  	v5 =	vor.u32 $0x41, v0;
	v6 =	vor.u32 $0x60, v0;
	v7 =	vor.u32 $0x61, v0;
	s25 =	simm.s32 $0xC000;
	s26 =	simm.s32 $0x2;
	[dreg:$0x6] =	wrdreg s1  }
.LBB2_1:
0x11: {  	[dreg:$0x8] =	wrdreg s7  }
0x12: {  	s0 =	rddreg [dreg:$0x3]  }
0x13: {  	[tilespmem:s3], [sflag:$0x1] =	stream.strided.gather [hbm4b:s0+s14], $0x1800, s15, s14, $0x38;
	[tilespmem:$0x1E000] =	vst v63  }
0x14: {  	s16 =	rddreg [dreg:$0x4];
	s1 =	simm.s32 $0x1800  }
0x15: {  	[tilespmem:s1], [sflag:$0x1] =	stream.strided.gather [hbm4b:s16+s14], $0x1800, s15, s14, $0x38;
	[tilespmem:$0x1E000] =	vst v63  }
0x16: {  	s17 =	rddreg [dreg:$0x5];
	s18 =	simm.s32 $0x6000  }
0x17: {  	[tilespmem:s18], [sflag:$0x3] =	stream.strided.gather [hbm4b:s17+s14], $0x1800, s15, s14, $0x38;
	[tilespmem:$0x1E000] =	vst v63  }
0x18: {  	s30 =	rddreg [dreg:$0x6];
	s31 =	simm.s32 $0x7800;
	s1 =	simm.s32 $0x0  }
0x19: {  	[tilespmem:s31], [sflag:$0x3] =	stream.strided.gather [hbm4b:s30+s14], $0x1800, s15, s14, $0x38;
	[tilespmem:$0x1E000] =	vst v63  }
.LBB2_2:
0x1a: {  	s17 =	smul.u32 $0x60, s1;
	_ =	sdelay $0x1  }
0x1b: {  	s16 =	sadd.s32 s17, s11  }
0x1c: {  	s7 =	sshll.u32 s16, $0x5  }
0x1d: {  	s8 =	sadd.s32 s4, s7;
	s18 =	sor.u32 $0x80, s7  }
0x1e: {  	[tilespmem:s19], [sflag:$0x2] =	stream.strided.gather [hbm4b:s8+s14], $0x1800, s15, s14, $0x38;
	[tilespmem:$0x1E000] =	vst v63  }
0x1f: {  	s9 =	sadd.s32 s4, s18  }
0x20: {  	[tilespmem:s20], [sflag:$0x2] =	stream.strided.gather [hbm4b:s9+s14], $0x1800, s15, s14, $0x38;
	[tilespmem:$0x1E000] =	vst v63  }
0x21: {  	s7 =	sadd.s32 s5, s7  }
0x22: {  	[tilespmem:s21], [sflag:$0x4] =	stream.strided.gather [hbm4b:s7+s14], $0x1800, s15, s14, $0x38;
	[tilespmem:$0x1E000] =	vst v63  }
0x23: {  	s31 =	sadd.s32 s5, s18  }
0x24: {  	[tilespmem:s22], [sflag:$0x4] =	stream.strided.gather [hbm4b:s31+s14], $0x1800, s15, s14, $0x38;
	[tilespmem:$0x1E000] =	vst v63  }
0x25: {  	_ =	swait.ge [sflag:s23], $0x1800  }
0x26: {  	[sflag:s23] =	ssyncset.done $0x0  }
0x27: {  	[sflag:s23] =	ssyncadd.s32 $0xFFFFE800  }
0x28: {  	_ =	swait.ge [sflag:s23], $0x1800  }
0x29: {  	[sflag:s23] =	ssyncset.done $0x0  }
0x2a: {  	[sflag:s23] =	ssyncadd.s32 $0xFFFFE800  }
0x2b: {  	_ =	swait.ge [sflag:s24], $0x1800  }
0x2c: {  	[sflag:s24] =	ssyncset.done $0x0  }
0x2d: {  	[sflag:s24] =	ssyncadd.s32 $0xFFFFE800  }
0x2e: {  	_ =	swait.ge [sflag:s24], $0x1800  }
0x2f: {  	p0 =	seq.s32 s1, $0x0;
	[sflag:s24] =	ssyncset.done $0x0  }
0x30: {  	s0 =	simm.s32 $0x4;
	s7 =	simm.s32 @!p0 $0x5;
	[sflag:s24] =	ssyncadd.s32 $0xFFFFE800  }
0x31: {  	v8 =	vmov s0;
	_ =	swait.ge @!p0 [sflag:s7], $0x9000  }
0x32: {  	v9 =	vshrl.u32 v8, $0x3;
	[sflag:s7] =	ssyncset.done @!p0 $0x0  }
0x33: {  	v8 =	vshll.u32 v8, $0x7;
	v15 =	vmul.u32 $0xC00, v9;
	[sflag:s7] =	ssyncadd.s32 @!p0 $0xFFFF7000;
	s7 =	simm.s32 $0x60C0  }
0x34: {  	v14 =	vand.u32 $0x300, v8;
	s18 =	simm.s32 $0xC0;
	v9 =	vld [tilespmem:s7+$0x40]  }
0x35: {  	v22 =	vor.u32 v14, v15;
	v8 =	vld [tilespmem:s18+$0x40]  }
0x36: {  	v13 =	vor.u32 $0x80, v14;
	v10 =	vor.u32 v0, v22  }
0x37: {  	v21 =	vor.u32 v15, v13;
	v11 =	vor.u32 v1, v22  }
0x38: {  	v16 =	vor.u32 v0, v21  }
0x39: {  	v17 =	vor.u32 v1, v21;
	vm0 =	veq.s32 v9, $0x0  }
0x3a: {  	v28 =	vor.u32 v2, v22;
	s31 =	simm.s32 $0x0;
	v30 =	vld [tilespmem:s7+$0xFFFFFFC0];
	v12 =	vnsel vm0, $0x0, v8;
	vm0 =	veq.s32 v9, $0x1  }
0x3b: {  	v18 =	vmov s31;
	v23 =	vld [tilespmem:s7+$0xFFFFFF40];
	v19 =	vnsel vm0, $0x0, v8;
	vm0 =	veq.s32 v9, $0x2;
	[tilespmem:v10+s25+$0x0] =	vst.idx.msk $0xffff, v12  }
0x3c: {  	v24 =	vld [tilespmem:s18+$0xFFFFFF40];
	v10 =	vshrl.u32 v18, $0x3;
	v20 =	vnsel vm0, $0x0, v8;
	vm0 =	veq.s32 v9, $0x3;
	[tilespmem:v11+s25+$0x0] =	vst.idx.msk $0xffff, v19  }
0x3d: {  	v9 =	vshll.u32 v18, $0x7;
	v12 =	vmul.u32 $0xC00, v10;
	v8 =	vnsel vm0, $0x0, v8;
	[tilespmem:v16+s25+$0x0] =	vst.idx.msk $0xffff, v20  }
0x3e: {  	v29 =	vor.u32 v3, v22;
	v31 =	vor.u32 v2, v21;
	v9 =	vand.u32 $0x300, v9;
	[tilespmem:v17+s25+$0x0] =	vst.idx.msk $0xffff, v8  }
0x3f: {  	s0 =	simm.s32 $0x2;
	v34 =	vor.u32 v3, v21;
	vm1 =	veq.s32 v30, $0x0;
	v17 =	vor.u32 v9, v12;
	v25 =	vld [tilespmem:s7+$0x50]  }
0x40: {  	v10 =	vmov s0;
	vm0 =	veq.s32 v23, $0x0;
	v26 =	vor.u32 v0, v17;
	v27 =	vld [tilespmem:s18+$0x50]  }
0x41: {  	v8 =	vshrl.u32 v10, $0x3;
	v10 =	vshll.u32 v10, $0x7;
	v33 =	vnsel vm0, $0x0, v24  }
0x42: {  	v16 =	vmul.u32 $0xC00, v8;
	v11 =	vand.u32 $0x300, v10;
	v8 =	vor.u32 $0x80, v9  }
0x43: {  	v41 =	vor.u32 v6, v17;
	v10 =	vor.u32 $0x80, v11;
	v18 =	vor.u32 v12, v8  }
0x44: {  	v32 =	vld [tilespmem:s18+$0xFFFFFFC0];
	v20 =	vor.u32 v11, v16;
	v19 =	vor.u32 v16, v10;
	vm0 =	veq.s32 v25, $0x0  }
0x45: {  	v35 =	vor.u32 v0, v20;
	[tilespmem:v26+s25+$0x0] =	vst.idx.msk $0xffff, v33;
	v26 =	vnsel vm0, $0x0, v27;
	vm0 =	veq.s32 v25, $0x1  }
0x46: {  	v45 =	vor.u32 v1, v20;
	v36 =	vnsel vm0, $0x0, v27;
	vm0 =	veq.s32 v25, $0x2;
	[tilespmem:v28+s25+$0x0] =	vst.idx.msk $0xffff, v26  }
0x47: {  	v26 =	vor.u32 v0, v19;
	v28 =	vnsel vm0, $0x0, v27;
	vm0 =	veq.s32 v25, $0x3;
	[tilespmem:v29+s25+$0x0] =	vst.idx.msk $0xffff, v36  }
0x48: {  	v51 =	vor.u32 v3, v18;
	v25 =	vor.u32 v1, v19;
	v27 =	vnsel vm0, $0x0, v27;
	[tilespmem:v31+s25+$0x0] =	vst.idx.msk $0xffff, v28  }
0x49: {  	v29 =	vnsel vm1, $0x0, v32;
	vm0 =	veq.s32 v30, $0x1;
	v28 =	vor.u32 v1, v17;
	[tilespmem:v34+s25+$0x0] =	vst.idx.msk $0xffff, v27  }
0x4a: {  	vm1 =	veq.s32 v30, $0x2;
	[tilespmem:v35+s25+$0x0] =	vst.idx.msk $0xffff, v29;
	v27 =	vor.u32 v0, v18;
	v31 =	vnsel vm0, $0x0, v32;
	v29 =	vld [tilespmem:s7+$0x60]  }
0x4b: {  	v46 =	vnsel vm1, $0x0, v32;
	vm0 =	veq.s32 v30, $0x3;
	v30 =	vor.u32 v1, v18;
	[tilespmem:v45+s25+$0x0] =	vst.idx.msk $0xffff, v31;
	v31 =	vld [tilespmem:s18+$0x60]  }
0x4c: {  	vm1 =	veq.s32 v23, $0x1;
	v32 =	vnsel vm0, $0x0, v32;
	[tilespmem:v26+s25+$0x0] =	vst.idx.msk $0xffff, v46;
	v26 =	vor.u32 v4, v22  }
0x4d: {  	v47 =	vnsel vm1, $0x0, v24;
	vm0 =	veq.s32 v23, $0x2;
	[tilespmem:v25+s25+$0x0] =	vst.idx.msk $0xffff, v32;
	v25 =	vor.u32 v5, v22  }
0x4e: {  	vm1 =	veq.s32 v23, $0x3;
	v23 =	vnsel vm0, $0x0, v24;
	[tilespmem:v28+s25+$0x0] =	vst.idx.msk $0xffff, v47;
	v28 =	vor.u32 v4, v21  }
0x4f: {  	v24 =	vnsel vm1, $0x0, v24;
	[tilespmem:v27+s25+$0x0] =	vst.idx.msk $0xffff, v23;
	v23 =	vor.u32 v5, v21;
	vm0 =	veq.s32 v29, $0x0  }
0x50: {  	v58 =	vor.u32 v4, v18;
	v27 =	vld [tilespmem:s7+$0xFFFFFFD0];
	[tilespmem:v30+s25+$0x0] =	vst.idx.msk $0xffff, v24;
	v24 =	vnsel vm0, $0x0, v31;
	vm0 =	veq.s32 v29, $0x1  }
0x51: {  	v59 =	vor.u32 v5, v18;
	v30 =	vld [tilespmem:s18+$0xFFFFFFD0];
	v48 =	vnsel vm0, $0x0, v31;
	vm0 =	veq.s32 v29, $0x2;
	[tilespmem:v26+s25+$0x0] =	vst.idx.msk $0xffff, v24  }
0x52: {  	v24 =	vor.u32 v2, v20;
	v26 =	vnsel vm0, $0x0, v31;
	vm0 =	veq.s32 v29, $0x3;
	[tilespmem:v25+s25+$0x0] =	vst.idx.msk $0xffff, v48  }
0x53: {  	v60 =	vor.u32 v6, v19;
	v49 =	vld [tilespmem:s7+$0xFFFFFF50];
	v25 =	vor.u32 v3, v20;
	v31 =	vnsel vm0, $0x0, v31;
	[tilespmem:v28+s25+$0x0] =	vst.idx.msk $0xffff, v26  }
0x54: {  	v33 =	vld [tilespmem:s18+$0xFFFFFF50];
	v29 =	vor.u32 v2, v19;
	v26 =	vor.u32 v2, v17;
	[tilespmem:v23+s25+$0x0] =	vst.idx.msk $0xffff, v31  }
0x55: {  	v28 =	vor.u32 v3, v19;
	vm0 =	veq.s32 v27, $0x0;
	vm1 =	veq.s32 v27, $0x1;
	v50 =	vld [tilespmem:s7+$0x70]  }
0x56: {  	v23 =	vor.u32 v3, v17;
	v31 =	vor.u32 v2, v18;
	v52 =	vnsel vm0, $0x0, v30;
	v37 =	vld [tilespmem:s18+$0x70]  }
0x57: {  	vm0 =	veq.s32 v27, $0x2;
	v38 =	vnsel vm1, $0x0, v30;
	[tilespmem:v24+s25+$0x0] =	vst.idx.msk $0xffff, v52;
	v24 =	vor.u32 v6, v22  }
0x58: {  	vm1 =	veq.s32 v27, $0x3;
	v27 =	vnsel vm0, $0x0, v30;
	v22 =	vor.u32 v7, v22;
	[tilespmem:v25+s25+$0x0] =	vst.idx.msk $0xffff, v38  }
0x59: {  	vm0 =	veq.s32 v49, $0x0;
	v25 =	vnsel vm1, $0x0, v30;
	[tilespmem:v29+s25+$0x0] =	vst.idx.msk $0xffff, v27;
	v27 =	vor.u32 v6, v21  }
0x5a: {  	v29 =	vnsel vm0, $0x0, v33;
	v21 =	vor.u32 v7, v21;
	[tilespmem:v28+s25+$0x0] =	vst.idx.msk $0xffff, v25;
	vm0 =	veq.s32 v50, $0x0  }
0x5b: {  	vm2 =	veq.s32 v49, $0x3;
	[tilespmem:v26+s25+$0x0] =	vst.idx.msk $0xffff, v29;
	v26 =	vnsel vm0, $0x0, v37;
	vm0 =	veq.s32 v50, $0x1  }
0x5c: {  	vm1 =	veq.s32 v49, $0x1;
	v29 =	vld [tilespmem:s7+$0xFFFFFFE0];
	v30 =	vnsel vm0, $0x0, v37;
	vm0 =	veq.s32 v50, $0x2;
	[tilespmem:v24+s25+$0x0] =	vst.idx.msk $0xffff, v26  }
0x5d: {  	v25 =	vor.u32 v4, v20;
	v26 =	vld [tilespmem:s18+$0xFFFFFFE0];
	v53 =	vnsel vm0, $0x0, v37;
	vm0 =	veq.s32 v50, $0x3;
	[tilespmem:v22+s25+$0x0] =	vst.idx.msk $0xffff, v30  }
0x5e: {  	v28 =	vor.u32 v5, v20;
	v24 =	vor.u32 v4, v19;
	v22 =	vnsel vm0, $0x0, v37;
	[tilespmem:v27+s25+$0x0] =	vst.idx.msk $0xffff, v53  }
0x5f: {  	v30 =	vor.u32 v5, v19;
	vm0 =	veq.s32 v49, $0x2;
	v27 =	vnsel vm1, $0x0, v33;
	[tilespmem:v21+s25+$0x0] =	vst.idx.msk $0xffff, v22  }
0x60: {  	v21 =	vnsel vm0, $0x0, v33;
	v22 =	vnsel vm2, $0x0, v33;
	[tilespmem:v23+s25+$0x0] =	vst.idx.msk $0xffff, v27;
	v27 =	vadd.s32 $0x400, v15;
	v23 =	vld [tilespmem:s7+$0x80]  }
0x61: {  	vm0 =	veq.s32 v29, $0x0;
	vm1 =	veq.s32 v29, $0x1;
	[tilespmem:v31+s25+$0x0] =	vst.idx.msk $0xffff, v21;
	v31 =	vld [tilespmem:s18+$0x80];
	v21 =	vor.u32 v14, v27  }
0x62: {  	v54 =	vnsel vm0, $0x0, v26;
	vm0 =	veq.s32 v29, $0x2;
	[tilespmem:v51+s25+$0x0] =	vst.idx.msk $0xffff, v22;
	v55 =	vor.u32 v0, v21  }
0x63: {  	v56 =	vnsel vm1, $0x0, v26;
	v22 =	vor.u32 v13, v27;
	[tilespmem:v25+s25+$0x0] =	vst.idx.msk $0xffff, v54;
	v25 =	vor.u32 v1, v21  }
0x64: {  	vm1 =	veq.s32 v29, $0x3;
	v27 =	vnsel vm0, $0x0, v26;
	[tilespmem:v28+s25+$0x0] =	vst.idx.msk $0xffff, v56;
	v28 =	vor.u32 v0, v22  }
0x65: {  	v26 =	vnsel vm1, $0x0, v26;
	[tilespmem:v24+s25+$0x0] =	vst.idx.msk $0xffff, v27;
	v24 =	vor.u32 v1, v22;
	vm0 =	veq.s32 v23, $0x0  }
0x66: {  	v19 =	vor.u32 v7, v19;
	v27 =	vld [tilespmem:s7+$0xFFFFFF60];
	[tilespmem:v30+s25+$0x0] =	vst.idx.msk $0xffff, v26;
	v26 =	vnsel vm0, $0x0, v31;
	vm0 =	veq.s32 v23, $0x1  }
0x67: {  	v15 =	vadd.s32 $0x800, v15;
	v29 =	vld [tilespmem:s18+$0xFFFFFF60];
	v30 =	vnsel vm0, $0x0, v31;
	vm0 =	veq.s32 v23, $0x2;
	[tilespmem:v55+s25+$0x0] =	vst.idx.msk $0xffff, v26  }
0x68: {  	v26 =	vor.u32 v4, v17;
	v57 =	vnsel vm0, $0x0, v31;
	vm0 =	veq.s32 v23, $0x3;
	[tilespmem:v25+s25+$0x0] =	vst.idx.msk $0xffff, v30  }
0x69: {  	v14 =	vor.u32 v14, v15;
	v34 =	vld [tilespmem:s18+$0xFFFFFFF0];
	v25 =	vor.u32 v5, v17;
	v31 =	vnsel vm0, $0x0, v31;
	[tilespmem:v28+s25+$0x0] =	vst.idx.msk $0xffff, v57  }
0x6a: {  	v13 =	vor.u32 v13, v15;
	v23 =	vadd.s32 $0x400, v16;
	v30 =	vld [tilespmem:s7+$0xFFFFFFF0];
	v16 =	vadd.s32 $0x800, v16;
	[tilespmem:v24+s25+$0x0] =	vst.idx.msk $0xffff, v31  }
0x6b: {  	v28 =	vadd.s32 $0x400, v12;
	vm0 =	veq.s32 v27, $0x0;
	vm1 =	veq.s32 v27, $0x1;
	v31 =	vld [tilespmem:s7+$0x90]  }
0x6c: {  	v24 =	vor.u32 v6, v20;
	v20 =	vor.u32 v7, v20;
	v61 =	vnsel vm0, $0x0, v29;
	v62 =	vld [tilespmem:s18+$0x90]  }
0x6d: {  	vm0 =	veq.s32 v27, $0x2;
	v63 =	vnsel vm1, $0x0, v29;
	[tilespmem:v26+s25+$0x0] =	vst.idx.msk $0xffff, v61;
	v26 =	vor.u32 v2, v21  }
0x6e: {  	vm1 =	veq.s32 v27, $0x3;
	v27 =	vnsel vm0, $0x0, v29;
	[tilespmem:v25+s25+$0x0] =	vst.idx.msk $0xffff, v63;
	v25 =	vor.u32 v3, v21  }
0x6f: {  	v29 =	vnsel vm1, $0x0, v29;
	vm0 =	veq.s32 v30, $0x0;
	[tilespmem:v58+s25+$0x0] =	vst.idx.msk $0xffff, v27;
	v27 =	vor.u32 v2, v22  }
0x70: {  	v40 =	vnsel vm0, $0x0, v34;
	[tilespmem:v59+s25+$0x0] =	vst.idx.msk $0xffff, v29;
	v29 =	vor.u32 v3, v22;
	vm0 =	veq.s32 v31, $0x0  }
0x71: {  	vm1 =	veq.s32 v30, $0x1;
	[tilespmem:v24+s25+$0x0] =	vst.idx.msk $0xffff, v40;
	v24 =	vnsel vm0, $0x0, v62;
	vm0 =	veq.s32 v31, $0x1  }
0x72: {  	vm2 =	veq.s32 v30, $0x3;
	v33 =	vld [tilespmem:s7+$0xFFFFFF70];
	v42 =	vnsel vm0, $0x0, v62;
	vm0 =	veq.s32 v31, $0x2;
	[tilespmem:v26+s25+$0x0] =	vst.idx.msk $0xffff, v24  }
0x73: {  	v24 =	vor.u32 v7, v17;
	v26 =	vld [tilespmem:s18+$0xFFFFFF70];
	v17 =	vnsel vm0, $0x0, v62;
	vm0 =	veq.s32 v31, $0x3;
	[tilespmem:v25+s25+$0x0] =	vst.idx.msk $0xffff, v42  }
0x74: {  	v25 =	vor.u32 v6, v18;
	v31 =	vnsel vm0, $0x0, v62;
	[tilespmem:v27+s25+$0x0] =	vst.idx.msk $0xffff, v17;
	vm0 =	veq.s32 v30, $0x2  }
0x75: {  	v18 =	vor.u32 v7, v18;
	v17 =	vnsel vm1, $0x0, v34;
	[tilespmem:v29+s25+$0x0] =	vst.idx.msk $0xffff, v31;
	v27 =	vnsel vm0, $0x0, v34  }
0x76: {  	v29 =	vnsel vm2, $0x0, v34;
	[tilespmem:v20+s25+$0x0] =	vst.idx.msk $0xffff, v17;
	v20 =	vor.u32 v11, v23;
	v17 =	vor.u32 v10, v23;
	v30 =	vld [tilespmem:s7+$0xA0]  }
0x77: {  	vm0 =	veq.s32 v33, $0x0;
	vm1 =	veq.s32 v33, $0x1;
	v11 =	vor.u32 v11, v16;
	[tilespmem:v60+s25+$0x0] =	vst.idx.msk $0xffff, v27;
	v23 =	vld [tilespmem:s18+$0xA0]  }
0x78: {  	v10 =	vor.u32 v10, v16;
	v27 =	vnsel vm0, $0x0, v26;
	[tilespmem:v19+s25+$0x0] =	vst.idx.msk $0xffff, v29;
	v29 =	vor.u32 v4, v21  }
0x79: {  	vm0 =	veq.s32 v33, $0x2;
	v19 =	vnsel vm1, $0x0, v26;
	[tilespmem:v41+s25+$0x0] =	vst.idx.msk $0xffff, v27;
	v27 =	vor.u32 v5, v21  }
0x7a: {  	vm1 =	veq.s32 v33, $0x3;
	v31 =	vnsel vm0, $0x0, v26;
	[tilespmem:v24+s25+$0x0] =	vst.idx.msk $0xffff, v19;
	v24 =	vor.u32 v4, v22  }
0x7b: {  	v26 =	vnsel vm1, $0x0, v26;
	[tilespmem:v25+s25+$0x0] =	vst.idx.msk $0xffff, v31;
	v25 =	vor.u32 v5, v22;
	vm0 =	veq.s32 v30, $0x0  }
0x7c: {  	v19 =	vor.u32 v9, v28;
	v31 =	vld [tilespmem:s7+$0x0];
	[tilespmem:v18+s25+$0x0] =	vst.idx.msk $0xffff, v26;
	v26 =	vnsel vm0, $0x0, v23;
	vm0 =	veq.s32 v30, $0x1  }
0x7d: {  	v18 =	vor.u32 v8, v28;
	v28 =	vld [tilespmem:s18+$0x0];
	v43 =	vnsel vm0, $0x0, v23;
	vm0 =	veq.s32 v30, $0x2;
	[tilespmem:v29+s25+$0x0] =	vst.idx.msk $0xffff, v26  }
0x7e: {  	v26 =	vor.u32 v0, v20;
	v29 =	vnsel vm0, $0x0, v23;
	vm0 =	veq.s32 v30, $0x3;
	[tilespmem:v27+s25+$0x0] =	vst.idx.msk $0xffff, v43  }
0x7f: {  	v51 =	vor.u32 v5, v17;
	v44 =	vld [tilespmem:s7+$0xFFFFFF80];
	v27 =	vor.u32 v1, v20;
	v23 =	vnsel vm0, $0x0, v23;
	[tilespmem:v24+s25+$0x0] =	vst.idx.msk $0xffff, v29  }
0x80: {  	v12 =	vadd.s32 $0x800, v12;
	v32 =	vor.u32 v4, v10;
	v45 =	vld [tilespmem:s18+$0xFFFFFF80];
	v30 =	vor.u32 v0, v17;
	[tilespmem:v25+s25+$0x0] =	vst.idx.msk $0xffff, v23  }
0x81: {  	v34 =	vor.u32 v5, v10;
	v24 =	vor.u32 v1, v17;
	vm0 =	veq.s32 v31, $0x0;
	v46 =	vld [tilespmem:s7+$0xB0]  }
0x82: {  	v29 =	vor.u32 v0, v19;
	vm1 =	veq.s32 v31, $0x1;
	v48 =	vnsel vm0, $0x0, v28;
	v49 =	vld [tilespmem:s18+$0xB0]  }
0x83: {  	vm0 =	veq.s32 v31, $0x2;
	v50 =	vnsel vm1, $0x0, v28;
	[tilespmem:v26+s25+$0x0] =	vst.idx.msk $0xffff, v48;
	v26 =	vor.u32 v6, v21  }
0x84: {  	vm1 =	veq.s32 v31, $0x3;
	v31 =	vnsel vm0, $0x0, v28;
	v21 =	vor.u32 v7, v21;
	[tilespmem:v27+s25+$0x0] =	vst.idx.msk $0xffff, v50  }
0x85: {  	vm0 =	veq.s32 v44, $0x0;
	v27 =	vnsel vm1, $0x0, v28;
	v28 =	vor.u32 v6, v22;
	[tilespmem:v30+s25+$0x0] =	vst.idx.msk $0xffff, v31  }
0x86: {  	v22 =	vor.u32 v7, v22;
	v30 =	vnsel vm0, $0x0, v45;
	[tilespmem:v24+s25+$0x0] =	vst.idx.msk $0xffff, v27;
	vm0 =	veq.s32 v46, $0x0  }
0x87: {  	v23 =	vor.u32 v1, v19;
	[tilespmem:v29+s25+$0x0] =	vst.idx.msk $0xffff, v30;
	v27 =	vnsel vm0, $0x0, v49;
	vm0 =	veq.s32 v46, $0x1  }
0x88: {  	v25 =	vor.u32 v0, v18;
	v29 =	vld [tilespmem:s7+$0x10];
	v30 =	vnsel vm0, $0x0, v49;
	vm0 =	veq.s32 v46, $0x2;
	[tilespmem:v26+s25+$0x0] =	vst.idx.msk $0xffff, v27  }
0x89: {  	v47 =	vor.u32 v1, v18;
	v26 =	vld [tilespmem:s18+$0x10];
	v27 =	vnsel vm0, $0x0, v49;
	vm0 =	veq.s32 v46, $0x3;
	[tilespmem:v21+s25+$0x0] =	vst.idx.msk $0xffff, v30  }
0x8a: {  	vm1 =	veq.s32 v44, $0x1;
	v24 =	vor.u32 v2, v20;
	v30 =	vnsel vm0, $0x0, v49;
	[tilespmem:v28+s25+$0x0] =	vst.idx.msk $0xffff, v27  }
0x8b: {  	s13 =	simm.s32 $0x78A0;
	vm2 =	veq.s32 v44, $0x2;
	v31 =	vor.u32 v3, v20;
	v21 =	vnsel vm1, $0x0, v45;
	[tilespmem:v22+s25+$0x0] =	vst.idx.msk $0xffff, v30  }
0x8c: {  	s10 =	simm.s32 $0x18A0;
	vm3 =	veq.s32 v44, $0x3;
	v27 =	vnsel vm2, $0x0, v45;
	[tilespmem:v23+s25+$0x0] =	vst.idx.msk $0xffff, v21;
	v22 =	vor.u32 v2, v17;
	v21 =	vld [tilespmem:s13+$0x60]  }
0x8d: {  	v28 =	vnsel vm3, $0x0, v45;
	v30 =	vor.u32 v3, v17;
	vm0 =	veq.s32 v29, $0x0;
	[tilespmem:v25+s25+$0x0] =	vst.idx.msk $0xffff, v27;
	v23 =	vld [tilespmem:s10+$0x60]  }
0x8e: {  	vm1 =	veq.s32 v29, $0x1;
	v27 =	vor.u32 v0, v14;
	[tilespmem:v47+s25+$0x0] =	vst.idx.msk $0xffff, v28;
	v25 =	vnsel vm0, $0x0, v26  }
0x8f: {  	vm2 =	veq.s32 v29, $0x2;
	v28 =	vnsel vm1, $0x0, v26;
	[tilespmem:v24+s25+$0x0] =	vst.idx.msk $0xffff, v25;
	v24 =	vor.u32 v1, v14  }
0x90: {  	vm0 =	veq.s32 v29, $0x3;
	v15 =	vnsel vm2, $0x0, v26;
	v25 =	vor.u32 v0, v13;
	[tilespmem:v31+s25+$0x0] =	vst.idx.msk $0xffff, v28  }
0x91: {  	v26 =	vnsel vm0, $0x0, v26;
	[tilespmem:v22+s25+$0x0] =	vst.idx.msk $0xffff, v15;
	v15 =	vor.u32 v1, v13;
	vm0 =	veq.s32 v21, $0x0  }
0x92: {  	v9 =	vor.u32 v9, v12;
	v22 =	vld [tilespmem:s7+$0xFFFFFF90];
	[tilespmem:v30+s25+$0x0] =	vst.idx.msk $0xffff, v26;
	v26 =	vnsel vm0, $0x0, v23;
	vm0 =	veq.s32 v21, $0x1  }
0x93: {  	v36 =	vor.u32 v2, v9;
	v28 =	vld [tilespmem:s18+$0xFFFFFF90];
	v29 =	vnsel vm0, $0x0, v23;
	vm0 =	veq.s32 v21, $0x2;
	[tilespmem:v27+s25+$0x0] =	vst.idx.msk $0xffff, v26  }
0x94: {  	v26 =	vor.u32 v2, v19;
	v27 =	vnsel vm0, $0x0, v23;
	vm0 =	veq.s32 v21, $0x3;
	[tilespmem:v24+s25+$0x0] =	vst.idx.msk $0xffff, v29  }
0x95: {  	v37 =	vor.u32 v3, v9;
	v30 =	vld [tilespmem:s18+$0x20];
	v21 =	vor.u32 v3, v19;
	v23 =	vnsel vm0, $0x0, v23;
	[tilespmem:v25+s25+$0x0] =	vst.idx.msk $0xffff, v27  }
0x96: {  	v24 =	vor.u32 v2, v18;
	v29 =	vld [tilespmem:s7+$0x20];
	v25 =	vor.u32 v3, v18;
	[tilespmem:v15+s25+$0x0] =	vst.idx.msk $0xffff, v23  }
0x97: {  	v27 =	vor.u32 v4, v20;
	vm0 =	veq.s32 v22, $0x0;
	vm1 =	veq.s32 v22, $0x1;
	v31 =	vld [tilespmem:s13+$0x70]  }
0x98: {  	v15 =	vor.u32 v5, v20;
	v23 =	vor.u32 v4, v17;
	v52 =	vnsel vm0, $0x0, v28;
	v53 =	vld [tilespmem:s10+$0x70]  }
0x99: {  	vm0 =	veq.s32 v22, $0x2;
	v54 =	vnsel vm1, $0x0, v28;
	[tilespmem:v26+s25+$0x0] =	vst.idx.msk $0xffff, v52;
	v26 =	vor.u32 v2, v14  }
0x9a: {  	vm1 =	veq.s32 v22, $0x3;
	v22 =	vnsel vm0, $0x0, v28;
	[tilespmem:v21+s25+$0x0] =	vst.idx.msk $0xffff, v54;
	v21 =	vor.u32 v3, v14  }
0x9b: {  	v28 =	vnsel vm1, $0x0, v28;
	vm0 =	veq.s32 v29, $0x0;
	[tilespmem:v24+s25+$0x0] =	vst.idx.msk $0xffff, v22;
	v22 =	vor.u32 v2, v13  }
0x9c: {  	v24 =	vnsel vm0, $0x0, v30;
	[tilespmem:v25+s25+$0x0] =	vst.idx.msk $0xffff, v28;
	v25 =	vor.u32 v3, v13;
	vm0 =	veq.s32 v31, $0x0  }
0x9d: {  	vm1 =	veq.s32 v29, $0x1;
	[tilespmem:v27+s25+$0x0] =	vst.idx.msk $0xffff, v24;
	v24 =	vnsel vm0, $0x0, v53;
	vm0 =	veq.s32 v31, $0x1  }
0x9e: {  	vm2 =	veq.s32 v29, $0x2;
	v27 =	vld [tilespmem:s7+$0xFFFFFFA0];
	v55 =	vnsel vm0, $0x0, v53;
	vm0 =	veq.s32 v31, $0x2;
	[tilespmem:v26+s25+$0x0] =	vst.idx.msk $0xffff, v24  }
0x9f: {  	vm3 =	veq.s32 v29, $0x3;
	v24 =	vld [tilespmem:s18+$0xFFFFFFA0];
	v26 =	vnsel vm0, $0x0, v53;
	vm0 =	veq.s32 v31, $0x3;
	[tilespmem:v21+s25+$0x0] =	vst.idx.msk $0xffff, v55  }
0xa0: {  	v28 =	vor.u32 v4, v19;
	v21 =	vnsel vm1, $0x0, v30;
	v29 =	vnsel vm0, $0x0, v53;
	[tilespmem:v22+s25+$0x0] =	vst.idx.msk $0xffff, v26  }
0xa1: {  	v31 =	vor.u32 v4, v18;
	v22 =	vnsel vm2, $0x0, v30;
	v26 =	vor.u32 v5, v19;
	[tilespmem:v25+s25+$0x0] =	vst.idx.msk $0xffff, v29  }
0xa2: {  	[tilespmem:v15+s25+$0x0] =	vst.idx.msk $0xffff, v21;
	v21 =	vor.u32 v6, v17;
	v17 =	vor.u32 v7, v17;
	v25 =	vnsel vm3, $0x0, v30;
	v15 =	vld [tilespmem:s13+$0x80]  }
0xa3: {  	v29 =	vor.u32 v5, v18;
	v30 =	vor.u32 v6, v20;
	vm0 =	veq.s32 v27, $0x0;
	[tilespmem:v23+s25+$0x0] =	vst.idx.msk $0xffff, v22;
	v22 =	vld [tilespmem:s10+$0x80]  }
0xa4: {  	vm1 =	veq.s32 v27, $0x1;
	[tilespmem:v51+s25+$0x0] =	vst.idx.msk $0xffff, v25;
	v25 =	vor.u32 v4, v14;
	v23 =	vnsel vm0, $0x0, v24  }
0xa5: {  	vm0 =	veq.s32 v27, $0x2;
	v56 =	vnsel vm1, $0x0, v24;
	[tilespmem:v28+s25+$0x0] =	vst.idx.msk $0xffff, v23;
	v23 =	vor.u32 v5, v14  }
0xa6: {  	vm1 =	veq.s32 v27, $0x3;
	v27 =	vnsel vm0, $0x0, v24;
	v28 =	vld [tilespmem:s7+$0x30];
	[tilespmem:v26+s25+$0x0] =	vst.idx.msk $0xffff, v56;
	v26 =	vor.u32 v4, v13  }
0xa7: {  	v57 =	vld [tilespmem:s18+$0x30];
	v24 =	vnsel vm1, $0x0, v24;
	[tilespmem:v31+s25+$0x0] =	vst.idx.msk $0xffff, v27;
	v27 =	vor.u32 v5, v13;
	vm0 =	veq.s32 v15, $0x0  }
0xa8: {  	v20 =	vor.u32 v7, v20;
	[tilespmem:v29+s25+$0x0] =	vst.idx.msk $0xffff, v24;
	v24 =	vnsel vm0, $0x0, v22;
	vm0 =	veq.s32 v15, $0x1  }
0xa9: {  	v29 =	vor.u32 v6, v19;
	v31 =	vnsel vm0, $0x0, v22;
	vm0 =	veq.s32 v15, $0x2;
	[tilespmem:v25+s25+$0x0] =	vst.idx.msk $0xffff, v24  }
0xaa: {  	v24 =	vor.u32 v7, v19;
	v25 =	vnsel vm0, $0x0, v22;
	vm0 =	veq.s32 v15, $0x3;
	[tilespmem:v23+s25+$0x0] =	vst.idx.msk $0xffff, v31  }
0xab: {  	v19 =	vld [tilespmem:s7+$0xFFFFFFB0];
	vm1 =	veq.s32 v28, $0x0;
	v23 =	vor.u32 v6, v18;
	v22 =	vnsel vm0, $0x0, v22;
	[tilespmem:v26+s25+$0x0] =	vst.idx.msk $0xffff, v25  }
0xac: {  	v15 =	vld [tilespmem:s18+$0xFFFFFFB0];
	v25 =	vor.u32 v7, v18;
	vm0 =	veq.s32 v28, $0x1;
	v18 =	vnsel vm1, $0x0, v57;
	[tilespmem:v27+s25+$0x0] =	vst.idx.msk $0xffff, v22  }
0xad: {  	v8 =	vor.u32 v8, v12;
	vm1 =	veq.s32 v28, $0x2;
	v22 =	vnsel vm0, $0x0, v57;
	[tilespmem:v30+s25+$0x0] =	vst.idx.msk $0xffff, v18  }
0xae: {  	v61 =	vor.u32 v7, v8;
	vm0 =	veq.s32 v28, $0x3;
	v16 =	vnsel vm1, $0x0, v57;
	[tilespmem:v20+s25+$0x0] =	vst.idx.msk $0xffff, v22  }
0xaf: {  	v43 =	vor.u32 v2, v8;
	v44 =	vor.u32 v3, v8;
	v20 =	vld [tilespmem:s13+$0x90];
	v18 =	vnsel vm0, $0x0, v57;
	[tilespmem:v21+s25+$0x0] =	vst.idx.msk $0xffff, v16  }
0xb0: {  	vm1 =	veq.s32 v19, $0x0;
	vm0 =	veq.s32 v19, $0x1;
	vm2 =	veq.s32 v19, $0x2;
	v21 =	vld [tilespmem:s10+$0x90];
	[tilespmem:v17+s25+$0x0] =	vst.idx.msk $0xffff, v18  }
0xb1: {  	v16 =	vnsel vm1, $0x0, v15;
	vm1 =	veq.s32 v19, $0x3;
	v22 =	vnsel vm0, $0x0, v15;
	v27 =	vld [tilespmem:s13+$0xFFFFFFE0]  }
0xb2: {  	v26 =	vnsel vm2, $0x0, v15;
	v18 =	vor.u32 v6, v14;
	v19 =	vor.u32 v7, v14;
	v12 =	vld [tilespmem:s10+$0xFFFFFFE0]  }
0xb3: {  	v14 =	vor.u32 v0, v11;
	v17 =	vor.u32 v6, v13;
	v28 =	vnsel vm1, $0x0, v15;
	[tilespmem:v29+s25+$0x0] =	vst.idx.msk $0xffff, v16  }
0xb4: {  	v16 =	vor.u32 v1, v11;
	v15 =	vor.u32 v7, v13;
	[tilespmem:v24+s25+$0x0] =	vst.idx.msk $0xffff, v22;
	vm0 =	veq.s32 v20, $0x0  }
0xb5: {  	s18 =	simm.s32 $0x6240;
	v13 =	vor.u32 v0, v10;
	[tilespmem:v23+s25+$0x0] =	vst.idx.msk $0xffff, v26;
	v22 =	vnsel vm0, $0x0, v21;
	vm0 =	veq.s32 v20, $0x1  }
0xb6: {  	v63 =	vld [tilespmem:s18+$0xFFFFFFC0];
	v23 =	vor.u32 v1, v10;
	[tilespmem:v25+s25+$0x0] =	vst.idx.msk $0xffff, v28;
	v31 =	vnsel vm0, $0x0, v21;
	vm0 =	veq.s32 v27, $0x0  }
0xb7: {  	vm1 =	veq.s32 v20, $0x2;
	v28 =	vld [tilespmem:s13+$0xFFFFFF60];
	vm2 =	veq.s32 v27, $0x1;
	v24 =	vnsel vm0, $0x0, v12  }
0xb8: {  	v25 =	vor.u32 v0, v9;
	vm0 =	veq.s32 v27, $0x2;
	v26 =	vnsel vm2, $0x0, v12;
	[tilespmem:v14+s25+$0x0] =	vst.idx.msk $0xffff, v24;
	v24 =	vld [tilespmem:s10+$0xFFFFFF60]  }
0xb9: {  	v58 =	vnsel vm1, $0x0, v21;
	vm1 =	veq.s32 v27, $0x3;
	v14 =	vnsel vm0, $0x0, v12;
	[tilespmem:v16+s25+$0x0] =	vst.idx.msk $0xffff, v26  }
0xba: {  	v46 =	vor.u32 v5, v11;
	v12 =	vnsel vm1, $0x0, v12;
	v16 =	vor.u32 v1, v9;
	[tilespmem:v13+s25+$0x0] =	vst.idx.msk $0xffff, v14  }
0xbb: {  	s31 =	simm.s32 $0x8;
	v45 =	vor.u32 v4, v11;
	v26 =	vor.u32 v0, v8;
	[tilespmem:v23+s25+$0x0] =	vst.idx.msk $0xffff, v12  }
0xbc: {  	v54 =	vmov s31;
	v13 =	vor.u32 v1, v8;
	vm1 =	veq.s32 v28, $0x0;
	v27 =	vld [tilespmem:s13+$0xFFFFFFF0]  }
0xbd: {  	vm6 =	veq.s32 v63, $0x0;
	[tilespmem:v18+s25+$0x0] =	vst.idx.msk $0xffff, v22;
	vm2 =	veq.s32 v28, $0x1;
	v59 =	vld [tilespmem:s10+$0xFFFFFFF0];
	v29 =	vnsel vm1, $0x0, v24  }
0xbe: {  	v57 =	vld [tilespmem:s18+$0xFFFFFF40];
	v14 =	vor.u32 v2, v11;
	vm1 =	veq.s32 v28, $0x2;
	v30 =	vnsel vm2, $0x0, v24;
	[tilespmem:v25+s25+$0x0] =	vst.idx.msk $0xffff, v29  }
0xbf: {  	v12 =	vor.u32 v3, v11;
	vm2 =	veq.s32 v28, $0x3;
	v25 =	vnsel vm1, $0x0, v24;
	[tilespmem:v16+s25+$0x0] =	vst.idx.msk $0xffff, v30  }
0xc0: {  	vm0 =	veq.s32 v20, $0x3;
	v20 =	vor.u32 v2, v10;
	v24 =	vnsel vm2, $0x0, v24;
	[tilespmem:v26+s25+$0x0] =	vst.idx.msk $0xffff, v25  }
0xc1: {  	vm5 =	veq.s32 v63, $0x1;
	v23 =	vor.u32 v3, v10;
	vm1 =	veq.s32 v27, $0x0;
	[tilespmem:v13+s25+$0x0] =	vst.idx.msk $0xffff, v24  }
0xc2: {  	vm4 =	veq.s32 v63, $0x2;
	[tilespmem:v19+s25+$0x0] =	vst.idx.msk $0xffff, v31;
	vm2 =	veq.s32 v27, $0x1;
	v13 =	vnsel vm1, $0x0, v59;
	v16 =	vld [tilespmem:s13+$0xFFFFFF70]  }
0xc3: {  	vm7 =	veq.s32 v57, $0x0;
	vm1 =	veq.s32 v27, $0x2;
	v24 =	vnsel vm2, $0x0, v59;
	v25 =	vld [tilespmem:s10+$0xFFFFFF70];
	[tilespmem:v14+s25+$0x0] =	vst.idx.msk $0xffff, v13  }
0xc4: {  	vm3 =	veq.s32 v57, $0x3;
	vm2 =	veq.s32 v27, $0x3;
	v13 =	vnsel vm1, $0x0, v59;
	[tilespmem:v12+s25+$0x0] =	vst.idx.msk $0xffff, v24  }
0xc5: {  	v18 =	vshrl.u32 v54, $0x3;
	v22 =	vshll.u32 v54, $0x7;
	v12 =	vnsel vm2, $0x0, v59;
	[tilespmem:v20+s25+$0x0] =	vst.idx.msk $0xffff, v13  }
0xc6: {  	v56 =	vmul.u32 $0xC00, v18;
	v19 =	vand.u32 $0x300, v22;
	v21 =	vnsel vm0, $0x0, v21;
	[tilespmem:v23+s25+$0x0] =	vst.idx.msk $0xffff, v12  }
0xc7: {  	v20 =	vld [tilespmem:s13+$0x0];
	vm0 =	veq.s32 v16, $0x0;
	vm1 =	veq.s32 v16, $0x1;
	vm2 =	veq.s32 v16, $0x2  }
0xc8: {  	s8 =	simm.s32 $0xA;
	v23 =	vld [tilespmem:s10+$0x0];
	v47 =	vnsel vm0, $0x0, v25;
	v48 =	vnsel vm1, $0x0, v25;
	vm0 =	veq.s32 v16, $0x3  }
0xc9: {  	v49 =	vnsel vm2, $0x0, v25;
	v50 =	vnsel vm0, $0x0, v25;
	v25 =	vmov s8  }
0xca: {  	v38 =	vor.u32 v19, v56;
	v24 =	vshrl.u32 v25, $0x3;
	v25 =	vshll.u32 v25, $0x7  }
0xcb: {  	v28 =	vor.u32 v4, v8;
	v24 =	vmul.u32 $0xC00, v24;
	v25 =	vand.u32 $0x300, v25  }
0xcc: {  	vm0 =	veq.s32 v20, $0x0;
	vm1 =	veq.s32 v20, $0x1;
	vm2 =	veq.s32 v20, $0x2  }
0xcd: {  	s7 =	simm.s32 $0x240;
	v35 =	vld [tilespmem:s18+$0x40];
	v51 =	vnsel vm0, $0x0, v23;
	v52 =	vnsel vm1, $0x0, v23;
	vm0 =	veq.s32 v20, $0x3  }
0xce: {  	v42 =	vnsel vm2, $0x0, v23;
	v40 =	vor.u32 v25, v24;
	v41 =	vnsel vm0, $0x0, v23;
	v23 =	vld [tilespmem:s7+$0x40]  }
0xcf: {  	[tilespmem:v17+s25+$0x0] =	vst.idx.msk $0xffff, v58;
	v29 =	vor.u32 v5, v9;
	v26 =	vor.u32 $0x80, v25;
	v53 =	vor.u32 v0, v40  }
0xd0: {  	v30 =	vor.u32 v4, v9;
	v39 =	vor.u32 v24, v26;
	v55 =	vor.u32 v1, v40  }
0xd1: {  	v27 =	vor.u32 v5, v8;
	v14 =	vor.u32 v6, v11;
	v62 =	vor.u32 v0, v39  }
0xd2: {  	v13 =	vor.u32 v7, v11;
	[tilespmem:v36+s25+$0x0] =	vst.idx.msk $0xffff, v47;
	vm0 =	veq.s32 v35, $0x0;
	v31 =	vor.u32 v1, v39  }
0xd3: {  	s9 =	simm.s32 $0x6;
	v54 =	vld [tilespmem:s7+$0xFFFFFF40];
	v11 =	vor.u32 v7, v10;
	[tilespmem:v37+s25+$0x0] =	vst.idx.msk $0xffff, v48;
	v17 =	vnsel vm0, $0x0, v23;
	vm0 =	veq.s32 v35, $0x1  }
0xd4: {  	v20 =	vmov s9;
	v18 =	vnsel vm0, $0x0, v23;
	vm0 =	veq.s32 v35, $0x2;
	[tilespmem:v53+s25+$0x0] =	vst.idx.msk $0xffff, v17  }
0xd5: {  	v60 =	vshrl.u32 v20, $0x3;
	v17 =	vnsel vm0, $0x0, v23;
	vm0 =	veq.s32 v35, $0x3;
	[tilespmem:v55+s25+$0x0] =	vst.idx.msk $0xffff, v18  }
0xd6: {  	v20 =	vshll.u32 v20, $0x7;
	v22 =	vmul.u32 $0xC00, v60;
	v23 =	vnsel vm0, $0x0, v23;
	[tilespmem:v62+s25+$0x0] =	vst.idx.msk $0xffff, v17  }
0xd7: {  	v12 =	vor.u32 v6, v10;
	v10 =	vor.u32 v6, v9;
	v18 =	vand.u32 $0x300, v20;
	[tilespmem:v31+s25+$0x0] =	vst.idx.msk $0xffff, v23  }
0xd8: {  	v58 =	vnsel vm7, $0x0, v54;
	v9 =	vor.u32 v7, v9;
	[tilespmem:v43+s25+$0x0] =	vst.idx.msk $0xffff, v49;
	v33 =	vor.u32 v18, v22;
	v23 =	vld [tilespmem:s18+$0x50]  }
0xd9: {  	v16 =	vor.u32 v6, v8;
	v36 =	vadd.s32 $0x400, v56;
	[tilespmem:v44+s25+$0x0] =	vst.idx.msk $0xffff, v50;
	v55 =	vor.u32 v0, v33;
	v37 =	vld [tilespmem:s7+$0x50]  }
0xda: {  	v50 =	vor.u32 v1, v38;
	vm1 =	veq.s32 v57, $0x1;
	[tilespmem:v45+s25+$0x0] =	vst.idx.msk $0xffff, v51;
	v60 =	vor.u32 v2, v40  }
0xdb: {  	vm2 =	veq.s32 v63, $0x3;
	v44 =	vor.u32 v3, v40;
	v45 =	vor.u32 v0, v38;
	[tilespmem:v46+s25+$0x0] =	vst.idx.msk $0xffff, v52  }
0xdc: {  	v59 =	vor.u32 v3, v39;
	v51 =	vnsel vm1, $0x0, v54;
	[tilespmem:v32+s25+$0x0] =	vst.idx.msk $0xffff, v42;
	v62 =	vor.u32 v2, v39  }
0xdd: {  	v43 =	vor.u32 v5, v40;
	v46 =	vld [tilespmem:s7+$0xFFFFFFC0];
	[tilespmem:v34+s25+$0x0] =	vst.idx.msk $0xffff, v41;
	v20 =	vor.u32 $0x80, v19;
	vm12 =	veq.s32 v23, $0x0  }
0xde: {  	v17 =	vor.u32 $0x80, v18;
	[tilespmem:v55+s25+$0x0] =	vst.idx.msk $0xffff, v58;
	vm13 =	veq.s32 v23, $0x1;
	v63 =	vnsel vm12, $0x0, v37  }
0xdf: {  	v35 =	vor.u32 v56, v20;
	vm14 =	veq.s32 v23, $0x2;
	v55 =	vnsel vm13, $0x0, v37;
	[tilespmem:v60+s25+$0x0] =	vst.idx.msk $0xffff, v63  }
0xe0: {  	v48 =	vor.u32 v0, v35;
	vm15 =	veq.s32 v23, $0x3;
	v60 =	vnsel vm14, $0x0, v37;
	[tilespmem:v44+s25+$0x0] =	vst.idx.msk $0xffff, v55  }
0xe1: {  	vm0 =	veq.s32 v57, $0x2;
	v23 =	vor.u32 v1, v33;
	v37 =	vnsel vm15, $0x0, v37;
	[tilespmem:v62+s25+$0x0] =	vst.idx.msk $0xffff, v60  }
0xe2: {  	v31 =	vor.u32 v22, v17;
	v57 =	vor.u32 v1, v35;
	v62 =	vnsel vm6, $0x0, v46;
	[tilespmem:v59+s25+$0x0] =	vst.idx.msk $0xffff, v37  }
0xe3: {  	v53 =	vor.u32 v2, v38;
	v58 =	vnsel vm5, $0x0, v46;
	v44 =	vor.u32 v0, v31;
	[tilespmem:v45+s25+$0x0] =	vst.idx.msk $0xffff, v62;
	v45 =	vld [tilespmem:s18+$0x60]  }
0xe4: {  	v32 =	vor.u32 v4, v35;
	v47 =	vor.u32 v1, v31;
	v59 =	vnsel vm4, $0x0, v46;
	[tilespmem:v50+s25+$0x0] =	vst.idx.msk $0xffff, v58;
	v50 =	vld [tilespmem:s7+$0x60]  }
0xe5: {  	v52 =	vnsel vm3, $0x0, v54;
	v42 =	vor.u32 v5, v35;
	[tilespmem:v48+s25+$0x0] =	vst.idx.msk $0xffff, v59;
	v48 =	vor.u32 v4, v40  }
0xe6: {  	v41 =	vor.u32 v4, v33;
	v49 =	vor.u32 v2, v31;
	v60 =	vnsel vm2, $0x0, v46;
	[tilespmem:v23+s25+$0x0] =	vst.idx.msk $0xffff, v51  }
0xe7: {  	v63 =	vnsel vm0, $0x0, v54;
	v54 =	vor.u32 v3, v38;
	v51 =	vor.u32 v4, v39;
	[tilespmem:v57+s25+$0x0] =	vst.idx.msk $0xffff, v60  }
0xe8: {  	v55 =	vor.u32 v2, v33;
	v58 =	vld [tilespmem:s13+$0xFFFFFF80];
	[tilespmem:v44+s25+$0x0] =	vst.idx.msk $0xffff, v63;
	v44 =	vor.u32 v5, v39;
	vm0 =	veq.s32 v45, $0x0  }
0xe9: {  	v46 =	vor.u32 v2, v35;
	v60 =	vld [tilespmem:s18+$0xFFFFFFD0];
	[tilespmem:v47+s25+$0x0] =	vst.idx.msk $0xffff, v52;
	v62 =	vnsel vm0, $0x0, v50;
	vm0 =	veq.s32 v45, $0x1  }
0xea: {  	v37 =	vadd.s32 $0x400, v22;
	v52 =	vld [tilespmem:s7+$0xFFFFFFD0];
	[tilespmem:v48+s25+$0x0] =	vst.idx.msk $0xffff, v62;
	v63 =	vnsel vm0, $0x0, v50;
	vm0 =	veq.s32 v45, $0x2  }
0xeb: {  	v23 =	vadd.s32 $0x800, v56;
	vm1 =	veq.s32 v45, $0x3;
	v56 =	vnsel vm0, $0x0, v50;
	[tilespmem:v43+s25+$0x0] =	vst.idx.msk $0xffff, v63  }
0xec: {  	v22 =	vadd.s32 $0x800, v22;
	v59 =	vor.u32 v3, v33;
	v47 =	vld [tilespmem:s18+$0xFFFFFF50];
	v50 =	vnsel vm1, $0x0, v50;
	[tilespmem:v51+s25+$0x0] =	vst.idx.msk $0xffff, v56  }
0xed: {  	v57 =	vor.u32 v3, v35;
	vm2 =	veq.s32 v58, $0x0;
	v48 =	vor.u32 v3, v31;
	v51 =	vld [tilespmem:s7+$0xFFFFFF50];
	[tilespmem:v44+s25+$0x0] =	vst.idx.msk $0xffff, v50  }
0xee: {  	v45 =	vor.u32 v5, v38;
	v43 =	vor.u32 v4, v38;
	vm1 =	veq.s32 v60, $0x0;
	v44 =	vld [tilespmem:s18+$0x70]  }
0xef: {  	vm0 =	veq.s32 v58, $0x1;
	vm3 =	veq.s32 v60, $0x1;
	v62 =	vnsel vm1, $0x0, v52;
	v50 =	vld [tilespmem:s7+$0x70]  }
0xf0: {  	vm1 =	veq.s32 v60, $0x2;
	v63 =	vnsel vm3, $0x0, v52;
	[tilespmem:v53+s25+$0x0] =	vst.idx.msk $0xffff, v62;
	v53 =	vor.u32 v6, v40  }
0xf1: {  	vm3 =	veq.s32 v60, $0x3;
	v40 =	vor.u32 v7, v40;
	[tilespmem:v54+s25+$0x0] =	vst.idx.msk $0xffff, v63;
	v54 =	vnsel vm1, $0x0, v52  }
0xf2: {  	v60 =	vor.u32 v6, v39;
	v56 =	vnsel vm3, $0x0, v52;
	vm1 =	veq.s32 v47, $0x0;
	[tilespmem:v46+s25+$0x0] =	vst.idx.msk $0xffff, v54  }
0xf3: {  	v39 =	vor.u32 v7, v39;
	[tilespmem:v57+s25+$0x0] =	vst.idx.msk $0xffff, v56;
	v62 =	vnsel vm1, $0x0, v51;
	vm1 =	veq.s32 v44, $0x0  }
0xf4: {  	vm9 =	veq.s32 v47, $0x2;
	v54 =	vld [tilespmem:s18+$0xFFFFFFE0];
	[tilespmem:v55+s25+$0x0] =	vst.idx.msk $0xffff, v62;
	v63 =	vnsel vm1, $0x0, v50;
	vm1 =	veq.s32 v44, $0x1  }
0xf5: {  	vm3 =	veq.s32 v47, $0x1;
	[tilespmem:v53+s25+$0x0] =	vst.idx.msk $0xffff, v63;
	v55 =	vnsel vm1, $0x0, v50;
	vm1 =	veq.s32 v44, $0x2  }
0xf6: {  	v52 =	vor.u32 v5, v33;
	vm10 =	veq.s32 v44, $0x3;
	v53 =	vld [tilespmem:s7+$0xFFFFFFE0];
	[tilespmem:v40+s25+$0x0] =	vst.idx.msk $0xffff, v55;
	v56 =	vnsel vm1, $0x0, v50  }
0xf7: {  	v57 =	vnsel vm3, $0x0, v51;
	v44 =	vnsel vm10, $0x0, v50;
	v63 =	vadd.s32 $0x400, v24;
	[tilespmem:v60+s25+$0x0] =	vst.idx.msk $0xffff, v56  }
0xf8: {  	v24 =	vadd.s32 $0x800, v24;
	vm1 =	veq.s32 v47, $0x3;
	v47 =	vor.u32 v4, v31;
	[tilespmem:v39+s25+$0x0] =	vst.idx.msk $0xffff, v44  }
0xf9: {  	[tilespmem:v59+s25+$0x0] =	vst.idx.msk $0xffff, v57;
	v40 =	vor.u32 v5, v31;
	vm3 =	veq.s32 v54, $0x1;
	v60 =	vnsel vm9, $0x0, v51;
	v44 =	vld [tilespmem:s18+$0x80]  }
0xfa: {  	v34 =	vor.u32 v25, v63;
	v62 =	vnsel vm1, $0x0, v51;
	vm1 =	veq.s32 v54, $0x0;
	[tilespmem:v49+s25+$0x0] =	vst.idx.msk $0xffff, v60;
	v50 =	vld [tilespmem:s7+$0x80]  }
0xfb: {  	v46 =	vor.u32 v0, v34;
	v39 =	vor.u32 v26, v63;
	[tilespmem:v48+s25+$0x0] =	vst.idx.msk $0xffff, v62;
	v55 =	vnsel vm1, $0x0, v53  }
0xfc: {  	vm1 =	veq.s32 v54, $0x2;
	v56 =	vnsel vm3, $0x0, v53;
	[tilespmem:v43+s25+$0x0] =	vst.idx.msk $0xffff, v55;
	v43 =	vor.u32 v1, v34  }
0xfd: {  	vm11 =	veq.s32 v54, $0x3;
	v49 =	vld [tilespmem:s10+$0xFFFFFF80];
	v59 =	vor.u32 v0, v39;
	v57 =	vnsel vm1, $0x0, v53;
	[tilespmem:v45+s25+$0x0] =	vst.idx.msk $0xffff, v56  }
0xfe: {  	v62 =	vor.u32 v1, v39;
	v60 =	vld [tilespmem:s18+$0xFFFFFF60];
	v53 =	vnsel vm11, $0x0, v53;
	[tilespmem:v32+s25+$0x0] =	vst.idx.msk $0xffff, v57;
	vm1 =	veq.s32 v44, $0x0  }
0xff: {  	v25 =	vor.u32 v25, v24;
	[tilespmem:v42+s25+$0x0] =	vst.idx.msk $0xffff, v53;
	v42 =	vld [tilespmem:s7+$0xFFFFFF60];
	v63 =	vnsel vm1, $0x0, v50;
	vm1 =	veq.s32 v44, $0x1  }
0x100: {  	v24 =	vor.u32 v26, v24;
	vm12 =	veq.s32 v44, $0x2;
	[tilespmem:v46+s25+$0x0] =	vst.idx.msk $0xffff, v63;
	v56 =	vnsel vm1, $0x0, v50  }
0x101: {  	v51 =	vor.u32 v6, v38;
	vm13 =	veq.s32 v44, $0x3;
	v57 =	vnsel vm12, $0x0, v50;
	[tilespmem:v43+s25+$0x0] =	vst.idx.msk $0xffff, v56  }
0x102: {  	vm3 =	veq.s32 v58, $0x2;
	vm1 =	veq.s32 v58, $0x3;
	v58 =	vnsel vm13, $0x0, v50;
	[tilespmem:v59+s25+$0x0] =	vst.idx.msk $0xffff, v57  }
0x103: {  	v48 =	vor.u32 v6, v33;
	v43 =	vld [tilespmem:s18+$0xFFFFFFF0];
	v59 =	vnsel vm2, $0x0, v49;
	vm2 =	veq.s32 v60, $0x0;
	[tilespmem:v62+s25+$0x0] =	vst.idx.msk $0xffff, v58  }
0x104: {  	vm14 =	veq.s32 v60, $0x1;
	vm15 =	veq.s32 v60, $0x3;
	v46 =	vld [tilespmem:s7+$0xFFFFFFF0];
	[tilespmem:v30+s25+$0x0] =	vst.idx.msk $0xffff, v59;
	v30 =	vnsel vm2, $0x0, v42  }
0x105: {  	v50 =	vor.u32 v7, v33;
	vm2 =	veq.s32 v60, $0x2;
	v60 =	vnsel vm14, $0x0, v42;
	v33 =	vld [tilespmem:s18+$0x90];
	[tilespmem:v41+s25+$0x0] =	vst.idx.msk $0xffff, v30  }
0x106: {  	v38 =	vor.u32 v7, v38;
	v54 =	vor.u32 v3, v34;
	v30 =	vld [tilespmem:s7+$0x90];
	v62 =	vnsel vm2, $0x0, v42;
	[tilespmem:v52+s25+$0x0] =	vst.idx.msk $0xffff, v60  }
0x107: {  	v44 =	vor.u32 v6, v35;
	v63 =	vor.u32 v2, v34;
	v52 =	vnsel vm0, $0x0, v49;
	[tilespmem:v47+s25+$0x0] =	vst.idx.msk $0xffff, v62  }
0x108: {  	v56 =	vor.u32 v2, v39;
	v53 =	vnsel vm15, $0x0, v42;
	vm2 =	veq.s32 v43, $0x0;
	[tilespmem:v29+s25+$0x0] =	vst.idx.msk $0xffff, v52  }
0x109: {  	v58 =	vor.u32 v3, v39;
	vm8 =	veq.s32 v43, $0x1;
	[tilespmem:v40+s25+$0x0] =	vst.idx.msk $0xffff, v53;
	v55 =	vnsel vm2, $0x0, v46  }
0x10a: {  	v41 =	vor.u32 v6, v31;
	v57 =	vnsel vm8, $0x0, v46;
	[tilespmem:v51+s25+$0x0] =	vst.idx.msk $0xffff, v55;
	vm2 =	veq.s32 v33, $0x0  }
0x10b: {  	v51 =	vor.u32 v7, v31;
	v59 =	vld [tilespmem:s18+$0xFFFFFF70];
	[tilespmem:v38+s25+$0x0] =	vst.idx.msk $0xffff, v57;
	v31 =	vnsel vm2, $0x0, v30;
	vm2 =	veq.s32 v33, $0x1  }
0x10c: {  	v35 =	vor.u32 v7, v35;
	v60 =	vld [tilespmem:s7+$0xFFFFFF70];
	[tilespmem:v63+s25+$0x0] =	vst.idx.msk $0xffff, v31;
	v31 =	vnsel vm2, $0x0, v30;
	vm2 =	veq.s32 v33, $0x2  }
0x10d: {  	v32 =	vor.u32 v20, v36;
	v62 =	vnsel vm2, $0x0, v30;
	vm2 =	veq.s32 v33, $0x3;
	[tilespmem:v54+s25+$0x0] =	vst.idx.msk $0xffff, v31  }
0x10e: {  	vm9 =	veq.s32 v43, $0x2;
	vm10 =	veq.s32 v43, $0x3;
	v30 =	vnsel vm2, $0x0, v30;
	[tilespmem:v56+s25+$0x0] =	vst.idx.msk $0xffff, v62  }
0x10f: {  	v43 =	vnsel vm10, $0x0, v46;
	v55 =	vor.u32 v4, v34;
	v63 =	vnsel vm9, $0x0, v46;
	[tilespmem:v58+s25+$0x0] =	vst.idx.msk $0xffff, v30  }
0x110: {  	v31 =	vor.u32 v18, v37;
	[tilespmem:v44+s25+$0x0] =	vst.idx.msk $0xffff, v63;
	vm0 =	veq.s32 v59, $0x0;
	v30 =	vor.u32 v17, v37;
	v37 =	vld [tilespmem:s18+$0xA0]  }
0x111: {  	v57 =	vor.u32 v5, v34;
	vm2 =	veq.s32 v59, $0x1;
	[tilespmem:v35+s25+$0x0] =	vst.idx.msk $0xffff, v43;
	v53 =	vnsel vm0, $0x0, v60;
	v35 =	vld [tilespmem:s7+$0xA0]  }
0x112: {  	v33 =	vor.u32 v19, v36;
	vm0 =	veq.s32 v59, $0x2;
	v54 =	vnsel vm2, $0x0, v60;
	[tilespmem:v48+s25+$0x0] =	vst.idx.msk $0xffff, v53  }
0x113: {  	v18 =	vor.u32 v18, v22;
	vm2 =	veq.s32 v59, $0x3;
	v56 =	vnsel vm0, $0x0, v60;
	[tilespmem:v50+s25+$0x0] =	vst.idx.msk $0xffff, v54  }
0x114: {  	v40 =	vor.u32 v0, v33;
	v58 =	vor.u32 v4, v39;
	v45 =	vnsel vm2, $0x0, v60;
	[tilespmem:v41+s25+$0x0] =	vst.idx.msk $0xffff, v56  }
0x115: {  	v59 =	vld [tilespmem:s18+$0x0];
	v60 =	vor.u32 v5, v39;
	[tilespmem:v51+s25+$0x0] =	vst.idx.msk $0xffff, v45;
	v51 =	vnsel vm3, $0x0, v49;
	vm0 =	veq.s32 v37, $0x0  }
0x116: {  	v46 =	vor.u32 v1, v33;
	v63 =	vld [tilespmem:s7+$0x0];
	[tilespmem:v28+s25+$0x0] =	vst.idx.msk $0xffff, v51;
	v29 =	vnsel vm0, $0x0, v35;
	vm0 =	veq.s32 v37, $0x1  }
0x117: {  	v62 =	vor.u32 v1, v32;
	[tilespmem:v55+s25+$0x0] =	vst.idx.msk $0xffff, v29;
	v52 =	vnsel vm0, $0x0, v35;
	vm0 =	veq.s32 v37, $0x2  }
0x118: {  	v53 =	vor.u32 v0, v31;
	vm2 =	veq.s32 v37, $0x3;
	[tilespmem:v57+s25+$0x0] =	vst.idx.msk $0xffff, v52;
	v54 =	vnsel vm0, $0x0, v35  }
0x119: {  	v48 =	vor.u32 v3, v33;
	v41 =	vor.u32 v0, v32;
	v29 =	vld [tilespmem:s18+$0xFFFFFF80];
	v35 =	vnsel vm2, $0x0, v35;
	[tilespmem:v58+s25+$0x0] =	vst.idx.msk $0xffff, v54  }
0x11a: {  	v50 =	vor.u32 v3, v32;
	v55 =	vnsel vm1, $0x0, v49;
	vm1 =	veq.s32 v59, $0x0;
	v58 =	vld [tilespmem:s7+$0xFFFFFF80];
	[tilespmem:v60+s25+$0x0] =	vst.idx.msk $0xffff, v35  }
0x11b: {  	v56 =	vor.u32 v1, v31;
	vm2 =	veq.s32 v59, $0x1;
	[tilespmem:v27+s25+$0x0] =	vst.idx.msk $0xffff, v55;
	v27 =	vnsel vm1, $0x0, v63;
	v28 =	vld [tilespmem:s18+$0xB0]  }
0x11c: {  	vm3 =	veq.s32 v59, $0x2;
	vm11 =	veq.s32 v59, $0x3;
	[tilespmem:v40+s25+$0x0] =	vst.idx.msk $0xffff, v27;
	v27 =	vnsel vm2, $0x0, v63;
	v59 =	vld [tilespmem:s7+$0xB0]  }
0x11d: {  	v60 =	vor.u32 v6, v34;
	[tilespmem:v46+s25+$0x0] =	vst.idx.msk $0xffff, v27;
	v27 =	vnsel vm3, $0x0, v63;
	v34 =	vor.u32 v7, v34  }
0x11e: {  	[tilespmem:v41+s25+$0x0] =	vst.idx.msk $0xffff, v27;
	v27 =	vnsel vm11, $0x0, v63;
	vm12 =	veq.s32 v29, $0x0;
	vm1 =	veq.s32 v29, $0x1  }
0x11f: {  	v44 =	vld [tilespmem:s13+$0x10];
	vm2 =	veq.s32 v29, $0x2;
	vm3 =	veq.s32 v29, $0x3;
	v29 =	vor.u32 v6, v39  }
0x120: {  	[tilespmem:v62+s25+$0x0] =	vst.idx.msk $0xffff, v27;
	v39 =	vor.u32 v7, v39;
	v27 =	vnsel vm12, $0x0, v58;
	vm13 =	veq.s32 v28, $0x0  }
0x121: {  	v57 =	vor.u32 v0, v30;
	v26 =	vld [tilespmem:s13+$0xFFFFFF90];
	[tilespmem:v53+s25+$0x0] =	vst.idx.msk $0xffff, v27;
	vm14 =	veq.s32 v28, $0x1;
	v27 =	vnsel vm13, $0x0, v59  }
0x122: {  	v62 =	vor.u32 v1, v30;
	vm15 =	veq.s32 v28, $0x2;
	v45 =	vnsel vm14, $0x0, v59;
	[tilespmem:v60+s25+$0x0] =	vst.idx.msk $0xffff, v27;
	v27 =	vld [tilespmem:s18+$0x10]  }
0x123: {  	v47 =	vld [tilespmem:s7+$0x10];
	v46 =	vnsel vm1, $0x0, v58;
	vm1 =	veq.s32 v28, $0x3;
	v28 =	vnsel vm15, $0x0, v59;
	[tilespmem:v34+s25+$0x0] =	vst.idx.msk $0xffff, v45  }
0x124: {  	vm4 =	veq.s32 v44, $0x0;
	v63 =	vor.u32 v2, v33;
	v36 =	vnsel vm1, $0x0, v59;
	[tilespmem:v29+s25+$0x0] =	vst.idx.msk $0xffff, v28  }
0x125: {  	s8 =	simm.s32 $0x7A20;
	v51 =	vor.u32 v2, v31;
	v49 =	vor.u32 v2, v32;
	vm0 =	veq.s32 v44, $0x1;
	[tilespmem:v39+s25+$0x0] =	vst.idx.msk $0xffff, v36  }
0x126: {  	s9 =	simm.s32 $0x1A20;
	v54 =	vor.u32 v1, v25;
	vm6 =	veq.s32 v26, $0x1;
	[tilespmem:v56+s25+$0x0] =	vst.idx.msk $0xffff, v46;
	v28 =	vnsel vm2, $0x0, v58;
	v52 =	vld [tilespmem:s8+$0x60]  }
0x127: {  	vm5 =	veq.s32 v26, $0x2;
	v29 =	vnsel vm3, $0x0, v58;
	[tilespmem:v57+s25+$0x0] =	vst.idx.msk $0xffff, v28;
	v28 =	vld [tilespmem:s9+$0x60];
	vm2 =	veq.s32 v27, $0x0  }
0x128: {  	v53 =	vor.u32 v0, v25;
	[tilespmem:v62+s25+$0x0] =	vst.idx.msk $0xffff, v29;
	vm3 =	veq.s32 v27, $0x1;
	v29 =	vnsel vm2, $0x0, v47  }
0x129: {  	v56 =	vor.u32 v3, v31;
	vm8 =	veq.s32 v27, $0x2;
	[tilespmem:v63+s25+$0x0] =	vst.idx.msk $0xffff, v29;
	v29 =	vnsel vm3, $0x0, v47  }
0x12a: {  	vm2 =	veq.s32 v27, $0x3;
	v27 =	vnsel vm8, $0x0, v47;
	[tilespmem:v48+s25+$0x0] =	vst.idx.msk $0xffff, v29;
	v29 =	vor.u32 v0, v24  }
0x12b: {  	v55 =	vld [tilespmem:s18+$0xFFFFFF90];
	v37 =	vnsel vm2, $0x0, v47;
	[tilespmem:v49+s25+$0x0] =	vst.idx.msk $0xffff, v27;
	vm2 =	veq.s32 v52, $0x0;
	v27 =	vor.u32 v1, v24  }
0x12c: {  	vm1 =	veq.s32 v44, $0x2;
	v57 =	vld [tilespmem:s7+$0xFFFFFF90];
	[tilespmem:v50+s25+$0x0] =	vst.idx.msk $0xffff, v37;
	v58 =	vnsel vm2, $0x0, v28;
	vm2 =	veq.s32 v52, $0x1  }
0x12d: {  	v59 =	vor.u32 v2, v30;
	[tilespmem:v53+s25+$0x0] =	vst.idx.msk $0xffff, v58;
	v60 =	vnsel vm2, $0x0, v28;
	vm2 =	veq.s32 v52, $0x2  }
0x12e: {  	v45 =	vor.u32 v5, v33;
	vm9 =	veq.s32 v52, $0x3;
	[tilespmem:v54+s25+$0x0] =	vst.idx.msk $0xffff, v60;
	v63 =	vnsel vm2, $0x0, v28  }
0x12f: {  	v62 =	vor.u32 v3, v30;
	vm3 =	veq.s32 v44, $0x3;
	v28 =	vnsel vm9, $0x0, v28;
	[tilespmem:v29+s25+$0x0] =	vst.idx.msk $0xffff, v63;
	v29 =	vld [tilespmem:s18+$0x20]  }
0x130: {  	v44 =	vor.u32 v4, v33;
	v47 =	vor.u32 v5, v32;
	vm10 =	veq.s32 v55, $0x0;
	[tilespmem:v27+s25+$0x0] =	vst.idx.msk $0xffff, v28;
	v28 =	vld [tilespmem:s7+$0x20]  }
0x131: {  	[tilespmem:v15+s25+$0x0] =	vst.idx.msk $0xffff, v21;
	v49 =	vor.u32 v2, v25;
	vm11 =	veq.s32 v55, $0x1;
	v15 =	vnsel vm10, $0x0, v57;
	v21 =	vld [tilespmem:s8+$0x70]  }
0x132: {  	vm12 =	veq.s32 v55, $0x2;
	vm13 =	veq.s32 v55, $0x3;
	v46 =	vnsel vm11, $0x0, v57;
	[tilespmem:v51+s25+$0x0] =	vst.idx.msk $0xffff, v15;
	v15 =	vld [tilespmem:s9+$0x70]  }
0x133: {  	v50 =	vor.u32 v3, v25;
	v55 =	vor.u32 v4, v31;
	v48 =	vnsel vm12, $0x0, v57;
	[tilespmem:v56+s25+$0x0] =	vst.idx.msk $0xffff, v46  }
0x134: {  	v37 =	vnsel vm13, $0x0, v57;
	v52 =	vor.u32 v2, v24;
	[tilespmem:v59+s25+$0x0] =	vst.idx.msk $0xffff, v48;
	vm14 =	veq.s32 v29, $0x0  }
0x135: {  	v54 =	vor.u32 v3, v24;
	[tilespmem:v62+s25+$0x0] =	vst.idx.msk $0xffff, v37;
	vm15 =	veq.s32 v29, $0x1;
	v51 =	vnsel vm14, $0x0, v28  }
0x136: {  	v27 =	vor.u32 v4, v32;
	v53 =	vnsel vm15, $0x0, v28;
	[tilespmem:v44+s25+$0x0] =	vst.idx.msk $0xffff, v51;
	vm9 =	veq.s32 v21, $0x0  }
0x137: {  	v57 =	vld [tilespmem:s18+$0xFFFFFFA0];
	vm11 =	veq.s32 v29, $0x2;
	vm10 =	veq.s32 v21, $0x1;
	[tilespmem:v45+s25+$0x0] =	vst.idx.msk $0xffff, v53;
	v56 =	vnsel vm9, $0x0, v15  }
0x138: {  	vm13 =	veq.s32 v29, $0x3;
	v29 =	vld [tilespmem:s7+$0xFFFFFFA0];
	vm12 =	veq.s32 v21, $0x2;
	v58 =	vnsel vm10, $0x0, v15;
	[tilespmem:v49+s25+$0x0] =	vst.idx.msk $0xffff, v56  }
0x139: {  	vm2 =	veq.s32 v26, $0x0;
	vm14 =	veq.s32 v21, $0x3;
	v59 =	vnsel vm12, $0x0, v15;
	[tilespmem:v50+s25+$0x0] =	vst.idx.msk $0xffff, v58  }
0x13a: {  	v60 =	vor.u32 v5, v31;
	v63 =	vor.u32 v5, v30;
	v15 =	vnsel vm14, $0x0, v15;
	[tilespmem:v52+s25+$0x0] =	vst.idx.msk $0xffff, v59  }
0x13b: {  	v48 =	vor.u32 v6, v31;
	v62 =	vor.u32 v4, v30;
	v21 =	vnsel vm11, $0x0, v28;
	[tilespmem:v54+s25+$0x0] =	vst.idx.msk $0xffff, v15;
	v15 =	vld [tilespmem:s10+$0x10]  }
0x13c: {  	v28 =	vnsel vm13, $0x0, v28;
	v44 =	vor.u32 v6, v33;
	vm15 =	veq.s32 v57, $0x0;
	[tilespmem:v27+s25+$0x0] =	vst.idx.msk $0xffff, v21;
	v21 =	vld [tilespmem:s8+$0x80]  }
0x13d: {  	v33 =	vor.u32 v7, v33;
	vm9 =	veq.s32 v57, $0x1;
	v27 =	vnsel vm15, $0x0, v29;
	[tilespmem:v47+s25+$0x0] =	vst.idx.msk $0xffff, v28;
	v28 =	vld [tilespmem:s9+$0x80]  }
0x13e: {  	vm10 =	veq.s32 v57, $0x2;
	v46 =	vnsel vm9, $0x0, v29;
	[tilespmem:v55+s25+$0x0] =	vst.idx.msk $0xffff, v27;
	v27 =	vor.u32 v4, v25  }
0x13f: {  	vm11 =	veq.s32 v57, $0x3;
	v49 =	vor.u32 v5, v25;
	v47 =	vnsel vm10, $0x0, v29;
	[tilespmem:v60+s25+$0x0] =	vst.idx.msk $0xffff, v46  }
0x140: {  	v51 =	vor.u32 v4, v24;
	v45 =	vor.u32 v6, v32;
	v29 =	vnsel vm11, $0x0, v29;
	v50 =	vld [tilespmem:s18+$0x30];
	[tilespmem:v62+s25+$0x0] =	vst.idx.msk $0xffff, v47  }
0x141: {  	v53 =	vor.u32 v5, v24;
	v52 =	vld [tilespmem:s7+$0x30];
	[tilespmem:v63+s25+$0x0] =	vst.idx.msk $0xffff, v29;
	v29 =	vnsel vm4, $0x0, v15;
	vm12 =	veq.s32 v21, $0x0  }
0x142: {  	v32 =	vor.u32 v7, v32;
	[tilespmem:v14+s25+$0x0] =	vst.idx.msk $0xffff, v29;
	vm13 =	veq.s32 v21, $0x1;
	v14 =	vnsel vm12, $0x0, v28  }
0x143: {  	vm4 =	veq.s32 v26, $0x3;
	vm14 =	veq.s32 v21, $0x2;
	[tilespmem:v27+s25+$0x0] =	vst.idx.msk $0xffff, v14;
	v14 =	vnsel vm13, $0x0, v28  }
0x144: {  	v26 =	vld [tilespmem:s18+$0xFFFFFFB0];
	vm8 =	veq.s32 v21, $0x3;
	[tilespmem:v49+s25+$0x0] =	vst.idx.msk $0xffff, v14;
	v14 =	vor.u32 v19, v23;
	v19 =	vnsel vm14, $0x0, v28  }
0x145: {  	vm15 =	veq.s32 v50, $0x0;
	v21 =	vnsel vm8, $0x0, v28;
	[tilespmem:v51+s25+$0x0] =	vst.idx.msk $0xffff, v19;
	v19 =	vor.u32 v20, v23;
	v20 =	vld [tilespmem:s7+$0xFFFFFFB0]  }
0x146: {  	v31 =	vor.u32 v7, v31;
	vm12 =	veq.s32 v50, $0x1;
	[tilespmem:v53+s25+$0x0] =	vst.idx.msk $0xffff, v21;
	v21 =	vnsel vm15, $0x0, v52  }
0x147: {  	vm9 =	veq.s32 v50, $0x2;
	vm13 =	veq.s32 v50, $0x3;
	[tilespmem:v44+s25+$0x0] =	vst.idx.msk $0xffff, v21;
	v21 =	vnsel vm12, $0x0, v52;
	v27 =	vld [tilespmem:s8+$0x90]  }
0x148: {  	v28 =	vor.u32 v7, v30;
	v23 =	vor.u32 v6, v30;
	v29 =	vld [tilespmem:s9+$0x90];
	[tilespmem:v33+s25+$0x0] =	vst.idx.msk $0xffff, v21;
	v21 =	vnsel vm9, $0x0, v52  }
0x149: {  	vm14 =	veq.s32 v26, $0x0;
	v30 =	vor.u32 v6, v25;
	[tilespmem:v45+s25+$0x0] =	vst.idx.msk $0xffff, v21;
	v21 =	vnsel vm13, $0x0, v52  }
0x14a: {  	v34 =	vor.u32 v7, v18;
	vm15 =	veq.s32 v26, $0x1;
	[tilespmem:v32+s25+$0x0] =	vst.idx.msk $0xffff, v21;
	v21 =	vnsel vm14, $0x0, v20  }
0x14b: {  	v25 =	vor.u32 v7, v25;
	vm12 =	veq.s32 v26, $0x2;
	[tilespmem:v48+s25+$0x0] =	vst.idx.msk $0xffff, v21;
	v21 =	vnsel vm15, $0x0, v20  }
0x14c: {  	vm13 =	veq.s32 v26, $0x3;
	v26 =	vnsel vm12, $0x0, v20;
	[tilespmem:v31+s25+$0x0] =	vst.idx.msk $0xffff, v21;
	vm14 =	veq.s32 v27, $0x0  }
0x14d: {  	v57 =	vor.u32 v3, v18;
	v54 =	vor.u32 v6, v24;
	v21 =	vld [tilespmem:s8+$0xFFFFFFE0];
	[tilespmem:v23+s25+$0x0] =	vst.idx.msk $0xffff, v26;
	v23 =	vnsel vm14, $0x0, v29  }
0x14e: {  	v24 =	vor.u32 v7, v24;
	v20 =	vnsel vm13, $0x0, v20;
	v31 =	vld [tilespmem:s9+$0xFFFFFFE0];
	vm15 =	veq.s32 v27, $0x1;
	[tilespmem:v30+s25+$0x0] =	vst.idx.msk $0xffff, v23  }
0x14f: {  	v55 =	vor.u32 v17, v22;
	v26 =	vor.u32 v0, v14;
	v23 =	vnsel vm15, $0x0, v29;
	[tilespmem:v28+s25+$0x0] =	vst.idx.msk $0xffff, v20  }
0x150: {  	vm12 =	veq.s32 v27, $0x2;
	v30 =	vor.u32 v1, v14;
	v20 =	vnsel vm0, $0x0, v15;
	[tilespmem:v25+s25+$0x0] =	vst.idx.msk $0xffff, v23  }
0x151: {  	v17 =	vor.u32 v0, v19;
	vm13 =	veq.s32 v27, $0x3;
	v23 =	vnsel vm12, $0x0, v29;
	[tilespmem:v13+s25+$0x0] =	vst.idx.msk $0xffff, v20  }
0x152: {  	v22 =	vor.u32 v1, v19;
	[tilespmem:v54+s25+$0x0] =	vst.idx.msk $0xffff, v23;
	v23 =	vnsel vm13, $0x0, v29;
	vm14 =	veq.s32 v21, $0x0  }
0x153: {  	v58 =	vor.u32 v2, v55;
	vm0 =	veq.s32 v21, $0x1;
	[tilespmem:v24+s25+$0x0] =	vst.idx.msk $0xffff, v23;
	v23 =	vld [tilespmem:s8+$0xFFFFFF60];
	v25 =	vnsel vm14, $0x0, v31  }
0x154: {  	v59 =	vor.u32 v3, v55;
	v28 =	vld [tilespmem:s9+$0xFFFFFF60];
	vm15 =	veq.s32 v21, $0x2;
	v27 =	vnsel vm0, $0x0, v31;
	[tilespmem:v26+s25+$0x0] =	vst.idx.msk $0xffff, v25  }
0x155: {  	v24 =	vor.u32 v0, v18;
	vm0 =	veq.s32 v21, $0x3;
	v21 =	vnsel vm15, $0x0, v31;
	[tilespmem:v30+s25+$0x0] =	vst.idx.msk $0xffff, v27  }
0x156: {  	v56 =	vor.u32 v3, v19;
	v25 =	vor.u32 v1, v18;
	v26 =	vnsel vm0, $0x0, v31;
	[tilespmem:v17+s25+$0x0] =	vst.idx.msk $0xffff, v21  }
0x157: {  	v29 =	vor.u32 v1, v55;
	v31 =	vnsel vm1, $0x0, v15;
	v27 =	vor.u32 v0, v55;
	v17 =	vld [tilespmem:s10+$0xFFFFFF90];
	[tilespmem:v22+s25+$0x0] =	vst.idx.msk $0xffff, v26  }
0x158: {  	v15 =	vnsel vm3, $0x0, v15;
	v30 =	vor.u32 v3, v14;
	[tilespmem:v12+s25+$0x0] =	vst.idx.msk $0xffff, v31;
	vm0 =	veq.s32 v23, $0x0;
	v13 =	vld [tilespmem:s8+$0xFFFFFFF0]  }
0x159: {  	v31 =	vor.u32 v2, v18;
	[tilespmem:v11+s25+$0x0] =	vst.idx.msk $0xffff, v15;
	vm1 =	veq.s32 v23, $0x1;
	v20 =	vnsel vm0, $0x0, v28;
	v12 =	vld [tilespmem:s9+$0xFFFFFFF0]  }
0x15a: {  	v21 =	vor.u32 v2, v14;
	vm0 =	veq.s32 v23, $0x2;
	[tilespmem:v24+s25+$0x0] =	vst.idx.msk $0xffff, v20;
	v20 =	vnsel vm1, $0x0, v28  }
0x15b: {  	v15 =	vor.u32 v6, v14;
	vm1 =	veq.s32 v23, $0x3;
	v23 =	vnsel vm0, $0x0, v28;
	[tilespmem:v25+s25+$0x0] =	vst.idx.msk $0xffff, v20  }
0x15c: {  	v22 =	vor.u32 v2, v19;
	v26 =	vor.u32 v5, v14;
	v24 =	vnsel vm1, $0x0, v28;
	[tilespmem:v27+s25+$0x0] =	vst.idx.msk $0xffff, v23  }
0x15d: {  	v25 =	vor.u32 v4, v14;
	v20 =	vnsel vm2, $0x0, v17;
	[tilespmem:v29+s25+$0x0] =	vst.idx.msk $0xffff, v24;
	vm0 =	veq.s32 v13, $0x0  }
0x15e: {  	v28 =	vor.u32 v5, v19;
	[tilespmem:v10+s25+$0x0] =	vst.idx.msk $0xffff, v20;
	vm1 =	veq.s32 v13, $0x1;
	v29 =	vld [tilespmem:s8+$0xFFFFFF70];
	v11 =	vnsel vm0, $0x0, v12  }
0x15f: {  	v60 =	vnsel vm6, $0x0, v17;
	vm0 =	veq.s32 v13, $0x2;
	[tilespmem:v21+s25+$0x0] =	vst.idx.msk $0xffff, v11;
	v11 =	vnsel vm1, $0x0, v12;
	v21 =	vld [tilespmem:s9+$0xFFFFFF70]  }
0x160: {  	v27 =	vor.u32 v4, v19;
	vm1 =	veq.s32 v13, $0x3;
	[tilespmem:v30+s25+$0x0] =	vst.idx.msk $0xffff, v11;
	v11 =	vnsel vm0, $0x0, v12  }
0x161: {  	v62 =	vnsel vm5, $0x0, v17;
	v23 =	vor.u32 v4, v55;
	[tilespmem:v22+s25+$0x0] =	vst.idx.msk $0xffff, v11;
	v11 =	vnsel vm1, $0x0, v12  }
0x162: {  	v17 =	vnsel vm4, $0x0, v17;
	v24 =	vor.u32 v5, v18;
	v10 =	vor.u32 v6, v55;
	[tilespmem:v56+s25+$0x0] =	vst.idx.msk $0xffff, v11  }
0x163: {  	v13 =	vor.u32 v7, v14;
	v14 =	vor.u32 v6, v19;
	vm0 =	veq.s32 v29, $0x0;
	v63 =	vld [tilespmem:s8+$0x0]  }
0x164: {  	[tilespmem:v9+s25+$0x0] =	vst.idx.msk $0xffff, v60;
	v30 =	vor.u32 v4, v18;
	vm1 =	veq.s32 v29, $0x1;
	v20 =	vld [tilespmem:s9+$0x0];
	v9 =	vnsel vm0, $0x0, v21  }
0x165: {  	v22 =	vor.u32 v5, v55;
	vm0 =	veq.s32 v29, $0x2;
	[tilespmem:v31+s25+$0x0] =	vst.idx.msk $0xffff, v9;
	v9 =	vnsel vm1, $0x0, v21  }
0x166: {  	v12 =	vor.u32 v7, v19;
	vm1 =	veq.s32 v29, $0x3;
	[tilespmem:v57+s25+$0x0] =	vst.idx.msk $0xffff, v9;
	v9 =	vnsel vm0, $0x0, v21  }
0x167: {  	v11 =	vor.u32 v6, v18;
	v18 =	vor.u32 v7, v55;
	v19 =	vnsel vm1, $0x0, v21;
	[tilespmem:v58+s25+$0x0] =	vst.idx.msk $0xffff, v9  }
0x168: {  	[tilespmem:v59+s25+$0x0] =	vst.idx.msk $0xffff, v19;
	vm1 =	veq.s32 v63, $0x0;
	vm2 =	veq.s32 v63, $0x1;
	vm0 =	veq.s32 v63, $0x2  }
0x169: {  	s30 =	simm.s32 $0xC;
	s13 =	simm.s32 $0x3;
	s10 =	sadd.s32 s6, s17;
	[tilespmem:v16+s25+$0x0] =	vst.idx.msk $0xffff, v62;
	v32 =	vld [tilespmem:s8+$0xFFFFFF80];
	v19 =	vnsel vm1, $0x0, v20;
	vm1 =	veq.s32 v63, $0x3;
	v16 =	vnsel vm2, $0x0, v20  }
.LBB2_3:
0x16a: {  	s0 =	sadd.s32 $0x4, s30  }
0x16b: {  	v21 =	vmov s30;
	v29 =	vnsel vm0, $0x0, v20;
	[tilespmem:v25+s25+$0x0] =	vst.idx.msk $0xffff, v19;
	v33 =	vmov s0  }
0x16c: {  	s31 =	sadd.s32 $0x2, s30;
	v20 =	vnsel vm1, $0x0, v20;
	v25 =	vshrl.u32 v21, $0x3;
	[tilespmem:v26+s25+$0x0] =	vst.idx.msk $0xffff, v16;
	v26 =	vshrl.u32 v33, $0x3  }
0x16d: {  	s18 =	sadd.s32 $0x180, s18;
	v19 =	vmov s31;
	[tilespmem:v27+s25+$0x0] =	vst.idx.msk $0xffff, v29;
	v27 =	vshll.u32 v33, $0x7;
	v26 =	vmul.u32 $0xC00, v26  }
0x16e: {  	s7 =	sadd.s32 $0x180, s7;
	v21 =	vshll.u32 v21, $0x7;
	v35 =	vld [tilespmem:s18+$0x40];
	v16 =	vshrl.u32 v19, $0x3;
	v27 =	vand.u32 $0x300, v27  }
0x16f: {  	[tilespmem:$0x1FFF0] =	vst v10;
	v10 =	vmovc v18;
	v19 =	vshll.u32 v19, $0x7;
	v18 =	vand.u32 $0x300, v21;
	v21 =	vld [tilespmem:s7+$0x40];
	v40 =	vor.u32 v27, v26  }
0x170: {  	[tilespmem:v28+s25+$0x0] =	vst.idx.msk $0xffff, v20;
	v41 =	vmul.u32 $0xC00, v16;
	v28 =	vor.u32 $0x80, v27;
	v16 =	vor.u32 v0, v40  }
0x171: {  	v42 =	vmul.u32 $0xC00, v25;
	v39 =	vor.u32 v26, v28;
	v43 =	vor.u32 v1, v40  }
0x172: {  	v31 =	vld [tilespmem:s9+$0xFFFFFF80];
	[tilespmem:v61+s25+$0x0] =	vst.idx.msk $0xffff, v17;
	v19 =	vand.u32 $0x300, v19;
	v17 =	vor.u32 $0x80, v18;
	v45 =	vor.u32 v0, v39  }
0x173: {  	v20 =	vor.u32 $0x80, v19;
	vm0 =	veq.s32 v35, $0x0;
	v47 =	vor.u32 v1, v39  }
0x174: {  	[tilespmem:$0x1FFE0] =	vst v34;
	v34 =	vor.u32 v18, v42;
	v48 =	vnsel vm0, $0x0, v21;
	vm0 =	veq.s32 v35, $0x1  }
0x175: {  	v25 =	vld [tilespmem:s18+$0xFFFFFF40];
	v33 =	vor.u32 v42, v17;
	v49 =	vnsel vm0, $0x0, v21;
	vm0 =	veq.s32 v35, $0x2;
	[tilespmem:v16+s25+$0x0] =	vst.idx.msk $0xffff, v48  }
0x176: {  	v44 =	vld [tilespmem:s7+$0xFFFFFF40];
	v38 =	vor.u32 v19, v41;
	v59 =	vnsel vm0, $0x0, v21;
	vm0 =	veq.s32 v35, $0x3;
	[tilespmem:v43+s25+$0x0] =	vst.idx.msk $0xffff, v49  }
0x177: {  	v36 =	vor.u32 v41, v20;
	v60 =	vor.u32 v0, v34;
	v21 =	vnsel vm0, $0x0, v21;
	[tilespmem:v45+s25+$0x0] =	vst.idx.msk $0xffff, v59  }
0x178: {  	v37 =	vld [tilespmem:s18+$0xFFFFFFC0];
	v52 =	vor.u32 v1, v33;
	v48 =	vor.u32 v1, v34;
	[tilespmem:v47+s25+$0x0] =	vst.idx.msk $0xffff, v21  }
0x179: {  	v50 =	vor.u32 v2, v40;
	v53 =	vor.u32 v3, v40;
	v49 =	vor.u32 v0, v33;
	v35 =	vld [tilespmem:s18+$0x50]  }
0x17a: {  	v56 =	vor.u32 v2, v39;
	v57 =	vor.u32 v3, v39;
	vm2 =	veq.s32 v25, $0x0;
	v47 =	vld [tilespmem:s7+$0x50]  }
0x17b: {  	vm4 =	veq.s32 v25, $0x1;
	vm5 =	veq.s32 v25, $0x2;
	v51 =	vnsel vm2, $0x0, v44  }
0x17c: {  	v46 =	vld [tilespmem:s7+$0xFFFFFFC0];
	vm6 =	veq.s32 v25, $0x3;
	v25 =	vor.u32 v1, v38;
	v54 =	vnsel vm4, $0x0, v44;
	[tilespmem:v60+s25+$0x0] =	vst.idx.msk $0xffff, v51  }
0x17d: {  	v55 =	vnsel vm5, $0x0, v44;
	v44 =	vnsel vm6, $0x0, v44;
	vm7 =	veq.s32 v37, $0x0;
	[tilespmem:v48+s25+$0x0] =	vst.idx.msk $0xffff, v54  }
0x17e: {  	vm3 =	veq.s32 v37, $0x1;
	vm1 =	veq.s32 v37, $0x2;
	[tilespmem:v49+s25+$0x0] =	vst.idx.msk $0xffff, v55;
	vm2 =	veq.s32 v35, $0x0  }
0x17f: {  	v21 =	vor.u32 v0, v38;
	[tilespmem:v52+s25+$0x0] =	vst.idx.msk $0xffff, v44;
	v62 =	vnsel vm2, $0x0, v47;
	vm2 =	veq.s32 v35, $0x1  }
0x180: {  	v43 =	vor.u32 v0, v36;
	v59 =	vnsel vm2, $0x0, v47;
	vm2 =	veq.s32 v35, $0x2;
	[tilespmem:v50+s25+$0x0] =	vst.idx.msk $0xffff, v62  }
0x181: {  	v50 =	vnsel vm1, $0x0, v46;
	vm1 =	veq.s32 v35, $0x3;
	v63 =	vnsel vm2, $0x0, v47;
	[tilespmem:v53+s25+$0x0] =	vst.idx.msk $0xffff, v59  }
0x182: {  	v29 =	vld [tilespmem:s8+$0x10];
	vm0 =	veq.s32 v37, $0x3;
	v45 =	vor.u32 v1, v36;
	v35 =	vnsel vm1, $0x0, v47;
	[tilespmem:v56+s25+$0x0] =	vst.idx.msk $0xffff, v63  }
0x183: {  	v61 =	vnsel vm7, $0x0, v46;
	v51 =	vor.u32 v3, v36;
	v60 =	vor.u32 v3, v34;
	v16 =	vld [tilespmem:s9+$0x10];
	[tilespmem:v57+s25+$0x0] =	vst.idx.msk $0xffff, v35  }
0x184: {  	v58 =	vnsel vm3, $0x0, v46;
	v48 =	vor.u32 v5, v38;
	v54 =	vor.u32 v4, v36;
	[tilespmem:v21+s25+$0x0] =	vst.idx.msk $0xffff, v61;
	v59 =	vld [tilespmem:s18+$0x60]  }
0x185: {  	v55 =	vor.u32 v5, v39;
	v44 =	vor.u32 v5, v36;
	v21 =	vadd.s32 $0x800, v42;
	[tilespmem:v25+s25+$0x0] =	vst.idx.msk $0xffff, v58;
	v58 =	vld [tilespmem:s7+$0x60]  }
0x186: {  	v46 =	vnsel vm0, $0x0, v46;
	[tilespmem:v43+s25+$0x0] =	vst.idx.msk $0xffff, v50;
	v35 =	vadd.s32 $0x400, v42;
	v42 =	vor.u32 v4, v40  }
0x187: {  	v37 =	vadd.s32 $0x400, v41;
	v61 =	vor.u32 v2, v33;
	[tilespmem:v45+s25+$0x0] =	vst.idx.msk $0xffff, v46;
	v45 =	vor.u32 v5, v40;
	v63 =	vld [tilespmem:s18+$0xFFFFFF50]  }
0x188: {  	v25 =	vadd.s32 $0x800, v41;
	v41 =	vor.u32 v4, v34;
	v50 =	vor.u32 v4, v39;
	v46 =	vld [tilespmem:s18+$0xFFFFFFD0]  }
0x189: {  	v62 =	vor.u32 v3, v33;
	vm0 =	veq.s32 v32, $0x1;
	v49 =	vld [tilespmem:s7+$0xFFFFFFD0];
	vm2 =	veq.s32 v59, $0x0  }
0x18a: {  	v53 =	vor.u32 v2, v38;
	v52 =	vnsel vm2, $0x0, v58;
	vm2 =	veq.s32 v59, $0x1  }
0x18b: {  	v47 =	vor.u32 v3, v38;
	v8 =	vnsel vm2, $0x0, v58;
	vm2 =	veq.s32 v59, $0x2;
	[tilespmem:v42+s25+$0x0] =	vst.idx.msk $0xffff, v52  }
0x18c: {  	v56 =	vor.u32 v2, v36;
	v9 =	vnsel vm2, $0x0, v58;
	vm2 =	veq.s32 v59, $0x3;
	[tilespmem:v45+s25+$0x0] =	vst.idx.msk $0xffff, v8  }
0x18d: {  	v57 =	vor.u32 v2, v34;
	vm3 =	veq.s32 v46, $0x0;
	v52 =	vld [tilespmem:s7+$0xFFFFFF50];
	v8 =	vnsel vm2, $0x0, v58;
	[tilespmem:v50+s25+$0x0] =	vst.idx.msk $0xffff, v9  }
0x18e: {  	vm13 =	veq.s32 v63, $0x2;
	vm12 =	veq.s32 v46, $0x1;
	v9 =	vnsel vm3, $0x0, v49;
	[tilespmem:v55+s25+$0x0] =	vst.idx.msk $0xffff, v8  }
0x18f: {  	v45 =	vor.u32 v6, v40;
	vm2 =	veq.s32 v46, $0x2;
	v8 =	vnsel vm12, $0x0, v49;
	[tilespmem:v53+s25+$0x0] =	vst.idx.msk $0xffff, v9;
	v9 =	vld [tilespmem:s18+$0x70]  }
0x190: {  	v40 =	vor.u32 v7, v40;
	vm3 =	veq.s32 v46, $0x3;
	v50 =	vnsel vm2, $0x0, v49;
	[tilespmem:v47+s25+$0x0] =	vst.idx.msk $0xffff, v8;
	v8 =	vld [tilespmem:s7+$0x70]  }
0x191: {  	v46 =	vnsel vm3, $0x0, v49;
	vm2 =	veq.s32 v63, $0x0;
	vm3 =	veq.s32 v63, $0x1;
	[tilespmem:v56+s25+$0x0] =	vst.idx.msk $0xffff, v50  }
0x192: {  	v55 =	vnsel vm2, $0x0, v52;
	vm2 =	veq.s32 v63, $0x3;
	v58 =	vnsel vm3, $0x0, v52;
	[tilespmem:v51+s25+$0x0] =	vst.idx.msk $0xffff, v46  }
0x193: {  	v59 =	vnsel vm13, $0x0, v52;
	v46 =	vnsel vm2, $0x0, v52;
	[tilespmem:v57+s25+$0x0] =	vst.idx.msk $0xffff, v55;
	v52 =	vor.u32 v6, v39  }
0x194: {  	v43 =	vor.u32 v4, v38;
	v39 =	vor.u32 v7, v39;
	v51 =	vld [tilespmem:s18+$0xFFFFFFE0];
	[tilespmem:v60+s25+$0x0] =	vst.idx.msk $0xffff, v58;
	vm2 =	veq.s32 v9, $0x0  }
0x195: {  	vm1 =	veq.s32 v32, $0x0;
	v53 =	vld [tilespmem:s7+$0xFFFFFFE0];
	[tilespmem:v61+s25+$0x0] =	vst.idx.msk $0xffff, v59;
	v63 =	vnsel vm2, $0x0, v8;
	vm2 =	veq.s32 v9, $0x1  }
0x196: {  	v42 =	vor.u32 v5, v34;
	v59 =	vnsel vm2, $0x0, v8;
	vm2 =	veq.s32 v9, $0x2;
	[tilespmem:v45+s25+$0x0] =	vst.idx.msk $0xffff, v63  }
0x197: {  	v49 =	vor.u32 v5, v33;
	v60 =	vnsel vm2, $0x0, v8;
	vm2 =	veq.s32 v9, $0x3;
	[tilespmem:v40+s25+$0x0] =	vst.idx.msk $0xffff, v59  }
0x198: {  	v47 =	vor.u32 v4, v33;
	v50 =	vor.u32 v6, v38;
	v8 =	vnsel vm2, $0x0, v8;
	[tilespmem:v52+s25+$0x0] =	vst.idx.msk $0xffff, v60  }
0x199: {  	v56 =	vor.u32 v7, v38;
	v45 =	vor.u32 v6, v36;
	vm3 =	veq.s32 v51, $0x0;
	[tilespmem:v39+s25+$0x0] =	vst.idx.msk $0xffff, v8  }
0x19a: {  	v63 =	vadd.s32 $0x400, v26;
	vm14 =	veq.s32 v51, $0x1;
	v9 =	vnsel vm3, $0x0, v53;
	v40 =	vld [tilespmem:s18+$0x80]  }
0x19b: {  	v38 =	vor.u32 v27, v63;
	vm2 =	veq.s32 v51, $0x2;
	v8 =	vnsel vm14, $0x0, v53;
	[tilespmem:v43+s25+$0x0] =	vst.idx.msk $0xffff, v9;
	v43 =	vld [tilespmem:s7+$0x80]  }
0x19c: {  	vm3 =	veq.s32 v51, $0x3;
	v57 =	vor.u32 v1, v38;
	[tilespmem:v48+s25+$0x0] =	vst.idx.msk $0xffff, v8;
	v8 =	vor.u32 v0, v38  }
0x19d: {  	[tilespmem:v62+s25+$0x0] =	vst.idx.msk $0xffff, v46;
	v62 =	vnsel vm2, $0x0, v53;
	v9 =	vor.u32 v7, v36;
	v36 =	vor.u32 v28, v63  }
0x19e: {  	v55 =	vor.u32 v7, v33;
	v52 =	vld [tilespmem:s18+$0xFFFFFF60];
	v51 =	vnsel vm3, $0x0, v53;
	v58 =	vor.u32 v0, v36;
	[tilespmem:v54+s25+$0x0] =	vst.idx.msk $0xffff, v62  }
0x19f: {  	v59 =	vnsel vm1, $0x0, v31;
	v48 =	vld [tilespmem:s7+$0xFFFFFF60];
	v60 =	vor.u32 v1, v36;
	[tilespmem:v44+s25+$0x0] =	vst.idx.msk $0xffff, v51;
	vm1 =	veq.s32 v40, $0x0  }
0x1a0: {  	v46 =	vor.u32 v7, v34;
	[tilespmem:v30+s25+$0x0] =	vst.idx.msk $0xffff, v59;
	v51 =	vld [tilespmem:s18+$0xFFFFFFF0];
	v62 =	vnsel vm1, $0x0, v43;
	vm1 =	veq.s32 v40, $0x1  }
0x1a1: {  	v53 =	vor.u32 v6, v34;
	v30 =	vld [tilespmem:s7+$0xFFFFFFF0];
	v63 =	vnsel vm1, $0x0, v43;
	vm1 =	veq.s32 v40, $0x2;
	[tilespmem:v8+s25+$0x0] =	vst.idx.msk $0xffff, v62  }
0x1a2: {  	vm2 =	veq.s32 v32, $0x2;
	v8 =	vnsel vm1, $0x0, v43;
	vm1 =	veq.s32 v40, $0x3;
	[tilespmem:v57+s25+$0x0] =	vst.idx.msk $0xffff, v63  }
0x1a3: {  	vm3 =	veq.s32 v32, $0x3;
	vm15 =	veq.s32 v52, $0x0;
	v57 =	vnsel vm1, $0x0, v43;
	[tilespmem:v58+s25+$0x0] =	vst.idx.msk $0xffff, v8  }
0x1a4: {  	v34 =	vor.u32 v19, v37;
	vm9 =	veq.s32 v52, $0x1;
	v8 =	vnsel vm15, $0x0, v48;
	[tilespmem:v60+s25+$0x0] =	vst.idx.msk $0xffff, v57  }
0x1a5: {  	v32 =	vor.u32 v18, v35;
	v58 =	vnsel vm9, $0x0, v48;
	vm1 =	veq.s32 v51, $0x0;
	[tilespmem:v41+s25+$0x0] =	vst.idx.msk $0xffff, v8;
	v8 =	vld [tilespmem:s18+$0x90]  }
0x1a6: {  	v54 =	vor.u32 v2, v38;
	vm10 =	veq.s32 v52, $0x2;
	v62 =	vnsel vm1, $0x0, v30;
	[tilespmem:v42+s25+$0x0] =	vst.idx.msk $0xffff, v58;
	v39 =	vld [tilespmem:s7+$0x90]  }
0x1a7: {  	vm11 =	veq.s32 v52, $0x3;
	v59 =	vnsel vm10, $0x0, v48;
	vm12 =	veq.s32 v51, $0x1;
	[tilespmem:v50+s25+$0x0] =	vst.idx.msk $0xffff, v62  }
0x1a8: {  	v60 =	vnsel vm11, $0x0, v48;
	vm1 =	veq.s32 v51, $0x2;
	v57 =	vor.u32 v3, v38;
	[tilespmem:v47+s25+$0x0] =	vst.idx.msk $0xffff, v59  }
0x1a9: {  	v63 =	vnsel vm12, $0x0, v30;
	v52 =	vnsel vm1, $0x0, v30;
	v59 =	vor.u32 v2, v36;
	[tilespmem:v49+s25+$0x0] =	vst.idx.msk $0xffff, v60  }
0x1aa: {  	v62 =	vor.u32 v3, v36;
	[tilespmem:v56+s25+$0x0] =	vst.idx.msk $0xffff, v63;
	v49 =	vnsel vm0, $0x0, v31;
	v58 =	vld [tilespmem:s18+$0xFFFFFF70];
	vm0 =	veq.s32 v8, $0x0  }
0x1ab: {  	v19 =	vor.u32 v19, v25;
	[tilespmem:v45+s25+$0x0] =	vst.idx.msk $0xffff, v52;
	v60 =	vld [tilespmem:s7+$0xFFFFFF70];
	v63 =	vnsel vm0, $0x0, v39;
	vm0 =	veq.s32 v8, $0x1  }
0x1ac: {  	vm13 =	veq.s32 v51, $0x3;
	v51 =	vnsel vm0, $0x0, v39;
	vm0 =	veq.s32 v8, $0x2;
	[tilespmem:v54+s25+$0x0] =	vst.idx.msk $0xffff, v63  }
0x1ad: {  	v18 =	vor.u32 v18, v21;
	v52 =	vnsel vm0, $0x0, v39;
	vm0 =	veq.s32 v8, $0x3;
	[tilespmem:v57+s25+$0x0] =	vst.idx.msk $0xffff, v51  }
0x1ae: {  	v44 =	vor.u32 v6, v33;
	v33 =	vor.u32 v20, v37;
	v8 =	vnsel vm0, $0x0, v39;
	[tilespmem:v59+s25+$0x0] =	vst.idx.msk $0xffff, v52  }
0x1af: {  	v20 =	vor.u32 v20, v25;
	v43 =	vnsel vm13, $0x0, v30;
	vm1 =	veq.s32 v58, $0x0;
	[tilespmem:v62+s25+$0x0] =	vst.idx.msk $0xffff, v8  }
0x1b0: {  	v37 =	vor.u32 v0, v33;
	[tilespmem:v9+s25+$0x0] =	vst.idx.msk $0xffff, v43;
	vm14 =	veq.s32 v58, $0x1;
	v54 =	vnsel vm1, $0x0, v60;
	v9 =	vld [tilespmem:s18+$0xA0]  }
0x1b1: {  	v41 =	vor.u32 v0, v34;
	vm0 =	veq.s32 v58, $0x2;
	v8 =	vnsel vm14, $0x0, v60;
	[tilespmem:v53+s25+$0x0] =	vst.idx.msk $0xffff, v54;
	v43 =	vld [tilespmem:s7+$0xA0]  }
0x1b2: {  	vm1 =	veq.s32 v58, $0x3;
	v58 =	vor.u32 v4, v38;
	v56 =	vnsel vm0, $0x0, v60;
	[tilespmem:v46+s25+$0x0] =	vst.idx.msk $0xffff, v8  }
0x1b3: {  	v30 =	vor.u32 v17, v35;
	v59 =	vor.u32 v5, v38;
	v57 =	vnsel vm1, $0x0, v60;
	v46 =	vld [tilespmem:s18+$0x0];
	[tilespmem:v44+s25+$0x0] =	vst.idx.msk $0xffff, v56  }
0x1b4: {  	v35 =	vor.u32 v1, v34;
	v60 =	vor.u32 v4, v36;
	v44 =	vld [tilespmem:s7+$0x0];
	[tilespmem:v55+s25+$0x0] =	vst.idx.msk $0xffff, v57  }
0x1b5: {  	v45 =	vnsel vm2, $0x0, v31;
	v63 =	vor.u32 v5, v36;
	v62 =	vld [tilespmem:s18+$0xFFFFFF80];
	[tilespmem:v24+s25+$0x0] =	vst.idx.msk $0xffff, v49;
	vm1 =	veq.s32 v9, $0x0  }
0x1b6: {  	v42 =	vor.u32 v1, v33;
	v24 =	vld [tilespmem:s7+$0xFFFFFF80];
	[tilespmem:v23+s25+$0x0] =	vst.idx.msk $0xffff, v45;
	v57 =	vnsel vm1, $0x0, v43;
	vm1 =	veq.s32 v9, $0x1  }
0x1b7: {  	v40 =	vor.u32 v0, v30;
	v23 =	vnsel vm1, $0x0, v43;
	vm1 =	veq.s32 v9, $0x2;
	[tilespmem:v58+s25+$0x0] =	vst.idx.msk $0xffff, v57  }
0x1b8: {  	v47 =	vor.u32 v3, v32;
	v58 =	vnsel vm1, $0x0, v43;
	vm1 =	veq.s32 v9, $0x3;
	[tilespmem:v59+s25+$0x0] =	vst.idx.msk $0xffff, v23  }
0x1b9: {  	v31 =	vnsel vm3, $0x0, v31;
	v39 =	vor.u32 v1, v32;
	v9 =	vnsel vm1, $0x0, v43;
	[tilespmem:v60+s25+$0x0] =	vst.idx.msk $0xffff, v58  }
0x1ba: {  	v52 =	vor.u32 v1, v30;
	v53 =	vor.u32 v2, v33;
	vm3 =	veq.s32 v46, $0x0;
	[tilespmem:v63+s25+$0x0] =	vst.idx.msk $0xffff, v9  }
0x1bb: {  	v8 =	vor.u32 v0, v32;
	vm15 =	veq.s32 v46, $0x1;
	[tilespmem:v22+s25+$0x0] =	vst.idx.msk $0xffff, v31;
	v9 =	vnsel vm3, $0x0, v44;
	v43 =	vld [tilespmem:s18+$0xB0]  }
0x1bc: {  	v54 =	vor.u32 v6, v36;
	vm12 =	veq.s32 v46, $0x2;
	v23 =	vnsel vm15, $0x0, v44;
	[tilespmem:v41+s25+$0x0] =	vst.idx.msk $0xffff, v9;
	v9 =	vld [tilespmem:s7+$0xB0]  }
0x1bd: {  	vm13 =	veq.s32 v46, $0x3;
	v22 =	vnsel vm12, $0x0, v44;
	[tilespmem:v35+s25+$0x0] =	vst.idx.msk $0xffff, v23;
	v23 =	vor.u32 v6, v38  }
0x1be: {  	v31 =	vld [tilespmem:s8+$0xFFFFFF90];
	vm1 =	veq.s32 v62, $0x0;
	v44 =	vnsel vm13, $0x0, v44;
	v63 =	vor.u32 v7, v38;
	[tilespmem:v37+s25+$0x0] =	vst.idx.msk $0xffff, v22  }
0x1bf: {  	v36 =	vor.u32 v7, v36;
	vm14 =	veq.s32 v62, $0x1;
	v59 =	vnsel vm1, $0x0, v24;
	v22 =	vld [tilespmem:s9+$0xFFFFFF90];
	[tilespmem:v42+s25+$0x0] =	vst.idx.msk $0xffff, v44  }
0x1c0: {  	v49 =	vor.u32 v2, v34;
	v60 =	vnsel vm14, $0x0, v24;
	[tilespmem:v8+s25+$0x0] =	vst.idx.msk $0xffff, v59;
	v8 =	vld [tilespmem:s18+$0x10];
	vm3 =	veq.s32 v43, $0x0  }
0x1c1: {  	vm8 =	veq.s32 v62, $0x2;
	[tilespmem:v39+s25+$0x0] =	vst.idx.msk $0xffff, v60;
	v56 =	vld [tilespmem:s7+$0x10];
	v57 =	vnsel vm3, $0x0, v9;
	vm3 =	veq.s32 v43, $0x1  }
0x1c2: {  	vm9 =	veq.s32 v62, $0x3;
	v58 =	vnsel vm3, $0x0, v9;
	vm3 =	veq.s32 v43, $0x2;
	[tilespmem:v23+s25+$0x0] =	vst.idx.msk $0xffff, v57  }
0x1c3: {  	v62 =	vnsel vm8, $0x0, v24;
	v23 =	vnsel vm3, $0x0, v9;
	vm3 =	veq.s32 v43, $0x3;
	[tilespmem:v63+s25+$0x0] =	vst.idx.msk $0xffff, v58  }
0x1c4: {  	v24 =	vnsel vm9, $0x0, v24;
	v35 =	vor.u32 v3, v34;
	v9 =	vnsel vm3, $0x0, v9;
	[tilespmem:v54+s25+$0x0] =	vst.idx.msk $0xffff, v23  }
0x1c5: {  	s8 =	sadd.s32 $0x180, s8;
	vm3 =	veq.s32 v8, $0x0;
	vm15 =	veq.s32 v8, $0x1;
	vm8 =	veq.s32 v8, $0x2;
	[tilespmem:v36+s25+$0x0] =	vst.idx.msk $0xffff, v9  }
0x1c6: {  	s9 =	sadd.s32 $0x180, s9;
	[tilespmem:v40+s25+$0x0] =	vst.idx.msk $0xffff, v62;
	v23 =	vadd.s32 $0x800, v26;
	v9 =	vnsel vm3, $0x0, v56;
	vm3 =	veq.s32 v8, $0x3;
	v8 =	vld [tilespmem:s8+$0x60]  }
0x1c7: {  	vm4 =	veq.s32 v29, $0x3;
	v55 =	vor.u32 v3, v33;
	[tilespmem:v52+s25+$0x0] =	vst.idx.msk $0xffff, v24;
	v24 =	vor.u32 v27, v23;
	v63 =	vld [tilespmem:s9+$0x60]  }
0x1c8: {  	vm2 =	veq.s32 v29, $0x0;
	v26 =	vnsel vm15, $0x0, v56;
	[tilespmem:v49+s25+$0x0] =	vst.idx.msk $0xffff, v9;
	v52 =	vor.u32 v0, v24  }
0x1c9: {  	vm0 =	veq.s32 v29, $0x1;
	v23 =	vor.u32 v28, v23;
	[tilespmem:v35+s25+$0x0] =	vst.idx.msk $0xffff, v26;
	v26 =	vor.u32 v1, v24  }
0x1ca: {  	vm1 =	veq.s32 v29, $0x2;
	v62 =	vnsel vm8, $0x0, v56;
	v27 =	vld [tilespmem:s18+$0xFFFFFF90];
	v29 =	vor.u32 v0, v23  }
0x1cb: {  	v46 =	vld [tilespmem:s7+$0xFFFFFF90];
	v41 =	vnsel vm3, $0x0, v56;
	[tilespmem:v53+s25+$0x0] =	vst.idx.msk $0xffff, v62;
	v53 =	vor.u32 v1, v23;
	vm9 =	veq.s32 v8, $0x0  }
0x1cc: {  	v39 =	vor.u32 v2, v32;
	[tilespmem:v55+s25+$0x0] =	vst.idx.msk $0xffff, v41;
	vm10 =	veq.s32 v8, $0x1;
	v54 =	vnsel vm9, $0x0, v63  }
0x1cd: {  	v45 =	vor.u32 v5, v30;
	vm11 =	veq.s32 v8, $0x2;
	v56 =	vnsel vm10, $0x0, v63;
	[tilespmem:v52+s25+$0x0] =	vst.idx.msk $0xffff, v54  }
0x1ce: {  	vm7 =	veq.s32 v31, $0x1;
	v41 =	vld [tilespmem:s18+$0x20];
	vm13 =	veq.s32 v8, $0x3;
	v57 =	vnsel vm11, $0x0, v63;
	[tilespmem:v26+s25+$0x0] =	vst.idx.msk $0xffff, v56  }
0x1cf: {  	v59 =	vor.u32 v2, v30;
	vm6 =	veq.s32 v27, $0x0;
	v55 =	vld [tilespmem:s7+$0x20];
	v8 =	vnsel vm13, $0x0, v63;
	[tilespmem:v29+s25+$0x0] =	vst.idx.msk $0xffff, v57  }
0x1d0: {  	vm5 =	veq.s32 v31, $0x2;
	v43 =	vor.u32 v4, v34;
	v26 =	vnsel vm6, $0x0, v46;
	[tilespmem:v53+s25+$0x0] =	vst.idx.msk $0xffff, v8  }
0x1d1: {  	v60 =	vor.u32 v3, v30;
	v9 =	vor.u32 v5, v34;
	vm12 =	veq.s32 v27, $0x1;
	[tilespmem:v39+s25+$0x0] =	vst.idx.msk $0xffff, v26;
	v26 =	vld [tilespmem:s8+$0x70]  }
0x1d2: {  	vm14 =	veq.s32 v27, $0x2;
	vm15 =	veq.s32 v27, $0x3;
	v27 =	vnsel vm12, $0x0, v46;
	v36 =	vld [tilespmem:s9+$0x70]  }
0x1d3: {  	v58 =	vor.u32 v2, v24;
	v29 =	vnsel vm14, $0x0, v46;
	vm11 =	veq.s32 v41, $0x0;
	[tilespmem:v47+s25+$0x0] =	vst.idx.msk $0xffff, v27  }
0x1d4: {  	v38 =	vor.u32 v4, v32;
	v27 =	vnsel vm11, $0x0, v55;
	[tilespmem:v59+s25+$0x0] =	vst.idx.msk $0xffff, v29;
	v59 =	vor.u32 v3, v24  }
0x1d5: {  	v62 =	vor.u32 v2, v23;
	vm12 =	veq.s32 v41, $0x1;
	v8 =	vnsel vm15, $0x0, v46;
	[tilespmem:v43+s25+$0x0] =	vst.idx.msk $0xffff, v27  }
0x1d6: {  	v63 =	vor.u32 v3, v23;
	v29 =	vnsel vm12, $0x0, v55;
	[tilespmem:v60+s25+$0x0] =	vst.idx.msk $0xffff, v8;
	vm15 =	veq.s32 v26, $0x0  }
0x1d7: {  	v28 =	vor.u32 v4, v33;
	[tilespmem:v9+s25+$0x0] =	vst.idx.msk $0xffff, v29;
	v60 =	vld [tilespmem:s18+$0xFFFFFFA0];
	vm8 =	veq.s32 v26, $0x1;
	v29 =	vnsel vm15, $0x0, v36  }
0x1d8: {  	v35 =	vor.u32 v5, v33;
	v47 =	vld [tilespmem:s7+$0xFFFFFFA0];
	vm9 =	veq.s32 v26, $0x2;
	v53 =	vnsel vm8, $0x0, v36;
	[tilespmem:v58+s25+$0x0] =	vst.idx.msk $0xffff, v29  }
0x1d9: {  	v44 =	vor.u32 v4, v30;
	vm10 =	veq.s32 v26, $0x3;
	v54 =	vnsel vm9, $0x0, v36;
	[tilespmem:v59+s25+$0x0] =	vst.idx.msk $0xffff, v53  }
0x1da: {  	vm13 =	veq.s32 v41, $0x2;
	v8 =	vor.u32 v5, v32;
	v26 =	vnsel vm10, $0x0, v36;
	[tilespmem:v62+s25+$0x0] =	vst.idx.msk $0xffff, v54  }
0x1db: {  	vm3 =	veq.s32 v31, $0x0;
	vm14 =	veq.s32 v41, $0x3;
	v39 =	vnsel vm13, $0x0, v55;
	[tilespmem:v63+s25+$0x0] =	vst.idx.msk $0xffff, v26  }
0x1dc: {  	v37 =	vnsel vm14, $0x0, v55;
	[tilespmem:v28+s25+$0x0] =	vst.idx.msk $0xffff, v39;
	vm11 =	veq.s32 v60, $0x0;
	vm12 =	veq.s32 v60, $0x1;
	v28 =	vld [tilespmem:s8+$0x80]  }
0x1dd: {  	[tilespmem:v35+s25+$0x0] =	vst.idx.msk $0xffff, v37;
	vm13 =	veq.s32 v60, $0x2;
	vm14 =	veq.s32 v60, $0x3;
	v55 =	vnsel vm11, $0x0, v47;
	v59 =	vld [tilespmem:s9+$0x80]  }
0x1de: {  	v60 =	vor.u32 v6, v30;
	[tilespmem:v38+s25+$0x0] =	vst.idx.msk $0xffff, v55;
	v62 =	vor.u32 v4, v24;
	v26 =	vnsel vm12, $0x0, v47  }
0x1df: {  	v37 =	vld [tilespmem:s18+$0x30];
	v63 =	vnsel vm2, $0x0, v16;
	[tilespmem:v8+s25+$0x0] =	vst.idx.msk $0xffff, v26;
	v8 =	vor.u32 v7, v30;
	v30 =	vor.u32 v5, v24  }
0x1e0: {  	vm6 =	veq.s32 v31, $0x3;
	v31 =	vor.u32 v4, v23;
	v56 =	vnsel vm13, $0x0, v47;
	v26 =	vld [tilespmem:s7+$0x30];
	[tilespmem:v15+s25+$0x0] =	vst.idx.msk $0xffff, v63  }
0x1e1: {  	v27 =	vor.u32 v6, v34;
	v57 =	vnsel vm14, $0x0, v47;
	[tilespmem:v44+s25+$0x0] =	vst.idx.msk $0xffff, v56;
	vm2 =	veq.s32 v28, $0x0  }
0x1e2: {  	v25 =	vor.u32 v5, v23;
	[tilespmem:v45+s25+$0x0] =	vst.idx.msk $0xffff, v57;
	v44 =	vnsel vm2, $0x0, v59;
	vm2 =	veq.s32 v28, $0x1  }
0x1e3: {  	v9 =	vor.u32 v7, v34;
	v40 =	vld [tilespmem:s18+$0xFFFFFFB0];
	v45 =	vnsel vm2, $0x0, v59;
	vm2 =	veq.s32 v28, $0x2;
	[tilespmem:v62+s25+$0x0] =	vst.idx.msk $0xffff, v44  }
0x1e4: {  	v52 =	vor.u32 v6, v33;
	vm15 =	veq.s32 v37, $0x0;
	v15 =	vld [tilespmem:s7+$0xFFFFFFB0];
	v46 =	vnsel vm2, $0x0, v59;
	[tilespmem:v30+s25+$0x0] =	vst.idx.msk $0xffff, v45  }
0x1e5: {  	v58 =	vor.u32 v6, v32;
	vm2 =	veq.s32 v28, $0x3;
	v30 =	vnsel vm15, $0x0, v26;
	[tilespmem:v31+s25+$0x0] =	vst.idx.msk $0xffff, v46  }
0x1e6: {  	v29 =	vor.u32 v7, v33;
	vm12 =	veq.s32 v37, $0x1;
	v28 =	vnsel vm2, $0x0, v59;
	[tilespmem:v27+s25+$0x0] =	vst.idx.msk $0xffff, v30  }
0x1e7: {  	v32 =	vor.u32 v7, v32;
	vm10 =	veq.s32 v37, $0x2;
	v31 =	vnsel vm12, $0x0, v26;
	[tilespmem:v25+s25+$0x0] =	vst.idx.msk $0xffff, v28  }
0x1e8: {  	v21 =	vor.u32 v17, v21;
	v47 =	vnsel vm10, $0x0, v26;
	vm2 =	veq.s32 v40, $0x0;
	[tilespmem:v9+s25+$0x0] =	vst.idx.msk $0xffff, v31;
	v25 =	vld [tilespmem:s8+$0x90]  }
0x1e9: {  	v17 =	vor.u32 v7, v24;
	vm11 =	veq.s32 v37, $0x3;
	v27 =	vnsel vm2, $0x0, v15;
	v9 =	vld [tilespmem:s9+$0x90];
	[tilespmem:v52+s25+$0x0] =	vst.idx.msk $0xffff, v47  }
0x1ea: {  	vm13 =	veq.s32 v40, $0x1;
	v26 =	vnsel vm11, $0x0, v26;
	v31 =	vor.u32 v6, v24;
	[tilespmem:v58+s25+$0x0] =	vst.idx.msk $0xffff, v27  }
0x1eb: {  	vm14 =	veq.s32 v40, $0x2;
	vm2 =	veq.s32 v40, $0x3;
	v28 =	vnsel vm13, $0x0, v15;
	[tilespmem:v29+s25+$0x0] =	vst.idx.msk $0xffff, v26  }
0x1ec: {  	v30 =	vnsel vm14, $0x0, v15;
	v15 =	vnsel vm2, $0x0, v15;
	v27 =	vor.u32 v6, v23;
	[tilespmem:v32+s25+$0x0] =	vst.idx.msk $0xffff, v28;
	v24 =	vld [tilespmem:s8+$0xFFFFFFE0]  }
0x1ed: {  	v23 =	vor.u32 v7, v23;
	v29 =	vnsel vm0, $0x0, v16;
	v28 =	vld [tilespmem:s9+$0xFFFFFFE0];
	[tilespmem:v60+s25+$0x0] =	vst.idx.msk $0xffff, v30;
	vm0 =	veq.s32 v25, $0x0  }
0x1ee: {  	v26 =	vor.u32 v0, v19;
	[tilespmem:v8+s25+$0x0] =	vst.idx.msk $0xffff, v15;
	v49 =	vnsel vm0, $0x0, v9;
	vm0 =	veq.s32 v25, $0x1  }
0x1ef: {  	v48 =	vor.u32 v1, v19;
	v51 =	vnsel vm0, $0x0, v9;
	vm0 =	veq.s32 v25, $0x2;
	[tilespmem:v31+s25+$0x0] =	vst.idx.msk $0xffff, v49  }
0x1f0: {  	v30 =	vor.u32 v0, v20;
	v52 =	vnsel vm0, $0x0, v9;
	vm0 =	veq.s32 v25, $0x3;
	[tilespmem:v17+s25+$0x0] =	vst.idx.msk $0xffff, v51  }
0x1f1: {  	v50 =	vor.u32 v1, v20;
	vm2 =	veq.s32 v24, $0x0;
	v9 =	vnsel vm0, $0x0, v9;
	[tilespmem:v27+s25+$0x0] =	vst.idx.msk $0xffff, v52  }
0x1f2: {  	vm15 =	veq.s32 v24, $0x1;
	v17 =	vnsel vm2, $0x0, v28;
	[tilespmem:v23+s25+$0x0] =	vst.idx.msk $0xffff, v9;
	v23 =	vld [tilespmem:s8+$0xFFFFFF60]  }
0x1f3: {  	v8 =	vnsel vm15, $0x0, v28;
	v25 =	vld [tilespmem:s9+$0xFFFFFF60];
	vm0 =	veq.s32 v24, $0x2;
	[tilespmem:v26+s25+$0x0] =	vst.idx.msk $0xffff, v17  }
0x1f4: {  	v31 =	vor.u32 v0, v18;
	vm2 =	veq.s32 v24, $0x3;
	v9 =	vnsel vm0, $0x0, v28;
	[tilespmem:v48+s25+$0x0] =	vst.idx.msk $0xffff, v8  }
0x1f5: {  	v15 =	vnsel vm2, $0x0, v28;
	[tilespmem:v30+s25+$0x0] =	vst.idx.msk $0xffff, v9  }
0x1f6: {  	v53 =	vor.u32 v1, v21;
	v24 =	vor.u32 v1, v18;
	v17 =	vnsel vm1, $0x0, v16;
	[tilespmem:v50+s25+$0x0] =	vst.idx.msk $0xffff, v15  }
0x1f7: {  	v28 =	vor.u32 v0, v21;
	v15 =	vld [tilespmem:s8+$0xFFFFFFF0];
	[tilespmem:v13+s25+$0x0] =	vst.idx.msk $0xffff, v29;
	vm0 =	veq.s32 v23, $0x0;
	vm1 =	veq.s32 v23, $0x1  }
0x1f8: {  	vm2 =	veq.s32 v23, $0x2;
	v13 =	vnsel vm0, $0x0, v25;
	vm0 =	veq.s32 v23, $0x3;
	v23 =	vld [tilespmem:s9+$0xFFFFFFF0];
	[tilespmem:v14+s25+$0x0] =	vst.idx.msk $0xffff, v17  }
0x1f9: {  	v54 =	vor.u32 v2, v19;
	v16 =	vnsel vm4, $0x0, v16;
	[tilespmem:v31+s25+$0x0] =	vst.idx.msk $0xffff, v13  }
0x1fa: {  	v55 =	vor.u32 v3, v19;
	v26 =	vnsel vm1, $0x0, v25;
	[tilespmem:v12+s25+$0x0] =	vst.idx.msk $0xffff, v16  }
0x1fb: {  	v8 =	vor.u32 v2, v20;
	v14 =	vnsel vm2, $0x0, v25;
	[tilespmem:v24+s25+$0x0] =	vst.idx.msk $0xffff, v26  }
0x1fc: {  	v56 =	vor.u32 v3, v20;
	v29 =	vnsel vm0, $0x0, v25;
	vm0 =	veq.s32 v15, $0x0;
	[tilespmem:v28+s25+$0x0] =	vst.idx.msk $0xffff, v14  }
0x1fd: {  	vm1 =	veq.s32 v15, $0x1;
	[tilespmem:v53+s25+$0x0] =	vst.idx.msk $0xffff, v29;
	v13 =	vnsel vm0, $0x0, v23  }
0x1fe: {  	v61 =	vmov v10;
	v10 =	vld [tilespmem:$0x1FFE0];
	vm2 =	veq.s32 v15, $0x2;
	v14 =	vnsel vm1, $0x0, v23;
	[tilespmem:v54+s25+$0x0] =	vst.idx.msk $0xffff, v13  }
0x1ff: {  	v29 =	vld [tilespmem:s8+$0xFFFFFF70];
	vm0 =	veq.s32 v15, $0x3;
	v12 =	vnsel vm2, $0x0, v23;
	[tilespmem:v55+s25+$0x0] =	vst.idx.msk $0xffff, v14  }
0x200: {  	v57 =	vor.u32 v2, v18;
	v16 =	vld [tilespmem:s9+$0xFFFFFF70];
	v63 =	vnsel vm0, $0x0, v23;
	[tilespmem:v8+s25+$0x0] =	vst.idx.msk $0xffff, v12  }
0x201: {  	v62 =	vnsel vm7, $0x0, v22;
	v58 =	vor.u32 v3, v18;
	v27 =	vor.u32 v4, v20;
	[tilespmem:v56+s25+$0x0] =	vst.idx.msk $0xffff, v63  }
0x202: {  	v9 =	vnsel vm3, $0x0, v22;
	v25 =	vor.u32 v4, v19;
	v26 =	vor.u32 v5, v19;
	v8 =	vld [tilespmem:s8+$0x0]  }
0x203: {  	v28 =	vor.u32 v5, v20;
	v14 =	vor.u32 v6, v20;
	v12 =	vor.u32 v7, v20;
	v20 =	vld [tilespmem:s9+$0x0]  }
0x204: {  	v15 =	vor.u32 v6, v19;
	v13 =	vor.u32 v7, v19;
	vm0 =	veq.s32 v29, $0x0  }
0x205: {  	[tilespmem:v11+s25+$0x0] =	vst.idx.msk $0xffff, v9;
	vm1 =	veq.s32 v29, $0x1;
	vm2 =	veq.s32 v29, $0x2;
	v9 =	vnsel vm0, $0x0, v16  }
0x206: {  	[tilespmem:v10+s25+$0x0] =	vst.idx.msk $0xffff, v62;
	v19 =	vnsel vm1, $0x0, v16;
	vm0 =	veq.s32 v29, $0x3;
	v29 =	vnsel vm2, $0x0, v16  }
0x207: {  	v16 =	vnsel vm0, $0x0, v16;
	[tilespmem:v57+s25+$0x0] =	vst.idx.msk $0xffff, v9;
	vm1 =	veq.s32 v8, $0x0;
	vm2 =	veq.s32 v8, $0x1  }
0x208: {  	[tilespmem:v58+s25+$0x0] =	vst.idx.msk $0xffff, v19;
	vm0 =	veq.s32 v8, $0x2;
	v19 =	vnsel vm1, $0x0, v20;
	vm1 =	veq.s32 v8, $0x3;
	v8 =	vld [tilespmem:$0x1FFF0]  }
0x209: {  	v59 =	vor.u32 v2, v21  }
0x20a: {  	s13 =	sadd.s32 $0x3, s13;
	v60 =	vor.u32 v3, v21  }
0x20b: {  	p1 =	slt.u32 s13, $0x2D  }
.Ltmp0:
0x20c: {  	v34 =	vor.u32 v7, v18;
	v30 =	vor.u32 v4, v18;
	(pc) =	sbr.rel @p1 .LBB2_3-.Ltmp0, $4  }
0x20d: {  	v17 =	vnsel vm6, $0x0, v22;
	v31 =	vnsel vm5, $0x0, v22;
	v22 =	vor.u32 v5, v21  }
0x20e: {  	v24 =	vor.u32 v5, v18;
	v11 =	vor.u32 v6, v18;
	[tilespmem:v59+s25+$0x0] =	vst.idx.msk $0xffff, v29  }
0x20f: {  	v18 =	vor.u32 v7, v21;
	v9 =	vor.u32 v6, v21;
	[tilespmem:v60+s25+$0x0] =	vst.idx.msk $0xffff, v16  }
0x210: {  	s30 =	sadd.s32 $0x6, s30;
	v23 =	vor.u32 v4, v21;
	v10 =	vmov v9;
	v32 =	vld [tilespmem:s8+$0xFFFFFF80];
	v16 =	vnsel vm2, $0x0, v20;
	[tilespmem:v8+s25+$0x0] =	vst.idx.msk $0xffff, v31  }
0x211: {  	_ =	sdelay $0x1  }
0x212: {  	v8 =	vld [tilespmem:s9+$0xFFFFFF80];
	_ =	sdelay $0x1  }
0x213: {  	[tilespmem:v25+s25+$0x0] =	vst.idx.msk $0xffff, v19  }
0x214: {  	v9 =	vnsel vm0, $0x0, v20;
	[tilespmem:v26+s25+$0x0] =	vst.idx.msk $0xffff, v16  }
0x215: {  	v16 =	vnsel vm1, $0x0, v20;
	[tilespmem:v27+s25+$0x0] =	vst.idx.msk $0xffff, v9;
	vm0 =	veq.s32 v32, $0x0  }
0x216: {  	[tilespmem:v28+s25+$0x0] =	vst.idx.msk $0xffff, v16;
	vm1 =	veq.s32 v32, $0x1;
	v9 =	vnsel vm0, $0x0, v8  }
0x217: {  	v16 =	vld [tilespmem:s8+$0x10];
	vm0 =	veq.s32 v32, $0x2;
	[tilespmem:v30+s25+$0x0] =	vst.idx.msk $0xffff, v9;
	v9 =	vnsel vm1, $0x0, v8  }
0x218: {  	v19 =	vld [tilespmem:s9+$0x10];
	vm1 =	veq.s32 v32, $0x3;
	v20 =	vnsel vm0, $0x0, v8;
	[tilespmem:v24+s25+$0x0] =	vst.idx.msk $0xffff, v9  }
0x219: {  	v8 =	vnsel vm1, $0x0, v8;
	[tilespmem:v23+s25+$0x0] =	vst.idx.msk $0xffff, v20  }
0x21a: {  	[tilespmem:v22+s25+$0x0] =	vst.idx.msk $0xffff, v8  }
0x21b: {  	v8 =	vld [tilespmem:s8+$0xFFFFFF90]  }
0x21c: {  	vm0 =	veq.s32 v16, $0x0;
	v9 =	vld [tilespmem:s9+$0xFFFFFF90]  }
0x21d: {  	[tilespmem:v61+s25+$0x0] =	vst.idx.msk $0xffff, v17;
	vm1 =	veq.s32 v16, $0x1;
	v17 =	vnsel vm0, $0x0, v19  }
0x21e: {  	vm0 =	veq.s32 v16, $0x2;
	[tilespmem:v15+s25+$0x0] =	vst.idx.msk $0xffff, v17;
	v15 =	vnsel vm1, $0x0, v19  }
0x21f: {  	vm1 =	veq.s32 v16, $0x3;
	v16 =	vnsel vm0, $0x0, v19;
	[tilespmem:v13+s25+$0x0] =	vst.idx.msk $0xffff, v15  }
0x220: {  	v13 =	vnsel vm1, $0x0, v19;
	[tilespmem:v14+s25+$0x0] =	vst.idx.msk $0xffff, v16;
	vm0 =	veq.s32 v8, $0x0  }
0x221: {  	[tilespmem:v12+s25+$0x0] =	vst.idx.msk $0xffff, v13;
	vm1 =	veq.s32 v8, $0x1;
	v14 =	vnsel vm0, $0x0, v9  }
0x222: {  	s0 =	sshrl.u32 s10, $0x2;
	vm0 =	veq.s32 v8, $0x2;
	v12 =	vnsel vm1, $0x0, v9;
	[tilespmem:v11+s25+$0x0] =	vst.idx.msk $0xffff, v14  }
0x223: {  	s0 =	smul.u32 $0x180, s0;
	vm1 =	veq.s32 v8, $0x3;
	v8 =	vnsel vm0, $0x0, v9;
	[tilespmem:v34+s25+$0x0] =	vst.idx.msk $0xffff, v12  }
0x224: {  	v9 =	vnsel vm1, $0x0, v9;
	[tilespmem:v10+s25+$0x0] =	vst.idx.msk $0xffff, v8  }
0x225: {  	p1 =	seq.s32 s1, $0x17;
	s0 =	sadd.s32 s2, s0;
	[tilespmem:v18+s25+$0x0] =	vst.idx.msk $0xffff, v9  }
0x226: {  	[hbm4b:s0+s3] =	stream.linear.scatter [tilespmem:s25], [sflag:$0x5], $0x9000, $0x38;
	[tilespmem:$0x1E000] =	vst v63  }
0x227: {  	s0 =	sadd.s32 @!p1 s17, s12  }
0x228: {  	s10 =	simm.s32 @!p1 $0x0;
	s0 =	sshll.u32 @!p1 s0, $0x5  }
0x229: {  	s8 =	simm.s32 @!p1 $0x400;
	s9 =	simm.s32 @!p1 $0x800;
	s7 =	sadd.s32 @!p1 s4, s0  }
0x22a: {  	[tilespmem:s10], [sflag:$0x1] =	stream.strided.gather @!p1 [hbm4b:s7+s8], $0x1800, s9, s8, $0x38;
	[tilespmem:$0x1E000] =	vst v63  }
0x22b: {  	s7 =	sor.u32 @!p1 $0x80, s0  }
0x22c: {  	s13 =	simm.s32 @!p1 $0x1800;
	s10 =	sadd.s32 @!p1 s4, s7  }
0x22d: {  	[tilespmem:s13], [sflag:$0x1] =	stream.strided.gather @!p1 [hbm4b:s10+s8], $0x1800, s9, s8, $0x38;
	[tilespmem:$0x1E000] =	vst v63  }
0x22e: {  	s0 =	sadd.s32 @!p1 s5, s0;
	s10 =	simm.s32 @!p1 $0x6000  }
0x22f: {  	[tilespmem:s10], [sflag:$0x3] =	stream.strided.gather @!p1 [hbm4b:s0+s8], $0x1800, s9, s8, $0x38;
	[tilespmem:$0x1E000] =	vst v63  }
0x230: {  	s0 =	sadd.s32 @!p1 s5, s7;
	s7 =	simm.s32 @!p1 $0x7800  }
0x231: {  	[tilespmem:s7], [sflag:$0x3] =	stream.strided.gather @!p1 [hbm4b:s0+s8], $0x1800, s9, s8, $0x38;
	[tilespmem:$0x1E000] =	vst v63  }
0x232: {  	_ =	swait.ge [sflag:s26], $0x1800  }
0x233: {  	[sflag:s26] =	ssyncset.done $0x0  }
0x234: {  	[sflag:s26] =	ssyncadd.s32 $0xFFFFE800  }
0x235: {  	_ =	swait.ge [sflag:s26], $0x1800  }
0x236: {  	[sflag:s26] =	ssyncset.done $0x0  }
0x237: {  	[sflag:s26] =	ssyncadd.s32 $0xFFFFE800  }
0x238: {  	_ =	swait.ge [sflag:s28], $0x1800  }
0x239: {  	[sflag:s28] =	ssyncset.done $0x0  }
0x23a: {  	[sflag:s28] =	ssyncadd.s32 $0xFFFFE800  }
0x23b: {  	_ =	swait.ge [sflag:s28], $0x1800  }
0x23c: {  	[sflag:s28] =	ssyncset.done $0x0  }
0x23d: {  	s31 =	simm.s32 $0x4;
	s0 =	simm.s32 @!p0 $0x6;
	[sflag:s28] =	ssyncadd.s32 $0xFFFFE800  }
0x23e: {  	v8 =	vmov s31;
	_ =	swait.ge @!p0 [sflag:s0], $0x9000  }
0x23f: {  	v9 =	vshrl.u32 v8, $0x3;
	[sflag:s0] =	ssyncset.done @!p0 $0x0  }
0x240: {  	v8 =	vshll.u32 v8, $0x7;
	v15 =	vmul.u32 $0xC00, v9;
	s7 =	simm.s32 $0x90C0;
	[sflag:s0] =	ssyncadd.s32 @!p0 $0xFFFF7000  }
0x241: {  	v14 =	vand.u32 $0x300, v8;
	s9 =	simm.s32 $0x30C0;
	v9 =	vld [tilespmem:s7+$0x40]  }
0x242: {  	v22 =	vor.u32 v14, v15;
	v8 =	vld [tilespmem:s9+$0x40]  }
0x243: {  	v13 =	vor.u32 $0x80, v14;
	v10 =	vor.u32 v0, v22  }
0x244: {  	v21 =	vor.u32 v15, v13;
	v11 =	vor.u32 v1, v22  }
0x245: {  	v16 =	vor.u32 v0, v21  }
0x246: {  	v17 =	vor.u32 v1, v21;
	vm0 =	veq.s32 v9, $0x0  }
0x247: {  	s13 =	simm.s32 $0x0;
	v12 =	vnsel vm0, $0x0, v8;
	vm0 =	veq.s32 v9, $0x1  }
0x248: {  	v18 =	vmov s13;
	v30 =	vld [tilespmem:s7+$0xFFFFFFC0];
	v19 =	vnsel vm0, $0x0, v8;
	vm0 =	veq.s32 v9, $0x2;
	[tilespmem:v10+s29+$0x0] =	vst.idx.msk $0xffff, v12  }
0x249: {  	v23 =	vld [tilespmem:s7+$0xFFFFFF40];
	v10 =	vshrl.u32 v18, $0x3;
	v20 =	vnsel vm0, $0x0, v8;
	vm0 =	veq.s32 v9, $0x3;
	[tilespmem:v11+s29+$0x0] =	vst.idx.msk $0xffff, v19  }
0x24a: {  	v24 =	vld [tilespmem:s9+$0xFFFFFF40];
	v9 =	vshll.u32 v18, $0x7;
	v12 =	vmul.u32 $0xC00, v10;
	v8 =	vnsel vm0, $0x0, v8;
	[tilespmem:v16+s29+$0x0] =	vst.idx.msk $0xffff, v20  }
0x24b: {  	v28 =	vor.u32 v2, v22;
	v29 =	vor.u32 v3, v22;
	v9 =	vand.u32 $0x300, v9;
	[tilespmem:v17+s29+$0x0] =	vst.idx.msk $0xffff, v8  }
0x24c: {  	s17 =	simm.s32 $0x2;
	v31 =	vor.u32 v2, v21;
	v44 =	vor.u32 v3, v21;
	v17 =	vor.u32 v9, v12;
	v25 =	vld [tilespmem:s7+$0x50]  }
0x24d: {  	vm1 =	veq.s32 v30, $0x0;
	v10 =	vmov s17;
	v26 =	vor.u32 v0, v17;
	v27 =	vld [tilespmem:s9+$0x50]  }
0x24e: {  	vm0 =	veq.s32 v23, $0x0;
	v8 =	vshrl.u32 v10, $0x3;
	v10 =	vshll.u32 v10, $0x7  }
0x24f: {  	v33 =	vnsel vm0, $0x0, v24;
	v16 =	vmul.u32 $0xC00, v8;
	v11 =	vand.u32 $0x300, v10  }
0x250: {  	v8 =	vor.u32 $0x80, v9;
	v41 =	vor.u32 v6, v17;
	v10 =	vor.u32 $0x80, v11  }
0x251: {  	v43 =	vld [tilespmem:s9+$0xFFFFFFC0];
	v20 =	vor.u32 v11, v16;
	v19 =	vor.u32 v16, v10;
	vm0 =	veq.s32 v25, $0x0  }
0x252: {  	v35 =	vor.u32 v0, v20;
	[tilespmem:v26+s29+$0x0] =	vst.idx.msk $0xffff, v33;
	v26 =	vnsel vm0, $0x0, v27;
	vm0 =	veq.s32 v25, $0x1  }
0x253: {  	v45 =	vor.u32 v1, v20;
	v36 =	vnsel vm0, $0x0, v27;
	vm0 =	veq.s32 v25, $0x2;
	[tilespmem:v28+s29+$0x0] =	vst.idx.msk $0xffff, v26  }
0x254: {  	v26 =	vor.u32 v0, v19;
	v28 =	vnsel vm0, $0x0, v27;
	vm0 =	veq.s32 v25, $0x3;
	[tilespmem:v29+s29+$0x0] =	vst.idx.msk $0xffff, v36  }
0x255: {  	v18 =	vor.u32 v12, v8;
	v25 =	vor.u32 v1, v19;
	v27 =	vnsel vm0, $0x0, v27;
	[tilespmem:v31+s29+$0x0] =	vst.idx.msk $0xffff, v28  }
0x256: {  	v29 =	vnsel vm1, $0x0, v43;
	vm0 =	veq.s32 v30, $0x1;
	v28 =	vor.u32 v1, v17;
	[tilespmem:v44+s29+$0x0] =	vst.idx.msk $0xffff, v27  }
0x257: {  	vm1 =	veq.s32 v30, $0x2;
	[tilespmem:v35+s29+$0x0] =	vst.idx.msk $0xffff, v29;
	v27 =	vor.u32 v0, v18;
	v31 =	vnsel vm0, $0x0, v43;
	v29 =	vld [tilespmem:s7+$0x60]  }
0x258: {  	v46 =	vnsel vm1, $0x0, v43;
	vm0 =	veq.s32 v30, $0x3;
	v30 =	vor.u32 v1, v18;
	[tilespmem:v45+s29+$0x0] =	vst.idx.msk $0xffff, v31;
	v31 =	vld [tilespmem:s9+$0x60]  }
0x259: {  	vm1 =	veq.s32 v23, $0x1;
	v32 =	vnsel vm0, $0x0, v43;
	[tilespmem:v26+s29+$0x0] =	vst.idx.msk $0xffff, v46;
	v26 =	vor.u32 v4, v22  }
0x25a: {  	v47 =	vnsel vm1, $0x0, v24;
	vm0 =	veq.s32 v23, $0x2;
	[tilespmem:v25+s29+$0x0] =	vst.idx.msk $0xffff, v32;
	v25 =	vor.u32 v5, v22  }
0x25b: {  	vm1 =	veq.s32 v23, $0x3;
	v23 =	vnsel vm0, $0x0, v24;
	[tilespmem:v28+s29+$0x0] =	vst.idx.msk $0xffff, v47;
	v28 =	vor.u32 v4, v21  }
0x25c: {  	v24 =	vnsel vm1, $0x0, v24;
	[tilespmem:v27+s29+$0x0] =	vst.idx.msk $0xffff, v23;
	v23 =	vor.u32 v5, v21;
	vm0 =	veq.s32 v29, $0x0  }
0x25d: {  	v51 =	vor.u32 v3, v18;
	v27 =	vld [tilespmem:s7+$0xFFFFFFD0];
	[tilespmem:v30+s29+$0x0] =	vst.idx.msk $0xffff, v24;
	v24 =	vnsel vm0, $0x0, v31;
	vm0 =	veq.s32 v29, $0x1  }
0x25e: {  	v58 =	vor.u32 v4, v18;
	v30 =	vld [tilespmem:s9+$0xFFFFFFD0];
	v48 =	vnsel vm0, $0x0, v31;
	vm0 =	veq.s32 v29, $0x2;
	[tilespmem:v26+s29+$0x0] =	vst.idx.msk $0xffff, v24  }
0x25f: {  	v24 =	vor.u32 v2, v20;
	v26 =	vnsel vm0, $0x0, v31;
	vm0 =	veq.s32 v29, $0x3;
	[tilespmem:v25+s29+$0x0] =	vst.idx.msk $0xffff, v48  }
0x260: {  	v59 =	vor.u32 v5, v18;
	v49 =	vld [tilespmem:s7+$0xFFFFFF50];
	v25 =	vor.u32 v3, v20;
	v31 =	vnsel vm0, $0x0, v31;
	[tilespmem:v28+s29+$0x0] =	vst.idx.msk $0xffff, v26  }
0x261: {  	v33 =	vld [tilespmem:s9+$0xFFFFFF50];
	v29 =	vor.u32 v2, v19;
	v26 =	vor.u32 v2, v17;
	[tilespmem:v23+s29+$0x0] =	vst.idx.msk $0xffff, v31  }
0x262: {  	v28 =	vor.u32 v3, v19;
	vm0 =	veq.s32 v27, $0x0;
	vm1 =	veq.s32 v27, $0x1;
	v50 =	vld [tilespmem:s7+$0x70]  }
0x263: {  	v23 =	vor.u32 v3, v17;
	v31 =	vor.u32 v2, v18;
	v52 =	vnsel vm0, $0x0, v30;
	v37 =	vld [tilespmem:s9+$0x70]  }
0x264: {  	vm0 =	veq.s32 v27, $0x2;
	v38 =	vnsel vm1, $0x0, v30;
	[tilespmem:v24+s29+$0x0] =	vst.idx.msk $0xffff, v52;
	v24 =	vor.u32 v6, v22  }
0x265: {  	vm1 =	veq.s32 v27, $0x3;
	v27 =	vnsel vm0, $0x0, v30;
	v22 =	vor.u32 v7, v22;
	[tilespmem:v25+s29+$0x0] =	vst.idx.msk $0xffff, v38  }
0x266: {  	vm0 =	veq.s32 v49, $0x0;
	v25 =	vnsel vm1, $0x0, v30;
	[tilespmem:v29+s29+$0x0] =	vst.idx.msk $0xffff, v27;
	v27 =	vor.u32 v6, v21  }
0x267: {  	v29 =	vnsel vm0, $0x0, v33;
	v21 =	vor.u32 v7, v21;
	[tilespmem:v28+s29+$0x0] =	vst.idx.msk $0xffff, v25;
	vm0 =	veq.s32 v50, $0x0  }
0x268: {  	vm2 =	veq.s32 v49, $0x3;
	[tilespmem:v26+s29+$0x0] =	vst.idx.msk $0xffff, v29;
	v26 =	vnsel vm0, $0x0, v37;
	vm0 =	veq.s32 v50, $0x1  }
0x269: {  	vm1 =	veq.s32 v49, $0x1;
	v29 =	vld [tilespmem:s7+$0xFFFFFFE0];
	v30 =	vnsel vm0, $0x0, v37;
	vm0 =	veq.s32 v50, $0x2;
	[tilespmem:v24+s29+$0x0] =	vst.idx.msk $0xffff, v26  }
0x26a: {  	v25 =	vor.u32 v4, v20;
	v26 =	vld [tilespmem:s9+$0xFFFFFFE0];
	v53 =	vnsel vm0, $0x0, v37;
	vm0 =	veq.s32 v50, $0x3;
	[tilespmem:v22+s29+$0x0] =	vst.idx.msk $0xffff, v30  }
0x26b: {  	v28 =	vor.u32 v5, v20;
	v24 =	vor.u32 v4, v19;
	v22 =	vnsel vm0, $0x0, v37;
	[tilespmem:v27+s29+$0x0] =	vst.idx.msk $0xffff, v53  }
0x26c: {  	v30 =	vor.u32 v5, v19;
	vm0 =	veq.s32 v49, $0x2;
	v27 =	vnsel vm1, $0x0, v33;
	[tilespmem:v21+s29+$0x0] =	vst.idx.msk $0xffff, v22  }
0x26d: {  	v21 =	vnsel vm0, $0x0, v33;
	v22 =	vnsel vm2, $0x0, v33;
	[tilespmem:v23+s29+$0x0] =	vst.idx.msk $0xffff, v27;
	v27 =	vadd.s32 $0x400, v15;
	v23 =	vld [tilespmem:s7+$0x80]  }
0x26e: {  	vm0 =	veq.s32 v29, $0x0;
	vm1 =	veq.s32 v29, $0x1;
	[tilespmem:v31+s29+$0x0] =	vst.idx.msk $0xffff, v21;
	v31 =	vld [tilespmem:s9+$0x80];
	v21 =	vor.u32 v14, v27  }
0x26f: {  	v54 =	vnsel vm0, $0x0, v26;
	vm0 =	veq.s32 v29, $0x2;
	[tilespmem:v51+s29+$0x0] =	vst.idx.msk $0xffff, v22;
	v55 =	vor.u32 v0, v21  }
0x270: {  	v56 =	vnsel vm1, $0x0, v26;
	v22 =	vor.u32 v13, v27;
	[tilespmem:v25+s29+$0x0] =	vst.idx.msk $0xffff, v54;
	v25 =	vor.u32 v1, v21  }
0x271: {  	vm1 =	veq.s32 v29, $0x3;
	v27 =	vnsel vm0, $0x0, v26;
	[tilespmem:v28+s29+$0x0] =	vst.idx.msk $0xffff, v56;
	v28 =	vor.u32 v0, v22  }
0x272: {  	v26 =	vnsel vm1, $0x0, v26;
	[tilespmem:v24+s29+$0x0] =	vst.idx.msk $0xffff, v27;
	v24 =	vor.u32 v1, v22;
	vm0 =	veq.s32 v23, $0x0  }
0x273: {  	v60 =	vor.u32 v6, v19;
	v27 =	vld [tilespmem:s7+$0xFFFFFF60];
	[tilespmem:v30+s29+$0x0] =	vst.idx.msk $0xffff, v26;
	v26 =	vnsel vm0, $0x0, v31;
	vm0 =	veq.s32 v23, $0x1  }
0x274: {  	v19 =	vor.u32 v7, v19;
	v29 =	vld [tilespmem:s9+$0xFFFFFF60];
	v30 =	vnsel vm0, $0x0, v31;
	vm0 =	veq.s32 v23, $0x2;
	[tilespmem:v55+s29+$0x0] =	vst.idx.msk $0xffff, v26  }
0x275: {  	v26 =	vor.u32 v4, v17;
	v57 =	vnsel vm0, $0x0, v31;
	vm0 =	veq.s32 v23, $0x3;
	[tilespmem:v25+s29+$0x0] =	vst.idx.msk $0xffff, v30  }
0x276: {  	v15 =	vadd.s32 $0x800, v15;
	v34 =	vld [tilespmem:s9+$0xFFFFFFF0];
	v25 =	vor.u32 v5, v17;
	v31 =	vnsel vm0, $0x0, v31;
	[tilespmem:v28+s29+$0x0] =	vst.idx.msk $0xffff, v57  }
0x277: {  	v14 =	vor.u32 v14, v15;
	v13 =	vor.u32 v13, v15;
	v30 =	vld [tilespmem:s7+$0xFFFFFFF0];
	[tilespmem:v24+s29+$0x0] =	vst.idx.msk $0xffff, v31  }
0x278: {  	v23 =	vadd.s32 $0x400, v16;
	v16 =	vadd.s32 $0x800, v16;
	vm0 =	veq.s32 v27, $0x0;
	v31 =	vld [tilespmem:s7+$0x90]  }
0x279: {  	vm1 =	veq.s32 v27, $0x1;
	v24 =	vor.u32 v6, v20;
	v61 =	vnsel vm0, $0x0, v29;
	v62 =	vld [tilespmem:s9+$0x90]  }
0x27a: {  	vm0 =	veq.s32 v27, $0x2;
	v63 =	vnsel vm1, $0x0, v29;
	[tilespmem:v26+s29+$0x0] =	vst.idx.msk $0xffff, v61;
	v26 =	vor.u32 v2, v21  }
0x27b: {  	vm1 =	veq.s32 v27, $0x3;
	v27 =	vnsel vm0, $0x0, v29;
	[tilespmem:v25+s29+$0x0] =	vst.idx.msk $0xffff, v63;
	v25 =	vor.u32 v3, v21  }
0x27c: {  	v29 =	vnsel vm1, $0x0, v29;
	vm0 =	veq.s32 v30, $0x0;
	[tilespmem:v58+s29+$0x0] =	vst.idx.msk $0xffff, v27;
	v27 =	vor.u32 v2, v22  }
0x27d: {  	v40 =	vnsel vm0, $0x0, v34;
	[tilespmem:v59+s29+$0x0] =	vst.idx.msk $0xffff, v29;
	v29 =	vor.u32 v3, v22;
	vm0 =	veq.s32 v31, $0x0  }
0x27e: {  	v20 =	vor.u32 v7, v20;
	[tilespmem:v24+s29+$0x0] =	vst.idx.msk $0xffff, v40;
	v24 =	vnsel vm0, $0x0, v62;
	vm0 =	veq.s32 v31, $0x1  }
0x27f: {  	v28 =	vadd.s32 $0x400, v12;
	v33 =	vld [tilespmem:s7+$0xFFFFFF70];
	v42 =	vnsel vm0, $0x0, v62;
	vm0 =	veq.s32 v31, $0x2;
	[tilespmem:v26+s29+$0x0] =	vst.idx.msk $0xffff, v24  }
0x280: {  	v24 =	vor.u32 v7, v17;
	v26 =	vld [tilespmem:s9+$0xFFFFFF70];
	v17 =	vnsel vm0, $0x0, v62;
	vm0 =	veq.s32 v31, $0x3;
	[tilespmem:v25+s29+$0x0] =	vst.idx.msk $0xffff, v42  }
0x281: {  	vm1 =	veq.s32 v30, $0x1;
	vm2 =	veq.s32 v30, $0x3;
	v31 =	vnsel vm0, $0x0, v62;
	[tilespmem:v27+s29+$0x0] =	vst.idx.msk $0xffff, v17  }
0x282: {  	v25 =	vor.u32 v6, v18;
	vm0 =	veq.s32 v30, $0x2;
	v17 =	vnsel vm1, $0x0, v34;
	[tilespmem:v29+s29+$0x0] =	vst.idx.msk $0xffff, v31  }
0x283: {  	v18 =	vor.u32 v7, v18;
	v27 =	vnsel vm0, $0x0, v34;
	v29 =	vnsel vm2, $0x0, v34;
	[tilespmem:v20+s29+$0x0] =	vst.idx.msk $0xffff, v17;
	v30 =	vld [tilespmem:s7+$0xA0]  }
0x284: {  	v20 =	vor.u32 v11, v23;
	v17 =	vor.u32 v10, v23;
	vm0 =	veq.s32 v33, $0x0;
	[tilespmem:v60+s29+$0x0] =	vst.idx.msk $0xffff, v27;
	v23 =	vld [tilespmem:s9+$0xA0]  }
0x285: {  	vm1 =	veq.s32 v33, $0x1;
	v27 =	vnsel vm0, $0x0, v26;
	[tilespmem:v19+s29+$0x0] =	vst.idx.msk $0xffff, v29;
	v29 =	vor.u32 v4, v21  }
0x286: {  	vm0 =	veq.s32 v33, $0x2;
	v19 =	vnsel vm1, $0x0, v26;
	[tilespmem:v41+s29+$0x0] =	vst.idx.msk $0xffff, v27;
	v27 =	vor.u32 v5, v21  }
0x287: {  	s17 =	simm.s32 $0x9240;
	vm1 =	veq.s32 v33, $0x3;
	v31 =	vnsel vm0, $0x0, v26;
	[tilespmem:v24+s29+$0x0] =	vst.idx.msk $0xffff, v19;
	v24 =	vor.u32 v4, v22  }
0x288: {  	v63 =	vld [tilespmem:s17+$0xFFFFFFC0];
	v26 =	vnsel vm1, $0x0, v26;
	[tilespmem:v25+s29+$0x0] =	vst.idx.msk $0xffff, v31;
	v25 =	vor.u32 v5, v22;
	vm0 =	veq.s32 v30, $0x0  }
0x289: {  	v19 =	vor.u32 v9, v28;
	v31 =	vld [tilespmem:s7+$0x0];
	[tilespmem:v18+s29+$0x0] =	vst.idx.msk $0xffff, v26;
	v26 =	vnsel vm0, $0x0, v23;
	vm0 =	veq.s32 v30, $0x1  }
0x28a: {  	v18 =	vor.u32 v8, v28;
	v28 =	vld [tilespmem:s9+$0x0];
	v43 =	vnsel vm0, $0x0, v23;
	vm0 =	veq.s32 v30, $0x2;
	[tilespmem:v29+s29+$0x0] =	vst.idx.msk $0xffff, v26  }
0x28b: {  	v26 =	vor.u32 v0, v20;
	v29 =	vnsel vm0, $0x0, v23;
	vm0 =	veq.s32 v30, $0x3;
	[tilespmem:v27+s29+$0x0] =	vst.idx.msk $0xffff, v43  }
0x28c: {  	v12 =	vadd.s32 $0x800, v12;
	v44 =	vld [tilespmem:s7+$0xFFFFFF80];
	v27 =	vor.u32 v1, v20;
	v23 =	vnsel vm0, $0x0, v23;
	[tilespmem:v24+s29+$0x0] =	vst.idx.msk $0xffff, v29  }
0x28d: {  	vm6 =	veq.s32 v63, $0x0;
	v11 =	vor.u32 v11, v16;
	v45 =	vld [tilespmem:s9+$0xFFFFFF80];
	v30 =	vor.u32 v0, v17;
	[tilespmem:v25+s29+$0x0] =	vst.idx.msk $0xffff, v23  }
0x28e: {  	v10 =	vor.u32 v10, v16;
	v24 =	vor.u32 v1, v17;
	vm0 =	veq.s32 v31, $0x0;
	v46 =	vld [tilespmem:s7+$0xB0]  }
0x28f: {  	v29 =	vor.u32 v0, v19;
	vm1 =	veq.s32 v31, $0x1;
	v48 =	vnsel vm0, $0x0, v28;
	v49 =	vld [tilespmem:s9+$0xB0]  }
0x290: {  	vm0 =	veq.s32 v31, $0x2;
	v50 =	vnsel vm1, $0x0, v28;
	[tilespmem:v26+s29+$0x0] =	vst.idx.msk $0xffff, v48;
	v26 =	vor.u32 v6, v21  }
0x291: {  	vm1 =	veq.s32 v31, $0x3;
	v31 =	vnsel vm0, $0x0, v28;
	v21 =	vor.u32 v7, v21;
	[tilespmem:v27+s29+$0x0] =	vst.idx.msk $0xffff, v50  }
0x292: {  	vm0 =	veq.s32 v44, $0x0;
	v27 =	vnsel vm1, $0x0, v28;
	v28 =	vor.u32 v6, v22;
	[tilespmem:v30+s29+$0x0] =	vst.idx.msk $0xffff, v31  }
0x293: {  	v22 =	vor.u32 v7, v22;
	v30 =	vnsel vm0, $0x0, v45;
	[tilespmem:v24+s29+$0x0] =	vst.idx.msk $0xffff, v27;
	vm0 =	veq.s32 v46, $0x0  }
0x294: {  	v23 =	vor.u32 v1, v19;
	[tilespmem:v29+s29+$0x0] =	vst.idx.msk $0xffff, v30;
	v27 =	vnsel vm0, $0x0, v49;
	vm0 =	veq.s32 v46, $0x1  }
0x295: {  	v25 =	vor.u32 v0, v18;
	v29 =	vld [tilespmem:s7+$0x10];
	v30 =	vnsel vm0, $0x0, v49;
	vm0 =	veq.s32 v46, $0x2;
	[tilespmem:v26+s29+$0x0] =	vst.idx.msk $0xffff, v27  }
0x296: {  	v47 =	vor.u32 v1, v18;
	v26 =	vld [tilespmem:s9+$0x10];
	v27 =	vnsel vm0, $0x0, v49;
	vm0 =	veq.s32 v46, $0x3;
	[tilespmem:v21+s29+$0x0] =	vst.idx.msk $0xffff, v30  }
0x297: {  	vm1 =	veq.s32 v44, $0x1;
	v24 =	vor.u32 v2, v20;
	v30 =	vnsel vm0, $0x0, v49;
	[tilespmem:v28+s29+$0x0] =	vst.idx.msk $0xffff, v27  }
0x298: {  	s13 =	simm.s32 $0xA8A0;
	vm2 =	veq.s32 v44, $0x2;
	v31 =	vor.u32 v3, v20;
	v21 =	vnsel vm1, $0x0, v45;
	[tilespmem:v22+s29+$0x0] =	vst.idx.msk $0xffff, v30  }
0x299: {  	s10 =	simm.s32 $0x48A0;
	vm3 =	veq.s32 v44, $0x3;
	v27 =	vnsel vm2, $0x0, v45;
	[tilespmem:v23+s29+$0x0] =	vst.idx.msk $0xffff, v21;
	v22 =	vor.u32 v2, v17;
	v21 =	vld [tilespmem:s13+$0x60]  }
0x29a: {  	v28 =	vnsel vm3, $0x0, v45;
	v30 =	vor.u32 v3, v17;
	vm0 =	veq.s32 v29, $0x0;
	[tilespmem:v25+s29+$0x0] =	vst.idx.msk $0xffff, v27;
	v23 =	vld [tilespmem:s10+$0x60]  }
0x29b: {  	vm1 =	veq.s32 v29, $0x1;
	v27 =	vor.u32 v0, v14;
	[tilespmem:v47+s29+$0x0] =	vst.idx.msk $0xffff, v28;
	v25 =	vnsel vm0, $0x0, v26  }
0x29c: {  	vm2 =	veq.s32 v29, $0x2;
	v28 =	vnsel vm1, $0x0, v26;
	[tilespmem:v24+s29+$0x0] =	vst.idx.msk $0xffff, v25;
	v24 =	vor.u32 v1, v14  }
0x29d: {  	vm0 =	veq.s32 v29, $0x3;
	v15 =	vnsel vm2, $0x0, v26;
	v25 =	vor.u32 v0, v13;
	[tilespmem:v31+s29+$0x0] =	vst.idx.msk $0xffff, v28  }
0x29e: {  	v26 =	vnsel vm0, $0x0, v26;
	[tilespmem:v22+s29+$0x0] =	vst.idx.msk $0xffff, v15;
	v15 =	vor.u32 v1, v13;
	vm0 =	veq.s32 v21, $0x0  }
0x29f: {  	v51 =	vor.u32 v5, v17;
	v22 =	vld [tilespmem:s7+$0xFFFFFF90];
	[tilespmem:v30+s29+$0x0] =	vst.idx.msk $0xffff, v26;
	v26 =	vnsel vm0, $0x0, v23;
	vm0 =	veq.s32 v21, $0x1  }
0x2a0: {  	v32 =	vor.u32 v4, v10;
	v28 =	vld [tilespmem:s9+$0xFFFFFF90];
	v29 =	vnsel vm0, $0x0, v23;
	vm0 =	veq.s32 v21, $0x2;
	[tilespmem:v27+s29+$0x0] =	vst.idx.msk $0xffff, v26  }
0x2a1: {  	v26 =	vor.u32 v2, v19;
	v27 =	vnsel vm0, $0x0, v23;
	vm0 =	veq.s32 v21, $0x3;
	[tilespmem:v24+s29+$0x0] =	vst.idx.msk $0xffff, v29  }
0x2a2: {  	v34 =	vor.u32 v5, v10;
	v30 =	vld [tilespmem:s9+$0x20];
	v21 =	vor.u32 v3, v19;
	v23 =	vnsel vm0, $0x0, v23;
	[tilespmem:v25+s29+$0x0] =	vst.idx.msk $0xffff, v27  }
0x2a3: {  	vm5 =	veq.s32 v63, $0x1;
	v24 =	vor.u32 v2, v18;
	v29 =	vld [tilespmem:s7+$0x20];
	v25 =	vor.u32 v3, v18;
	[tilespmem:v15+s29+$0x0] =	vst.idx.msk $0xffff, v23  }
0x2a4: {  	v27 =	vor.u32 v4, v20;
	vm0 =	veq.s32 v22, $0x0;
	vm1 =	veq.s32 v22, $0x1;
	v31 =	vld [tilespmem:s13+$0x70]  }
0x2a5: {  	v15 =	vor.u32 v5, v20;
	v23 =	vor.u32 v4, v17;
	v52 =	vnsel vm0, $0x0, v28;
	v53 =	vld [tilespmem:s10+$0x70]  }
0x2a6: {  	vm0 =	veq.s32 v22, $0x2;
	v54 =	vnsel vm1, $0x0, v28;
	[tilespmem:v26+s29+$0x0] =	vst.idx.msk $0xffff, v52;
	v26 =	vor.u32 v2, v14  }
0x2a7: {  	vm1 =	veq.s32 v22, $0x3;
	v22 =	vnsel vm0, $0x0, v28;
	[tilespmem:v21+s29+$0x0] =	vst.idx.msk $0xffff, v54;
	v21 =	vor.u32 v3, v14  }
0x2a8: {  	v28 =	vnsel vm1, $0x0, v28;
	vm0 =	veq.s32 v29, $0x0;
	[tilespmem:v24+s29+$0x0] =	vst.idx.msk $0xffff, v22;
	v22 =	vor.u32 v2, v13  }
0x2a9: {  	v24 =	vnsel vm0, $0x0, v30;
	[tilespmem:v25+s29+$0x0] =	vst.idx.msk $0xffff, v28;
	v25 =	vor.u32 v3, v13;
	vm0 =	veq.s32 v31, $0x0  }
0x2aa: {  	vm1 =	veq.s32 v29, $0x1;
	[tilespmem:v27+s29+$0x0] =	vst.idx.msk $0xffff, v24;
	v24 =	vnsel vm0, $0x0, v53;
	vm0 =	veq.s32 v31, $0x1  }
0x2ab: {  	vm2 =	veq.s32 v29, $0x2;
	v27 =	vld [tilespmem:s7+$0xFFFFFFA0];
	v55 =	vnsel vm0, $0x0, v53;
	vm0 =	veq.s32 v31, $0x2;
	[tilespmem:v26+s29+$0x0] =	vst.idx.msk $0xffff, v24  }
0x2ac: {  	vm3 =	veq.s32 v29, $0x3;
	v24 =	vld [tilespmem:s9+$0xFFFFFFA0];
	v26 =	vnsel vm0, $0x0, v53;
	vm0 =	veq.s32 v31, $0x3;
	[tilespmem:v21+s29+$0x0] =	vst.idx.msk $0xffff, v55  }
0x2ad: {  	v28 =	vor.u32 v4, v19;
	v21 =	vnsel vm1, $0x0, v30;
	v29 =	vnsel vm0, $0x0, v53;
	[tilespmem:v22+s29+$0x0] =	vst.idx.msk $0xffff, v26  }
0x2ae: {  	v31 =	vor.u32 v4, v18;
	v22 =	vnsel vm2, $0x0, v30;
	v26 =	vor.u32 v5, v19;
	[tilespmem:v25+s29+$0x0] =	vst.idx.msk $0xffff, v29  }
0x2af: {  	[tilespmem:v15+s29+$0x0] =	vst.idx.msk $0xffff, v21;
	v21 =	vor.u32 v6, v17;
	v17 =	vor.u32 v7, v17;
	v25 =	vnsel vm3, $0x0, v30;
	v15 =	vld [tilespmem:s13+$0x80]  }
0x2b0: {  	v29 =	vor.u32 v5, v18;
	v30 =	vor.u32 v6, v20;
	vm0 =	veq.s32 v27, $0x0;
	[tilespmem:v23+s29+$0x0] =	vst.idx.msk $0xffff, v22;
	v22 =	vld [tilespmem:s10+$0x80]  }
0x2b1: {  	vm1 =	veq.s32 v27, $0x1;
	[tilespmem:v51+s29+$0x0] =	vst.idx.msk $0xffff, v25;
	v25 =	vor.u32 v4, v14;
	v23 =	vnsel vm0, $0x0, v24  }
0x2b2: {  	vm0 =	veq.s32 v27, $0x2;
	v56 =	vnsel vm1, $0x0, v24;
	[tilespmem:v28+s29+$0x0] =	vst.idx.msk $0xffff, v23;
	v23 =	vor.u32 v5, v14  }
0x2b3: {  	vm1 =	veq.s32 v27, $0x3;
	v27 =	vnsel vm0, $0x0, v24;
	v28 =	vld [tilespmem:s7+$0x30];
	[tilespmem:v26+s29+$0x0] =	vst.idx.msk $0xffff, v56;
	v26 =	vor.u32 v4, v13  }
0x2b4: {  	v57 =	vld [tilespmem:s9+$0x30];
	v24 =	vnsel vm1, $0x0, v24;
	[tilespmem:v31+s29+$0x0] =	vst.idx.msk $0xffff, v27;
	v27 =	vor.u32 v5, v13;
	vm0 =	veq.s32 v15, $0x0  }
0x2b5: {  	v20 =	vor.u32 v7, v20;
	[tilespmem:v29+s29+$0x0] =	vst.idx.msk $0xffff, v24;
	v24 =	vnsel vm0, $0x0, v22;
	vm0 =	veq.s32 v15, $0x1  }
0x2b6: {  	v29 =	vor.u32 v6, v19;
	v31 =	vnsel vm0, $0x0, v22;
	vm0 =	veq.s32 v15, $0x2;
	[tilespmem:v25+s29+$0x0] =	vst.idx.msk $0xffff, v24  }
0x2b7: {  	v24 =	vor.u32 v7, v19;
	v25 =	vnsel vm0, $0x0, v22;
	vm0 =	veq.s32 v15, $0x3;
	[tilespmem:v23+s29+$0x0] =	vst.idx.msk $0xffff, v31  }
0x2b8: {  	v19 =	vld [tilespmem:s7+$0xFFFFFFB0];
	vm1 =	veq.s32 v28, $0x0;
	v23 =	vor.u32 v6, v18;
	v22 =	vnsel vm0, $0x0, v22;
	[tilespmem:v26+s29+$0x0] =	vst.idx.msk $0xffff, v25  }
0x2b9: {  	v15 =	vld [tilespmem:s9+$0xFFFFFFB0];
	v25 =	vor.u32 v7, v18;
	vm0 =	veq.s32 v28, $0x1;
	v18 =	vnsel vm1, $0x0, v57;
	[tilespmem:v27+s29+$0x0] =	vst.idx.msk $0xffff, v22  }
0x2ba: {  	v9 =	vor.u32 v9, v12;
	vm1 =	veq.s32 v28, $0x2;
	v22 =	vnsel vm0, $0x0, v57;
	[tilespmem:v30+s29+$0x0] =	vst.idx.msk $0xffff, v18  }
0x2bb: {  	v36 =	vor.u32 v2, v9;
	vm0 =	veq.s32 v28, $0x3;
	v16 =	vnsel vm1, $0x0, v57;
	[tilespmem:v20+s29+$0x0] =	vst.idx.msk $0xffff, v22  }
0x2bc: {  	v37 =	vor.u32 v3, v9;
	v8 =	vor.u32 v8, v12;
	v20 =	vld [tilespmem:s13+$0x90];
	v18 =	vnsel vm0, $0x0, v57;
	[tilespmem:v21+s29+$0x0] =	vst.idx.msk $0xffff, v16  }
0x2bd: {  	vm1 =	veq.s32 v19, $0x0;
	vm0 =	veq.s32 v19, $0x1;
	vm2 =	veq.s32 v19, $0x2;
	v21 =	vld [tilespmem:s10+$0x90];
	[tilespmem:v17+s29+$0x0] =	vst.idx.msk $0xffff, v18  }
0x2be: {  	v16 =	vnsel vm1, $0x0, v15;
	vm1 =	veq.s32 v19, $0x3;
	v22 =	vnsel vm0, $0x0, v15;
	v27 =	vld [tilespmem:s13+$0xFFFFFFE0]  }
0x2bf: {  	v26 =	vnsel vm2, $0x0, v15;
	v18 =	vor.u32 v6, v14;
	v19 =	vor.u32 v7, v14;
	v12 =	vld [tilespmem:s10+$0xFFFFFFE0]  }
0x2c0: {  	v14 =	vor.u32 v0, v11;
	v17 =	vor.u32 v6, v13;
	v28 =	vnsel vm1, $0x0, v15;
	[tilespmem:v29+s29+$0x0] =	vst.idx.msk $0xffff, v16  }
0x2c1: {  	v16 =	vor.u32 v1, v11;
	v15 =	vor.u32 v7, v13;
	[tilespmem:v24+s29+$0x0] =	vst.idx.msk $0xffff, v22;
	vm0 =	veq.s32 v20, $0x0  }
0x2c2: {  	v13 =	vor.u32 v0, v10;
	[tilespmem:v23+s29+$0x0] =	vst.idx.msk $0xffff, v26;
	v22 =	vnsel vm0, $0x0, v21;
	vm0 =	veq.s32 v20, $0x1  }
0x2c3: {  	v23 =	vor.u32 v1, v10;
	[tilespmem:v25+s29+$0x0] =	vst.idx.msk $0xffff, v28;
	v31 =	vnsel vm0, $0x0, v21;
	vm0 =	veq.s32 v27, $0x0  }
0x2c4: {  	vm1 =	veq.s32 v20, $0x2;
	v28 =	vld [tilespmem:s13+$0xFFFFFF60];
	vm2 =	veq.s32 v27, $0x1;
	v24 =	vnsel vm0, $0x0, v12  }
0x2c5: {  	v25 =	vor.u32 v0, v9;
	vm0 =	veq.s32 v27, $0x2;
	v26 =	vnsel vm2, $0x0, v12;
	[tilespmem:v14+s29+$0x0] =	vst.idx.msk $0xffff, v24;
	v24 =	vld [tilespmem:s10+$0xFFFFFF60]  }
0x2c6: {  	v58 =	vnsel vm1, $0x0, v21;
	vm1 =	veq.s32 v27, $0x3;
	v14 =	vnsel vm0, $0x0, v12;
	[tilespmem:v16+s29+$0x0] =	vst.idx.msk $0xffff, v26  }
0x2c7: {  	v61 =	vor.u32 v7, v8;
	v12 =	vnsel vm1, $0x0, v12;
	v16 =	vor.u32 v1, v9;
	[tilespmem:v13+s29+$0x0] =	vst.idx.msk $0xffff, v14  }
0x2c8: {  	vm4 =	veq.s32 v63, $0x2;
	v43 =	vor.u32 v2, v8;
	v26 =	vor.u32 v0, v8;
	[tilespmem:v23+s29+$0x0] =	vst.idx.msk $0xffff, v12  }
0x2c9: {  	v44 =	vor.u32 v3, v8;
	v13 =	vor.u32 v1, v8;
	vm1 =	veq.s32 v28, $0x0;
	v27 =	vld [tilespmem:s13+$0xFFFFFFF0]  }
0x2ca: {  	v46 =	vor.u32 v5, v11;
	[tilespmem:v18+s29+$0x0] =	vst.idx.msk $0xffff, v22;
	vm2 =	veq.s32 v28, $0x1;
	v59 =	vld [tilespmem:s10+$0xFFFFFFF0];
	v29 =	vnsel vm1, $0x0, v24  }
0x2cb: {  	v57 =	vld [tilespmem:s17+$0xFFFFFF40];
	v14 =	vor.u32 v2, v11;
	vm1 =	veq.s32 v28, $0x2;
	v30 =	vnsel vm2, $0x0, v24;
	[tilespmem:v25+s29+$0x0] =	vst.idx.msk $0xffff, v29  }
0x2cc: {  	v12 =	vor.u32 v3, v11;
	vm2 =	veq.s32 v28, $0x3;
	v25 =	vnsel vm1, $0x0, v24;
	[tilespmem:v16+s29+$0x0] =	vst.idx.msk $0xffff, v30  }
0x2cd: {  	vm0 =	veq.s32 v20, $0x3;
	v20 =	vor.u32 v2, v10;
	v24 =	vnsel vm2, $0x0, v24;
	[tilespmem:v26+s29+$0x0] =	vst.idx.msk $0xffff, v25  }
0x2ce: {  	s31 =	simm.s32 $0x8;
	v45 =	vor.u32 v4, v11;
	v23 =	vor.u32 v3, v10;
	vm1 =	veq.s32 v27, $0x0;
	[tilespmem:v13+s29+$0x0] =	vst.idx.msk $0xffff, v24  }
0x2cf: {  	v54 =	vmov s31;
	[tilespmem:v19+s29+$0x0] =	vst.idx.msk $0xffff, v31;
	vm2 =	veq.s32 v27, $0x1;
	v13 =	vnsel vm1, $0x0, v59;
	v16 =	vld [tilespmem:s13+$0xFFFFFF70]  }
0x2d0: {  	vm7 =	veq.s32 v57, $0x0;
	vm1 =	veq.s32 v27, $0x2;
	v24 =	vnsel vm2, $0x0, v59;
	v25 =	vld [tilespmem:s10+$0xFFFFFF70];
	[tilespmem:v14+s29+$0x0] =	vst.idx.msk $0xffff, v13  }
0x2d1: {  	vm3 =	veq.s32 v57, $0x3;
	vm2 =	veq.s32 v27, $0x3;
	v13 =	vnsel vm1, $0x0, v59;
	[tilespmem:v12+s29+$0x0] =	vst.idx.msk $0xffff, v24  }
0x2d2: {  	v18 =	vshrl.u32 v54, $0x3;
	v22 =	vshll.u32 v54, $0x7;
	v12 =	vnsel vm2, $0x0, v59;
	[tilespmem:v20+s29+$0x0] =	vst.idx.msk $0xffff, v13  }
0x2d3: {  	v56 =	vmul.u32 $0xC00, v18;
	v19 =	vand.u32 $0x300, v22;
	v21 =	vnsel vm0, $0x0, v21;
	[tilespmem:v23+s29+$0x0] =	vst.idx.msk $0xffff, v12  }
0x2d4: {  	v20 =	vld [tilespmem:s13+$0x0];
	vm0 =	veq.s32 v16, $0x0;
	vm1 =	veq.s32 v16, $0x1;
	vm2 =	veq.s32 v16, $0x2  }
0x2d5: {  	s18 =	simm.s32 $0xA;
	v23 =	vld [tilespmem:s10+$0x0];
	v47 =	vnsel vm0, $0x0, v25;
	v48 =	vnsel vm1, $0x0, v25;
	vm0 =	veq.s32 v16, $0x3  }
0x2d6: {  	v49 =	vnsel vm2, $0x0, v25;
	v50 =	vnsel vm0, $0x0, v25;
	v25 =	vmov s18  }
0x2d7: {  	v38 =	vor.u32 v19, v56;
	v24 =	vshrl.u32 v25, $0x3;
	v25 =	vshll.u32 v25, $0x7  }
0x2d8: {  	v28 =	vor.u32 v4, v8;
	v24 =	vmul.u32 $0xC00, v24;
	v25 =	vand.u32 $0x300, v25  }
0x2d9: {  	vm0 =	veq.s32 v20, $0x0;
	vm1 =	veq.s32 v20, $0x1;
	vm2 =	veq.s32 v20, $0x2  }
0x2da: {  	v35 =	vld [tilespmem:s17+$0x40];
	s7 =	simm.s32 $0x3240;
	v51 =	vnsel vm0, $0x0, v23;
	v52 =	vnsel vm1, $0x0, v23;
	vm0 =	veq.s32 v20, $0x3  }
0x2db: {  	v42 =	vnsel vm2, $0x0, v23;
	v40 =	vor.u32 v25, v24;
	v41 =	vnsel vm0, $0x0, v23;
	v23 =	vld [tilespmem:s7+$0x40]  }
0x2dc: {  	[tilespmem:v17+s29+$0x0] =	vst.idx.msk $0xffff, v58;
	v29 =	vor.u32 v5, v9;
	v26 =	vor.u32 $0x80, v25;
	v53 =	vor.u32 v0, v40  }
0x2dd: {  	v30 =	vor.u32 v4, v9;
	v39 =	vor.u32 v24, v26;
	v55 =	vor.u32 v1, v40  }
0x2de: {  	v27 =	vor.u32 v5, v8;
	v14 =	vor.u32 v6, v11;
	v62 =	vor.u32 v0, v39  }
0x2df: {  	v13 =	vor.u32 v7, v11;
	[tilespmem:v36+s29+$0x0] =	vst.idx.msk $0xffff, v47;
	vm0 =	veq.s32 v35, $0x0;
	v31 =	vor.u32 v1, v39  }
0x2e0: {  	s30 =	simm.s32 $0x6;
	v54 =	vld [tilespmem:s7+$0xFFFFFF40];
	v11 =	vor.u32 v7, v10;
	[tilespmem:v37+s29+$0x0] =	vst.idx.msk $0xffff, v48;
	v17 =	vnsel vm0, $0x0, v23;
	vm0 =	veq.s32 v35, $0x1  }
0x2e1: {  	v20 =	vmov s30;
	v18 =	vnsel vm0, $0x0, v23;
	vm0 =	veq.s32 v35, $0x2;
	[tilespmem:v53+s29+$0x0] =	vst.idx.msk $0xffff, v17  }
0x2e2: {  	v60 =	vshrl.u32 v20, $0x3;
	v17 =	vnsel vm0, $0x0, v23;
	vm0 =	veq.s32 v35, $0x3;
	[tilespmem:v55+s29+$0x0] =	vst.idx.msk $0xffff, v18  }
0x2e3: {  	v20 =	vshll.u32 v20, $0x7;
	v22 =	vmul.u32 $0xC00, v60;
	v23 =	vnsel vm0, $0x0, v23;
	[tilespmem:v62+s29+$0x0] =	vst.idx.msk $0xffff, v17  }
0x2e4: {  	v12 =	vor.u32 v6, v10;
	v10 =	vor.u32 v6, v9;
	v18 =	vand.u32 $0x300, v20;
	[tilespmem:v31+s29+$0x0] =	vst.idx.msk $0xffff, v23  }
0x2e5: {  	v58 =	vnsel vm7, $0x0, v54;
	v9 =	vor.u32 v7, v9;
	[tilespmem:v43+s29+$0x0] =	vst.idx.msk $0xffff, v49;
	v33 =	vor.u32 v18, v22;
	v23 =	vld [tilespmem:s17+$0x50]  }
0x2e6: {  	v16 =	vor.u32 v6, v8;
	v36 =	vadd.s32 $0x400, v56;
	[tilespmem:v44+s29+$0x0] =	vst.idx.msk $0xffff, v50;
	v55 =	vor.u32 v0, v33;
	v37 =	vld [tilespmem:s7+$0x50]  }
0x2e7: {  	v50 =	vor.u32 v1, v38;
	vm1 =	veq.s32 v57, $0x1;
	[tilespmem:v45+s29+$0x0] =	vst.idx.msk $0xffff, v51;
	v60 =	vor.u32 v2, v40  }
0x2e8: {  	vm2 =	veq.s32 v63, $0x3;
	v44 =	vor.u32 v3, v40;
	v45 =	vor.u32 v0, v38;
	[tilespmem:v46+s29+$0x0] =	vst.idx.msk $0xffff, v52  }
0x2e9: {  	v59 =	vor.u32 v3, v39;
	v51 =	vnsel vm1, $0x0, v54;
	[tilespmem:v32+s29+$0x0] =	vst.idx.msk $0xffff, v42;
	v62 =	vor.u32 v2, v39  }
0x2ea: {  	v43 =	vor.u32 v5, v40;
	v46 =	vld [tilespmem:s7+$0xFFFFFFC0];
	[tilespmem:v34+s29+$0x0] =	vst.idx.msk $0xffff, v41;
	v20 =	vor.u32 $0x80, v19;
	vm12 =	veq.s32 v23, $0x0  }
0x2eb: {  	v17 =	vor.u32 $0x80, v18;
	[tilespmem:v55+s29+$0x0] =	vst.idx.msk $0xffff, v58;
	vm13 =	veq.s32 v23, $0x1;
	v63 =	vnsel vm12, $0x0, v37  }
0x2ec: {  	v35 =	vor.u32 v56, v20;
	vm14 =	veq.s32 v23, $0x2;
	v55 =	vnsel vm13, $0x0, v37;
	[tilespmem:v60+s29+$0x0] =	vst.idx.msk $0xffff, v63  }
0x2ed: {  	v48 =	vor.u32 v0, v35;
	vm15 =	veq.s32 v23, $0x3;
	v60 =	vnsel vm14, $0x0, v37;
	[tilespmem:v44+s29+$0x0] =	vst.idx.msk $0xffff, v55  }
0x2ee: {  	vm0 =	veq.s32 v57, $0x2;
	v23 =	vor.u32 v1, v33;
	v37 =	vnsel vm15, $0x0, v37;
	[tilespmem:v62+s29+$0x0] =	vst.idx.msk $0xffff, v60  }
0x2ef: {  	v31 =	vor.u32 v22, v17;
	v57 =	vor.u32 v1, v35;
	v62 =	vnsel vm6, $0x0, v46;
	[tilespmem:v59+s29+$0x0] =	vst.idx.msk $0xffff, v37  }
0x2f0: {  	v53 =	vor.u32 v2, v38;
	v58 =	vnsel vm5, $0x0, v46;
	v44 =	vor.u32 v0, v31;
	[tilespmem:v45+s29+$0x0] =	vst.idx.msk $0xffff, v62;
	v45 =	vld [tilespmem:s17+$0x60]  }
0x2f1: {  	v32 =	vor.u32 v4, v35;
	v47 =	vor.u32 v1, v31;
	v59 =	vnsel vm4, $0x0, v46;
	[tilespmem:v50+s29+$0x0] =	vst.idx.msk $0xffff, v58;
	v50 =	vld [tilespmem:s7+$0x60]  }
0x2f2: {  	v52 =	vnsel vm3, $0x0, v54;
	v42 =	vor.u32 v5, v35;
	[tilespmem:v48+s29+$0x0] =	vst.idx.msk $0xffff, v59;
	v48 =	vor.u32 v4, v40  }
0x2f3: {  	v41 =	vor.u32 v4, v33;
	v49 =	vor.u32 v2, v31;
	v60 =	vnsel vm2, $0x0, v46;
	[tilespmem:v23+s29+$0x0] =	vst.idx.msk $0xffff, v51  }
0x2f4: {  	v63 =	vnsel vm0, $0x0, v54;
	v54 =	vor.u32 v3, v38;
	v51 =	vor.u32 v4, v39;
	[tilespmem:v57+s29+$0x0] =	vst.idx.msk $0xffff, v60  }
0x2f5: {  	v55 =	vor.u32 v2, v33;
	v58 =	vld [tilespmem:s13+$0xFFFFFF80];
	[tilespmem:v44+s29+$0x0] =	vst.idx.msk $0xffff, v63;
	v44 =	vor.u32 v5, v39;
	vm0 =	veq.s32 v45, $0x0  }
0x2f6: {  	v46 =	vor.u32 v2, v35;
	v60 =	vld [tilespmem:s17+$0xFFFFFFD0];
	[tilespmem:v47+s29+$0x0] =	vst.idx.msk $0xffff, v52;
	v62 =	vnsel vm0, $0x0, v50;
	vm0 =	veq.s32 v45, $0x1  }
0x2f7: {  	v37 =	vadd.s32 $0x400, v22;
	v52 =	vld [tilespmem:s7+$0xFFFFFFD0];
	[tilespmem:v48+s29+$0x0] =	vst.idx.msk $0xffff, v62;
	v63 =	vnsel vm0, $0x0, v50;
	vm0 =	veq.s32 v45, $0x2  }
0x2f8: {  	v23 =	vadd.s32 $0x800, v56;
	vm1 =	veq.s32 v45, $0x3;
	v56 =	vnsel vm0, $0x0, v50;
	[tilespmem:v43+s29+$0x0] =	vst.idx.msk $0xffff, v63  }
0x2f9: {  	v22 =	vadd.s32 $0x800, v22;
	v59 =	vor.u32 v3, v33;
	v47 =	vld [tilespmem:s17+$0xFFFFFF50];
	v50 =	vnsel vm1, $0x0, v50;
	[tilespmem:v51+s29+$0x0] =	vst.idx.msk $0xffff, v56  }
0x2fa: {  	v57 =	vor.u32 v3, v35;
	vm2 =	veq.s32 v58, $0x0;
	v48 =	vor.u32 v3, v31;
	v51 =	vld [tilespmem:s7+$0xFFFFFF50];
	[tilespmem:v44+s29+$0x0] =	vst.idx.msk $0xffff, v50  }
0x2fb: {  	v45 =	vor.u32 v5, v38;
	v43 =	vor.u32 v4, v38;
	vm1 =	veq.s32 v60, $0x0;
	v44 =	vld [tilespmem:s17+$0x70]  }
0x2fc: {  	vm0 =	veq.s32 v58, $0x1;
	vm3 =	veq.s32 v60, $0x1;
	v62 =	vnsel vm1, $0x0, v52;
	v50 =	vld [tilespmem:s7+$0x70]  }
0x2fd: {  	vm1 =	veq.s32 v60, $0x2;
	v63 =	vnsel vm3, $0x0, v52;
	[tilespmem:v53+s29+$0x0] =	vst.idx.msk $0xffff, v62;
	v53 =	vor.u32 v6, v40  }
0x2fe: {  	vm3 =	veq.s32 v60, $0x3;
	v40 =	vor.u32 v7, v40;
	[tilespmem:v54+s29+$0x0] =	vst.idx.msk $0xffff, v63;
	v54 =	vnsel vm1, $0x0, v52  }
0x2ff: {  	v60 =	vor.u32 v6, v39;
	v56 =	vnsel vm3, $0x0, v52;
	vm1 =	veq.s32 v47, $0x0;
	[tilespmem:v46+s29+$0x0] =	vst.idx.msk $0xffff, v54  }
0x300: {  	v39 =	vor.u32 v7, v39;
	[tilespmem:v57+s29+$0x0] =	vst.idx.msk $0xffff, v56;
	v62 =	vnsel vm1, $0x0, v51;
	vm1 =	veq.s32 v44, $0x0  }
0x301: {  	vm9 =	veq.s32 v47, $0x2;
	v54 =	vld [tilespmem:s17+$0xFFFFFFE0];
	[tilespmem:v55+s29+$0x0] =	vst.idx.msk $0xffff, v62;
	v63 =	vnsel vm1, $0x0, v50;
	vm1 =	veq.s32 v44, $0x1  }
0x302: {  	vm3 =	veq.s32 v47, $0x1;
	[tilespmem:v53+s29+$0x0] =	vst.idx.msk $0xffff, v63;
	v55 =	vnsel vm1, $0x0, v50;
	vm1 =	veq.s32 v44, $0x2  }
0x303: {  	v52 =	vor.u32 v5, v33;
	vm10 =	veq.s32 v44, $0x3;
	v53 =	vld [tilespmem:s7+$0xFFFFFFE0];
	[tilespmem:v40+s29+$0x0] =	vst.idx.msk $0xffff, v55;
	v56 =	vnsel vm1, $0x0, v50  }
0x304: {  	v57 =	vnsel vm3, $0x0, v51;
	v44 =	vnsel vm10, $0x0, v50;
	v63 =	vadd.s32 $0x400, v24;
	[tilespmem:v60+s29+$0x0] =	vst.idx.msk $0xffff, v56  }
0x305: {  	v24 =	vadd.s32 $0x800, v24;
	vm1 =	veq.s32 v47, $0x3;
	v47 =	vor.u32 v4, v31;
	[tilespmem:v39+s29+$0x0] =	vst.idx.msk $0xffff, v44  }
0x306: {  	[tilespmem:v59+s29+$0x0] =	vst.idx.msk $0xffff, v57;
	v40 =	vor.u32 v5, v31;
	vm3 =	veq.s32 v54, $0x1;
	v60 =	vnsel vm9, $0x0, v51;
	v44 =	vld [tilespmem:s17+$0x80]  }
0x307: {  	v34 =	vor.u32 v25, v63;
	v62 =	vnsel vm1, $0x0, v51;
	vm1 =	veq.s32 v54, $0x0;
	[tilespmem:v49+s29+$0x0] =	vst.idx.msk $0xffff, v60;
	v50 =	vld [tilespmem:s7+$0x80]  }
0x308: {  	v46 =	vor.u32 v0, v34;
	v39 =	vor.u32 v26, v63;
	[tilespmem:v48+s29+$0x0] =	vst.idx.msk $0xffff, v62;
	v55 =	vnsel vm1, $0x0, v53  }
0x309: {  	vm1 =	veq.s32 v54, $0x2;
	v56 =	vnsel vm3, $0x0, v53;
	[tilespmem:v43+s29+$0x0] =	vst.idx.msk $0xffff, v55;
	v43 =	vor.u32 v1, v34  }
0x30a: {  	vm11 =	veq.s32 v54, $0x3;
	v49 =	vld [tilespmem:s10+$0xFFFFFF80];
	v59 =	vor.u32 v0, v39;
	v57 =	vnsel vm1, $0x0, v53;
	[tilespmem:v45+s29+$0x0] =	vst.idx.msk $0xffff, v56  }
0x30b: {  	v62 =	vor.u32 v1, v39;
	v60 =	vld [tilespmem:s17+$0xFFFFFF60];
	v53 =	vnsel vm11, $0x0, v53;
	[tilespmem:v32+s29+$0x0] =	vst.idx.msk $0xffff, v57;
	vm1 =	veq.s32 v44, $0x0  }
0x30c: {  	v25 =	vor.u32 v25, v24;
	[tilespmem:v42+s29+$0x0] =	vst.idx.msk $0xffff, v53;
	v42 =	vld [tilespmem:s7+$0xFFFFFF60];
	v63 =	vnsel vm1, $0x0, v50;
	vm1 =	veq.s32 v44, $0x1  }
0x30d: {  	v24 =	vor.u32 v26, v24;
	vm12 =	veq.s32 v44, $0x2;
	[tilespmem:v46+s29+$0x0] =	vst.idx.msk $0xffff, v63;
	v56 =	vnsel vm1, $0x0, v50  }
0x30e: {  	v51 =	vor.u32 v6, v38;
	vm13 =	veq.s32 v44, $0x3;
	v57 =	vnsel vm12, $0x0, v50;
	[tilespmem:v43+s29+$0x0] =	vst.idx.msk $0xffff, v56  }
0x30f: {  	vm3 =	veq.s32 v58, $0x2;
	vm1 =	veq.s32 v58, $0x3;
	v58 =	vnsel vm13, $0x0, v50;
	[tilespmem:v59+s29+$0x0] =	vst.idx.msk $0xffff, v57  }
0x310: {  	v48 =	vor.u32 v6, v33;
	v43 =	vld [tilespmem:s17+$0xFFFFFFF0];
	v59 =	vnsel vm2, $0x0, v49;
	vm2 =	veq.s32 v60, $0x0;
	[tilespmem:v62+s29+$0x0] =	vst.idx.msk $0xffff, v58  }
0x311: {  	vm14 =	veq.s32 v60, $0x1;
	vm15 =	veq.s32 v60, $0x3;
	v46 =	vld [tilespmem:s7+$0xFFFFFFF0];
	[tilespmem:v30+s29+$0x0] =	vst.idx.msk $0xffff, v59;
	v30 =	vnsel vm2, $0x0, v42  }
0x312: {  	v50 =	vor.u32 v7, v33;
	vm2 =	veq.s32 v60, $0x2;
	v60 =	vnsel vm14, $0x0, v42;
	v33 =	vld [tilespmem:s17+$0x90];
	[tilespmem:v41+s29+$0x0] =	vst.idx.msk $0xffff, v30  }
0x313: {  	v38 =	vor.u32 v7, v38;
	v54 =	vor.u32 v3, v34;
	v30 =	vld [tilespmem:s7+$0x90];
	v62 =	vnsel vm2, $0x0, v42;
	[tilespmem:v52+s29+$0x0] =	vst.idx.msk $0xffff, v60  }
0x314: {  	v44 =	vor.u32 v6, v35;
	v63 =	vor.u32 v2, v34;
	v52 =	vnsel vm0, $0x0, v49;
	[tilespmem:v47+s29+$0x0] =	vst.idx.msk $0xffff, v62  }
0x315: {  	v56 =	vor.u32 v2, v39;
	v53 =	vnsel vm15, $0x0, v42;
	vm2 =	veq.s32 v43, $0x0;
	[tilespmem:v29+s29+$0x0] =	vst.idx.msk $0xffff, v52  }
0x316: {  	v58 =	vor.u32 v3, v39;
	vm8 =	veq.s32 v43, $0x1;
	[tilespmem:v40+s29+$0x0] =	vst.idx.msk $0xffff, v53;
	v55 =	vnsel vm2, $0x0, v46  }
0x317: {  	v41 =	vor.u32 v6, v31;
	v57 =	vnsel vm8, $0x0, v46;
	[tilespmem:v51+s29+$0x0] =	vst.idx.msk $0xffff, v55;
	vm2 =	veq.s32 v33, $0x0  }
0x318: {  	v51 =	vor.u32 v7, v31;
	v59 =	vld [tilespmem:s17+$0xFFFFFF70];
	[tilespmem:v38+s29+$0x0] =	vst.idx.msk $0xffff, v57;
	v31 =	vnsel vm2, $0x0, v30;
	vm2 =	veq.s32 v33, $0x1  }
0x319: {  	v35 =	vor.u32 v7, v35;
	v60 =	vld [tilespmem:s7+$0xFFFFFF70];
	[tilespmem:v63+s29+$0x0] =	vst.idx.msk $0xffff, v31;
	v31 =	vnsel vm2, $0x0, v30;
	vm2 =	veq.s32 v33, $0x2  }
0x31a: {  	v32 =	vor.u32 v20, v36;
	v62 =	vnsel vm2, $0x0, v30;
	vm2 =	veq.s32 v33, $0x3;
	[tilespmem:v54+s29+$0x0] =	vst.idx.msk $0xffff, v31  }
0x31b: {  	vm9 =	veq.s32 v43, $0x2;
	vm10 =	veq.s32 v43, $0x3;
	v30 =	vnsel vm2, $0x0, v30;
	[tilespmem:v56+s29+$0x0] =	vst.idx.msk $0xffff, v62  }
0x31c: {  	v43 =	vnsel vm10, $0x0, v46;
	v55 =	vor.u32 v4, v34;
	v63 =	vnsel vm9, $0x0, v46;
	[tilespmem:v58+s29+$0x0] =	vst.idx.msk $0xffff, v30  }
0x31d: {  	v31 =	vor.u32 v18, v37;
	[tilespmem:v44+s29+$0x0] =	vst.idx.msk $0xffff, v63;
	vm0 =	veq.s32 v59, $0x0;
	v30 =	vor.u32 v17, v37;
	v37 =	vld [tilespmem:s17+$0xA0]  }
0x31e: {  	v57 =	vor.u32 v5, v34;
	vm2 =	veq.s32 v59, $0x1;
	[tilespmem:v35+s29+$0x0] =	vst.idx.msk $0xffff, v43;
	v53 =	vnsel vm0, $0x0, v60;
	v35 =	vld [tilespmem:s7+$0xA0]  }
0x31f: {  	v33 =	vor.u32 v19, v36;
	vm0 =	veq.s32 v59, $0x2;
	v54 =	vnsel vm2, $0x0, v60;
	[tilespmem:v48+s29+$0x0] =	vst.idx.msk $0xffff, v53  }
0x320: {  	v18 =	vor.u32 v18, v22;
	vm2 =	veq.s32 v59, $0x3;
	v56 =	vnsel vm0, $0x0, v60;
	[tilespmem:v50+s29+$0x0] =	vst.idx.msk $0xffff, v54  }
0x321: {  	v40 =	vor.u32 v0, v33;
	v58 =	vor.u32 v4, v39;
	v45 =	vnsel vm2, $0x0, v60;
	[tilespmem:v41+s29+$0x0] =	vst.idx.msk $0xffff, v56  }
0x322: {  	v59 =	vld [tilespmem:s17+$0x0];
	v60 =	vor.u32 v5, v39;
	[tilespmem:v51+s29+$0x0] =	vst.idx.msk $0xffff, v45;
	v51 =	vnsel vm3, $0x0, v49;
	vm0 =	veq.s32 v37, $0x0  }
0x323: {  	v46 =	vor.u32 v1, v33;
	v63 =	vld [tilespmem:s7+$0x0];
	[tilespmem:v28+s29+$0x0] =	vst.idx.msk $0xffff, v51;
	v29 =	vnsel vm0, $0x0, v35;
	vm0 =	veq.s32 v37, $0x1  }
0x324: {  	v62 =	vor.u32 v1, v32;
	[tilespmem:v55+s29+$0x0] =	vst.idx.msk $0xffff, v29;
	v52 =	vnsel vm0, $0x0, v35;
	vm0 =	veq.s32 v37, $0x2  }
0x325: {  	v53 =	vor.u32 v0, v31;
	vm2 =	veq.s32 v37, $0x3;
	[tilespmem:v57+s29+$0x0] =	vst.idx.msk $0xffff, v52;
	v54 =	vnsel vm0, $0x0, v35  }
0x326: {  	v48 =	vor.u32 v3, v33;
	v41 =	vor.u32 v0, v32;
	v29 =	vld [tilespmem:s17+$0xFFFFFF80];
	v35 =	vnsel vm2, $0x0, v35;
	[tilespmem:v58+s29+$0x0] =	vst.idx.msk $0xffff, v54  }
0x327: {  	v50 =	vor.u32 v3, v32;
	v55 =	vnsel vm1, $0x0, v49;
	vm1 =	veq.s32 v59, $0x0;
	v58 =	vld [tilespmem:s7+$0xFFFFFF80];
	[tilespmem:v60+s29+$0x0] =	vst.idx.msk $0xffff, v35  }
0x328: {  	v56 =	vor.u32 v1, v31;
	vm2 =	veq.s32 v59, $0x1;
	[tilespmem:v27+s29+$0x0] =	vst.idx.msk $0xffff, v55;
	v27 =	vnsel vm1, $0x0, v63;
	v28 =	vld [tilespmem:s17+$0xB0]  }
0x329: {  	vm3 =	veq.s32 v59, $0x2;
	vm11 =	veq.s32 v59, $0x3;
	[tilespmem:v40+s29+$0x0] =	vst.idx.msk $0xffff, v27;
	v27 =	vnsel vm2, $0x0, v63;
	v59 =	vld [tilespmem:s7+$0xB0]  }
0x32a: {  	v60 =	vor.u32 v6, v34;
	[tilespmem:v46+s29+$0x0] =	vst.idx.msk $0xffff, v27;
	v27 =	vnsel vm3, $0x0, v63;
	v34 =	vor.u32 v7, v34  }
0x32b: {  	[tilespmem:v41+s29+$0x0] =	vst.idx.msk $0xffff, v27;
	v27 =	vnsel vm11, $0x0, v63;
	vm12 =	veq.s32 v29, $0x0;
	vm1 =	veq.s32 v29, $0x1  }
0x32c: {  	v44 =	vld [tilespmem:s13+$0x10];
	vm2 =	veq.s32 v29, $0x2;
	vm3 =	veq.s32 v29, $0x3;
	v29 =	vor.u32 v6, v39  }
0x32d: {  	[tilespmem:v62+s29+$0x0] =	vst.idx.msk $0xffff, v27;
	v39 =	vor.u32 v7, v39;
	v27 =	vnsel vm12, $0x0, v58;
	vm13 =	veq.s32 v28, $0x0  }
0x32e: {  	v57 =	vor.u32 v0, v30;
	v26 =	vld [tilespmem:s13+$0xFFFFFF90];
	[tilespmem:v53+s29+$0x0] =	vst.idx.msk $0xffff, v27;
	vm14 =	veq.s32 v28, $0x1;
	v27 =	vnsel vm13, $0x0, v59  }
0x32f: {  	v62 =	vor.u32 v1, v30;
	vm15 =	veq.s32 v28, $0x2;
	v45 =	vnsel vm14, $0x0, v59;
	[tilespmem:v60+s29+$0x0] =	vst.idx.msk $0xffff, v27;
	v27 =	vld [tilespmem:s17+$0x10]  }
0x330: {  	v47 =	vld [tilespmem:s7+$0x10];
	v46 =	vnsel vm1, $0x0, v58;
	vm1 =	veq.s32 v28, $0x3;
	v28 =	vnsel vm15, $0x0, v59;
	[tilespmem:v34+s29+$0x0] =	vst.idx.msk $0xffff, v45  }
0x331: {  	vm4 =	veq.s32 v44, $0x0;
	v63 =	vor.u32 v2, v33;
	v36 =	vnsel vm1, $0x0, v59;
	[tilespmem:v29+s29+$0x0] =	vst.idx.msk $0xffff, v28  }
0x332: {  	s8 =	simm.s32 $0xAA20;
	v51 =	vor.u32 v2, v31;
	v49 =	vor.u32 v2, v32;
	vm0 =	veq.s32 v44, $0x1;
	[tilespmem:v39+s29+$0x0] =	vst.idx.msk $0xffff, v36  }
0x333: {  	s9 =	simm.s32 $0x4A20;
	v54 =	vor.u32 v1, v25;
	vm6 =	veq.s32 v26, $0x1;
	[tilespmem:v56+s29+$0x0] =	vst.idx.msk $0xffff, v46;
	v28 =	vnsel vm2, $0x0, v58;
	v52 =	vld [tilespmem:s8+$0x60]  }
0x334: {  	vm5 =	veq.s32 v26, $0x2;
	v29 =	vnsel vm3, $0x0, v58;
	[tilespmem:v57+s29+$0x0] =	vst.idx.msk $0xffff, v28;
	v28 =	vld [tilespmem:s9+$0x60];
	vm2 =	veq.s32 v27, $0x0  }
0x335: {  	v53 =	vor.u32 v0, v25;
	[tilespmem:v62+s29+$0x0] =	vst.idx.msk $0xffff, v29;
	vm3 =	veq.s32 v27, $0x1;
	v29 =	vnsel vm2, $0x0, v47  }
0x336: {  	v56 =	vor.u32 v3, v31;
	vm8 =	veq.s32 v27, $0x2;
	[tilespmem:v63+s29+$0x0] =	vst.idx.msk $0xffff, v29;
	v29 =	vnsel vm3, $0x0, v47  }
0x337: {  	vm2 =	veq.s32 v27, $0x3;
	v27 =	vnsel vm8, $0x0, v47;
	[tilespmem:v48+s29+$0x0] =	vst.idx.msk $0xffff, v29;
	v29 =	vor.u32 v0, v24  }
0x338: {  	v55 =	vld [tilespmem:s17+$0xFFFFFF90];
	v37 =	vnsel vm2, $0x0, v47;
	[tilespmem:v49+s29+$0x0] =	vst.idx.msk $0xffff, v27;
	vm2 =	veq.s32 v52, $0x0;
	v27 =	vor.u32 v1, v24  }
0x339: {  	vm1 =	veq.s32 v44, $0x2;
	v57 =	vld [tilespmem:s7+$0xFFFFFF90];
	[tilespmem:v50+s29+$0x0] =	vst.idx.msk $0xffff, v37;
	v58 =	vnsel vm2, $0x0, v28;
	vm2 =	veq.s32 v52, $0x1  }
0x33a: {  	v59 =	vor.u32 v2, v30;
	[tilespmem:v53+s29+$0x0] =	vst.idx.msk $0xffff, v58;
	v60 =	vnsel vm2, $0x0, v28;
	vm2 =	veq.s32 v52, $0x2  }
0x33b: {  	v45 =	vor.u32 v5, v33;
	vm9 =	veq.s32 v52, $0x3;
	[tilespmem:v54+s29+$0x0] =	vst.idx.msk $0xffff, v60;
	v63 =	vnsel vm2, $0x0, v28  }
0x33c: {  	v62 =	vor.u32 v3, v30;
	vm3 =	veq.s32 v44, $0x3;
	v28 =	vnsel vm9, $0x0, v28;
	[tilespmem:v29+s29+$0x0] =	vst.idx.msk $0xffff, v63;
	v29 =	vld [tilespmem:s17+$0x20]  }
0x33d: {  	v44 =	vor.u32 v4, v33;
	v47 =	vor.u32 v5, v32;
	vm10 =	veq.s32 v55, $0x0;
	[tilespmem:v27+s29+$0x0] =	vst.idx.msk $0xffff, v28;
	v28 =	vld [tilespmem:s7+$0x20]  }
0x33e: {  	[tilespmem:v15+s29+$0x0] =	vst.idx.msk $0xffff, v21;
	v49 =	vor.u32 v2, v25;
	vm11 =	veq.s32 v55, $0x1;
	v15 =	vnsel vm10, $0x0, v57;
	v21 =	vld [tilespmem:s8+$0x70]  }
0x33f: {  	vm12 =	veq.s32 v55, $0x2;
	vm13 =	veq.s32 v55, $0x3;
	v46 =	vnsel vm11, $0x0, v57;
	[tilespmem:v51+s29+$0x0] =	vst.idx.msk $0xffff, v15;
	v15 =	vld [tilespmem:s9+$0x70]  }
0x340: {  	v50 =	vor.u32 v3, v25;
	v55 =	vor.u32 v4, v31;
	v48 =	vnsel vm12, $0x0, v57;
	[tilespmem:v56+s29+$0x0] =	vst.idx.msk $0xffff, v46  }
0x341: {  	v37 =	vnsel vm13, $0x0, v57;
	v52 =	vor.u32 v2, v24;
	[tilespmem:v59+s29+$0x0] =	vst.idx.msk $0xffff, v48;
	vm14 =	veq.s32 v29, $0x0  }
0x342: {  	v54 =	vor.u32 v3, v24;
	[tilespmem:v62+s29+$0x0] =	vst.idx.msk $0xffff, v37;
	vm15 =	veq.s32 v29, $0x1;
	v51 =	vnsel vm14, $0x0, v28  }
0x343: {  	v27 =	vor.u32 v4, v32;
	v53 =	vnsel vm15, $0x0, v28;
	[tilespmem:v44+s29+$0x0] =	vst.idx.msk $0xffff, v51;
	vm9 =	veq.s32 v21, $0x0  }
0x344: {  	v57 =	vld [tilespmem:s17+$0xFFFFFFA0];
	vm11 =	veq.s32 v29, $0x2;
	vm10 =	veq.s32 v21, $0x1;
	[tilespmem:v45+s29+$0x0] =	vst.idx.msk $0xffff, v53;
	v56 =	vnsel vm9, $0x0, v15  }
0x345: {  	vm13 =	veq.s32 v29, $0x3;
	v29 =	vld [tilespmem:s7+$0xFFFFFFA0];
	vm12 =	veq.s32 v21, $0x2;
	v58 =	vnsel vm10, $0x0, v15;
	[tilespmem:v49+s29+$0x0] =	vst.idx.msk $0xffff, v56  }
0x346: {  	vm2 =	veq.s32 v26, $0x0;
	vm14 =	veq.s32 v21, $0x3;
	v59 =	vnsel vm12, $0x0, v15;
	[tilespmem:v50+s29+$0x0] =	vst.idx.msk $0xffff, v58  }
0x347: {  	v60 =	vor.u32 v5, v31;
	v63 =	vor.u32 v5, v30;
	v15 =	vnsel vm14, $0x0, v15;
	[tilespmem:v52+s29+$0x0] =	vst.idx.msk $0xffff, v59  }
0x348: {  	v48 =	vor.u32 v6, v31;
	v62 =	vor.u32 v4, v30;
	v21 =	vnsel vm11, $0x0, v28;
	[tilespmem:v54+s29+$0x0] =	vst.idx.msk $0xffff, v15;
	v15 =	vld [tilespmem:s10+$0x10]  }
0x349: {  	v28 =	vnsel vm13, $0x0, v28;
	v44 =	vor.u32 v6, v33;
	vm15 =	veq.s32 v57, $0x0;
	[tilespmem:v27+s29+$0x0] =	vst.idx.msk $0xffff, v21;
	v21 =	vld [tilespmem:s8+$0x80]  }
0x34a: {  	v33 =	vor.u32 v7, v33;
	vm9 =	veq.s32 v57, $0x1;
	v27 =	vnsel vm15, $0x0, v29;
	[tilespmem:v47+s29+$0x0] =	vst.idx.msk $0xffff, v28;
	v28 =	vld [tilespmem:s9+$0x80]  }
0x34b: {  	vm10 =	veq.s32 v57, $0x2;
	v46 =	vnsel vm9, $0x0, v29;
	[tilespmem:v55+s29+$0x0] =	vst.idx.msk $0xffff, v27;
	v27 =	vor.u32 v4, v25  }
0x34c: {  	vm11 =	veq.s32 v57, $0x3;
	v49 =	vor.u32 v5, v25;
	v47 =	vnsel vm10, $0x0, v29;
	[tilespmem:v60+s29+$0x0] =	vst.idx.msk $0xffff, v46  }
0x34d: {  	v51 =	vor.u32 v4, v24;
	v45 =	vor.u32 v6, v32;
	v29 =	vnsel vm11, $0x0, v29;
	v50 =	vld [tilespmem:s17+$0x30];
	[tilespmem:v62+s29+$0x0] =	vst.idx.msk $0xffff, v47  }
0x34e: {  	v53 =	vor.u32 v5, v24;
	v52 =	vld [tilespmem:s7+$0x30];
	[tilespmem:v63+s29+$0x0] =	vst.idx.msk $0xffff, v29;
	v29 =	vnsel vm4, $0x0, v15;
	vm12 =	veq.s32 v21, $0x0  }
0x34f: {  	v32 =	vor.u32 v7, v32;
	[tilespmem:v14+s29+$0x0] =	vst.idx.msk $0xffff, v29;
	vm13 =	veq.s32 v21, $0x1;
	v14 =	vnsel vm12, $0x0, v28  }
0x350: {  	vm4 =	veq.s32 v26, $0x3;
	vm14 =	veq.s32 v21, $0x2;
	[tilespmem:v27+s29+$0x0] =	vst.idx.msk $0xffff, v14;
	v14 =	vnsel vm13, $0x0, v28  }
0x351: {  	v26 =	vld [tilespmem:s17+$0xFFFFFFB0];
	vm8 =	veq.s32 v21, $0x3;
	[tilespmem:v49+s29+$0x0] =	vst.idx.msk $0xffff, v14;
	v14 =	vor.u32 v19, v23;
	v19 =	vnsel vm14, $0x0, v28  }
0x352: {  	vm15 =	veq.s32 v50, $0x0;
	v21 =	vnsel vm8, $0x0, v28;
	[tilespmem:v51+s29+$0x0] =	vst.idx.msk $0xffff, v19;
	v19 =	vor.u32 v20, v23;
	v20 =	vld [tilespmem:s7+$0xFFFFFFB0]  }
0x353: {  	v31 =	vor.u32 v7, v31;
	vm12 =	veq.s32 v50, $0x1;
	[tilespmem:v53+s29+$0x0] =	vst.idx.msk $0xffff, v21;
	v21 =	vnsel vm15, $0x0, v52  }
0x354: {  	vm9 =	veq.s32 v50, $0x2;
	vm13 =	veq.s32 v50, $0x3;
	[tilespmem:v44+s29+$0x0] =	vst.idx.msk $0xffff, v21;
	v21 =	vnsel vm12, $0x0, v52;
	v27 =	vld [tilespmem:s8+$0x90]  }
0x355: {  	v28 =	vor.u32 v7, v30;
	v23 =	vor.u32 v6, v30;
	v29 =	vld [tilespmem:s9+$0x90];
	[tilespmem:v33+s29+$0x0] =	vst.idx.msk $0xffff, v21;
	v21 =	vnsel vm9, $0x0, v52  }
0x356: {  	vm14 =	veq.s32 v26, $0x0;
	v30 =	vor.u32 v6, v25;
	[tilespmem:v45+s29+$0x0] =	vst.idx.msk $0xffff, v21;
	v21 =	vnsel vm13, $0x0, v52  }
0x357: {  	v34 =	vor.u32 v7, v18;
	vm15 =	veq.s32 v26, $0x1;
	[tilespmem:v32+s29+$0x0] =	vst.idx.msk $0xffff, v21;
	v21 =	vnsel vm14, $0x0, v20  }
0x358: {  	v25 =	vor.u32 v7, v25;
	vm12 =	veq.s32 v26, $0x2;
	[tilespmem:v48+s29+$0x0] =	vst.idx.msk $0xffff, v21;
	v21 =	vnsel vm15, $0x0, v20  }
0x359: {  	vm13 =	veq.s32 v26, $0x3;
	v26 =	vnsel vm12, $0x0, v20;
	[tilespmem:v31+s29+$0x0] =	vst.idx.msk $0xffff, v21;
	vm14 =	veq.s32 v27, $0x0  }
0x35a: {  	v57 =	vor.u32 v3, v18;
	v54 =	vor.u32 v6, v24;
	v21 =	vld [tilespmem:s8+$0xFFFFFFE0];
	[tilespmem:v23+s29+$0x0] =	vst.idx.msk $0xffff, v26;
	v23 =	vnsel vm14, $0x0, v29  }
0x35b: {  	v24 =	vor.u32 v7, v24;
	v20 =	vnsel vm13, $0x0, v20;
	v31 =	vld [tilespmem:s9+$0xFFFFFFE0];
	vm15 =	veq.s32 v27, $0x1;
	[tilespmem:v30+s29+$0x0] =	vst.idx.msk $0xffff, v23  }
0x35c: {  	v55 =	vor.u32 v17, v22;
	v26 =	vor.u32 v0, v14;
	v23 =	vnsel vm15, $0x0, v29;
	[tilespmem:v28+s29+$0x0] =	vst.idx.msk $0xffff, v20  }
0x35d: {  	vm12 =	veq.s32 v27, $0x2;
	v30 =	vor.u32 v1, v14;
	v20 =	vnsel vm0, $0x0, v15;
	[tilespmem:v25+s29+$0x0] =	vst.idx.msk $0xffff, v23  }
0x35e: {  	v17 =	vor.u32 v0, v19;
	vm13 =	veq.s32 v27, $0x3;
	v23 =	vnsel vm12, $0x0, v29;
	[tilespmem:v13+s29+$0x0] =	vst.idx.msk $0xffff, v20  }
0x35f: {  	v22 =	vor.u32 v1, v19;
	[tilespmem:v54+s29+$0x0] =	vst.idx.msk $0xffff, v23;
	v23 =	vnsel vm13, $0x0, v29;
	vm14 =	veq.s32 v21, $0x0  }
0x360: {  	v58 =	vor.u32 v2, v55;
	vm0 =	veq.s32 v21, $0x1;
	[tilespmem:v24+s29+$0x0] =	vst.idx.msk $0xffff, v23;
	v23 =	vld [tilespmem:s8+$0xFFFFFF60];
	v25 =	vnsel vm14, $0x0, v31  }
0x361: {  	v59 =	vor.u32 v3, v55;
	v28 =	vld [tilespmem:s9+$0xFFFFFF60];
	vm15 =	veq.s32 v21, $0x2;
	v27 =	vnsel vm0, $0x0, v31;
	[tilespmem:v26+s29+$0x0] =	vst.idx.msk $0xffff, v25  }
0x362: {  	v24 =	vor.u32 v0, v18;
	vm0 =	veq.s32 v21, $0x3;
	v21 =	vnsel vm15, $0x0, v31;
	[tilespmem:v30+s29+$0x0] =	vst.idx.msk $0xffff, v27  }
0x363: {  	v56 =	vor.u32 v3, v19;
	v25 =	vor.u32 v1, v18;
	v26 =	vnsel vm0, $0x0, v31;
	[tilespmem:v17+s29+$0x0] =	vst.idx.msk $0xffff, v21  }
0x364: {  	v29 =	vor.u32 v1, v55;
	v31 =	vnsel vm1, $0x0, v15;
	v27 =	vor.u32 v0, v55;
	v17 =	vld [tilespmem:s10+$0xFFFFFF90];
	[tilespmem:v22+s29+$0x0] =	vst.idx.msk $0xffff, v26  }
0x365: {  	v15 =	vnsel vm3, $0x0, v15;
	v30 =	vor.u32 v3, v14;
	[tilespmem:v12+s29+$0x0] =	vst.idx.msk $0xffff, v31;
	vm0 =	veq.s32 v23, $0x0;
	v13 =	vld [tilespmem:s8+$0xFFFFFFF0]  }
0x366: {  	v31 =	vor.u32 v2, v18;
	[tilespmem:v11+s29+$0x0] =	vst.idx.msk $0xffff, v15;
	vm1 =	veq.s32 v23, $0x1;
	v20 =	vnsel vm0, $0x0, v28;
	v12 =	vld [tilespmem:s9+$0xFFFFFFF0]  }
0x367: {  	v21 =	vor.u32 v2, v14;
	vm0 =	veq.s32 v23, $0x2;
	[tilespmem:v24+s29+$0x0] =	vst.idx.msk $0xffff, v20;
	v20 =	vnsel vm1, $0x0, v28  }
0x368: {  	v15 =	vor.u32 v6, v14;
	vm1 =	veq.s32 v23, $0x3;
	v23 =	vnsel vm0, $0x0, v28;
	[tilespmem:v25+s29+$0x0] =	vst.idx.msk $0xffff, v20  }
0x369: {  	v22 =	vor.u32 v2, v19;
	v26 =	vor.u32 v5, v14;
	v24 =	vnsel vm1, $0x0, v28;
	[tilespmem:v27+s29+$0x0] =	vst.idx.msk $0xffff, v23  }
0x36a: {  	v25 =	vor.u32 v4, v14;
	v20 =	vnsel vm2, $0x0, v17;
	[tilespmem:v29+s29+$0x0] =	vst.idx.msk $0xffff, v24;
	vm0 =	veq.s32 v13, $0x0  }
0x36b: {  	v28 =	vor.u32 v5, v19;
	[tilespmem:v10+s29+$0x0] =	vst.idx.msk $0xffff, v20;
	vm1 =	veq.s32 v13, $0x1;
	v29 =	vld [tilespmem:s8+$0xFFFFFF70];
	v11 =	vnsel vm0, $0x0, v12  }
0x36c: {  	v60 =	vnsel vm6, $0x0, v17;
	vm0 =	veq.s32 v13, $0x2;
	[tilespmem:v21+s29+$0x0] =	vst.idx.msk $0xffff, v11;
	v11 =	vnsel vm1, $0x0, v12;
	v21 =	vld [tilespmem:s9+$0xFFFFFF70]  }
0x36d: {  	v27 =	vor.u32 v4, v19;
	vm1 =	veq.s32 v13, $0x3;
	[tilespmem:v30+s29+$0x0] =	vst.idx.msk $0xffff, v11;
	v11 =	vnsel vm0, $0x0, v12  }
0x36e: {  	v62 =	vnsel vm5, $0x0, v17;
	v23 =	vor.u32 v4, v55;
	[tilespmem:v22+s29+$0x0] =	vst.idx.msk $0xffff, v11;
	v11 =	vnsel vm1, $0x0, v12  }
0x36f: {  	v17 =	vnsel vm4, $0x0, v17;
	v24 =	vor.u32 v5, v18;
	v10 =	vor.u32 v6, v55;
	[tilespmem:v56+s29+$0x0] =	vst.idx.msk $0xffff, v11  }
0x370: {  	v13 =	vor.u32 v7, v14;
	v14 =	vor.u32 v6, v19;
	vm0 =	veq.s32 v29, $0x0;
	v63 =	vld [tilespmem:s8+$0x0]  }
0x371: {  	[tilespmem:v9+s29+$0x0] =	vst.idx.msk $0xffff, v60;
	v30 =	vor.u32 v4, v18;
	vm1 =	veq.s32 v29, $0x1;
	v20 =	vld [tilespmem:s9+$0x0];
	v9 =	vnsel vm0, $0x0, v21  }
0x372: {  	v22 =	vor.u32 v5, v55;
	vm0 =	veq.s32 v29, $0x2;
	[tilespmem:v31+s29+$0x0] =	vst.idx.msk $0xffff, v9;
	v9 =	vnsel vm1, $0x0, v21  }
0x373: {  	v12 =	vor.u32 v7, v19;
	vm1 =	veq.s32 v29, $0x3;
	[tilespmem:v57+s29+$0x0] =	vst.idx.msk $0xffff, v9;
	v9 =	vnsel vm0, $0x0, v21  }
0x374: {  	v11 =	vor.u32 v6, v18;
	v18 =	vor.u32 v7, v55;
	v19 =	vnsel vm1, $0x0, v21;
	[tilespmem:v58+s29+$0x0] =	vst.idx.msk $0xffff, v9  }
0x375: {  	[tilespmem:v59+s29+$0x0] =	vst.idx.msk $0xffff, v19;
	vm1 =	veq.s32 v63, $0x0;
	vm2 =	veq.s32 v63, $0x1;
	vm0 =	veq.s32 v63, $0x2  }
0x376: {  	s13 =	simm.s32 $0xC;
	s10 =	simm.s32 $0x3;
	[tilespmem:v16+s29+$0x0] =	vst.idx.msk $0xffff, v62;
	v32 =	vld [tilespmem:s8+$0xFFFFFF80];
	v19 =	vnsel vm1, $0x0, v20;
	vm1 =	veq.s32 v63, $0x3;
	v16 =	vnsel vm2, $0x0, v20  }
.LBB2_5:
0x377: {  	s18 =	sadd.s32 $0x4, s13  }
0x378: {  	v21 =	vmov s13;
	v29 =	vnsel vm0, $0x0, v20;
	[tilespmem:v25+s29+$0x0] =	vst.idx.msk $0xffff, v19;
	v33 =	vmov s18  }
0x379: {  	s0 =	sadd.s32 $0x2, s13;
	v20 =	vnsel vm1, $0x0, v20;
	v25 =	vshrl.u32 v21, $0x3;
	[tilespmem:v26+s29+$0x0] =	vst.idx.msk $0xffff, v16;
	v26 =	vshrl.u32 v33, $0x3  }
0x37a: {  	s17 =	sadd.s32 $0x180, s17;
	v19 =	vmov s0;
	[tilespmem:v27+s29+$0x0] =	vst.idx.msk $0xffff, v29;
	v27 =	vshll.u32 v33, $0x7;
	v26 =	vmul.u32 $0xC00, v26  }
0x37b: {  	s7 =	sadd.s32 $0x180, s7;
	v21 =	vshll.u32 v21, $0x7;
	v35 =	vld [tilespmem:s17+$0x40];
	v16 =	vshrl.u32 v19, $0x3;
	v27 =	vand.u32 $0x300, v27  }
0x37c: {  	[tilespmem:$0x1FFD0] =	vst v10;
	v10 =	vmovc v18;
	v19 =	vshll.u32 v19, $0x7;
	v18 =	vand.u32 $0x300, v21;
	v21 =	vld [tilespmem:s7+$0x40];
	v40 =	vor.u32 v27, v26  }
0x37d: {  	[tilespmem:v28+s29+$0x0] =	vst.idx.msk $0xffff, v20;
	v41 =	vmul.u32 $0xC00, v16;
	v28 =	vor.u32 $0x80, v27;
	v16 =	vor.u32 v0, v40  }
0x37e: {  	v42 =	vmul.u32 $0xC00, v25;
	v39 =	vor.u32 v26, v28;
	v43 =	vor.u32 v1, v40  }
0x37f: {  	v31 =	vld [tilespmem:s9+$0xFFFFFF80];
	[tilespmem:v61+s29+$0x0] =	vst.idx.msk $0xffff, v17;
	v19 =	vand.u32 $0x300, v19;
	v17 =	vor.u32 $0x80, v18;
	v45 =	vor.u32 v0, v39  }
0x380: {  	v20 =	vor.u32 $0x80, v19;
	vm0 =	veq.s32 v35, $0x0;
	v47 =	vor.u32 v1, v39  }
0x381: {  	[tilespmem:$0x1FFC0] =	vst v34;
	v34 =	vor.u32 v18, v42;
	v48 =	vnsel vm0, $0x0, v21;
	vm0 =	veq.s32 v35, $0x1  }
0x382: {  	v25 =	vld [tilespmem:s17+$0xFFFFFF40];
	v33 =	vor.u32 v42, v17;
	v49 =	vnsel vm0, $0x0, v21;
	vm0 =	veq.s32 v35, $0x2;
	[tilespmem:v16+s29+$0x0] =	vst.idx.msk $0xffff, v48  }
0x383: {  	v44 =	vld [tilespmem:s7+$0xFFFFFF40];
	v38 =	vor.u32 v19, v41;
	v59 =	vnsel vm0, $0x0, v21;
	vm0 =	veq.s32 v35, $0x3;
	[tilespmem:v43+s29+$0x0] =	vst.idx.msk $0xffff, v49  }
0x384: {  	v36 =	vor.u32 v41, v20;
	v60 =	vor.u32 v0, v34;
	v21 =	vnsel vm0, $0x0, v21;
	[tilespmem:v45+s29+$0x0] =	vst.idx.msk $0xffff, v59  }
0x385: {  	v37 =	vld [tilespmem:s17+$0xFFFFFFC0];
	v52 =	vor.u32 v1, v33;
	v48 =	vor.u32 v1, v34;
	[tilespmem:v47+s29+$0x0] =	vst.idx.msk $0xffff, v21  }
0x386: {  	v50 =	vor.u32 v2, v40;
	v53 =	vor.u32 v3, v40;
	v49 =	vor.u32 v0, v33;
	v35 =	vld [tilespmem:s17+$0x50]  }
0x387: {  	v56 =	vor.u32 v2, v39;
	v57 =	vor.u32 v3, v39;
	vm2 =	veq.s32 v25, $0x0;
	v47 =	vld [tilespmem:s7+$0x50]  }
0x388: {  	vm4 =	veq.s32 v25, $0x1;
	vm5 =	veq.s32 v25, $0x2;
	v51 =	vnsel vm2, $0x0, v44  }
0x389: {  	v46 =	vld [tilespmem:s7+$0xFFFFFFC0];
	vm6 =	veq.s32 v25, $0x3;
	v25 =	vor.u32 v1, v38;
	v54 =	vnsel vm4, $0x0, v44;
	[tilespmem:v60+s29+$0x0] =	vst.idx.msk $0xffff, v51  }
0x38a: {  	v55 =	vnsel vm5, $0x0, v44;
	v44 =	vnsel vm6, $0x0, v44;
	vm7 =	veq.s32 v37, $0x0;
	[tilespmem:v48+s29+$0x0] =	vst.idx.msk $0xffff, v54  }
0x38b: {  	vm3 =	veq.s32 v37, $0x1;
	vm1 =	veq.s32 v37, $0x2;
	[tilespmem:v49+s29+$0x0] =	vst.idx.msk $0xffff, v55;
	vm2 =	veq.s32 v35, $0x0  }
0x38c: {  	v21 =	vor.u32 v0, v38;
	[tilespmem:v52+s29+$0x0] =	vst.idx.msk $0xffff, v44;
	v62 =	vnsel vm2, $0x0, v47;
	vm2 =	veq.s32 v35, $0x1  }
0x38d: {  	v43 =	vor.u32 v0, v36;
	v59 =	vnsel vm2, $0x0, v47;
	vm2 =	veq.s32 v35, $0x2;
	[tilespmem:v50+s29+$0x0] =	vst.idx.msk $0xffff, v62  }
0x38e: {  	v50 =	vnsel vm1, $0x0, v46;
	vm1 =	veq.s32 v35, $0x3;
	v63 =	vnsel vm2, $0x0, v47;
	[tilespmem:v53+s29+$0x0] =	vst.idx.msk $0xffff, v59  }
0x38f: {  	v29 =	vld [tilespmem:s8+$0x10];
	vm0 =	veq.s32 v37, $0x3;
	v45 =	vor.u32 v1, v36;
	v35 =	vnsel vm1, $0x0, v47;
	[tilespmem:v56+s29+$0x0] =	vst.idx.msk $0xffff, v63  }
0x390: {  	v61 =	vnsel vm7, $0x0, v46;
	v51 =	vor.u32 v3, v36;
	v60 =	vor.u32 v3, v34;
	v16 =	vld [tilespmem:s9+$0x10];
	[tilespmem:v57+s29+$0x0] =	vst.idx.msk $0xffff, v35  }
0x391: {  	v58 =	vnsel vm3, $0x0, v46;
	v48 =	vor.u32 v5, v38;
	v54 =	vor.u32 v4, v36;
	[tilespmem:v21+s29+$0x0] =	vst.idx.msk $0xffff, v61;
	v59 =	vld [tilespmem:s17+$0x60]  }
0x392: {  	v55 =	vor.u32 v5, v39;
	v44 =	vor.u32 v5, v36;
	v21 =	vadd.s32 $0x800, v42;
	[tilespmem:v25+s29+$0x0] =	vst.idx.msk $0xffff, v58;
	v58 =	vld [tilespmem:s7+$0x60]  }
0x393: {  	v46 =	vnsel vm0, $0x0, v46;
	[tilespmem:v43+s29+$0x0] =	vst.idx.msk $0xffff, v50;
	v35 =	vadd.s32 $0x400, v42;
	v42 =	vor.u32 v4, v40  }
0x394: {  	v37 =	vadd.s32 $0x400, v41;
	v61 =	vor.u32 v2, v33;
	[tilespmem:v45+s29+$0x0] =	vst.idx.msk $0xffff, v46;
	v45 =	vor.u32 v5, v40;
	v63 =	vld [tilespmem:s17+$0xFFFFFF50]  }
0x395: {  	v25 =	vadd.s32 $0x800, v41;
	v41 =	vor.u32 v4, v34;
	v50 =	vor.u32 v4, v39;
	v46 =	vld [tilespmem:s17+$0xFFFFFFD0]  }
0x396: {  	v62 =	vor.u32 v3, v33;
	vm0 =	veq.s32 v32, $0x1;
	v49 =	vld [tilespmem:s7+$0xFFFFFFD0];
	vm2 =	veq.s32 v59, $0x0  }
0x397: {  	v53 =	vor.u32 v2, v38;
	v52 =	vnsel vm2, $0x0, v58;
	vm2 =	veq.s32 v59, $0x1  }
0x398: {  	v47 =	vor.u32 v3, v38;
	v8 =	vnsel vm2, $0x0, v58;
	vm2 =	veq.s32 v59, $0x2;
	[tilespmem:v42+s29+$0x0] =	vst.idx.msk $0xffff, v52  }
0x399: {  	v56 =	vor.u32 v2, v36;
	v9 =	vnsel vm2, $0x0, v58;
	vm2 =	veq.s32 v59, $0x3;
	[tilespmem:v45+s29+$0x0] =	vst.idx.msk $0xffff, v8  }
0x39a: {  	v57 =	vor.u32 v2, v34;
	vm3 =	veq.s32 v46, $0x0;
	v52 =	vld [tilespmem:s7+$0xFFFFFF50];
	v8 =	vnsel vm2, $0x0, v58;
	[tilespmem:v50+s29+$0x0] =	vst.idx.msk $0xffff, v9  }
0x39b: {  	vm13 =	veq.s32 v63, $0x2;
	vm12 =	veq.s32 v46, $0x1;
	v9 =	vnsel vm3, $0x0, v49;
	[tilespmem:v55+s29+$0x0] =	vst.idx.msk $0xffff, v8  }
0x39c: {  	v45 =	vor.u32 v6, v40;
	vm2 =	veq.s32 v46, $0x2;
	v8 =	vnsel vm12, $0x0, v49;
	[tilespmem:v53+s29+$0x0] =	vst.idx.msk $0xffff, v9;
	v9 =	vld [tilespmem:s17+$0x70]  }
0x39d: {  	v40 =	vor.u32 v7, v40;
	vm3 =	veq.s32 v46, $0x3;
	v50 =	vnsel vm2, $0x0, v49;
	[tilespmem:v47+s29+$0x0] =	vst.idx.msk $0xffff, v8;
	v8 =	vld [tilespmem:s7+$0x70]  }
0x39e: {  	v46 =	vnsel vm3, $0x0, v49;
	vm2 =	veq.s32 v63, $0x0;
	vm3 =	veq.s32 v63, $0x1;
	[tilespmem:v56+s29+$0x0] =	vst.idx.msk $0xffff, v50  }
0x39f: {  	v55 =	vnsel vm2, $0x0, v52;
	vm2 =	veq.s32 v63, $0x3;
	v58 =	vnsel vm3, $0x0, v52;
	[tilespmem:v51+s29+$0x0] =	vst.idx.msk $0xffff, v46  }
0x3a0: {  	v59 =	vnsel vm13, $0x0, v52;
	v46 =	vnsel vm2, $0x0, v52;
	[tilespmem:v57+s29+$0x0] =	vst.idx.msk $0xffff, v55;
	v52 =	vor.u32 v6, v39  }
0x3a1: {  	v43 =	vor.u32 v4, v38;
	v39 =	vor.u32 v7, v39;
	v51 =	vld [tilespmem:s17+$0xFFFFFFE0];
	[tilespmem:v60+s29+$0x0] =	vst.idx.msk $0xffff, v58;
	vm2 =	veq.s32 v9, $0x0  }
0x3a2: {  	vm1 =	veq.s32 v32, $0x0;
	v53 =	vld [tilespmem:s7+$0xFFFFFFE0];
	[tilespmem:v61+s29+$0x0] =	vst.idx.msk $0xffff, v59;
	v63 =	vnsel vm2, $0x0, v8;
	vm2 =	veq.s32 v9, $0x1  }
0x3a3: {  	v42 =	vor.u32 v5, v34;
	v59 =	vnsel vm2, $0x0, v8;
	vm2 =	veq.s32 v9, $0x2;
	[tilespmem:v45+s29+$0x0] =	vst.idx.msk $0xffff, v63  }
0x3a4: {  	v49 =	vor.u32 v5, v33;
	v60 =	vnsel vm2, $0x0, v8;
	vm2 =	veq.s32 v9, $0x3;
	[tilespmem:v40+s29+$0x0] =	vst.idx.msk $0xffff, v59  }
0x3a5: {  	v47 =	vor.u32 v4, v33;
	v50 =	vor.u32 v6, v38;
	v8 =	vnsel vm2, $0x0, v8;
	[tilespmem:v52+s29+$0x0] =	vst.idx.msk $0xffff, v60  }
0x3a6: {  	v56 =	vor.u32 v7, v38;
	v45 =	vor.u32 v6, v36;
	vm3 =	veq.s32 v51, $0x0;
	[tilespmem:v39+s29+$0x0] =	vst.idx.msk $0xffff, v8  }
0x3a7: {  	v63 =	vadd.s32 $0x400, v26;
	vm14 =	veq.s32 v51, $0x1;
	v9 =	vnsel vm3, $0x0, v53;
	v40 =	vld [tilespmem:s17+$0x80]  }
0x3a8: {  	v38 =	vor.u32 v27, v63;
	vm2 =	veq.s32 v51, $0x2;
	v8 =	vnsel vm14, $0x0, v53;
	[tilespmem:v43+s29+$0x0] =	vst.idx.msk $0xffff, v9;
	v43 =	vld [tilespmem:s7+$0x80]  }
0x3a9: {  	vm3 =	veq.s32 v51, $0x3;
	v57 =	vor.u32 v1, v38;
	[tilespmem:v48+s29+$0x0] =	vst.idx.msk $0xffff, v8;
	v8 =	vor.u32 v0, v38  }
0x3aa: {  	[tilespmem:v62+s29+$0x0] =	vst.idx.msk $0xffff, v46;
	v62 =	vnsel vm2, $0x0, v53;
	v9 =	vor.u32 v7, v36;
	v36 =	vor.u32 v28, v63  }
0x3ab: {  	v55 =	vor.u32 v7, v33;
	v52 =	vld [tilespmem:s17+$0xFFFFFF60];
	v51 =	vnsel vm3, $0x0, v53;
	v58 =	vor.u32 v0, v36;
	[tilespmem:v54+s29+$0x0] =	vst.idx.msk $0xffff, v62  }
0x3ac: {  	v59 =	vnsel vm1, $0x0, v31;
	v48 =	vld [tilespmem:s7+$0xFFFFFF60];
	v60 =	vor.u32 v1, v36;
	[tilespmem:v44+s29+$0x0] =	vst.idx.msk $0xffff, v51;
	vm1 =	veq.s32 v40, $0x0  }
0x3ad: {  	v46 =	vor.u32 v7, v34;
	[tilespmem:v30+s29+$0x0] =	vst.idx.msk $0xffff, v59;
	v51 =	vld [tilespmem:s17+$0xFFFFFFF0];
	v62 =	vnsel vm1, $0x0, v43;
	vm1 =	veq.s32 v40, $0x1  }
0x3ae: {  	v53 =	vor.u32 v6, v34;
	v30 =	vld [tilespmem:s7+$0xFFFFFFF0];
	v63 =	vnsel vm1, $0x0, v43;
	vm1 =	veq.s32 v40, $0x2;
	[tilespmem:v8+s29+$0x0] =	vst.idx.msk $0xffff, v62  }
0x3af: {  	vm2 =	veq.s32 v32, $0x2;
	v8 =	vnsel vm1, $0x0, v43;
	vm1 =	veq.s32 v40, $0x3;
	[tilespmem:v57+s29+$0x0] =	vst.idx.msk $0xffff, v63  }
0x3b0: {  	vm3 =	veq.s32 v32, $0x3;
	vm15 =	veq.s32 v52, $0x0;
	v57 =	vnsel vm1, $0x0, v43;
	[tilespmem:v58+s29+$0x0] =	vst.idx.msk $0xffff, v8  }
0x3b1: {  	v34 =	vor.u32 v19, v37;
	vm9 =	veq.s32 v52, $0x1;
	v8 =	vnsel vm15, $0x0, v48;
	[tilespmem:v60+s29+$0x0] =	vst.idx.msk $0xffff, v57  }
0x3b2: {  	v32 =	vor.u32 v18, v35;
	v58 =	vnsel vm9, $0x0, v48;
	vm1 =	veq.s32 v51, $0x0;
	[tilespmem:v41+s29+$0x0] =	vst.idx.msk $0xffff, v8;
	v8 =	vld [tilespmem:s17+$0x90]  }
0x3b3: {  	v54 =	vor.u32 v2, v38;
	vm10 =	veq.s32 v52, $0x2;
	v62 =	vnsel vm1, $0x0, v30;
	[tilespmem:v42+s29+$0x0] =	vst.idx.msk $0xffff, v58;
	v39 =	vld [tilespmem:s7+$0x90]  }
0x3b4: {  	vm11 =	veq.s32 v52, $0x3;
	v59 =	vnsel vm10, $0x0, v48;
	vm12 =	veq.s32 v51, $0x1;
	[tilespmem:v50+s29+$0x0] =	vst.idx.msk $0xffff, v62  }
0x3b5: {  	v60 =	vnsel vm11, $0x0, v48;
	vm1 =	veq.s32 v51, $0x2;
	v57 =	vor.u32 v3, v38;
	[tilespmem:v47+s29+$0x0] =	vst.idx.msk $0xffff, v59  }
0x3b6: {  	v63 =	vnsel vm12, $0x0, v30;
	v52 =	vnsel vm1, $0x0, v30;
	v59 =	vor.u32 v2, v36;
	[tilespmem:v49+s29+$0x0] =	vst.idx.msk $0xffff, v60  }
0x3b7: {  	v62 =	vor.u32 v3, v36;
	[tilespmem:v56+s29+$0x0] =	vst.idx.msk $0xffff, v63;
	v49 =	vnsel vm0, $0x0, v31;
	v58 =	vld [tilespmem:s17+$0xFFFFFF70];
	vm0 =	veq.s32 v8, $0x0  }
0x3b8: {  	v19 =	vor.u32 v19, v25;
	[tilespmem:v45+s29+$0x0] =	vst.idx.msk $0xffff, v52;
	v60 =	vld [tilespmem:s7+$0xFFFFFF70];
	v63 =	vnsel vm0, $0x0, v39;
	vm0 =	veq.s32 v8, $0x1  }
0x3b9: {  	vm13 =	veq.s32 v51, $0x3;
	v51 =	vnsel vm0, $0x0, v39;
	vm0 =	veq.s32 v8, $0x2;
	[tilespmem:v54+s29+$0x0] =	vst.idx.msk $0xffff, v63  }
0x3ba: {  	v18 =	vor.u32 v18, v21;
	v52 =	vnsel vm0, $0x0, v39;
	vm0 =	veq.s32 v8, $0x3;
	[tilespmem:v57+s29+$0x0] =	vst.idx.msk $0xffff, v51  }
0x3bb: {  	v44 =	vor.u32 v6, v33;
	v33 =	vor.u32 v20, v37;
	v8 =	vnsel vm0, $0x0, v39;
	[tilespmem:v59+s29+$0x0] =	vst.idx.msk $0xffff, v52  }
0x3bc: {  	v20 =	vor.u32 v20, v25;
	v43 =	vnsel vm13, $0x0, v30;
	vm1 =	veq.s32 v58, $0x0;
	[tilespmem:v62+s29+$0x0] =	vst.idx.msk $0xffff, v8  }
0x3bd: {  	v37 =	vor.u32 v0, v33;
	[tilespmem:v9+s29+$0x0] =	vst.idx.msk $0xffff, v43;
	vm14 =	veq.s32 v58, $0x1;
	v54 =	vnsel vm1, $0x0, v60;
	v9 =	vld [tilespmem:s17+$0xA0]  }
0x3be: {  	v41 =	vor.u32 v0, v34;
	vm0 =	veq.s32 v58, $0x2;
	v8 =	vnsel vm14, $0x0, v60;
	[tilespmem:v53+s29+$0x0] =	vst.idx.msk $0xffff, v54;
	v43 =	vld [tilespmem:s7+$0xA0]  }
0x3bf: {  	vm1 =	veq.s32 v58, $0x3;
	v58 =	vor.u32 v4, v38;
	v56 =	vnsel vm0, $0x0, v60;
	[tilespmem:v46+s29+$0x0] =	vst.idx.msk $0xffff, v8  }
0x3c0: {  	v30 =	vor.u32 v17, v35;
	v59 =	vor.u32 v5, v38;
	v57 =	vnsel vm1, $0x0, v60;
	v46 =	vld [tilespmem:s17+$0x0];
	[tilespmem:v44+s29+$0x0] =	vst.idx.msk $0xffff, v56  }
0x3c1: {  	v35 =	vor.u32 v1, v34;
	v60 =	vor.u32 v4, v36;
	v44 =	vld [tilespmem:s7+$0x0];
	[tilespmem:v55+s29+$0x0] =	vst.idx.msk $0xffff, v57  }
0x3c2: {  	v45 =	vnsel vm2, $0x0, v31;
	v63 =	vor.u32 v5, v36;
	v62 =	vld [tilespmem:s17+$0xFFFFFF80];
	[tilespmem:v24+s29+$0x0] =	vst.idx.msk $0xffff, v49;
	vm1 =	veq.s32 v9, $0x0  }
0x3c3: {  	v42 =	vor.u32 v1, v33;
	v24 =	vld [tilespmem:s7+$0xFFFFFF80];
	[tilespmem:v23+s29+$0x0] =	vst.idx.msk $0xffff, v45;
	v57 =	vnsel vm1, $0x0, v43;
	vm1 =	veq.s32 v9, $0x1  }
0x3c4: {  	v40 =	vor.u32 v0, v30;
	v23 =	vnsel vm1, $0x0, v43;
	vm1 =	veq.s32 v9, $0x2;
	[tilespmem:v58+s29+$0x0] =	vst.idx.msk $0xffff, v57  }
0x3c5: {  	v47 =	vor.u32 v3, v32;
	v58 =	vnsel vm1, $0x0, v43;
	vm1 =	veq.s32 v9, $0x3;
	[tilespmem:v59+s29+$0x0] =	vst.idx.msk $0xffff, v23  }
0x3c6: {  	v31 =	vnsel vm3, $0x0, v31;
	v39 =	vor.u32 v1, v32;
	v9 =	vnsel vm1, $0x0, v43;
	[tilespmem:v60+s29+$0x0] =	vst.idx.msk $0xffff, v58  }
0x3c7: {  	v52 =	vor.u32 v1, v30;
	v53 =	vor.u32 v2, v33;
	vm3 =	veq.s32 v46, $0x0;
	[tilespmem:v63+s29+$0x0] =	vst.idx.msk $0xffff, v9  }
0x3c8: {  	v8 =	vor.u32 v0, v32;
	vm15 =	veq.s32 v46, $0x1;
	[tilespmem:v22+s29+$0x0] =	vst.idx.msk $0xffff, v31;
	v9 =	vnsel vm3, $0x0, v44;
	v43 =	vld [tilespmem:s17+$0xB0]  }
0x3c9: {  	v54 =	vor.u32 v6, v36;
	vm12 =	veq.s32 v46, $0x2;
	v23 =	vnsel vm15, $0x0, v44;
	[tilespmem:v41+s29+$0x0] =	vst.idx.msk $0xffff, v9;
	v9 =	vld [tilespmem:s7+$0xB0]  }
0x3ca: {  	vm13 =	veq.s32 v46, $0x3;
	v22 =	vnsel vm12, $0x0, v44;
	[tilespmem:v35+s29+$0x0] =	vst.idx.msk $0xffff, v23;
	v23 =	vor.u32 v6, v38  }
0x3cb: {  	v31 =	vld [tilespmem:s8+$0xFFFFFF90];
	vm1 =	veq.s32 v62, $0x0;
	v44 =	vnsel vm13, $0x0, v44;
	v63 =	vor.u32 v7, v38;
	[tilespmem:v37+s29+$0x0] =	vst.idx.msk $0xffff, v22  }
0x3cc: {  	v36 =	vor.u32 v7, v36;
	vm14 =	veq.s32 v62, $0x1;
	v59 =	vnsel vm1, $0x0, v24;
	v22 =	vld [tilespmem:s9+$0xFFFFFF90];
	[tilespmem:v42+s29+$0x0] =	vst.idx.msk $0xffff, v44  }
0x3cd: {  	v49 =	vor.u32 v2, v34;
	v60 =	vnsel vm14, $0x0, v24;
	[tilespmem:v8+s29+$0x0] =	vst.idx.msk $0xffff, v59;
	v8 =	vld [tilespmem:s17+$0x10];
	vm3 =	veq.s32 v43, $0x0  }
0x3ce: {  	vm8 =	veq.s32 v62, $0x2;
	[tilespmem:v39+s29+$0x0] =	vst.idx.msk $0xffff, v60;
	v56 =	vld [tilespmem:s7+$0x10];
	v57 =	vnsel vm3, $0x0, v9;
	vm3 =	veq.s32 v43, $0x1  }
0x3cf: {  	vm9 =	veq.s32 v62, $0x3;
	v58 =	vnsel vm3, $0x0, v9;
	vm3 =	veq.s32 v43, $0x2;
	[tilespmem:v23+s29+$0x0] =	vst.idx.msk $0xffff, v57  }
0x3d0: {  	v62 =	vnsel vm8, $0x0, v24;
	v23 =	vnsel vm3, $0x0, v9;
	vm3 =	veq.s32 v43, $0x3;
	[tilespmem:v63+s29+$0x0] =	vst.idx.msk $0xffff, v58  }
0x3d1: {  	v24 =	vnsel vm9, $0x0, v24;
	v35 =	vor.u32 v3, v34;
	v9 =	vnsel vm3, $0x0, v9;
	[tilespmem:v54+s29+$0x0] =	vst.idx.msk $0xffff, v23  }
0x3d2: {  	s8 =	sadd.s32 $0x180, s8;
	vm3 =	veq.s32 v8, $0x0;
	vm15 =	veq.s32 v8, $0x1;
	vm8 =	veq.s32 v8, $0x2;
	[tilespmem:v36+s29+$0x0] =	vst.idx.msk $0xffff, v9  }
0x3d3: {  	s9 =	sadd.s32 $0x180, s9;
	[tilespmem:v40+s29+$0x0] =	vst.idx.msk $0xffff, v62;
	v23 =	vadd.s32 $0x800, v26;
	v9 =	vnsel vm3, $0x0, v56;
	vm3 =	veq.s32 v8, $0x3;
	v8 =	vld [tilespmem:s8+$0x60]  }
0x3d4: {  	vm4 =	veq.s32 v29, $0x3;
	v55 =	vor.u32 v3, v33;
	[tilespmem:v52+s29+$0x0] =	vst.idx.msk $0xffff, v24;
	v24 =	vor.u32 v27, v23;
	v63 =	vld [tilespmem:s9+$0x60]  }
0x3d5: {  	vm2 =	veq.s32 v29, $0x0;
	v26 =	vnsel vm15, $0x0, v56;
	[tilespmem:v49+s29+$0x0] =	vst.idx.msk $0xffff, v9;
	v52 =	vor.u32 v0, v24  }
0x3d6: {  	vm0 =	veq.s32 v29, $0x1;
	v23 =	vor.u32 v28, v23;
	[tilespmem:v35+s29+$0x0] =	vst.idx.msk $0xffff, v26;
	v26 =	vor.u32 v1, v24  }
0x3d7: {  	vm1 =	veq.s32 v29, $0x2;
	v62 =	vnsel vm8, $0x0, v56;
	v27 =	vld [tilespmem:s17+$0xFFFFFF90];
	v29 =	vor.u32 v0, v23  }
0x3d8: {  	v46 =	vld [tilespmem:s7+$0xFFFFFF90];
	v41 =	vnsel vm3, $0x0, v56;
	[tilespmem:v53+s29+$0x0] =	vst.idx.msk $0xffff, v62;
	v53 =	vor.u32 v1, v23;
	vm9 =	veq.s32 v8, $0x0  }
0x3d9: {  	v39 =	vor.u32 v2, v32;
	[tilespmem:v55+s29+$0x0] =	vst.idx.msk $0xffff, v41;
	vm10 =	veq.s32 v8, $0x1;
	v54 =	vnsel vm9, $0x0, v63  }
0x3da: {  	v45 =	vor.u32 v5, v30;
	vm11 =	veq.s32 v8, $0x2;
	v56 =	vnsel vm10, $0x0, v63;
	[tilespmem:v52+s29+$0x0] =	vst.idx.msk $0xffff, v54  }
0x3db: {  	vm7 =	veq.s32 v31, $0x1;
	v41 =	vld [tilespmem:s17+$0x20];
	vm13 =	veq.s32 v8, $0x3;
	v57 =	vnsel vm11, $0x0, v63;
	[tilespmem:v26+s29+$0x0] =	vst.idx.msk $0xffff, v56  }
0x3dc: {  	v59 =	vor.u32 v2, v30;
	vm6 =	veq.s32 v27, $0x0;
	v55 =	vld [tilespmem:s7+$0x20];
	v8 =	vnsel vm13, $0x0, v63;
	[tilespmem:v29+s29+$0x0] =	vst.idx.msk $0xffff, v57  }
0x3dd: {  	vm5 =	veq.s32 v31, $0x2;
	v43 =	vor.u32 v4, v34;
	v26 =	vnsel vm6, $0x0, v46;
	[tilespmem:v53+s29+$0x0] =	vst.idx.msk $0xffff, v8  }
0x3de: {  	v60 =	vor.u32 v3, v30;
	v9 =	vor.u32 v5, v34;
	vm12 =	veq.s32 v27, $0x1;
	[tilespmem:v39+s29+$0x0] =	vst.idx.msk $0xffff, v26;
	v26 =	vld [tilespmem:s8+$0x70]  }
0x3df: {  	vm14 =	veq.s32 v27, $0x2;
	vm15 =	veq.s32 v27, $0x3;
	v27 =	vnsel vm12, $0x0, v46;
	v36 =	vld [tilespmem:s9+$0x70]  }
0x3e0: {  	v58 =	vor.u32 v2, v24;
	v29 =	vnsel vm14, $0x0, v46;
	vm11 =	veq.s32 v41, $0x0;
	[tilespmem:v47+s29+$0x0] =	vst.idx.msk $0xffff, v27  }
0x3e1: {  	v38 =	vor.u32 v4, v32;
	v27 =	vnsel vm11, $0x0, v55;
	[tilespmem:v59+s29+$0x0] =	vst.idx.msk $0xffff, v29;
	v59 =	vor.u32 v3, v24  }
0x3e2: {  	v62 =	vor.u32 v2, v23;
	vm12 =	veq.s32 v41, $0x1;
	v8 =	vnsel vm15, $0x0, v46;
	[tilespmem:v43+s29+$0x0] =	vst.idx.msk $0xffff, v27  }
0x3e3: {  	v63 =	vor.u32 v3, v23;
	v29 =	vnsel vm12, $0x0, v55;
	[tilespmem:v60+s29+$0x0] =	vst.idx.msk $0xffff, v8;
	vm15 =	veq.s32 v26, $0x0  }
0x3e4: {  	v28 =	vor.u32 v4, v33;
	[tilespmem:v9+s29+$0x0] =	vst.idx.msk $0xffff, v29;
	v60 =	vld [tilespmem:s17+$0xFFFFFFA0];
	vm8 =	veq.s32 v26, $0x1;
	v29 =	vnsel vm15, $0x0, v36  }
0x3e5: {  	v35 =	vor.u32 v5, v33;
	v47 =	vld [tilespmem:s7+$0xFFFFFFA0];
	vm9 =	veq.s32 v26, $0x2;
	v53 =	vnsel vm8, $0x0, v36;
	[tilespmem:v58+s29+$0x0] =	vst.idx.msk $0xffff, v29  }
0x3e6: {  	v44 =	vor.u32 v4, v30;
	vm10 =	veq.s32 v26, $0x3;
	v54 =	vnsel vm9, $0x0, v36;
	[tilespmem:v59+s29+$0x0] =	vst.idx.msk $0xffff, v53  }
0x3e7: {  	vm13 =	veq.s32 v41, $0x2;
	v8 =	vor.u32 v5, v32;
	v26 =	vnsel vm10, $0x0, v36;
	[tilespmem:v62+s29+$0x0] =	vst.idx.msk $0xffff, v54  }
0x3e8: {  	vm3 =	veq.s32 v31, $0x0;
	vm14 =	veq.s32 v41, $0x3;
	v39 =	vnsel vm13, $0x0, v55;
	[tilespmem:v63+s29+$0x0] =	vst.idx.msk $0xffff, v26  }
0x3e9: {  	v37 =	vnsel vm14, $0x0, v55;
	[tilespmem:v28+s29+$0x0] =	vst.idx.msk $0xffff, v39;
	vm11 =	veq.s32 v60, $0x0;
	vm12 =	veq.s32 v60, $0x1;
	v28 =	vld [tilespmem:s8+$0x80]  }
0x3ea: {  	[tilespmem:v35+s29+$0x0] =	vst.idx.msk $0xffff, v37;
	vm13 =	veq.s32 v60, $0x2;
	vm14 =	veq.s32 v60, $0x3;
	v55 =	vnsel vm11, $0x0, v47;
	v59 =	vld [tilespmem:s9+$0x80]  }
0x3eb: {  	v60 =	vor.u32 v6, v30;
	[tilespmem:v38+s29+$0x0] =	vst.idx.msk $0xffff, v55;
	v62 =	vor.u32 v4, v24;
	v26 =	vnsel vm12, $0x0, v47  }
0x3ec: {  	v37 =	vld [tilespmem:s17+$0x30];
	v63 =	vnsel vm2, $0x0, v16;
	[tilespmem:v8+s29+$0x0] =	vst.idx.msk $0xffff, v26;
	v8 =	vor.u32 v7, v30;
	v30 =	vor.u32 v5, v24  }
0x3ed: {  	vm6 =	veq.s32 v31, $0x3;
	v31 =	vor.u32 v4, v23;
	v56 =	vnsel vm13, $0x0, v47;
	v26 =	vld [tilespmem:s7+$0x30];
	[tilespmem:v15+s29+$0x0] =	vst.idx.msk $0xffff, v63  }
0x3ee: {  	v27 =	vor.u32 v6, v34;
	v57 =	vnsel vm14, $0x0, v47;
	[tilespmem:v44+s29+$0x0] =	vst.idx.msk $0xffff, v56;
	vm2 =	veq.s32 v28, $0x0  }
0x3ef: {  	v25 =	vor.u32 v5, v23;
	[tilespmem:v45+s29+$0x0] =	vst.idx.msk $0xffff, v57;
	v44 =	vnsel vm2, $0x0, v59;
	vm2 =	veq.s32 v28, $0x1  }
0x3f0: {  	v9 =	vor.u32 v7, v34;
	v40 =	vld [tilespmem:s17+$0xFFFFFFB0];
	v45 =	vnsel vm2, $0x0, v59;
	vm2 =	veq.s32 v28, $0x2;
	[tilespmem:v62+s29+$0x0] =	vst.idx.msk $0xffff, v44  }
0x3f1: {  	v52 =	vor.u32 v6, v33;
	vm15 =	veq.s32 v37, $0x0;
	v15 =	vld [tilespmem:s7+$0xFFFFFFB0];
	v46 =	vnsel vm2, $0x0, v59;
	[tilespmem:v30+s29+$0x0] =	vst.idx.msk $0xffff, v45  }
0x3f2: {  	v58 =	vor.u32 v6, v32;
	vm2 =	veq.s32 v28, $0x3;
	v30 =	vnsel vm15, $0x0, v26;
	[tilespmem:v31+s29+$0x0] =	vst.idx.msk $0xffff, v46  }
0x3f3: {  	v29 =	vor.u32 v7, v33;
	vm12 =	veq.s32 v37, $0x1;
	v28 =	vnsel vm2, $0x0, v59;
	[tilespmem:v27+s29+$0x0] =	vst.idx.msk $0xffff, v30  }
0x3f4: {  	v32 =	vor.u32 v7, v32;
	vm10 =	veq.s32 v37, $0x2;
	v31 =	vnsel vm12, $0x0, v26;
	[tilespmem:v25+s29+$0x0] =	vst.idx.msk $0xffff, v28  }
0x3f5: {  	v21 =	vor.u32 v17, v21;
	v47 =	vnsel vm10, $0x0, v26;
	vm2 =	veq.s32 v40, $0x0;
	[tilespmem:v9+s29+$0x0] =	vst.idx.msk $0xffff, v31;
	v25 =	vld [tilespmem:s8+$0x90]  }
0x3f6: {  	v17 =	vor.u32 v7, v24;
	vm11 =	veq.s32 v37, $0x3;
	v27 =	vnsel vm2, $0x0, v15;
	v9 =	vld [tilespmem:s9+$0x90];
	[tilespmem:v52+s29+$0x0] =	vst.idx.msk $0xffff, v47  }
0x3f7: {  	vm13 =	veq.s32 v40, $0x1;
	v26 =	vnsel vm11, $0x0, v26;
	v31 =	vor.u32 v6, v24;
	[tilespmem:v58+s29+$0x0] =	vst.idx.msk $0xffff, v27  }
0x3f8: {  	vm14 =	veq.s32 v40, $0x2;
	vm2 =	veq.s32 v40, $0x3;
	v28 =	vnsel vm13, $0x0, v15;
	[tilespmem:v29+s29+$0x0] =	vst.idx.msk $0xffff, v26  }
0x3f9: {  	v30 =	vnsel vm14, $0x0, v15;
	v15 =	vnsel vm2, $0x0, v15;
	v27 =	vor.u32 v6, v23;
	[tilespmem:v32+s29+$0x0] =	vst.idx.msk $0xffff, v28;
	v24 =	vld [tilespmem:s8+$0xFFFFFFE0]  }
0x3fa: {  	v23 =	vor.u32 v7, v23;
	v29 =	vnsel vm0, $0x0, v16;
	v28 =	vld [tilespmem:s9+$0xFFFFFFE0];
	[tilespmem:v60+s29+$0x0] =	vst.idx.msk $0xffff, v30;
	vm0 =	veq.s32 v25, $0x0  }
0x3fb: {  	v26 =	vor.u32 v0, v19;
	[tilespmem:v8+s29+$0x0] =	vst.idx.msk $0xffff, v15;
	v49 =	vnsel vm0, $0x0, v9;
	vm0 =	veq.s32 v25, $0x1  }
0x3fc: {  	v48 =	vor.u32 v1, v19;
	v51 =	vnsel vm0, $0x0, v9;
	vm0 =	veq.s32 v25, $0x2;
	[tilespmem:v31+s29+$0x0] =	vst.idx.msk $0xffff, v49  }
0x3fd: {  	v30 =	vor.u32 v0, v20;
	v52 =	vnsel vm0, $0x0, v9;
	vm0 =	veq.s32 v25, $0x3;
	[tilespmem:v17+s29+$0x0] =	vst.idx.msk $0xffff, v51  }
0x3fe: {  	v50 =	vor.u32 v1, v20;
	vm2 =	veq.s32 v24, $0x0;
	v9 =	vnsel vm0, $0x0, v9;
	[tilespmem:v27+s29+$0x0] =	vst.idx.msk $0xffff, v52  }
0x3ff: {  	vm15 =	veq.s32 v24, $0x1;
	v17 =	vnsel vm2, $0x0, v28;
	[tilespmem:v23+s29+$0x0] =	vst.idx.msk $0xffff, v9;
	v23 =	vld [tilespmem:s8+$0xFFFFFF60]  }
0x400: {  	v8 =	vnsel vm15, $0x0, v28;
	v25 =	vld [tilespmem:s9+$0xFFFFFF60];
	vm0 =	veq.s32 v24, $0x2;
	[tilespmem:v26+s29+$0x0] =	vst.idx.msk $0xffff, v17  }
0x401: {  	v31 =	vor.u32 v0, v18;
	vm2 =	veq.s32 v24, $0x3;
	v9 =	vnsel vm0, $0x0, v28;
	[tilespmem:v48+s29+$0x0] =	vst.idx.msk $0xffff, v8  }
0x402: {  	v15 =	vnsel vm2, $0x0, v28;
	[tilespmem:v30+s29+$0x0] =	vst.idx.msk $0xffff, v9  }
0x403: {  	v53 =	vor.u32 v1, v21;
	v24 =	vor.u32 v1, v18;
	v17 =	vnsel vm1, $0x0, v16;
	[tilespmem:v50+s29+$0x0] =	vst.idx.msk $0xffff, v15  }
0x404: {  	v28 =	vor.u32 v0, v21;
	v15 =	vld [tilespmem:s8+$0xFFFFFFF0];
	[tilespmem:v13+s29+$0x0] =	vst.idx.msk $0xffff, v29;
	vm0 =	veq.s32 v23, $0x0;
	vm1 =	veq.s32 v23, $0x1  }
0x405: {  	vm2 =	veq.s32 v23, $0x2;
	v13 =	vnsel vm0, $0x0, v25;
	vm0 =	veq.s32 v23, $0x3;
	v23 =	vld [tilespmem:s9+$0xFFFFFFF0];
	[tilespmem:v14+s29+$0x0] =	vst.idx.msk $0xffff, v17  }
0x406: {  	v54 =	vor.u32 v2, v19;
	v16 =	vnsel vm4, $0x0, v16;
	[tilespmem:v31+s29+$0x0] =	vst.idx.msk $0xffff, v13  }
0x407: {  	v55 =	vor.u32 v3, v19;
	v26 =	vnsel vm1, $0x0, v25;
	[tilespmem:v12+s29+$0x0] =	vst.idx.msk $0xffff, v16  }
0x408: {  	v8 =	vor.u32 v2, v20;
	v14 =	vnsel vm2, $0x0, v25;
	[tilespmem:v24+s29+$0x0] =	vst.idx.msk $0xffff, v26  }
0x409: {  	v56 =	vor.u32 v3, v20;
	v29 =	vnsel vm0, $0x0, v25;
	vm0 =	veq.s32 v15, $0x0;
	[tilespmem:v28+s29+$0x0] =	vst.idx.msk $0xffff, v14  }
0x40a: {  	vm1 =	veq.s32 v15, $0x1;
	[tilespmem:v53+s29+$0x0] =	vst.idx.msk $0xffff, v29;
	v13 =	vnsel vm0, $0x0, v23  }
0x40b: {  	v61 =	vmov v10;
	v10 =	vld [tilespmem:$0x1FFC0];
	vm2 =	veq.s32 v15, $0x2;
	v14 =	vnsel vm1, $0x0, v23;
	[tilespmem:v54+s29+$0x0] =	vst.idx.msk $0xffff, v13  }
0x40c: {  	v29 =	vld [tilespmem:s8+$0xFFFFFF70];
	vm0 =	veq.s32 v15, $0x3;
	v12 =	vnsel vm2, $0x0, v23;
	[tilespmem:v55+s29+$0x0] =	vst.idx.msk $0xffff, v14  }
0x40d: {  	v57 =	vor.u32 v2, v18;
	v16 =	vld [tilespmem:s9+$0xFFFFFF70];
	v63 =	vnsel vm0, $0x0, v23;
	[tilespmem:v8+s29+$0x0] =	vst.idx.msk $0xffff, v12  }
0x40e: {  	v62 =	vnsel vm7, $0x0, v22;
	v58 =	vor.u32 v3, v18;
	v27 =	vor.u32 v4, v20;
	[tilespmem:v56+s29+$0x0] =	vst.idx.msk $0xffff, v63  }
0x40f: {  	v9 =	vnsel vm3, $0x0, v22;
	v25 =	vor.u32 v4, v19;
	v26 =	vor.u32 v5, v19;
	v8 =	vld [tilespmem:s8+$0x0]  }
0x410: {  	v28 =	vor.u32 v5, v20;
	v14 =	vor.u32 v6, v20;
	v12 =	vor.u32 v7, v20;
	v20 =	vld [tilespmem:s9+$0x0]  }
0x411: {  	v15 =	vor.u32 v6, v19;
	v13 =	vor.u32 v7, v19;
	vm0 =	veq.s32 v29, $0x0  }
0x412: {  	[tilespmem:v11+s29+$0x0] =	vst.idx.msk $0xffff, v9;
	vm1 =	veq.s32 v29, $0x1;
	vm2 =	veq.s32 v29, $0x2;
	v9 =	vnsel vm0, $0x0, v16  }
0x413: {  	[tilespmem:v10+s29+$0x0] =	vst.idx.msk $0xffff, v62;
	v19 =	vnsel vm1, $0x0, v16;
	vm0 =	veq.s32 v29, $0x3;
	v29 =	vnsel vm2, $0x0, v16  }
0x414: {  	v16 =	vnsel vm0, $0x0, v16;
	[tilespmem:v57+s29+$0x0] =	vst.idx.msk $0xffff, v9;
	vm1 =	veq.s32 v8, $0x0;
	vm2 =	veq.s32 v8, $0x1  }
0x415: {  	[tilespmem:v58+s29+$0x0] =	vst.idx.msk $0xffff, v19;
	vm0 =	veq.s32 v8, $0x2;
	v19 =	vnsel vm1, $0x0, v20;
	vm1 =	veq.s32 v8, $0x3;
	v8 =	vld [tilespmem:$0x1FFD0]  }
0x416: {  	v59 =	vor.u32 v2, v21  }
0x417: {  	s10 =	sadd.s32 $0x3, s10;
	v60 =	vor.u32 v3, v21  }
0x418: {  	p0 =	slt.u32 s10, $0x2D  }
.Ltmp1:
0x419: {  	v34 =	vor.u32 v7, v18;
	v30 =	vor.u32 v4, v18;
	(pc) =	sbr.rel @p0 .LBB2_5-.Ltmp1, $4  }
0x41a: {  	v17 =	vnsel vm6, $0x0, v22;
	v31 =	vnsel vm5, $0x0, v22;
	v22 =	vor.u32 v5, v21  }
0x41b: {  	v24 =	vor.u32 v5, v18;
	v11 =	vor.u32 v6, v18;
	[tilespmem:v59+s29+$0x0] =	vst.idx.msk $0xffff, v29  }
0x41c: {  	v18 =	vor.u32 v7, v21;
	v9 =	vor.u32 v6, v21;
	[tilespmem:v60+s29+$0x0] =	vst.idx.msk $0xffff, v16  }
0x41d: {  	s13 =	sadd.s32 $0x6, s13;
	v23 =	vor.u32 v4, v21;
	v10 =	vmov v9;
	v32 =	vld [tilespmem:s8+$0xFFFFFF80];
	v16 =	vnsel vm2, $0x0, v20;
	[tilespmem:v8+s29+$0x0] =	vst.idx.msk $0xffff, v31  }
0x41e: {  	_ =	sdelay $0x1  }
0x41f: {  	v8 =	vld [tilespmem:s9+$0xFFFFFF80];
	_ =	sdelay $0x1  }
0x420: {  	[tilespmem:v25+s29+$0x0] =	vst.idx.msk $0xffff, v19  }
0x421: {  	v9 =	vnsel vm0, $0x0, v20;
	[tilespmem:v26+s29+$0x0] =	vst.idx.msk $0xffff, v16  }
0x422: {  	v54 =	vnsel vm1, $0x0, v20;
	[tilespmem:v27+s29+$0x0] =	vst.idx.msk $0xffff, v9;
	vm4 =	veq.s32 v32, $0x0  }
0x423: {  	[tilespmem:v28+s29+$0x0] =	vst.idx.msk $0xffff, v54;
	vm5 =	veq.s32 v32, $0x1;
	v55 =	vnsel vm4, $0x0, v8  }
0x424: {  	v16 =	vld [tilespmem:s8+$0x10];
	vm6 =	veq.s32 v32, $0x2;
	v56 =	vnsel vm5, $0x0, v8;
	[tilespmem:v30+s29+$0x0] =	vst.idx.msk $0xffff, v55  }
0x425: {  	v19 =	vld [tilespmem:s9+$0x10];
	vm7 =	veq.s32 v32, $0x3;
	v57 =	vnsel vm6, $0x0, v8;
	[tilespmem:v24+s29+$0x0] =	vst.idx.msk $0xffff, v56  }
0x426: {  	v8 =	vnsel vm7, $0x0, v8;
	[tilespmem:v23+s29+$0x0] =	vst.idx.msk $0xffff, v57  }
0x427: {  	[tilespmem:v22+s29+$0x0] =	vst.idx.msk $0xffff, v8  }
0x428: {  	v8 =	vld [tilespmem:s8+$0xFFFFFF90]  }
0x429: {  	vm8 =	veq.s32 v16, $0x0;
	v9 =	vld [tilespmem:s9+$0xFFFFFF90]  }
0x42a: {  	[tilespmem:v61+s29+$0x0] =	vst.idx.msk $0xffff, v17;
	vm9 =	veq.s32 v16, $0x1;
	v58 =	vnsel vm8, $0x0, v19  }
0x42b: {  	vm10 =	veq.s32 v16, $0x2;
	v59 =	vnsel vm9, $0x0, v19;
	[tilespmem:v15+s29+$0x0] =	vst.idx.msk $0xffff, v58  }
0x42c: {  	vm11 =	veq.s32 v16, $0x3;
	v60 =	vnsel vm10, $0x0, v19;
	[tilespmem:v13+s29+$0x0] =	vst.idx.msk $0xffff, v59  }
0x42d: {  	s1 =	sadd.s32 $0x1, s1;
	v61 =	vnsel vm11, $0x0, v19;
	[tilespmem:v14+s29+$0x0] =	vst.idx.msk $0xffff, v60;
	vm12 =	veq.s32 v8, $0x0  }
0x42e: {  	p0 =	sne.s32 s1, $0x18;
	[tilespmem:v12+s29+$0x0] =	vst.idx.msk $0xffff, v61;
	vm13 =	veq.s32 v8, $0x1;
	v62 =	vnsel vm12, $0x0, v9  }
.Ltmp2:
0x42f: {  	s0 =	sshrl.u32 s16, $0x2;
	vm14 =	veq.s32 v8, $0x2;
	v63 =	vnsel vm13, $0x0, v9;
	[tilespmem:v11+s29+$0x0] =	vst.idx.msk $0xffff, v62;
	(pc) =	sbr.rel @p0 .LBB2_2-.Ltmp2, $4  }
0x430: {  	s0 =	smul.u32 $0x180, s0;
	vm15 =	veq.s32 v8, $0x3;
	v8 =	vnsel vm14, $0x0, v9;
	[tilespmem:v34+s29+$0x0] =	vst.idx.msk $0xffff, v63  }
0x431: {  	v9 =	vnsel vm15, $0x0, v9;
	[tilespmem:v10+s29+$0x0] =	vst.idx.msk $0xffff, v8  }
0x432: {  	s0 =	sadd.s32 s2, s0;
	[tilespmem:v18+s29+$0x0] =	vst.idx.msk $0xffff, v9  }
0x433: {  	[hbm4b:s0+s3] =	stream.linear.scatter [tilespmem:s29], [sflag:$0x6], $0x9000, $0x38;
	[tilespmem:$0x1E000] =	vst v63  }
0x434: {  	s0 =	simm.s32 $0x5  }
0x435: {  	_ =	swait.ge [sflag:s0], $0x9000  }
0x436: {  	[sflag:s0] =	ssyncset.done $0x0  }
0x437: {  	s1 =	simm.s32 $0x6;
	[sflag:s0] =	ssyncadd.s32 $0xFFFF7000  }
0x438: {  	_ =	swait.ge [sflag:s1], $0x9000  }
0x439: {  	s7 =	rddreg [dreg:$0x8]  }
0x43a: {  	s31 =	rddreg [dreg:$0x7];
	s7 =	sadd.s32 $0x1, s7  }
0x43b: {  	p0 =	sne.s32 s7, s31  }
.Ltmp3:
0x43c: {  	_ = 	snop;
	(pc) =	sbr.rel @p0 .LBB2_1-.Ltmp3, $3  }
0x43d: {  	_ =	sdelay $0x1  }
0x43e: {  	[sflag:s1] =	ssyncset.done $0x0  }
0x43f: {  	[sflag:s1] =	ssyncadd.s32 $0xFFFF7000  }
0x440: {  	_ =	sfence.sel $0x180000  }
0x441: {  	[bflag:$0x0] =	sbarrier.arrive $0xFFFF  }
0x442: {  	_ =	strace $0x90000047  }
0x443: {  	s0 =	stileid.u32;
	[bflag:$0x2] =	sbarrier.arrive $0xFFFF  }
0x444: {  	p0 =	sne.s32 s0, $0x0;
	s0 =	rddreg [dreg:$0x2]  }
0x445: {  	s0 =	sadd.s32 @!p0 $0x100000, s0  }
0x446: {  	[sflag:s0] =	ssyncadd.tile.s32 @!p0 $0x1;
	_ =	shalt  }
.Lfunc_end2:
_tile_overlayer_lowered:
.L_overlay_start_2:
0x447: {  	(tag) =	ssettag $0x2  }
0x448: {  	s0 =	rddreg [dreg:$0x0];
	s2 =	stileid.u32  }
0x449: {  	s1 =	rddreg [dreg:$0x1];
	p0 =	sne.s32 s2, $0x0  }
0x44a: {  	s3 =	rddreg [dreg:$0x2];
	[bflag:$0x3] =	sbarrier.arrive $0xFFFF;
	s2 =	simm.s32 @!p0 $0x1C07  }
0x44b: {  	[timem:s3], [sflag:s2] =	dma.local @!p0 [hbm:s0], s1  }
0x44c: {  	s0 =	simm.s32 @!p0 $0x7  }
0x44d: {  	_ =	swait.ge @!p0 [sflag:s0], s1  }
0x44e: {  	s1 =	ssub.s32 @!p0 $0x0, s1;
	[sflag:s0] =	ssyncset.done @!p0 $0x0  }
0x44f: {  	[sflag:s0] =	ssyncadd.s32 @!p0 s1  }
0x450: {  	[bflag:$0x3] =	sbarrier.arrive $0xFFFF  }
0x451: {  	_ =	shalt  }

</sc_bundles>
